<compile_context>
chip_gen: v7x
topology: tpu7x:2x2x1
jax: 0.10.2.dev20260603
libtpu: 0.0.44.dev20260713+nightly
codegen_flags: <defaults>
</compile_context>

<pallas_src>
import functools

import jax
import jax.numpy as jnp
from jax import lax
from jax.experimental import pallas as pl
from jax.experimental.pallas import tpu as pltpu
from jax.experimental.pallas import tpu_sc as plsc

B = 4096
EMB = 16
NCAT = 1000
VIS = 512
TM = 512


def _tc_head(scal, visual, Wv, bv2, Wv1):

  def body(scal_ref, visual_ref, Wv_ref, bv_ref, Wv1_ref, vemb_ref, vl_ref):
    vis = visual_ref[...]
    vemb_ref[...] = lax.dot_general(
        Wv_ref[...], vis, (((1,), (1,)), ((), ())),
        precision=lax.Precision.HIGHEST,
        preferred_element_type=jnp.float32) + bv_ref[...]
    s0 = scal_ref[1] + scal_ref[3] + scal_ref[5] + scal_ref[6] + scal_ref[7]
    vl_ref[...] = lax.dot_general(
        Wv1_ref[...], vis, (((1,), (1,)), ((), ())),
        precision=lax.Precision.HIGHEST,
        preferred_element_type=jnp.float32) + s0

  return pl.pallas_call(
      body,
      in_specs=[
          pl.BlockSpec(memory_space=pltpu.SMEM),
          pl.BlockSpec((B, VIS), lambda: (0, 0)),
          pl.BlockSpec((EMB, VIS), lambda: (0, 0)),
          pl.BlockSpec((EMB, 1), lambda: (0, 0)),
          pl.BlockSpec((1, VIS), lambda: (0, 0)),
      ],
      out_specs=[
          pl.BlockSpec((EMB, B), lambda: (0, 0)),
          pl.BlockSpec((1, B), lambda: (0, 0)),
      ],
      out_shape=[
          jax.ShapeDtypeStruct((EMB, B), jnp.float32),
          jax.ShapeDtypeStruct((1, B), jnp.float32),
      ],
  )(scal, visual, Wv, bv2, Wv1)


def _sc_pairwise_fo(user, item, category, scal16, ct_t, u_rows_t, i_rows_t,
                    vemb_t, vl):
  info = plsc.get_sparse_core_info()
  nc, ns = info.num_cores, info.num_subcores
  nw = nc * ns
  bpw = B // nw

  mesh = plsc.VectorSubcoreMesh(core_axis_name="c", subcore_axis_name="s")

  @functools.partial(
      pl.kernel,
      mesh=mesh,
      out_type=[
          jax.ShapeDtypeStruct((1, B), jnp.float32),
          jax.ShapeDtypeStruct((1, B), jnp.float32),
      ],
      scratch_types=[
          pltpu.VMEM((bpw,), jnp.int32),
          pltpu.VMEM((bpw,), jnp.int32),
          pltpu.VMEM((bpw,), jnp.int32),
          pltpu.VMEM((16,), jnp.float32),
          pltpu.VMEM((EMB, NCAT), jnp.float32),
          pltpu.VMEM((EMB, bpw), jnp.float32),
          pltpu.VMEM((EMB, bpw), jnp.float32),
          pltpu.VMEM((EMB, bpw), jnp.float32),
          pltpu.VMEM((1, bpw), jnp.float32),
          pltpu.VMEM((1, bpw), jnp.float32),
          pltpu.VMEM((1, bpw), jnp.float32),
          pltpu.SemaphoreType.DMA,
      ],
      compiler_params=pltpu.CompilerParams(needs_layout_passes=False),
  )
  def pairwise_kernel(user_hbm, item_hbm, cat_hbm, scal_hbm, ct_hbm, u_hbm,
                      i_hbm, v_hbm, vl_hbm, pw_hbm, fo_hbm, uidx, iidx, cidx,
                      scv, ctab, ub, ib, vb, vlb, pwb, fob, sem):
    wid = lax.axis_index("s") * nc + lax.axis_index("c")
    base = wid * bpw
    cps = [
        pltpu.async_copy(user_hbm.at[pl.ds(base, bpw)], uidx, sem),
        pltpu.async_copy(item_hbm.at[pl.ds(base, bpw)], iidx, sem),
        pltpu.async_copy(cat_hbm.at[pl.ds(base, bpw)], cidx, sem),
        pltpu.async_copy(scal_hbm, scv, sem),
        pltpu.async_copy(ct_hbm, ctab, sem),
        pltpu.async_copy(u_hbm.at[:, pl.ds(base, bpw)], ub, sem),
        pltpu.async_copy(i_hbm.at[:, pl.ds(base, bpw)], ib, sem),
        pltpu.async_copy(v_hbm.at[:, pl.ds(base, bpw)], vb, sem),
        pltpu.async_copy(vl_hbm.at[:, pl.ds(base, bpw)], vlb, sem),
    ]
    for cp in cps:
      cp.wait()

    svec = scv[...]
    wu = svec[0]
    wi = svec[2]
    wc = svec[4]
    for g in range(bpw // 16):
      sl = pl.ds(g * 16, 16)
      cvec = cidx[sl]
      acc = jnp.zeros((16,), jnp.float32)
      for e in range(EMB):
        ev = jnp.full((16,), e, jnp.int32)
        cv = plsc.load_gather(ctab, [ev, cvec])
        acc = acc + ub[e, sl] * ib[e, sl] * cv * vb[e, sl]
      pwb[0, sl] = acc
      fob[0, sl] = (vlb[0, sl] + wu * uidx[sl].astype(jnp.float32) +
                    wi * iidx[sl].astype(jnp.float32) +
                    wc * cvec.astype(jnp.float32))
    pltpu.sync_copy(pwb, pw_hbm.at[:, pl.ds(base, bpw)])
    pltpu.sync_copy(fob, fo_hbm.at[:, pl.ds(base, bpw)])

  return pairwise_kernel(user, item, category, scal16, ct_t, u_rows_t,
                         i_rows_t, vemb_t, vl)


def _tc_broadcast(fo, pw):
  nb = B // TM

  def body(fo_ref, pw_ref, out_ref):
    k = pl.program_id(0)
    col = jnp.transpose(fo_ref[0:1, pl.ds(k * TM, TM)], (1, 0))
    out_ref[...] = col + pw_ref[...]

  return pl.pallas_call(
      body,
      grid=(nb,),
      in_specs=[
          pl.BlockSpec((1, B), lambda k: (0, 0)),
          pl.BlockSpec((1, B), lambda k: (0, 0)),
      ],
      out_specs=pl.BlockSpec((TM, B), lambda k: (k, 0)),
      out_shape=jax.ShapeDtypeStruct((B, B), jnp.float32),
      compiler_params=pltpu.CompilerParams(
          dimension_semantics=("arbitrary",)),
  )(fo, pw)


def kernel(user, item, category, visual, user_table, item_table, cat_table,
           Wv, bv, Wu, bu, Wi, bi, Wc, bc, Wv1, bv1, bias):
  u_rows_t = jnp.take(user_table, user, axis=0).T
  i_rows_t = jnp.take(item_table, item, axis=0).T
  zeros8 = jnp.zeros((8,), jnp.float32)
  scal = jnp.concatenate([
      Wu.reshape(-1), bu.reshape(-1), Wi.reshape(-1), bi.reshape(-1),
      Wc.reshape(-1), bc.reshape(-1), bias.reshape(-1), bv1.reshape(-1)
  ])
  scal16 = jnp.concatenate([scal, zeros8])
  vemb_t, vl = _tc_head(scal, visual, Wv, bv.reshape(EMB, 1), Wv1)
  pw, fo = _sc_pairwise_fo(user, item, category, scal16, cat_table.T,
                           u_rows_t, i_rows_t, vemb_t, vl)
  return _tc_broadcast(fo, pw)

# --- scband reference (transcript-rebuilt; emitter-appended) ---
"""Pipeline reference for scband-fm-45260365366017 (READ-ONLY COPY).

The authoritative reference and input builder live on the scoring server;
editing this copy changes nothing except your own understanding.
"""

import jax, jax.numpy as jnp
import numpy as np

NUM_USERS = 1000000
NUM_ITEMS = 1000000
NUM_CATEGORIES = 1000
EMB = 16
B = 4096
VIS = 512

def setup_inputs(seed: int = 0) -> dict:
    key = jax.random.key(seed)
    ks = jax.random.split(key, 16)
    user = jax.random.randint(ks[0], (B,), 0, NUM_USERS, dtype=jnp.int64 if jax.config.jax_enable_x64 else jnp.int32).astype(jnp.int32)
    item = jax.random.randint(ks[1], (B,), 0, NUM_ITEMS).astype(jnp.int32)
    category = jax.random.randint(ks[2], (B,), 0, NUM_CATEGORIES).astype(jnp.int32)
    visual = jax.random.normal(ks[3], (B, VIS), dtype=jnp.float32)
    # parameters (xavier-uniform style init for embeddings / linear weights)
    def xavier(k, shape):
        fan_in, fan_out = shape[-1], shape[0]
        lim = float(np.sqrt(6.0 / (fan_in + fan_out)))
        return jax.random.uniform(k, shape, jnp.float32, -lim, lim)
    user_table = xavier(ks[4], (NUM_USERS, EMB))
    item_table = xavier(ks[5], (NUM_ITEMS, EMB))
    cat_table = xavier(ks[6], (NUM_CATEGORIES, EMB))
    Wv = xavier(ks[7], (EMB, VIS)); bv = jnp.zeros((EMB,), jnp.float32)
    Wu = xavier(ks[8], (1, 1)); bu = jnp.zeros((1,), jnp.float32)
    Wi = xavier(ks[9], (1, 1)); bi = jnp.zeros((1,), jnp.float32)
    Wc = xavier(ks[10], (1, 1)); bc = jnp.zeros((1,), jnp.float32)
    Wv1 = xavier(ks[11], (1, VIS)); bv1 = jnp.zeros((1,), jnp.float32)
    bias = jnp.zeros((1,), jnp.float32)
    return {"user": user, "item": item, "category": category, "visual": visual,
            "user_table": user_table, "item_table": item_table, "cat_table": cat_table,
            "Wv": Wv, "bv": bv, "Wu": Wu, "bu": bu, "Wi": Wi, "bi": bi,
            "Wc": Wc, "bc": bc, "Wv1": Wv1, "bv1": bv1, "bias": bias}

def reference(user, item, category, visual, user_table, item_table, cat_table,
              Wv, bv, Wu, bu, Wi, bi, Wc, bc, Wv1, bv1, bias):
    user_emb = jnp.take(user_table, user, axis=0)
    item_emb = jnp.take(item_table, item, axis=0)
    category_emb = jnp.take(cat_table, category, axis=0)
    visual_emb = visual @ Wv.T + bv
    pairwise_interactions = jnp.sum(user_emb * item_emb * category_emb * visual_emb, axis=1)  # [B]
    user_linear = user.astype(jnp.float32)[:, None] @ Wu.T + bu      # [B,1]
    item_linear = item.astype(jnp.float32)[:, None] @ Wi.T + bi      # [B,1]
    category_linear = category.astype(jnp.float32)[:, None] @ Wc.T + bc  # [B,1]
    visual_linear_1st = visual @ Wv1.T + bv1                         # [B,1]
    first_order = bias + user_linear + item_linear + category_linear + visual_linear_1st  # [B,1]
    # faithful to the torch module: [B,1] + [B] broadcasts to [B,B]
    return first_order + pairwise_interactions

if __name__ == "__main__":
    import jax
    _d = setup_inputs()
    print(jax.jit(kernel)(*tuple(_d.values())))

</pallas_src>

<mosaic_0001>
#map = affine_map<(d0, d1) -> (0)>
#map1 = affine_map<(d0, d1) -> (0, 0)>
module attributes {stable_mosaic.version = 14 : i64} {
  func.func @pairwise_kernel(%arg0: i32, %arg1: i32, %arg2: memref<4096xi32, #tpu.memory_space<hbm>>, %arg3: memref<4096xi32, #tpu.memory_space<hbm>>, %arg4: memref<4096xi32, #tpu.memory_space<hbm>>, %arg5: memref<16xf32, #tpu.memory_space<hbm>>, %arg6: memref<16x1000xf32, #tpu.memory_space<hbm>>, %arg7: memref<16x4096xf32, #tpu.memory_space<hbm>>, %arg8: memref<16x4096xf32, #tpu.memory_space<hbm>>, %arg9: memref<16x4096xf32, #tpu.memory_space<hbm>>, %arg10: memref<1x4096xf32, #tpu.memory_space<hbm>>, %arg11: memref<1x4096xf32, #tpu.memory_space<hbm>>, %arg12: memref<1x4096xf32, #tpu.memory_space<hbm>>, %arg13: memref<128xi32, #tpu.memory_space<vmem>>, %arg14: memref<128xi32, #tpu.memory_space<vmem>>, %arg15: memref<128xi32, #tpu.memory_space<vmem>>, %arg16: memref<16xf32, #tpu.memory_space<vmem>>, %arg17: memref<16x1000xf32, #tpu.memory_space<vmem>>, %arg18: memref<16x128xf32, #tpu.memory_space<vmem>>, %arg19: memref<16x128xf32, #tpu.memory_space<vmem>>, %arg20: memref<16x128xf32, #tpu.memory_space<vmem>>, %arg21: memref<1x128xf32, #tpu.memory_space<vmem>>, %arg22: memref<1x128xf32, #tpu.memory_space<vmem>>, %arg23: memref<1x128xf32, #tpu.memory_space<vmem>>, %arg24: memref<!tpu.dma_semaphore, #tpu.memory_space<semaphore_mem>>) attributes {dimension_semantics = [#tpu.dimension_semantics<core_parallel>, #tpu.dimension_semantics<subcore_parallel>], iteration_bounds = array<i64: 2, 16>, scalar_prefetch = 0 : i64, scratch_operands = 12 : i64, tpu.core_type = #tpu.core_type<sc_vector_subcore>, window_params = [{transform_indices = #map}, {transform_indices = #map}, {transform_indices = #map}, {transform_indices = #map}, {transform_indices = #map1}, {transform_indices = #map1}, {transform_indices = #map1}, {transform_indices = #map1}, {transform_indices = #map1}, {transform_indices = #map1}, {transform_indices = #map1}]} {
    %mul3A = arith.constant 2 : i32
    %mul3A_0 = arith.muli %arg1, %mul3A : i32
    %add3A = arith.addi %mul3A_0, %arg0 : i32
    %mul3A_1 = arith.constant 128 : i32
    %mul3A_2 = arith.muli %add3A, %mul3A_1 : i32
    %dma_start3A = tpu.memref_slice %arg2[%mul3A_2] : memref<4096xi32, #tpu.memory_space<hbm>> -> memref<128xi32, #tpu.memory_space<hbm>>
    %dma_start3A_3 = tpu.memref_slice %arg2[%mul3A_2] : memref<4096xi32, #tpu.memory_space<hbm>> -> memref<128xi32, #tpu.memory_space<hbm>>
    tpu.enqueue_dma source(%dma_start3A_3 : memref<128xi32, #tpu.memory_space<hbm>>) target(%arg13 : memref<128xi32, #tpu.memory_space<vmem>>) target_semaphore(%arg24 : memref<!tpu.dma_semaphore, #tpu.memory_space<semaphore_mem>>)
    %dma_start3A_4 = tpu.memref_slice %arg3[%mul3A_2] : memref<4096xi32, #tpu.memory_space<hbm>> -> memref<128xi32, #tpu.memory_space<hbm>>
    %dma_start3A_5 = tpu.memref_slice %arg3[%mul3A_2] : memref<4096xi32, #tpu.memory_space<hbm>> -> memref<128xi32, #tpu.memory_space<hbm>>
    tpu.enqueue_dma source(%dma_start3A_5 : memref<128xi32, #tpu.memory_space<hbm>>) target(%arg14 : memref<128xi32, #tpu.memory_space<vmem>>) target_semaphore(%arg24 : memref<!tpu.dma_semaphore, #tpu.memory_space<semaphore_mem>>)
    %dma_start3A_6 = tpu.memref_slice %arg4[%mul3A_2] : memref<4096xi32, #tpu.memory_space<hbm>> -> memref<128xi32, #tpu.memory_space<hbm>>
    %dma_start3A_7 = tpu.memref_slice %arg4[%mul3A_2] : memref<4096xi32, #tpu.memory_space<hbm>> -> memref<128xi32, #tpu.memory_space<hbm>>
    tpu.enqueue_dma source(%dma_start3A_7 : memref<128xi32, #tpu.memory_space<hbm>>) target(%arg15 : memref<128xi32, #tpu.memory_space<vmem>>) target_semaphore(%arg24 : memref<!tpu.dma_semaphore, #tpu.memory_space<semaphore_mem>>)
    tpu.enqueue_dma source(%arg5 : memref<16xf32, #tpu.memory_space<hbm>>) target(%arg16 : memref<16xf32, #tpu.memory_space<vmem>>) target_semaphore(%arg24 : memref<!tpu.dma_semaphore, #tpu.memory_space<semaphore_mem>>)
    tpu.enqueue_dma source(%arg6 : memref<16x1000xf32, #tpu.memory_space<hbm>>) target(%arg17 : memref<16x1000xf32, #tpu.memory_space<vmem>>) target_semaphore(%arg24 : memref<!tpu.dma_semaphore, #tpu.memory_space<semaphore_mem>>)
    %dma_start3A_8 = arith.constant 0 : i32
    %dma_start3A_9 = tpu.memref_slice %arg7[%dma_start3A_8, %mul3A_2] : memref<16x4096xf32, #tpu.memory_space<hbm>> -> memref<16x128xf32, #tpu.memory_space<hbm>>
    %dma_start3A_10 = arith.constant 0 : i32
    %dma_start3A_11 = tpu.memref_slice %arg7[%dma_start3A_10, %mul3A_2] : memref<16x4096xf32, #tpu.memory_space<hbm>> -> memref<16x128xf32, #tpu.memory_space<hbm>>
    tpu.enqueue_dma source(%dma_start3A_11 : memref<16x128xf32, #tpu.memory_space<hbm>>) target(%arg18 : memref<16x128xf32, #tpu.memory_space<vmem>>) target_semaphore(%arg24 : memref<!tpu.dma_semaphore, #tpu.memory_space<semaphore_mem>>)
    %dma_start3A_12 = arith.constant 0 : i32
    %dma_start3A_13 = tpu.memref_slice %arg8[%dma_start3A_12, %mul3A_2] : memref<16x4096xf32, #tpu.memory_space<hbm>> -> memref<16x128xf32, #tpu.memory_space<hbm>>
    %dma_start3A_14 = arith.constant 0 : i32
    %dma_start3A_15 = tpu.memref_slice %arg8[%dma_start3A_14, %mul3A_2] : memref<16x4096xf32, #tpu.memory_space<hbm>> -> memref<16x128xf32, #tpu.memory_space<hbm>>
    tpu.enqueue_dma source(%dma_start3A_15 : memref<16x128xf32, #tpu.memory_space<hbm>>) target(%arg19 : memref<16x128xf32, #tpu.memory_space<vmem>>) target_semaphore(%arg24 : memref<!tpu.dma_semaphore, #tpu.memory_space<semaphore_mem>>)
    %dma_start3A_16 = arith.constant 0 : i32
    %dma_start3A_17 = tpu.memref_slice %arg9[%dma_start3A_16, %mul3A_2] : memref<16x4096xf32, #tpu.memory_space<hbm>> -> memref<16x128xf32, #tpu.memory_space<hbm>>
    %dma_start3A_18 = arith.constant 0 : i32
    %dma_start3A_19 = tpu.memref_slice %arg9[%dma_start3A_18, %mul3A_2] : memref<16x4096xf32, #tpu.memory_space<hbm>> -> memref<16x128xf32, #tpu.memory_space<hbm>>
    tpu.enqueue_dma source(%dma_start3A_19 : memref<16x128xf32, #tpu.memory_space<hbm>>) target(%arg20 : memref<16x128xf32, #tpu.memory_space<vmem>>) target_semaphore(%arg24 : memref<!tpu.dma_semaphore, #tpu.memory_space<semaphore_mem>>)
    %dma_start3A_20 = arith.constant 0 : i32
    %dma_start3A_21 = tpu.memref_slice %arg10[%dma_start3A_20, %mul3A_2] : memref<1x4096xf32, #tpu.memory_space<hbm>> -> memref<1x128xf32, #tpu.memory_space<hbm>>
    %dma_start3A_22 = arith.constant 0 : i32
    %dma_start3A_23 = tpu.memref_slice %arg10[%dma_start3A_22, %mul3A_2] : memref<1x4096xf32, #tpu.memory_space<hbm>> -> memref<1x128xf32, #tpu.memory_space<hbm>>
    tpu.enqueue_dma source(%dma_start3A_23 : memref<1x128xf32, #tpu.memory_space<hbm>>) target(%arg21 : memref<1x128xf32, #tpu.memory_space<vmem>>) target_semaphore(%arg24 : memref<!tpu.dma_semaphore, #tpu.memory_space<semaphore_mem>>)
    %dma_wait3A = tpu.memref_slice %arg2[%mul3A_2] : memref<4096xi32, #tpu.memory_space<hbm>> -> memref<128xi32, #tpu.memory_space<hbm>>
    %dma_wait3A_24 = tpu.memref_slice %arg2[%mul3A_2] : memref<4096xi32, #tpu.memory_space<hbm>> -> memref<128xi32, #tpu.memory_space<hbm>>
    tpu.wait_dma2 semaphore(%arg24 : memref<!tpu.dma_semaphore, #tpu.memory_space<semaphore_mem>>) src(%dma_wait3A_24 : memref<128xi32, #tpu.memory_space<hbm>>) dst(%arg13 : memref<128xi32, #tpu.memory_space<vmem>>)
    %dma_wait3A_25 = tpu.memref_slice %arg3[%mul3A_2] : memref<4096xi32, #tpu.memory_space<hbm>> -> memref<128xi32, #tpu.memory_space<hbm>>
    %dma_wait3A_26 = tpu.memref_slice %arg3[%mul3A_2] : memref<4096xi32, #tpu.memory_space<hbm>> -> memref<128xi32, #tpu.memory_space<hbm>>
    tpu.wait_dma2 semaphore(%arg24 : memref<!tpu.dma_semaphore, #tpu.memory_space<semaphore_mem>>) src(%dma_wait3A_26 : memref<128xi32, #tpu.memory_space<hbm>>) dst(%arg14 : memref<128xi32, #tpu.memory_space<vmem>>)
    %dma_wait3A_27 = tpu.memref_slice %arg4[%mul3A_2] : memref<4096xi32, #tpu.memory_space<hbm>> -> memref<128xi32, #tpu.memory_space<hbm>>
    %dma_wait3A_28 = tpu.memref_slice %arg4[%mul3A_2] : memref<4096xi32, #tpu.memory_space<hbm>> -> memref<128xi32, #tpu.memory_space<hbm>>
    tpu.wait_dma2 semaphore(%arg24 : memref<!tpu.dma_semaphore, #tpu.memory_space<semaphore_mem>>) src(%dma_wait3A_28 : memref<128xi32, #tpu.memory_space<hbm>>) dst(%arg15 : memref<128xi32, #tpu.memory_space<vmem>>)
    tpu.wait_dma2 semaphore(%arg24 : memref<!tpu.dma_semaphore, #tpu.memory_space<semaphore_mem>>) src(%arg5 : memref<16xf32, #tpu.memory_space<hbm>>) dst(%arg16 : memref<16xf32, #tpu.memory_space<vmem>>)
    tpu.wait_dma2 semaphore(%arg24 : memref<!tpu.dma_semaphore, #tpu.memory_space<semaphore_mem>>) src(%arg6 : memref<16x1000xf32, #tpu.memory_space<hbm>>) dst(%arg17 : memref<16x1000xf32, #tpu.memory_space<vmem>>)
    %dma_wait3A_29 = arith.constant 0 : i32
    %dma_wait3A_30 = tpu.memref_slice %arg7[%dma_wait3A_29, %mul3A_2] : memref<16x4096xf32, #tpu.memory_space<hbm>> -> memref<16x128xf32, #tpu.memory_space<hbm>>
    %dma_wait3A_31 = arith.constant 0 : i32
    %dma_wait3A_32 = tpu.memref_slice %arg7[%dma_wait3A_31, %mul3A_2] : memref<16x4096xf32, #tpu.memory_space<hbm>> -> memref<16x128xf32, #tpu.memory_space<hbm>>
    tpu.wait_dma2 semaphore(%arg24 : memref<!tpu.dma_semaphore, #tpu.memory_space<semaphore_mem>>) src(%dma_wait3A_32 : memref<16x128xf32, #tpu.memory_space<hbm>>) dst(%arg18 : memref<16x128xf32, #tpu.memory_space<vmem>>)
    %dma_wait3A_33 = arith.constant 0 : i32
    %dma_wait3A_34 = tpu.memref_slice %arg8[%dma_wait3A_33, %mul3A_2] : memref<16x4096xf32, #tpu.memory_space<hbm>> -> memref<16x128xf32, #tpu.memory_space<hbm>>
    %dma_wait3A_35 = arith.constant 0 : i32
    %dma_wait3A_36 = tpu.memref_slice %arg8[%dma_wait3A_35, %mul3A_2] : memref<16x4096xf32, #tpu.memory_space<hbm>> -> memref<16x128xf32, #tpu.memory_space<hbm>>
    tpu.wait_dma2 semaphore(%arg24 : memref<!tpu.dma_semaphore, #tpu.memory_space<semaphore_mem>>) src(%dma_wait3A_36 : memref<16x128xf32, #tpu.memory_space<hbm>>) dst(%arg19 : memref<16x128xf32, #tpu.memory_space<vmem>>)
    %dma_wait3A_37 = arith.constant 0 : i32
    %dma_wait3A_38 = tpu.memref_slice %arg9[%dma_wait3A_37, %mul3A_2] : memref<16x4096xf32, #tpu.memory_space<hbm>> -> memref<16x128xf32, #tpu.memory_space<hbm>>
    %dma_wait3A_39 = arith.constant 0 : i32
    %dma_wait3A_40 = tpu.memref_slice %arg9[%dma_wait3A_39, %mul3A_2] : memref<16x4096xf32, #tpu.memory_space<hbm>> -> memref<16x128xf32, #tpu.memory_space<hbm>>
    tpu.wait_dma2 semaphore(%arg24 : memref<!tpu.dma_semaphore, #tpu.memory_space<semaphore_mem>>) src(%dma_wait3A_40 : memref<16x128xf32, #tpu.memory_space<hbm>>) dst(%arg20 : memref<16x128xf32, #tpu.memory_space<vmem>>)
    %dma_wait3A_41 = arith.constant 0 : i32
    %dma_wait3A_42 = tpu.memref_slice %arg10[%dma_wait3A_41, %mul3A_2] : memref<1x4096xf32, #tpu.memory_space<hbm>> -> memref<1x128xf32, #tpu.memory_space<hbm>>
    %dma_wait3A_43 = arith.constant 0 : i32
    %dma_wait3A_44 = tpu.memref_slice %arg10[%dma_wait3A_43, %mul3A_2] : memref<1x4096xf32, #tpu.memory_space<hbm>> -> memref<1x128xf32, #tpu.memory_space<hbm>>
    tpu.wait_dma2 semaphore(%arg24 : memref<!tpu.dma_semaphore, #tpu.memory_space<semaphore_mem>>) src(%dma_wait3A_44 : memref<1x128xf32, #tpu.memory_space<hbm>>) dst(%arg21 : memref<1x128xf32, #tpu.memory_space<vmem>>)
    %get3A = arith.constant 0 : index
    %get3A_45 = tpu.vector_load %arg16[%get3A] {strides = array<i32>} : memref<16xf32, #tpu.memory_space<vmem>>, vector<16xf32>,
    %slice3A = vector.extract_strided_slice %get3A_45 {offsets = [0], sizes = [1], strides = [1]} : vector<16xf32> to vector<1xf32>
    %squeeze3A = vector.extract %slice3A[0] : f32 from vector<1xf32>
    %slice3A_46 = vector.extract_strided_slice %get3A_45 {offsets = [2], sizes = [1], strides = [1]} : vector<16xf32> to vector<1xf32>
    %squeeze3A_47 = vector.extract %slice3A_46[0] : f32 from vector<1xf32>
    %slice3A_48 = vector.extract_strided_slice %get3A_45 {offsets = [4], sizes = [1], strides = [1]} : vector<16xf32> to vector<1xf32>
    %squeeze3A_49 = vector.extract %slice3A_48[0] : f32 from vector<1xf32>
    %get3A_50 = arith.constant 0 : index
    %get3A_51 = tpu.vector_load %arg15[%get3A_50] {strides = array<i32>} : memref<128xi32, #tpu.memory_space<vmem>>, vector<16xi32>,
    %broadcast_in_dim3A = arith.constant 0.000000e+00 : f32
    %broadcast_in_dim3A_52 = vector.broadcast %broadcast_in_dim3A : f32 to vector<16xf32>
    %broadcast_in_dim3A_53 = arith.constant 0 : i32
    %broadcast_in_dim3A_54 = vector.broadcast %broadcast_in_dim3A_53 : i32 to vector<16xi32>
    %gather3A = tpu.vector_load_idx %arg17[%broadcast_in_dim3A_54, %get3A_51] : memref<16x1000xf32, #tpu.memory_space<vmem>>[vector<16xi32>, vector<16xi32>], vector<16xf32>,
    %get3A_55 = arith.constant 0 : i32
    %get3A_56 = arith.index_cast %get3A_55 : i32 to index
    %get3A_57 = arith.constant 0 : index
    %get3A_58 = tpu.vector_load %arg18[%get3A_56, %get3A_57] {strides = array<i32>} : memref<16x128xf32, #tpu.memory_space<vmem>>, vector<16xf32>,
    %get3A_59 = arith.constant 0 : i32
    %get3A_60 = arith.index_cast %get3A_59 : i32 to index
    %get3A_61 = arith.constant 0 : index
    %get3A_62 = tpu.vector_load %arg19[%get3A_60, %get3A_61] {strides = array<i32>} : memref<16x128xf32, #tpu.memory_space<vmem>>, vector<16xf32>,
    %mul3A_63 = arith.mulf %get3A_58, %get3A_62 : vector<16xf32>
    %mul3A_64 = arith.mulf %mul3A_63, %gather3A : vector<16xf32>
    %get3A_65 = arith.constant 0 : i32
    %get3A_66 = arith.index_cast %get3A_65 : i32 to index
    %get3A_67 = arith.constant 0 : index
    %get3A_68 = tpu.vector_load %arg20[%get3A_66, %get3A_67] {strides = array<i32>} : memref<16x128xf32, #tpu.memory_space<vmem>>, vector<16xf32>,
    %mul3A_69 = arith.mulf %mul3A_64, %get3A_68 : vector<16xf32>
    %add3A_70 = arith.addf %broadcast_in_dim3A_52, %mul3A_69 : vector<16xf32>
    %broadcast_in_dim3A_71 = arith.constant 1 : i32
    %broadcast_in_dim3A_72 = vector.broadcast %broadcast_in_dim3A_71 : i32 to vector<16xi32>
    %gather3A_73 = tpu.vector_load_idx %arg17[%broadcast_in_dim3A_72, %get3A_51] : memref<16x1000xf32, #tpu.memory_space<vmem>>[vector<16xi32>, vector<16xi32>], vector<16xf32>,
    %get3A_74 = arith.constant 1 : i32
    %get3A_75 = arith.index_cast %get3A_74 : i32 to index
    %get3A_76 = arith.constant 0 : index
    %get3A_77 = tpu.vector_load %arg18[%get3A_75, %get3A_76] {strides = array<i32>} : memref<16x128xf32, #tpu.memory_space<vmem>>, vector<16xf32>,
    %get3A_78 = arith.constant 1 : i32
    %get3A_79 = arith.index_cast %get3A_78 : i32 to index
    %get3A_80 = arith.constant 0 : index
    %get3A_81 = tpu.vector_load %arg19[%get3A_79, %get3A_80] {strides = array<i32>} : memref<16x128xf32, #tpu.memory_space<vmem>>, vector<16xf32>,
    %mul3A_82 = arith.mulf %get3A_77, %get3A_81 : vector<16xf32>
    %mul3A_83 = arith.mulf %mul3A_82, %gather3A_73 : vector<16xf32>
    %get3A_84 = arith.constant 1 : i32
    %get3A_85 = arith.index_cast %get3A_84 : i32 to index
    %get3A_86 = arith.constant 0 : index
    %get3A_87 = tpu.vector_load %arg20[%get3A_85, %get3A_86] {strides = array<i32>} : memref<16x128xf32, #tpu.memory_space<vmem>>, vector<16xf32>,
    %mul3A_88 = arith.mulf %mul3A_83, %get3A_87 : vector<16xf32>
    %add3A_89 = arith.addf %add3A_70, %mul3A_88 : vector<16xf32>
    %broadcast_in_dim3A_90 = arith.constant 2 : i32
    %broadcast_in_dim3A_91 = vector.broadcast %broadcast_in_dim3A_90 : i32 to vector<16xi32>
    %gather3A_92 = tpu.vector_load_idx %arg17[%broadcast_in_dim3A_91, %get3A_51] : memref<16x1000xf32, #tpu.memory_space<vmem>>[vector<16xi32>, vector<16xi32>], vector<16xf32>,
    %get3A_93 = arith.constant 2 : i32
    %get3A_94 = arith.index_cast %get3A_93 : i32 to index
    %get3A_95 = arith.constant 0 : index
    %get3A_96 = tpu.vector_load %arg18[%get3A_94, %get3A_95] {strides = array<i32>} : memref<16x128xf32, #tpu.memory_space<vmem>>, vector<16xf32>,
    %get3A_97 = arith.constant 2 : i32
    %get3A_98 = arith.index_cast %get3A_97 : i32 to index
    %get3A_99 = arith.constant 0 : index
    %get3A_100 = tpu.vector_load %arg19[%get3A_98, %get3A_99] {strides = array<i32>} : memref<16x128xf32, #tpu.memory_space<vmem>>, vector<16xf32>,
    %mul3A_101 = arith.mulf %get3A_96, %get3A_100 : vector<16xf32>
    %mul3A_102 = arith.mulf %mul3A_101, %gather3A_92 : vector<16xf32>
    %get3A_103 = arith.constant 2 : i32
    %get3A_104 = arith.index_cast %get3A_103 : i32 to index
    %get3A_105 = arith.constant 0 : index
    %get3A_106 = tpu.vector_load %arg20[%get3A_104, %get3A_105] {strides = array<i32>} : memref<16x128xf32, #tpu.memory_space<vmem>>, vector<16xf32>,
    %mul3A_107 = arith.mulf %mul3A_102, %get3A_106 : vector<16xf32>
    %add3A_108 = arith.addf %add3A_89, %mul3A_107 : vector<16xf32>
    %broadcast_in_dim3A_109 = arith.constant 3 : i32
    %broadcast_in_dim3A_110 = vector.broadcast %broadcast_in_dim3A_109 : i32 to vector<16xi32>
    %gather3A_111 = tpu.vector_load_idx %arg17[%broadcast_in_dim3A_110, %get3A_51] : memref<16x1000xf32, #tpu.memory_space<vmem>>[vector<16xi32>, vector<16xi32>], vector<16xf32>,
    %get3A_112 = arith.constant 3 : i32
    %get3A_113 = arith.index_cast %get3A_112 : i32 to index
    %get3A_114 = arith.constant 0 : index
    %get3A_115 = tpu.vector_load %arg18[%get3A_113, %get3A_114] {strides = array<i32>} : memref<16x128xf32, #tpu.memory_space<vmem>>, vector<16xf32>,
    %get3A_116 = arith.constant 3 : i32
    %get3A_117 = arith.index_cast %get3A_116 : i32 to index
    %get3A_118 = arith.constant 0 : index
    %get3A_119 = tpu.vector_load %arg19[%get3A_117, %get3A_118] {strides = array<i32>} : memref<16x128xf32, #tpu.memory_space<vmem>>, vector<16xf32>,
    %mul3A_120 = arith.mulf %get3A_115, %get3A_119 : vector<16xf32>
    %mul3A_121 = arith.mulf %mul3A_120, %gather3A_111 : vector<16xf32>
    %get3A_122 = arith.constant 3 : i32
    %get3A_123 = arith.index_cast %get3A_122 : i32 to index
    %get3A_124 = arith.constant 0 : index
    %get3A_125 = tpu.vector_load %arg20[%get3A_123, %get3A_124] {strides = array<i32>} : memref<16x128xf32, #tpu.memory_space<vmem>>, vector<16xf32>,
    %mul3A_126 = arith.mulf %mul3A_121, %get3A_125 : vector<16xf32>
    %add3A_127 = arith.addf %add3A_108, %mul3A_126 : vector<16xf32>
    %broadcast_in_dim3A_128 = arith.constant 4 : i32
    %broadcast_in_dim3A_129 = vector.broadcast %broadcast_in_dim3A_128 : i32 to vector<16xi32>
    %gather3A_130 = tpu.vector_load_idx %arg17[%broadcast_in_dim3A_129, %get3A_51] : memref<16x1000xf32, #tpu.memory_space<vmem>>[vector<16xi32>, vector<16xi32>], vector<16xf32>,
    %get3A_131 = arith.constant 4 : i32
    %get3A_132 = arith.index_cast %get3A_131 : i32 to index
    %get3A_133 = arith.constant 0 : index
    %get3A_134 = tpu.vector_load %arg18[%get3A_132, %get3A_133] {strides = array<i32>} : memref<16x128xf32, #tpu.memory_space<vmem>>, vector<16xf32>,
    %get3A_135 = arith.constant 4 : i32
    %get3A_136 = arith.index_cast %get3A_135 : i32 to index
    %get3A_137 = arith.constant 0 : index
    %get3A_138 = tpu.vector_load %arg19[%get3A_136, %get3A_137] {strides = array<i32>} : memref<16x128xf32, #tpu.memory_space<vmem>>, vector<16xf32>,
    %mul3A_139 = arith.mulf %get3A_134, %get3A_138 : vector<16xf32>
    %mul3A_140 = arith.mulf %mul3A_139, %gather3A_130 : vector<16xf32>
    %get3A_141 = arith.constant 4 : i32
    %get3A_142 = arith.index_cast %get3A_141 : i32 to index
    %get3A_143 = arith.constant 0 : index
    %get3A_144 = tpu.vector_load %arg20[%get3A_142, %get3A_143] {strides = array<i32>} : memref<16x128xf32, #tpu.memory_space<vmem>>, vector<16xf32>,
    %mul3A_145 = arith.mulf %mul3A_140, %get3A_144 : vector<16xf32>
    %add3A_146 = arith.addf %add3A_127, %mul3A_145 : vector<16xf32>
    %broadcast_in_dim3A_147 = arith.constant 5 : i32
    %broadcast_in_dim3A_148 = vector.broadcast %broadcast_in_dim3A_147 : i32 to vector<16xi32>
    %gather3A_149 = tpu.vector_load_idx %arg17[%broadcast_in_dim3A_148, %get3A_51] : memref<16x1000xf32, #tpu.memory_space<vmem>>[vector<16xi32>, vector<16xi32>], vector<16xf32>,
    %get3A_150 = arith.constant 5 : i32
    %get3A_151 = arith.index_cast %get3A_150 : i32 to index
    %get3A_152 = arith.constant 0 : index
    %get3A_153 = tpu.vector_load %arg18[%get3A_151, %get3A_152] {strides = array<i32>} : memref<16x128xf32, #tpu.memory_space<vmem>>, vector<16xf32>,
    %get3A_154 = arith.constant 5 : i32
    %get3A_155 = arith.index_cast %get3A_154 : i32 to index
    %get3A_156 = arith.constant 0 : index
    %get3A_157 = tpu.vector_load %arg19[%get3A_155, %get3A_156] {strides = array<i32>} : memref<16x128xf32, #tpu.memory_space<vmem>>, vector<16xf32>,
    %mul3A_158 = arith.mulf %get3A_153, %get3A_157 : vector<16xf32>
    %mul3A_159 = arith.mulf %mul3A_158, %gather3A_149 : vector<16xf32>
    %get3A_160 = arith.constant 5 : i32
    %get3A_161 = arith.index_cast %get3A_160 : i32 to index
    %get3A_162 = arith.constant 0 : index
    %get3A_163 = tpu.vector_load %arg20[%get3A_161, %get3A_162] {strides = array<i32>} : memref<16x128xf32, #tpu.memory_space<vmem>>, vector<16xf32>,
    %mul3A_164 = arith.mulf %mul3A_159, %get3A_163 : vector<16xf32>
    %add3A_165 = arith.addf %add3A_146, %mul3A_164 : vector<16xf32>
    %broadcast_in_dim3A_166 = arith.constant 6 : i32
    %broadcast_in_dim3A_167 = vector.broadcast %broadcast_in_dim3A_166 : i32 to vector<16xi32>
    %gather3A_168 = tpu.vector_load_idx %arg17[%broadcast_in_dim3A_167, %get3A_51] : memref<16x1000xf32, #tpu.memory_space<vmem>>[vector<16xi32>, vector<16xi32>], vector<16xf32>,
    %get3A_169 = arith.constant 6 : i32
    %get3A_170 = arith.index_cast %get3A_169 : i32 to index
    %get3A_171 = arith.constant 0 : index
    %get3A_172 = tpu.vector_load %arg18[%get3A_170, %get3A_171] {strides = array<i32>} : memref<16x128xf32, #tpu.memory_space<vmem>>, vector<16xf32>,
    %get3A_173 = arith.constant 6 : i32
    %get3A_174 = arith.index_cast %get3A_173 : i32 to index
    %get3A_175 = arith.constant 0 : index
    %get3A_176 = tpu.vector_load %arg19[%get3A_174, %get3A_175] {strides = array<i32>} : memref<16x128xf32, #tpu.memory_space<vmem>>, vector<16xf32>,
    %mul3A_177 = arith.mulf %get3A_172, %get3A_176 : vector<16xf32>
    %mul3A_178 = arith.mulf %mul3A_177, %gather3A_168 : vector<16xf32>
    %get3A_179 = arith.constant 6 : i32
    %get3A_180 = arith.index_cast %get3A_179 : i32 to index
    %get3A_181 = arith.constant 0 : index
    %get3A_182 = tpu.vector_load %arg20[%get3A_180, %get3A_181] {strides = array<i32>} : memref<16x128xf32, #tpu.memory_space<vmem>>, vector<16xf32>,
    %mul3A_183 = arith.mulf %mul3A_178, %get3A_182 : vector<16xf32>
    %add3A_184 = arith.addf %add3A_165, %mul3A_183 : vector<16xf32>
    %broadcast_in_dim3A_185 = arith.constant 7 : i32
    %broadcast_in_dim3A_186 = vector.broadcast %broadcast_in_dim3A_185 : i32 to vector<16xi32>
    %gather3A_187 = tpu.vector_load_idx %arg17[%broadcast_in_dim3A_186, %get3A_51] : memref<16x1000xf32, #tpu.memory_space<vmem>>[vector<16xi32>, vector<16xi32>], vector<16xf32>,
    %get3A_188 = arith.constant 7 : i32
    %get3A_189 = arith.index_cast %get3A_188 : i32 to index
    %get3A_190 = arith.constant 0 : index
    %get3A_191 = tpu.vector_load %arg18[%get3A_189, %get3A_190] {strides = array<i32>} : memref<16x128xf32, #tpu.memory_space<vmem>>, vector<16xf32>,
    %get3A_192 = arith.constant 7 : i32
    %get3A_193 = arith.index_cast %get3A_192 : i32 to index
    %get3A_194 = arith.constant 0 : index
    %get3A_195 = tpu.vector_load %arg19[%get3A_193, %get3A_194] {strides = array<i32>} : memref<16x128xf32, #tpu.memory_space<vmem>>, vector<16xf32>,
    %mul3A_196 = arith.mulf %get3A_191, %get3A_195 : vector<16xf32>
    %mul3A_197 = arith.mulf %mul3A_196, %gather3A_187 : vector<16xf32>
    %get3A_198 = arith.constant 7 : i32
    %get3A_199 = arith.index_cast %get3A_198 : i32 to index
    %get3A_200 = arith.constant 0 : index
    %get3A_201 = tpu.vector_load %arg20[%get3A_199, %get3A_200] {strides = array<i32>} : memref<16x128xf32, #tpu.memory_space<vmem>>, vector<16xf32>,
    %mul3A_202 = arith.mulf %mul3A_197, %get3A_201 : vector<16xf32>
    %add3A_203 = arith.addf %add3A_184, %mul3A_202 : vector<16xf32>
    %broadcast_in_dim3A_204 = arith.constant 8 : i32
    %broadcast_in_dim3A_205 = vector.broadcast %broadcast_in_dim3A_204 : i32 to vector<16xi32>
    %gather3A_206 = tpu.vector_load_idx %arg17[%broadcast_in_dim3A_205, %get3A_51] : memref<16x1000xf32, #tpu.memory_space<vmem>>[vector<16xi32>, vector<16xi32>], vector<16xf32>,
    %get3A_207 = arith.constant 8 : i32
    %get3A_208 = arith.index_cast %get3A_207 : i32 to index
    %get3A_209 = arith.constant 0 : index
    %get3A_210 = tpu.vector_load %arg18[%get3A_208, %get3A_209] {strides = array<i32>} : memref<16x128xf32, #tpu.memory_space<vmem>>, vector<16xf32>,
    %get3A_211 = arith.constant 8 : i32
    %get3A_212 = arith.index_cast %get3A_211 : i32 to index
    %get3A_213 = arith.constant 0 : index
    %get3A_214 = tpu.vector_load %arg19[%get3A_212, %get3A_213] {strides = array<i32>} : memref<16x128xf32, #tpu.memory_space<vmem>>, vector<16xf32>,
    %mul3A_215 = arith.mulf %get3A_210, %get3A_214 : vector<16xf32>
    %mul3A_216 = arith.mulf %mul3A_215, %gather3A_206 : vector<16xf32>
    %get3A_217 = arith.constant 8 : i32
    %get3A_218 = arith.index_cast %get3A_217 : i32 to index
    %get3A_219 = arith.constant 0 : index
    %get3A_220 = tpu.vector_load %arg20[%get3A_218, %get3A_219] {strides = array<i32>} : memref<16x128xf32, #tpu.memory_space<vmem>>, vector<16xf32>,
    %mul3A_221 = arith.mulf %mul3A_216, %get3A_220 : vector<16xf32>
    %add3A_222 = arith.addf %add3A_203, %mul3A_221 : vector<16xf32>
    %broadcast_in_dim3A_223 = arith.constant 9 : i32
    %broadcast_in_dim3A_224 = vector.broadcast %broadcast_in_dim3A_223 : i32 to vector<16xi32>
    %gather3A_225 = tpu.vector_load_idx %arg17[%broadcast_in_dim3A_224, %get3A_51] : memref<16x1000xf32, #tpu.memory_space<vmem>>[vector<16xi32>, vector<16xi32>], vector<16xf32>,
    %get3A_226 = arith.constant 9 : i32
    %get3A_227 = arith.index_cast %get3A_226 : i32 to index
    %get3A_228 = arith.constant 0 : index
    %get3A_229 = tpu.vector_load %arg18[%get3A_227, %get3A_228] {strides = array<i32>} : memref<16x128xf32, #tpu.memory_space<vmem>>, vector<16xf32>,
    %get3A_230 = arith.constant 9 : i32
    %get3A_231 = arith.index_cast %get3A_230 : i32 to index
    %get3A_232 = arith.constant 0 : index
    %get3A_233 = tpu.vector_load %arg19[%get3A_231, %get3A_232] {strides = array<i32>} : memref<16x128xf32, #tpu.memory_space<vmem>>, vector<16xf32>,
    %mul3A_234 = arith.mulf %get3A_229, %get3A_233 : vector<16xf32>
    %mul3A_235 = arith.mulf %mul3A_234, %gather3A_225 : vector<16xf32>
    %get3A_236 = arith.constant 9 : i32
    %get3A_237 = arith.index_cast %get3A_236 : i32 to index
    %get3A_238 = arith.constant 0 : index
    %get3A_239 = tpu.vector_load %arg20[%get3A_237, %get3A_238] {strides = array<i32>} : memref<16x128xf32, #tpu.memory_space<vmem>>, vector<16xf32>,
    %mul3A_240 = arith.mulf %mul3A_235, %get3A_239 : vector<16xf32>
    %add3A_241 = arith.addf %add3A_222, %mul3A_240 : vector<16xf32>
    %broadcast_in_dim3A_242 = arith.constant 10 : i32
    %broadcast_in_dim3A_243 = vector.broadcast %broadcast_in_dim3A_242 : i32 to vector<16xi32>
    %gather3A_244 = tpu.vector_load_idx %arg17[%broadcast_in_dim3A_243, %get3A_51] : memref<16x1000xf32, #tpu.memory_space<vmem>>[vector<16xi32>, vector<16xi32>], vector<16xf32>,
    %get3A_245 = arith.constant 10 : i32
    %get3A_246 = arith.index_cast %get3A_245 : i32 to index
    %get3A_247 = arith.constant 0 : index
    %get3A_248 = tpu.vector_load %arg18[%get3A_246, %get3A_247] {strides = array<i32>} : memref<16x128xf32, #tpu.memory_space<vmem>>, vector<16xf32>,
    %get3A_249 = arith.constant 10 : i32
    %get3A_250 = arith.index_cast %get3A_249 : i32 to index
    %get3A_251 = arith.constant 0 : index
    %get3A_252 = tpu.vector_load %arg19[%get3A_250, %get3A_251] {strides = array<i32>} : memref<16x128xf32, #tpu.memory_space<vmem>>, vector<16xf32>,
    %mul3A_253 = arith.mulf %get3A_248, %get3A_252 : vector<16xf32>
    %mul3A_254 = arith.mulf %mul3A_253, %gather3A_244 : vector<16xf32>
    %get3A_255 = arith.constant 10 : i32
    %get3A_256 = arith.index_cast %get3A_255 : i32 to index
    %get3A_257 = arith.constant 0 : index
    %get3A_258 = tpu.vector_load %arg20[%get3A_256, %get3A_257] {strides = array<i32>} : memref<16x128xf32, #tpu.memory_space<vmem>>, vector<16xf32>,
    %mul3A_259 = arith.mulf %mul3A_254, %get3A_258 : vector<16xf32>
    %add3A_260 = arith.addf %add3A_241, %mul3A_259 : vector<16xf32>
    %broadcast_in_dim3A_261 = arith.constant 11 : i32
    %broadcast_in_dim3A_262 = vector.broadcast %broadcast_in_dim3A_261 : i32 to vector<16xi32>
    %gather3A_263 = tpu.vector_load_idx %arg17[%broadcast_in_dim3A_262, %get3A_51] : memref<16x1000xf32, #tpu.memory_space<vmem>>[vector<16xi32>, vector<16xi32>], vector<16xf32>,
    %get3A_264 = arith.constant 11 : i32
    %get3A_265 = arith.index_cast %get3A_264 : i32 to index
    %get3A_266 = arith.constant 0 : index
    %get3A_267 = tpu.vector_load %arg18[%get3A_265, %get3A_266] {strides = array<i32>} : memref<16x128xf32, #tpu.memory_space<vmem>>, vector<16xf32>,
    %get3A_268 = arith.constant 11 : i32
    %get3A_269 = arith.index_cast %get3A_268 : i32 to index
    %get3A_270 = arith.constant 0 : index
    %get3A_271 = tpu.vector_load %arg19[%get3A_269, %get3A_270] {strides = array<i32>} : memref<16x128xf32, #tpu.memory_space<vmem>>, vector<16xf32>,
    %mul3A_272 = arith.mulf %get3A_267, %get3A_271 : vector<16xf32>
    %mul3A_273 = arith.mulf %mul3A_272, %gather3A_263 : vector<16xf32>
    %get3A_274 = arith.constant 11 : i32
    %get3A_275 = arith.index_cast %get3A_274 : i32 to index
    %get3A_276 = arith.constant 0 : index
    %get3A_277 = tpu.vector_load %arg20[%get3A_275, %get3A_276] {strides = array<i32>} : memref<16x128xf32, #tpu.memory_space<vmem>>, vector<16xf32>,
    %mul3A_278 = arith.mulf %mul3A_273, %get3A_277 : vector<16xf32>
    %add3A_279 = arith.addf %add3A_260, %mul3A_278 : vector<16xf32>
    %broadcast_in_dim3A_280 = arith.constant 12 : i32
    %broadcast_in_dim3A_281 = vector.broadcast %broadcast_in_dim3A_280 : i32 to vector<16xi32>
    %gather3A_282 = tpu.vector_load_idx %arg17[%broadcast_in_dim3A_281, %get3A_51] : memref<16x1000xf32, #tpu.memory_space<vmem>>[vector<16xi32>, vector<16xi32>], vector<16xf32>,
    %get3A_283 = arith.constant 12 : i32
    %get3A_284 = arith.index_cast %get3A_283 : i32 to index
    %get3A_285 = arith.constant 0 : index
    %get3A_286 = tpu.vector_load %arg18[%get3A_284, %get3A_285] {strides = array<i32>} : memref<16x128xf32, #tpu.memory_space<vmem>>, vector<16xf32>,
    %get3A_287 = arith.constant 12 : i32
    %get3A_288 = arith.index_cast %get3A_287 : i32 to index
    %get3A_289 = arith.constant 0 : index
    %get3A_290 = tpu.vector_load %arg19[%get3A_288, %get3A_289] {strides = array<i32>} : memref<16x128xf32, #tpu.memory_space<vmem>>, vector<16xf32>,
    %mul3A_291 = arith.mulf %get3A_286, %get3A_290 : vector<16xf32>
    %mul3A_292 = arith.mulf %mul3A_291, %gather3A_282 : vector<16xf32>
    %get3A_293 = arith.constant 12 : i32
    %get3A_294 = arith.index_cast %get3A_293 : i32 to index
    %get3A_295 = arith.constant 0 : index
    %get3A_296 = tpu.vector_load %arg20[%get3A_294, %get3A_295] {strides = array<i32>} : memref<16x128xf32, #tpu.memory_space<vmem>>, vector<16xf32>,
    %mul3A_297 = arith.mulf %mul3A_292, %get3A_296 : vector<16xf32>
    %add3A_298 = arith.addf %add3A_279, %mul3A_297 : vector<16xf32>
    %broadcast_in_dim3A_299 = arith.constant 13 : i32
    %broadcast_in_dim3A_300 = vector.broadcast %broadcast_in_dim3A_299 : i32 to vector<16xi32>
    %gather3A_301 = tpu.vector_load_idx %arg17[%broadcast_in_dim3A_300, %get3A_51] : memref<16x1000xf32, #tpu.memory_space<vmem>>[vector<16xi32>, vector<16xi32>], vector<16xf32>,
    %get3A_302 = arith.constant 13 : i32
    %get3A_303 = arith.index_cast %get3A_302 : i32 to index
    %get3A_304 = arith.constant 0 : index
    %get3A_305 = tpu.vector_load %arg18[%get3A_303, %get3A_304] {strides = array<i32>} : memref<16x128xf32, #tpu.memory_space<vmem>>, vector<16xf32>,
    %get3A_306 = arith.constant 13 : i32
    %get3A_307 = arith.index_cast %get3A_306 : i32 to index
    %get3A_308 = arith.constant 0 : index
    %get3A_309 = tpu.vector_load %arg19[%get3A_307, %get3A_308] {strides = array<i32>} : memref<16x128xf32, #tpu.memory_space<vmem>>, vector<16xf32>,
    %mul3A_310 = arith.mulf %get3A_305, %get3A_309 : vector<16xf32>
    %mul3A_311 = arith.mulf %mul3A_310, %gather3A_301 : vector<16xf32>
    %get3A_312 = arith.constant 13 : i32
    %get3A_313 = arith.index_cast %get3A_312 : i32 to index
    %get3A_314 = arith.constant 0 : index
    %get3A_315 = tpu.vector_load %arg20[%get3A_313, %get3A_314] {strides = array<i32>} : memref<16x128xf32, #tpu.memory_space<vmem>>, vector<16xf32>,
    %mul3A_316 = arith.mulf %mul3A_311, %get3A_315 : vector<16xf32>
    %add3A_317 = arith.addf %add3A_298, %mul3A_316 : vector<16xf32>
    %broadcast_in_dim3A_318 = arith.constant 14 : i32
    %broadcast_in_dim3A_319 = vector.broadcast %broadcast_in_dim3A_318 : i32 to vector<16xi32>
    %gather3A_320 = tpu.vector_load_idx %arg17[%broadcast_in_dim3A_319, %get3A_51] : memref<16x1000xf32, #tpu.memory_space<vmem>>[vector<16xi32>, vector<16xi32>], vector<16xf32>,
    %get3A_321 = arith.constant 14 : i32
    %get3A_322 = arith.index_cast %get3A_321 : i32 to index
    %get3A_323 = arith.constant 0 : index
    %get3A_324 = tpu.vector_load %arg18[%get3A_322, %get3A_323] {strides = array<i32>} : memref<16x128xf32, #tpu.memory_space<vmem>>, vector<16xf32>,
    %get3A_325 = arith.constant 14 : i32
    %get3A_326 = arith.index_cast %get3A_325 : i32 to index
    %get3A_327 = arith.constant 0 : index
    %get3A_328 = tpu.vector_load %arg19[%get3A_326, %get3A_327] {strides = array<i32>} : memref<16x128xf32, #tpu.memory_space<vmem>>, vector<16xf32>,
    %mul3A_329 = arith.mulf %get3A_324, %get3A_328 : vector<16xf32>
    %mul3A_330 = arith.mulf %mul3A_329, %gather3A_320 : vector<16xf32>
    %get3A_331 = arith.constant 14 : i32
    %get3A_332 = arith.index_cast %get3A_331 : i32 to index
    %get3A_333 = arith.constant 0 : index
    %get3A_334 = tpu.vector_load %arg20[%get3A_332, %get3A_333] {strides = array<i32>} : memref<16x128xf32, #tpu.memory_space<vmem>>, vector<16xf32>,
    %mul3A_335 = arith.mulf %mul3A_330, %get3A_334 : vector<16xf32>
    %add3A_336 = arith.addf %add3A_317, %mul3A_335 : vector<16xf32>
    %broadcast_in_dim3A_337 = arith.constant 15 : i32
    %broadcast_in_dim3A_338 = vector.broadcast %broadcast_in_dim3A_337 : i32 to vector<16xi32>
    %gather3A_339 = tpu.vector_load_idx %arg17[%broadcast_in_dim3A_338, %get3A_51] : memref<16x1000xf32, #tpu.memory_space<vmem>>[vector<16xi32>, vector<16xi32>], vector<16xf32>,
    %get3A_340 = arith.constant 15 : i32
    %get3A_341 = arith.index_cast %get3A_340 : i32 to index
    %get3A_342 = arith.constant 0 : index
    %get3A_343 = tpu.vector_load %arg18[%get3A_341, %get3A_342] {strides = array<i32>} : memref<16x128xf32, #tpu.memory_space<vmem>>, vector<16xf32>,
    %get3A_344 = arith.constant 15 : i32
    %get3A_345 = arith.index_cast %get3A_344 : i32 to index
    %get3A_346 = arith.constant 0 : index
    %get3A_347 = tpu.vector_load %arg19[%get3A_345, %get3A_346] {strides = array<i32>} : memref<16x128xf32, #tpu.memory_space<vmem>>, vector<16xf32>,
    %mul3A_348 = arith.mulf %get3A_343, %get3A_347 : vector<16xf32>
    %mul3A_349 = arith.mulf %mul3A_348, %gather3A_339 : vector<16xf32>
    %get3A_350 = arith.constant 15 : i32
    %get3A_351 = arith.index_cast %get3A_350 : i32 to index
    %get3A_352 = arith.constant 0 : index
    %get3A_353 = tpu.vector_load %arg20[%get3A_351, %get3A_352] {strides = array<i32>} : memref<16x128xf32, #tpu.memory_space<vmem>>, vector<16xf32>,
    %mul3A_354 = arith.mulf %mul3A_349, %get3A_353 : vector<16xf32>
    %add3A_355 = arith.addf %add3A_336, %mul3A_354 : vector<16xf32>
    %swap3A = arith.constant 0 : i32
    %swap3A_356 = arith.index_cast %swap3A : i32 to index
    %swap3A_357 = arith.constant 0 : index
    %swap3A_358 = tpu.vector_load %arg22[%swap3A_356, %swap3A_357] {strides = array<i32>} : memref<1x128xf32, #tpu.memory_space<vmem>>, vector<16xf32>,
    tpu.vector_store %arg22[%swap3A_356, %swap3A_357], %add3A_355 {strides = array<i32>} : memref<1x128xf32, #tpu.memory_space<vmem>>, vector<16xf32>,
    %get3A_359 = arith.constant 0 : i32
    %get3A_360 = arith.index_cast %get3A_359 : i32 to index
    %get3A_361 = arith.constant 0 : index
    %get3A_362 = tpu.vector_load %arg21[%get3A_360, %get3A_361] {strides = array<i32>} : memref<1x128xf32, #tpu.memory_space<vmem>>, vector<16xf32>,
    %get3A_363 = arith.constant 0 : index
    %get3A_364 = tpu.vector_load %arg13[%get3A_363] {strides = array<i32>} : memref<128xi32, #tpu.memory_space<vmem>>, vector<16xi32>,
    %convert_element_type3A = arith.sitofp %get3A_364 : vector<16xi32> to vector<16xf32>
    %mul3A_365 = vector.broadcast %squeeze3A : f32 to vector<16xf32>
    %mul3A_366 = arith.mulf %mul3A_365, %convert_element_type3A : vector<16xf32>
    %add3A_367 = arith.addf %get3A_362, %mul3A_366 : vector<16xf32>
    %get3A_368 = arith.constant 0 : index
    %get3A_369 = tpu.vector_load %arg14[%get3A_368] {strides = array<i32>} : memref<128xi32, #tpu.memory_space<vmem>>, vector<16xi32>,
    %convert_element_type3A_370 = arith.sitofp %get3A_369 : vector<16xi32> to vector<16xf32>
    %mul3A_371 = vector.broadcast %squeeze3A_47 : f32 to vector<16xf32>
    %mul3A_372 = arith.mulf %mul3A_371, %convert_element_type3A_370 : vector<16xf32>
    %add3A_373 = arith.addf %add3A_367, %mul3A_372 : vector<16xf32>
    %convert_element_type3A_374 = arith.sitofp %get3A_51 : vector<16xi32> to vector<16xf32>
    %mul3A_375 = vector.broadcast %squeeze3A_49 : f32 to vector<16xf32>
    %mul3A_376 = arith.mulf %mul3A_375, %convert_element_type3A_374 : vector<16xf32>
    %add3A_377 = arith.addf %add3A_373, %mul3A_376 : vector<16xf32>
    %swap3A_378 = arith.constant 0 : i32
    %swap3A_379 = arith.index_cast %swap3A_378 : i32 to index
    %swap3A_380 = arith.constant 0 : index
    %swap3A_381 = tpu.vector_load %arg23[%swap3A_379, %swap3A_380] {strides = array<i32>} : memref<1x128xf32, #tpu.memory_space<vmem>>, vector<16xf32>,
    tpu.vector_store %arg23[%swap3A_379, %swap3A_380], %add3A_377 {strides = array<i32>} : memref<1x128xf32, #tpu.memory_space<vmem>>, vector<16xf32>,
    %get3A_382 = arith.constant 16 : index
    %get3A_383 = tpu.vector_load %arg15[%get3A_382] {strides = array<i32>} : memref<128xi32, #tpu.memory_space<vmem>>, vector<16xi32>,
    %broadcast_in_dim3A_384 = arith.constant 0.000000e+00 : f32
    %broadcast_in_dim3A_385 = vector.broadcast %broadcast_in_dim3A_384 : f32 to vector<16xf32>
    %broadcast_in_dim3A_386 = arith.constant 0 : i32
    %broadcast_in_dim3A_387 = vector.broadcast %broadcast_in_dim3A_386 : i32 to vector<16xi32>
    %gather3A_388 = tpu.vector_load_idx %arg17[%broadcast_in_dim3A_387, %get3A_383] : memref<16x1000xf32, #tpu.memory_space<vmem>>[vector<16xi32>, vector<16xi32>], vector<16xf32>,
    %get3A_389 = arith.constant 0 : i32
    %get3A_390 = arith.index_cast %get3A_389 : i32 to index
    %get3A_391 = arith.constant 16 : index
    %get3A_392 = tpu.vector_load %arg18[%get3A_390, %get3A_391] {strides = array<i32>} : memref<16x128xf32, #tpu.memory_space<vmem>>, vector<16xf32>,
    %get3A_393 = arith.constant 0 : i32
    %get3A_394 = arith.index_cast %get3A_393 : i32 to index
    %get3A_395 = arith.constant 16 : index
    %get3A_396 = tpu.vector_load %arg19[%get3A_394, %get3A_395] {strides = array<i32>} : memref<16x128xf32, #tpu.memory_space<vmem>>, vector<16xf32>,
    %mul3A_397 = arith.mulf %get3A_392, %get3A_396 : vector<16xf32>
    %mul3A_398 = arith.mulf %mul3A_397, %gather3A_388 : vector<16xf32>
    %get3A_399 = arith.constant 0 : i32
    %get3A_400 = arith.index_cast %get3A_399 : i32 to index
    %get3A_401 = arith.constant 16 : index
    %get3A_402 = tpu.vector_load %arg20[%get3A_400, %get3A_401] {strides = array<i32>} : memref<16x128xf32, #tpu.memory_space<vmem>>, vector<16xf32>,
    %mul3A_403 = arith.mulf %mul3A_398, %get3A_402 : vector<16xf32>
    %add3A_404 = arith.addf %broadcast_in_dim3A_385, %mul3A_403 : vector<16xf32>
    %broadcast_in_dim3A_405 = arith.constant 1 : i32
    %broadcast_in_dim3A_406 = vector.broadcast %broadcast_in_dim3A_405 : i32 to vector<16xi32>
    %gather3A_407 = tpu.vector_load_idx %arg17[%broadcast_in_dim3A_406, %get3A_383] : memref<16x1000xf32, #tpu.memory_space<vmem>>[vector<16xi32>, vector<16xi32>], vector<16xf32>,
    %get3A_408 = arith.constant 1 : i32
    %get3A_409 = arith.index_cast %get3A_408 : i32 to index
    %get3A_410 = arith.constant 16 : index
    %get3A_411 = tpu.vector_load %arg18[%get3A_409, %get3A_410] {strides = array<i32>} : memref<16x128xf32, #tpu.memory_space<vmem>>, vector<16xf32>,
    %get3A_412 = arith.constant 1 : i32
    %get3A_413 = arith.index_cast %get3A_412 : i32 to index
    %get3A_414 = arith.constant 16 : index
    %get3A_415 = tpu.vector_load %arg19[%get3A_413, %get3A_414] {strides = array<i32>} : memref<16x128xf32, #tpu.memory_space<vmem>>, vector<16xf32>,
    %mul3A_416 = arith.mulf %get3A_411, %get3A_415 : vector<16xf32>
    %mul3A_417 = arith.mulf %mul3A_416, %gather3A_407 : vector<16xf32>
    %get3A_418 = arith.constant 1 : i32
    %get3A_419 = arith.index_cast %get3A_418 : i32 to index
    %get3A_420 = arith.constant 16 : index
    %get3A_421 = tpu.vector_load %arg20[%get3A_419, %get3A_420] {strides = array<i32>} : memref<16x128xf32, #tpu.memory_space<vmem>>, vector<16xf32>,
    %mul3A_422 = arith.mulf %mul3A_417, %get3A_421 : vector<16xf32>
    %add3A_423 = arith.addf %add3A_404, %mul3A_422 : vector<16xf32>
    %broadcast_in_dim3A_424 = arith.constant 2 : i32
    %broadcast_in_dim3A_425 = vector.broadcast %broadcast_in_dim3A_424 : i32 to vector<16xi32>
    %gather3A_426 = tpu.vector_load_idx %arg17[%broadcast_in_dim3A_425, %get3A_383] : memref<16x1000xf32, #tpu.memory_space<vmem>>[vector<16xi32>, vector<16xi32>], vector<16xf32>,
    %get3A_427 = arith.constant 2 : i32
    %get3A_428 = arith.index_cast %get3A_427 : i32 to index
    %get3A_429 = arith.constant 16 : index
    %get3A_430 = tpu.vector_load %arg18[%get3A_428, %get3A_429] {strides = array<i32>} : memref<16x128xf32, #tpu.memory_space<vmem>>, vector<16xf32>,
    %get3A_431 = arith.constant 2 : i32
    %get3A_432 = arith.index_cast %get3A_431 : i32 to index
    %get3A_433 = arith.constant 16 : index
    %get3A_434 = tpu.vector_load %arg19[%get3A_432, %get3A_433] {strides = array<i32>} : memref<16x128xf32, #tpu.memory_space<vmem>>, vector<16xf32>,
    %mul3A_435 = arith.mulf %get3A_430, %get3A_434 : vector<16xf32>
    %mul3A_436 = arith.mulf %mul3A_435, %gather3A_426 : vector<16xf32>
    %get3A_437 = arith.constant 2 : i32
    %get3A_438 = arith.index_cast %get3A_437 : i32 to index
    %get3A_439 = arith.constant 16 : index
    %get3A_440 = tpu.vector_load %arg20[%get3A_438, %get3A_439] {strides = array<i32>} : memref<16x128xf32, #tpu.memory_space<vmem>>, vector<16xf32>,
    %mul3A_441 = arith.mulf %mul3A_436, %get3A_440 : vector<16xf32>
    %add3A_442 = arith.addf %add3A_423, %mul3A_441 : vector<16xf32>
    %broadcast_in_dim3A_443 = arith.constant 3 : i32
    %broadcast_in_dim3A_444 = vector.broadcast %broadcast_in_dim3A_443 : i32 to vector<16xi32>
    %gather3A_445 = tpu.vector_load_idx %arg17[%broadcast_in_dim3A_444, %get3A_383] : memref<16x1000xf32, #tpu.memory_space<vmem>>[vector<16xi32>, vector<16xi32>], vector<16xf32>,
    %get3A_446 = arith.constant 3 : i32
    %get3A_447 = arith.index_cast %get3A_446 : i32 to index
    %get3A_448 = arith.constant 16 : index
    %get3A_449 = tpu.vector_load %arg18[%get3A_447, %get3A_448] {strides = array<i32>} : memref<16x128xf32, #tpu.memory_space<vmem>>, vector<16xf32>,
    %get3A_450 = arith.constant 3 : i32
    %get3A_451 = arith.index_cast %get3A_450 : i32 to index
    %get3A_452 = arith.constant 16 : index
    %get3A_453 = tpu.vector_load %arg19[%get3A_451, %get3A_452] {strides = array<i32>} : memref<16x128xf32, #tpu.memory_space<vmem>>, vector<16xf32>,
    %mul3A_454 = arith.mulf %get3A_449, %get3A_453 : vector<16xf32>
    %mul3A_455 = arith.mulf %mul3A_454, %gather3A_445 : vector<16xf32>
    %get3A_456 = arith.constant 3 : i32
    %get3A_457 = arith.index_cast %get3A_456 : i32 to index
    %get3A_458 = arith.constant 16 : index
    %get3A_459 = tpu.vector_load %arg20[%get3A_457, %get3A_458] {strides = array<i32>} : memref<16x128xf32, #tpu.memory_space<vmem>>, vector<16xf32>,
    %mul3A_460 = arith.mulf %mul3A_455, %get3A_459 : vector<16xf32>
    %add3A_461 = arith.addf %add3A_442, %mul3A_460 : vector<16xf32>
    %broadcast_in_dim3A_462 = arith.constant 4 : i32
    %broadcast_in_dim3A_463 = vector.broadcast %broadcast_in_dim3A_462 : i32 to vector<16xi32>
    %gather3A_464 = tpu.vector_load_idx %arg17[%broadcast_in_dim3A_463, %get3A_383] : memref<16x1000xf32, #tpu.memory_space<vmem>>[vector<16xi32>, vector<16xi32>], vector<16xf32>,
    %get3A_465 = arith.constant 4 : i32
    %get3A_466 = arith.index_cast %get3A_465 : i32 to index
    %get3A_467 = arith.constant 16 : index
    %get3A_468 = tpu.vector_load %arg18[%get3A_466, %get3A_467] {strides = array<i32>} : memref<16x128xf32, #tpu.memory_space<vmem>>, vector<16xf32>,
    %get3A_469 = arith.constant 4 : i32
    %get3A_470 = arith.index_cast %get3A_469 : i32 to index
    %get3A_471 = arith.constant 16 : index
    %get3A_472 = tpu.vector_load %arg19[%get3A_470, %get3A_471] {strides = array<i32>} : memref<16x128xf32, #tpu.memory_space<vmem>>, vector<16xf32>,
    %mul3A_473 = arith.mulf %get3A_468, %get3A_472 : vector<16xf32>
    %mul3A_474 = arith.mulf %mul3A_473, %gather3A_464 : vector<16xf32>
    %get3A_475 = arith.constant 4 : i32
    %get3A_476 = arith.index_cast %get3A_475 : i32 to index
    %get3A_477 = arith.constant 16 : index
    %get3A_478 = tpu.vector_load %arg20[%get3A_476, %get3A_477] {strides = array<i32>} : memref<16x128xf32, #tpu.memory_space<vmem>>, vector<16xf32>,
    %mul3A_479 = arith.mulf %mul3A_474, %get3A_478 : vector<16xf32>
    %add3A_480 = arith.addf %add3A_461, %mul3A_479 : vector<16xf32>
    %broadcast_in_dim3A_481 = arith.constant 5 : i32
    %broadcast_in_dim3A_482 = vector.broadcast %broadcast_in_dim3A_481 : i32 to vector<16xi32>
    %gather3A_483 = tpu.vector_load_idx %arg17[%broadcast_in_dim3A_482, %get3A_383] : memref<16x1000xf32, #tpu.memory_space<vmem>>[vector<16xi32>, vector<16xi32>], vector<16xf32>,
    %get3A_484 = arith.constant 5 : i32
    %get3A_485 = arith.index_cast %get3A_484 : i32 to index
    %get3A_486 = arith.constant 16 : index
    %get3A_487 = tpu.vector_load %arg18[%get3A_485, %get3A_486] {strides = array<i32>} : memref<16x128xf32, #tpu.memory_space<vmem>>, vector<16xf32>,
    %get3A_488 = arith.constant 5 : i32
    %get3A_489 = arith.index_cast %get3A_488 : i32 to index
    %get3A_490 = arith.constant 16 : index
    %get3A_491 = tpu.vector_load %arg19[%get3A_489, %get3A_490] {strides = array<i32>} : memref<16x128xf32, #tpu.memory_space<vmem>>, vector<16xf32>,
    %mul3A_492 = arith.mulf %get3A_487, %get3A_491 : vector<16xf32>
    %mul3A_493 = arith.mulf %mul3A_492, %gather3A_483 : vector<16xf32>
    %get3A_494 = arith.constant 5 : i32
    %get3A_495 = arith.index_cast %get3A_494 : i32 to index
    %get3A_496 = arith.constant 16 : index
    %get3A_497 = tpu.vector_load %arg20[%get3A_495, %get3A_496] {strides = array<i32>} : memref<16x128xf32, #tpu.memory_space<vmem>>, vector<16xf32>,
    %mul3A_498 = arith.mulf %mul3A_493, %get3A_497 : vector<16xf32>
    %add3A_499 = arith.addf %add3A_480, %mul3A_498 : vector<16xf32>
    %broadcast_in_dim3A_500 = arith.constant 6 : i32
    %broadcast_in_dim3A_501 = vector.broadcast %broadcast_in_dim3A_500 : i32 to vector<16xi32>
    %gather3A_502 = tpu.vector_load_idx %arg17[%broadcast_in_dim3A_501, %get3A_383] : memref<16x1000xf32, #tpu.memory_space<vmem>>[vector<16xi32>, vector<16xi32>], vector<16xf32>,
    %get3A_503 = arith.constant 6 : i32
    %get3A_504 = arith.index_cast %get3A_503 : i32 to index
    %get3A_505 = arith.constant 16 : index
    %get3A_506 = tpu.vector_load %arg18[%get3A_504, %get3A_505] {strides = array<i32>} : memref<16x128xf32, #tpu.memory_space<vmem>>, vector<16xf32>,
    %get3A_507 = arith.constant 6 : i32
    %get3A_508 = arith.index_cast %get3A_507 : i32 to index
    %get3A_509 = arith.constant 16 : index
    %get3A_510 = tpu.vector_load %arg19[%get3A_508, %get3A_509] {strides = array<i32>} : memref<16x128xf32, #tpu.memory_space<vmem>>, vector<16xf32>,
    %mul3A_511 = arith.mulf %get3A_506, %get3A_510 : vector<16xf32>
    %mul3A_512 = arith.mulf %mul3A_511, %gather3A_502 : vector<16xf32>
    %get3A_513 = arith.constant 6 : i32
    %get3A_514 = arith.index_cast %get3A_513 : i32 to index
    %get3A_515 = arith.constant 16 : index
    %get3A_516 = tpu.vector_load %arg20[%get3A_514, %get3A_515] {strides = array<i32>} : memref<16x128xf32, #tpu.memory_space<vmem>>, vector<16xf32>,
    %mul3A_517 = arith.mulf %mul3A_512, %get3A_516 : vector<16xf32>
    %add3A_518 = arith.addf %add3A_499, %mul3A_517 : vector<16xf32>
    %broadcast_in_dim3A_519 = arith.constant 7 : i32
    %broadcast_in_dim3A_520 = vector.broadcast %broadcast_in_dim3A_519 : i32 to vector<16xi32>
    %gather3A_521 = tpu.vector_load_idx %arg17[%broadcast_in_dim3A_520, %get3A_383] : memref<16x1000xf32, #tpu.memory_space<vmem>>[vector<16xi32>, vector<16xi32>], vector<16xf32>,
    %get3A_522 = arith.constant 7 : i32
    %get3A_523 = arith.index_cast %get3A_522 : i32 to index
    %get3A_524 = arith.constant 16 : index
    %get3A_525 = tpu.vector_load %arg18[%get3A_523, %get3A_524] {strides = array<i32>} : memref<16x128xf32, #tpu.memory_space<vmem>>, vector<16xf32>,
    %get3A_526 = arith.constant 7 : i32
    %get3A_527 = arith.index_cast %get3A_526 : i32 to index
    %get3A_528 = arith.constant 16 : index
    %get3A_529 = tpu.vector_load %arg19[%get3A_527, %get3A_528] {strides = array<i32>} : memref<16x128xf32, #tpu.memory_space<vmem>>, vector<16xf32>,
    %mul3A_530 = arith.mulf %get3A_525, %get3A_529 : vector<16xf32>
    %mul3A_531 = arith.mulf %mul3A_530, %gather3A_521 : vector<16xf32>
    %get3A_532 = arith.constant 7 : i32
    %get3A_533 = arith.index_cast %get3A_532 : i32 to index
    %get3A_534 = arith.constant 16 : index
    %get3A_535 = tpu.vector_load %arg20[%get3A_533, %get3A_534] {strides = array<i32>} : memref<16x128xf32, #tpu.memory_space<vmem>>, vector<16xf32>,
    %mul3A_536 = arith.mulf %mul3A_531, %get3A_535 : vector<16xf32>
    %add3A_537 = arith.addf %add3A_518, %mul3A_536 : vector<16xf32>
    %broadcast_in_dim3A_538 = arith.constant 8 : i32
    %broadcast_in_dim3A_539 = vector.broadcast %broadcast_in_dim3A_538 : i32 to vector<16xi32>
    %gather3A_540 = tpu.vector_load_idx %arg17[%broadcast_in_dim3A_539, %get3A_383] : memref<16x1000xf32, #tpu.memory_space<vmem>>[vector<16xi32>, vector<16xi32>], vector<16xf32>,
    %get3A_541 = arith.constant 8 : i32
    %get3A_542 = arith.index_cast %get3A_541 : i32 to index
    %get3A_543 = arith.constant 16 : index
    %get3A_544 = tpu.vector_load %arg18[%get3A_542, %get3A_543] {strides = array<i32>} : memref<16x128xf32, #tpu.memory_space<vmem>>, vector<16xf32>,
    %get3A_545 = arith.constant 8 : i32
    %get3A_546 = arith.index_cast %get3A_545 : i32 to index
    %get3A_547 = arith.constant 16 : index
    %get3A_548 = tpu.vector_load %arg19[%get3A_546, %get3A_547] {strides = array<i32>} : memref<16x128xf32, #tpu.memory_space<vmem>>, vector<16xf32>,
    %mul3A_549 = arith.mulf %get3A_544, %get3A_548 : vector<16xf32>
    %mul3A_550 = arith.mulf %mul3A_549, %gather3A_540 : vector<16xf32>
    %get3A_551 = arith.constant 8 : i32
    %get3A_552 = arith.index_cast %get3A_551 : i32 to index
    %get3A_553 = arith.constant 16 : index
    %get3A_554 = tpu.vector_load %arg20[%get3A_552, %get3A_553] {strides = array<i32>} : memref<16x128xf32, #tpu.memory_space<vmem>>, vector<16xf32>,
    %mul3A_555 = arith.mulf %mul3A_550, %get3A_554 : vector<16xf32>
    %add3A_556 = arith.addf %add3A_537, %mul3A_555 : vector<16xf32>
    %broadcast_in_dim3A_557 = arith.constant 9 : i32
    %broadcast_in_dim3A_558 = vector.broadcast %broadcast_in_dim3A_557 : i32 to vector<16xi32>
    %gather3A_559 = tpu.vector_load_idx %arg17[%broadcast_in_dim3A_558, %get3A_383] : memref<16x1000xf32, #tpu.memory_space<vmem>>[vector<16xi32>, vector<16xi32>], vector<16xf32>,
    %get3A_560 = arith.constant 9 : i32
    %get3A_561 = arith.index_cast %get3A_560 : i32 to index
    %get3A_562 = arith.constant 16 : index
    %get3A_563 = tpu.vector_load %arg18[%get3A_561, %get3A_562] {strides = array<i32>} : memref<16x128xf32, #tpu.memory_space<vmem>>, vector<16xf32>,
    %get3A_564 = arith.constant 9 : i32
    %get3A_565 = arith.index_cast %get3A_564 : i32 to index
    %get3A_566 = arith.constant 16 : index
    %get3A_567 = tpu.vector_load %arg19[%get3A_565, %get3A_566] {strides = array<i32>} : memref<16x128xf32, #tpu.memory_space<vmem>>, vector<16xf32>,
    %mul3A_568 = arith.mulf %get3A_563, %get3A_567 : vector<16xf32>
    %mul3A_569 = arith.mulf %mul3A_568, %gather3A_559 : vector<16xf32>
    %get3A_570 = arith.constant 9 : i32
    %get3A_571 = arith.index_cast %get3A_570 : i32 to index
    %get3A_572 = arith.constant 16 : index
    %get3A_573 = tpu.vector_load %arg20[%get3A_571, %get3A_572] {strides = array<i32>} : memref<16x128xf32, #tpu.memory_space<vmem>>, vector<16xf32>,
    %mul3A_574 = arith.mulf %mul3A_569, %get3A_573 : vector<16xf32>
    %add3A_575 = arith.addf %add3A_556, %mul3A_574 : vector<16xf32>
    %broadcast_in_dim3A_576 = arith.constant 10 : i32
    %broadcast_in_dim3A_577 = vector.broadcast %broadcast_in_dim3A_576 : i32 to vector<16xi32>
    %gather3A_578 = tpu.vector_load_idx %arg17[%broadcast_in_dim3A_577, %get3A_383] : memref<16x1000xf32, #tpu.memory_space<vmem>>[vector<16xi32>, vector<16xi32>], vector<16xf32>,
    %get3A_579 = arith.constant 10 : i32
    %get3A_580 = arith.index_cast %get3A_579 : i32 to index
    %get3A_581 = arith.constant 16 : index
    %get3A_582 = tpu.vector_load %arg18[%get3A_580, %get3A_581] {strides = array<i32>} : memref<16x128xf32, #tpu.memory_space<vmem>>, vector<16xf32>,
    %get3A_583 = arith.constant 10 : i32
    %get3A_584 = arith.index_cast %get3A_583 : i32 to index
    %get3A_585 = arith.constant 16 : index
    %get3A_586 = tpu.vector_load %arg19[%get3A_584, %get3A_585] {strides = array<i32>} : memref<16x128xf32, #tpu.memory_space<vmem>>, vector<16xf32>,
    %mul3A_587 = arith.mulf %get3A_582, %get3A_586 : vector<16xf32>
    %mul3A_588 = arith.mulf %mul3A_587, %gather3A_578 : vector<16xf32>
    %get3A_589 = arith.constant 10 : i32
    %get3A_590 = arith.index_cast %get3A_589 : i32 to index
    %get3A_591 = arith.constant 16 : index
    %get3A_592 = tpu.vector_load %arg20[%get3A_590, %get3A_591] {strides = array<i32>} : memref<16x128xf32, #tpu.memory_space<vmem>>, vector<16xf32>,
    %mul3A_593 = arith.mulf %mul3A_588, %get3A_592 : vector<16xf32>
    %add3A_594 = arith.addf %add3A_575, %mul3A_593 : vector<16xf32>
    %broadcast_in_dim3A_595 = arith.constant 11 : i32
    %broadcast_in_dim3A_596 = vector.broadcast %broadcast_in_dim3A_595 : i32 to vector<16xi32>
    %gather3A_597 = tpu.vector_load_idx %arg17[%broadcast_in_dim3A_596, %get3A_383] : memref<16x1000xf32, #tpu.memory_space<vmem>>[vector<16xi32>, vector<16xi32>], vector<16xf32>,
    %get3A_598 = arith.constant 11 : i32
    %get3A_599 = arith.index_cast %get3A_598 : i32 to index
    %get3A_600 = arith.constant 16 : index
    %get3A_601 = tpu.vector_load %arg18[%get3A_599, %get3A_600] {strides = array<i32>} : memref<16x128xf32, #tpu.memory_space<vmem>>, vector<16xf32>,
    %get3A_602 = arith.constant 11 : i32
    %get3A_603 = arith.index_cast %get3A_602 : i32 to index
    %get3A_604 = arith.constant 16 : index
    %get3A_605 = tpu.vector_load %arg19[%get3A_603, %get3A_604] {strides = array<i32>} : memref<16x128xf32, #tpu.memory_space<vmem>>, vector<16xf32>,
    %mul3A_606 = arith.mulf %get3A_601, %get3A_605 : vector<16xf32>
    %mul3A_607 = arith.mulf %mul3A_606, %gather3A_597 : vector<16xf32>
    %get3A_608 = arith.constant 11 : i32
    %get3A_609 = arith.index_cast %get3A_608 : i32 to index
    %get3A_610 = arith.constant 16 : index
    %get3A_611 = tpu.vector_load %arg20[%get3A_609, %get3A_610] {strides = array<i32>} : memref<16x128xf32, #tpu.memory_space<vmem>>, vector<16xf32>,
    %mul3A_612 = arith.mulf %mul3A_607, %get3A_611 : vector<16xf32>
    %add3A_613 = arith.addf %add3A_594, %mul3A_612 : vector<16xf32>
    %broadcast_in_dim3A_614 = arith.constant 12 : i32
    %broadcast_in_dim3A_615 = vector.broadcast %broadcast_in_dim3A_614 : i32 to vector<16xi32>
    %gather3A_616 = tpu.vector_load_idx %arg17[%broadcast_in_dim3A_615, %get3A_383] : memref<16x1000xf32, #tpu.memory_space<vmem>>[vector<16xi32>, vector<16xi32>], vector<16xf32>,
    %get3A_617 = arith.constant 12 : i32
    %get3A_618 = arith.index_cast %get3A_617 : i32 to index
    %get3A_619 = arith.constant 16 : index
    %get3A_620 = tpu.vector_load %arg18[%get3A_618, %get3A_619] {strides = array<i32>} : memref<16x128xf32, #tpu.memory_space<vmem>>, vector<16xf32>,
    %get3A_621 = arith.constant 12 : i32
    %get3A_622 = arith.index_cast %get3A_621 : i32 to index
    %get3A_623 = arith.constant 16 : index
    %get3A_624 = tpu.vector_load %arg19[%get3A_622, %get3A_623] {strides = array<i32>} : memref<16x128xf32, #tpu.memory_space<vmem>>, vector<16xf32>,
    %mul3A_625 = arith.mulf %get3A_620, %get3A_624 : vector<16xf32>
    %mul3A_626 = arith.mulf %mul3A_625, %gather3A_616 : vector<16xf32>
    %get3A_627 = arith.constant 12 : i32
    %get3A_628 = arith.index_cast %get3A_627 : i32 to index
    %get3A_629 = arith.constant 16 : index
    %get3A_630 = tpu.vector_load %arg20[%get3A_628, %get3A_629] {strides = array<i32>} : memref<16x128xf32, #tpu.memory_space<vmem>>, vector<16xf32>,
    %mul3A_631 = arith.mulf %mul3A_626, %get3A_630 : vector<16xf32>
    %add3A_632 = arith.addf %add3A_613, %mul3A_631 : vector<16xf32>
    %broadcast_in_dim3A_633 = arith.constant 13 : i32
    %broadcast_in_dim3A_634 = vector.broadcast %broadcast_in_dim3A_633 : i32 to vector<16xi32>
    %gather3A_635 = tpu.vector_load_idx %arg17[%broadcast_in_dim3A_634, %get3A_383] : memref<16x1000xf32, #tpu.memory_space<vmem>>[vector<16xi32>, vector<16xi32>], vector<16xf32>,
    %get3A_636 = arith.constant 13 : i32
    %get3A_637 = arith.index_cast %get3A_636 : i32 to index
    %get3A_638 = arith.constant 16 : index
    %get3A_639 = tpu.vector_load %arg18[%get3A_637, %get3A_638] {strides = array<i32>} : memref<16x128xf32, #tpu.memory_space<vmem>>, vector<16xf32>,
    %get3A_640 = arith.constant 13 : i32
    %get3A_641 = arith.index_cast %get3A_640 : i32 to index
    %get3A_642 = arith.constant 16 : index
    %get3A_643 = tpu.vector_load %arg19[%get3A_641, %get3A_642] {strides = array<i32>} : memref<16x128xf32, #tpu.memory_space<vmem>>, vector<16xf32>,
    %mul3A_644 = arith.mulf %get3A_639, %get3A_643 : vector<16xf32>
    %mul3A_645 = arith.mulf %mul3A_644, %gather3A_635 : vector<16xf32>
    %get3A_646 = arith.constant 13 : i32
    %get3A_647 = arith.index_cast %get3A_646 : i32 to index
    %get3A_648 = arith.constant 16 : index
    %get3A_649 = tpu.vector_load %arg20[%get3A_647, %get3A_648] {strides = array<i32>} : memref<16x128xf32, #tpu.memory_space<vmem>>, vector<16xf32>,
    %mul3A_650 = arith.mulf %mul3A_645, %get3A_649 : vector<16xf32>
    %add3A_651 = arith.addf %add3A_632, %mul3A_650 : vector<16xf32>
    %broadcast_in_dim3A_652 = arith.constant 14 : i32
    %broadcast_in_dim3A_653 = vector.broadcast %broadcast_in_dim3A_652 : i32 to vector<16xi32>
    %gather3A_654 = tpu.vector_load_idx %arg17[%broadcast_in_dim3A_653, %get3A_383] : memref<16x1000xf32, #tpu.memory_space<vmem>>[vector<16xi32>, vector<16xi32>], vector<16xf32>,
    %get3A_655 = arith.constant 14 : i32
    %get3A_656 = arith.index_cast %get3A_655 : i32 to index
    %get3A_657 = arith.constant 16 : index
    %get3A_658 = tpu.vector_load %arg18[%get3A_656, %get3A_657] {strides = array<i32>} : memref<16x128xf32, #tpu.memory_space<vmem>>, vector<16xf32>,
    %get3A_659 = arith.constant 14 : i32
    %get3A_660 = arith.index_cast %get3A_659 : i32 to index
    %get3A_661 = arith.constant 16 : index
    %get3A_662 = tpu.vector_load %arg19[%get3A_660, %get3A_661] {strides = array<i32>} : memref<16x128xf32, #tpu.memory_space<vmem>>, vector<16xf32>,
    %mul3A_663 = arith.mulf %get3A_658, %get3A_662 : vector<16xf32>
    %mul3A_664 = arith.mulf %mul3A_663, %gather3A_654 : vector<16xf32>
    %get3A_665 = arith.constant 14 : i32
    %get3A_666 = arith.index_cast %get3A_665 : i32 to index
    %get3A_667 = arith.constant 16 : index
    %get3A_668 = tpu.vector_load %arg20[%get3A_666, %get3A_667] {strides = array<i32>} : memref<16x128xf32, #tpu.memory_space<vmem>>, vector<16xf32>,
    %mul3A_669 = arith.mulf %mul3A_664, %get3A_668 : vector<16xf32>
    %add3A_670 = arith.addf %add3A_651, %mul3A_669 : vector<16xf32>
    %broadcast_in_dim3A_671 = arith.constant 15 : i32
    %broadcast_in_dim3A_672 = vector.broadcast %broadcast_in_dim3A_671 : i32 to vector<16xi32>
    %gather3A_673 = tpu.vector_load_idx %arg17[%broadcast_in_dim3A_672, %get3A_383] : memref<16x1000xf32, #tpu.memory_space<vmem>>[vector<16xi32>, vector<16xi32>], vector<16xf32>,
    %get3A_674 = arith.constant 15 : i32
    %get3A_675 = arith.index_cast %get3A_674 : i32 to index
    %get3A_676 = arith.constant 16 : index
    %get3A_677 = tpu.vector_load %arg18[%get3A_675, %get3A_676] {strides = array<i32>} : memref<16x128xf32, #tpu.memory_space<vmem>>, vector<16xf32>,
    %get3A_678 = arith.constant 15 : i32
    %get3A_679 = arith.index_cast %get3A_678 : i32 to index
    %get3A_680 = arith.constant 16 : index
    %get3A_681 = tpu.vector_load %arg19[%get3A_679, %get3A_680] {strides = array<i32>} : memref<16x128xf32, #tpu.memory_space<vmem>>, vector<16xf32>,
    %mul3A_682 = arith.mulf %get3A_677, %get3A_681 : vector<16xf32>
    %mul3A_683 = arith.mulf %mul3A_682, %gather3A_673 : vector<16xf32>
    %get3A_684 = arith.constant 15 : i32
    %get3A_685 = arith.index_cast %get3A_684 : i32 to index
    %get3A_686 = arith.constant 16 : index
    %get3A_687 = tpu.vector_load %arg20[%get3A_685, %get3A_686] {strides = array<i32>} : memref<16x128xf32, #tpu.memory_space<vmem>>, vector<16xf32>,
    %mul3A_688 = arith.mulf %mul3A_683, %get3A_687 : vector<16xf32>
    %add3A_689 = arith.addf %add3A_670, %mul3A_688 : vector<16xf32>
    %swap3A_690 = arith.constant 0 : i32
    %swap3A_691 = arith.index_cast %swap3A_690 : i32 to index
    %swap3A_692 = arith.constant 16 : index
    %swap3A_693 = tpu.vector_load %arg22[%swap3A_691, %swap3A_692] {strides = array<i32>} : memref<1x128xf32, #tpu.memory_space<vmem>>, vector<16xf32>,
    tpu.vector_store %arg22[%swap3A_691, %swap3A_692], %add3A_689 {strides = array<i32>} : memref<1x128xf32, #tpu.memory_space<vmem>>, vector<16xf32>,
    %get3A_694 = arith.constant 0 : i32
    %get3A_695 = arith.index_cast %get3A_694 : i32 to index
    %get3A_696 = arith.constant 16 : index
    %get3A_697 = tpu.vector_load %arg21[%get3A_695, %get3A_696] {strides = array<i32>} : memref<1x128xf32, #tpu.memory_space<vmem>>, vector<16xf32>,
    %get3A_698 = arith.constant 16 : index
    %get3A_699 = tpu.vector_load %arg13[%get3A_698] {strides = array<i32>} : memref<128xi32, #tpu.memory_space<vmem>>, vector<16xi32>,
    %convert_element_type3A_700 = arith.sitofp %get3A_699 : vector<16xi32> to vector<16xf32>
    %mul3A_701 = vector.broadcast %squeeze3A : f32 to vector<16xf32>
    %mul3A_702 = arith.mulf %mul3A_701, %convert_element_type3A_700 : vector<16xf32>
    %add3A_703 = arith.addf %get3A_697, %mul3A_702 : vector<16xf32>
    %get3A_704 = arith.constant 16 : index
    %get3A_705 = tpu.vector_load %arg14[%get3A_704] {strides = array<i32>} : memref<128xi32, #tpu.memory_space<vmem>>, vector<16xi32>,
    %convert_element_type3A_706 = arith.sitofp %get3A_705 : vector<16xi32> to vector<16xf32>
    %mul3A_707 = vector.broadcast %squeeze3A_47 : f32 to vector<16xf32>
    %mul3A_708 = arith.mulf %mul3A_707, %convert_element_type3A_706 : vector<16xf32>
    %add3A_709 = arith.addf %add3A_703, %mul3A_708 : vector<16xf32>
    %convert_element_type3A_710 = arith.sitofp %get3A_383 : vector<16xi32> to vector<16xf32>
    %mul3A_711 = vector.broadcast %squeeze3A_49 : f32 to vector<16xf32>
    %mul3A_712 = arith.mulf %mul3A_711, %convert_element_type3A_710 : vector<16xf32>
    %add3A_713 = arith.addf %add3A_709, %mul3A_712 : vector<16xf32>
    %swap3A_714 = arith.constant 0 : i32
    %swap3A_715 = arith.index_cast %swap3A_714 : i32 to index
    %swap3A_716 = arith.constant 16 : index
    %swap3A_717 = tpu.vector_load %arg23[%swap3A_715, %swap3A_716] {strides = array<i32>} : memref<1x128xf32, #tpu.memory_space<vmem>>, vector<16xf32>,
    tpu.vector_store %arg23[%swap3A_715, %swap3A_716], %add3A_713 {strides = array<i32>} : memref<1x128xf32, #tpu.memory_space<vmem>>, vector<16xf32>,
    %get3A_718 = arith.constant 32 : index
    %get3A_719 = tpu.vector_load %arg15[%get3A_718] {strides = array<i32>} : memref<128xi32, #tpu.memory_space<vmem>>, vector<16xi32>,
    %broadcast_in_dim3A_720 = arith.constant 0.000000e+00 : f32
    %broadcast_in_dim3A_721 = vector.broadcast %broadcast_in_dim3A_720 : f32 to vector<16xf32>
    %broadcast_in_dim3A_722 = arith.constant 0 : i32
    %broadcast_in_dim3A_723 = vector.broadcast %broadcast_in_dim3A_722 : i32 to vector<16xi32>
    %gather3A_724 = tpu.vector_load_idx %arg17[%broadcast_in_dim3A_723, %get3A_719] : memref<16x1000xf32, #tpu.memory_space<vmem>>[vector<16xi32>, vector<16xi32>], vector<16xf32>,
    %get3A_725 = arith.constant 0 : i32
    %get3A_726 = arith.index_cast %get3A_725 : i32 to index
    %get3A_727 = arith.constant 32 : index
    %get3A_728 = tpu.vector_load %arg18[%get3A_726, %get3A_727] {strides = array<i32>} : memref<16x128xf32, #tpu.memory_space<vmem>>, vector<16xf32>,
    %get3A_729 = arith.constant 0 : i32
    %get3A_730 = arith.index_cast %get3A_729 : i32 to index
    %get3A_731 = arith.constant 32 : index
    %get3A_732 = tpu.vector_load %arg19[%get3A_730, %get3A_731] {strides = array<i32>} : memref<16x128xf32, #tpu.memory_space<vmem>>, vector<16xf32>,
    %mul3A_733 = arith.mulf %get3A_728, %get3A_732 : vector<16xf32>
    %mul3A_734 = arith.mulf %mul3A_733, %gather3A_724 : vector<16xf32>
    %get3A_735 = arith.constant 0 : i32
    %get3A_736 = arith.index_cast %get3A_735 : i32 to index
    %get3A_737 = arith.constant 32 : index
    %get3A_738 = tpu.vector_load %arg20[%get3A_736, %get3A_737] {strides = array<i32>} : memref<16x128xf32, #tpu.memory_space<vmem>>, vector<16xf32>,
    %mul3A_739 = arith.mulf %mul3A_734, %get3A_738 : vector<16xf32>
    %add3A_740 = arith.addf %broadcast_in_dim3A_721, %mul3A_739 : vector<16xf32>
    %broadcast_in_dim3A_741 = arith.constant 1 : i32
    %broadcast_in_dim3A_742 = vector.broadcast %broadcast_in_dim3A_741 : i32 to vector<16xi32>
    %gather3A_743 = tpu.vector_load_idx %arg17[%broadcast_in_dim3A_742, %get3A_719] : memref<16x1000xf32, #tpu.memory_space<vmem>>[vector<16xi32>, vector<16xi32>], vector<16xf32>,
    %get3A_744 = arith.constant 1 : i32
    %get3A_745 = arith.index_cast %get3A_744 : i32 to index
    %get3A_746 = arith.constant 32 : index
    %get3A_747 = tpu.vector_load %arg18[%get3A_745, %get3A_746] {strides = array<i32>} : memref<16x128xf32, #tpu.memory_space<vmem>>, vector<16xf32>,
    %get3A_748 = arith.constant 1 : i32
    %get3A_749 = arith.index_cast %get3A_748 : i32 to index
    %get3A_750 = arith.constant 32 : index
    %get3A_751 = tpu.vector_load %arg19[%get3A_749, %get3A_750] {strides = array<i32>} : memref<16x128xf32, #tpu.memory_space<vmem>>, vector<16xf32>,
    %mul3A_752 = arith.mulf %get3A_747, %get3A_751 : vector<16xf32>
    %mul3A_753 = arith.mulf %mul3A_752, %gather3A_743 : vector<16xf32>
    %get3A_754 = arith.constant 1 : i32
    %get3A_755 = arith.index_cast %get3A_754 : i32 to index
    %get3A_756 = arith.constant 32 : index
    %get3A_757 = tpu.vector_load %arg20[%get3A_755, %get3A_756] {strides = array<i32>} : memref<16x128xf32, #tpu.memory_space<vmem>>, vector<16xf32>,
    %mul3A_758 = arith.mulf %mul3A_753, %get3A_757 : vector<16xf32>
    %add3A_759 = arith.addf %add3A_740, %mul3A_758 : vector<16xf32>
    %broadcast_in_dim3A_760 = arith.constant 2 : i32
    %broadcast_in_dim3A_761 = vector.broadcast %broadcast_in_dim3A_760 : i32 to vector<16xi32>
    %gather3A_762 = tpu.vector_load_idx %arg17[%broadcast_in_dim3A_761, %get3A_719] : memref<16x1000xf32, #tpu.memory_space<vmem>>[vector<16xi32>, vector<16xi32>], vector<16xf32>,
    %get3A_763 = arith.constant 2 : i32
    %get3A_764 = arith.index_cast %get3A_763 : i32 to index
    %get3A_765 = arith.constant 32 : index
    %get3A_766 = tpu.vector_load %arg18[%get3A_764, %get3A_765] {strides = array<i32>} : memref<16x128xf32, #tpu.memory_space<vmem>>, vector<16xf32>,
    %get3A_767 = arith.constant 2 : i32
    %get3A_768 = arith.index_cast %get3A_767 : i32 to index
    %get3A_769 = arith.constant 32 : index
    %get3A_770 = tpu.vector_load %arg19[%get3A_768, %get3A_769] {strides = array<i32>} : memref<16x128xf32, #tpu.memory_space<vmem>>, vector<16xf32>,
    %mul3A_771 = arith.mulf %get3A_766, %get3A_770 : vector<16xf32>
    %mul3A_772 = arith.mulf %mul3A_771, %gather3A_762 : vector<16xf32>
    %get3A_773 = arith.constant 2 : i32
    %get3A_774 = arith.index_cast %get3A_773 : i32 to index
    %get3A_775 = arith.constant 32 : index
    %get3A_776 = tpu.vector_load %arg20[%get3A_774, %get3A_775] {strides = array<i32>} : memref<16x128xf32, #tpu.memory_space<vmem>>, vector<16xf32>,
    %mul3A_777 = arith.mulf %mul3A_772, %get3A_776 : vector<16xf32>
    %add3A_778 = arith.addf %add3A_759, %mul3A_777 : vector<16xf32>
    %broadcast_in_dim3A_779 = arith.constant 3 : i32
    %broadcast_in_dim3A_780 = vector.broadcast %broadcast_in_dim3A_779 : i32 to vector<16xi32>
    %gather3A_781 = tpu.vector_load_idx %arg17[%broadcast_in_dim3A_780, %get3A_719] : memref<16x1000xf32, #tpu.memory_space<vmem>>[vector<16xi32>, vector<16xi32>], vector<16xf32>,
    %get3A_782 = arith.constant 3 : i32
    %get3A_783 = arith.index_cast %get3A_782 : i32 to index
    %get3A_784 = arith.constant 32 : index
    %get3A_785 = tpu.vector_load %arg18[%get3A_783, %get3A_784] {strides = array<i32>} : memref<16x128xf32, #tpu.memory_space<vmem>>, vector<16xf32>,
    %get3A_786 = arith.constant 3 : i32
    %get3A_787 = arith.index_cast %get3A_786 : i32 to index
    %get3A_788 = arith.constant 32 : index
    %get3A_789 = tpu.vector_load %arg19[%get3A_787, %get3A_788] {strides = array<i32>} : memref<16x128xf32, #tpu.memory_space<vmem>>, vector<16xf32>,
    %mul3A_790 = arith.mulf %get3A_785, %get3A_789 : vector<16xf32>
    %mul3A_791 = arith.mulf %mul3A_790, %gather3A_781 : vector<16xf32>
    %get3A_792 = arith.constant 3 : i32
    %get3A_793 = arith.index_cast %get3A_792 : i32 to index
    %get3A_794 = arith.constant 32 : index
    %get3A_795 = tpu.vector_load %arg20[%get3A_793, %get3A_794] {strides = array<i32>} : memref<16x128xf32, #tpu.memory_space<vmem>>, vector<16xf32>,
    %mul3A_796 = arith.mulf %mul3A_791, %get3A_795 : vector<16xf32>
    %add3A_797 = arith.addf %add3A_778, %mul3A_796 : vector<16xf32>
    %broadcast_in_dim3A_798 = arith.constant 4 : i32
    %broadcast_in_dim3A_799 = vector.broadcast %broadcast_in_dim3A_798 : i32 to vector<16xi32>
    %gather3A_800 = tpu.vector_load_idx %arg17[%broadcast_in_dim3A_799, %get3A_719] : memref<16x1000xf32, #tpu.memory_space<vmem>>[vector<16xi32>, vector<16xi32>], vector<16xf32>,
    %get3A_801 = arith.constant 4 : i32
    %get3A_802 = arith.index_cast %get3A_801 : i32 to index
    %get3A_803 = arith.constant 32 : index
    %get3A_804 = tpu.vector_load %arg18[%get3A_802, %get3A_803] {strides = array<i32>} : memref<16x128xf32, #tpu.memory_space<vmem>>, vector<16xf32>,
    %get3A_805 = arith.constant 4 : i32
    %get3A_806 = arith.index_cast %get3A_805 : i32 to index
    %get3A_807 = arith.constant 32 : index
    %get3A_808 = tpu.vector_load %arg19[%get3A_806, %get3A_807] {strides = array<i32>} : memref<16x128xf32, #tpu.memory_space<vmem>>, vector<16xf32>,
    %mul3A_809 = arith.mulf %get3A_804, %get3A_808 : vector<16xf32>
    %mul3A_810 = arith.mulf %mul3A_809, %gather3A_800 : vector<16xf32>
    %get3A_811 = arith.constant 4 : i32
    %get3A_812 = arith.index_cast %get3A_811 : i32 to index
    %get3A_813 = arith.constant 32 : index
    %get3A_814 = tpu.vector_load %arg20[%get3A_812, %get3A_813] {strides = array<i32>} : memref<16x128xf32, #tpu.memory_space<vmem>>, vector<16xf32>,
    %mul3A_815 = arith.mulf %mul3A_810, %get3A_814 : vector<16xf32>
    %add3A_816 = arith.addf %add3A_797, %mul3A_815 : vector<16xf32>
    %broadcast_in_dim3A_817 = arith.constant 5 : i32
    %broadcast_in_dim3A_818 = vector.broadcast %broadcast_in_dim3A_817 : i32 to vector<16xi32>
    %gather3A_819 = tpu.vector_load_idx %arg17[%broadcast_in_dim3A_818, %get3A_719] : memref<16x1000xf32, #tpu.memory_space<vmem>>[vector<16xi32>, vector<16xi32>], vector<16xf32>,
    %get3A_820 = arith.constant 5 : i32
    %get3A_821 = arith.index_cast %get3A_820 : i32 to index
    %get3A_822 = arith.constant 32 : index
    %get3A_823 = tpu.vector_load %arg18[%get3A_821, %get3A_822] {strides = array<i32>} : memref<16x128xf32, #tpu.memory_space<vmem>>, vector<16xf32>,
    %get3A_824 = arith.constant 5 : i32
    %get3A_825 = arith.index_cast %get3A_824 : i32 to index
    %get3A_826 = arith.constant 32 : index
    %get3A_827 = tpu.vector_load %arg19[%get3A_825, %get3A_826] {strides = array<i32>} : memref<16x128xf32, #tpu.memory_space<vmem>>, vector<16xf32>,
    %mul3A_828 = arith.mulf %get3A_823, %get3A_827 : vector<16xf32>
    %mul3A_829 = arith.mulf %mul3A_828, %gather3A_819 : vector<16xf32>
    %get3A_830 = arith.constant 5 : i32
    %get3A_831 = arith.index_cast %get3A_830 : i32 to index
    %get3A_832 = arith.constant 32 : index
    %get3A_833 = tpu.vector_load %arg20[%get3A_831, %get3A_832] {strides = array<i32>} : memref<16x128xf32, #tpu.memory_space<vmem>>, vector<16xf32>,
    %mul3A_834 = arith.mulf %mul3A_829, %get3A_833 : vector<16xf32>
    %add3A_835 = arith.addf %add3A_816, %mul3A_834 : vector<16xf32>
    %broadcast_in_dim3A_836 = arith.constant 6 : i32
    %broadcast_in_dim3A_837 = vector.broadcast %broadcast_in_dim3A_836 : i32 to vector<16xi32>
    %gather3A_838 = tpu.vector_load_idx %arg17[%broadcast_in_dim3A_837, %get3A_719] : memref<16x1000xf32, #tpu.memory_space<vmem>>[vector<16xi32>, vector<16xi32>], vector<16xf32>,
    %get3A_839 = arith.constant 6 : i32
    %get3A_840 = arith.index_cast %get3A_839 : i32 to index
    %get3A_841 = arith.constant 32 : index
    %get3A_842 = tpu.vector_load %arg18[%get3A_840, %get3A_841] {strides = array<i32>} : memref<16x128xf32, #tpu.memory_space<vmem>>, vector<16xf32>,
    %get3A_843 = arith.constant 6 : i32
    %get3A_844 = arith.index_cast %get3A_843 : i32 to index
    %get3A_845 = arith.constant 32 : index
    %get3A_846 = tpu.vector_load %arg19[%get3A_844, %get3A_845] {strides = array<i32>} : memref<16x128xf32, #tpu.memory_space<vmem>>, vector<16xf32>,
    %mul3A_847 = arith.mulf %get3A_842, %get3A_846 : vector<16xf32>
    %mul3A_848 = arith.mulf %mul3A_847, %gather3A_838 : vector<16xf32>
    %get3A_849 = arith.constant 6 : i32
    %get3A_850 = arith.index_cast %get3A_849 : i32 to index
    %get3A_851 = arith.constant 32 : index
    %get3A_852 = tpu.vector_load %arg20[%get3A_850, %get3A_851] {strides = array<i32>} : memref<16x128xf32, #tpu.memory_space<vmem>>, vector<16xf32>,
    %mul3A_853 = arith.mulf %mul3A_848, %get3A_852 : vector<16xf32>
    %add3A_854 = arith.addf %add3A_835, %mul3A_853 : vector<16xf32>
    %broadcast_in_dim3A_855 = arith.constant 7 : i32
    %broadcast_in_dim3A_856 = vector.broadcast %broadcast_in_dim3A_855 : i32 to vector<16xi32>
    %gather3A_857 = tpu.vector_load_idx %arg17[%broadcast_in_dim3A_856, %get3A_719] : memref<16x1000xf32, #tpu.memory_space<vmem>>[vector<16xi32>, vector<16xi32>], vector<16xf32>,
    %get3A_858 = arith.constant 7 : i32
    %get3A_859 = arith.index_cast %get3A_858 : i32 to index
    %get3A_860 = arith.constant 32 : index
    %get3A_861 = tpu.vector_load %arg18[%get3A_859, %get3A_860] {strides = array<i32>} : memref<16x128xf32, #tpu.memory_space<vmem>>, vector<16xf32>,
    %get3A_862 = arith.constant 7 : i32
    %get3A_863 = arith.index_cast %get3A_862 : i32 to index
    %get3A_864 = arith.constant 32 : index
    %get3A_865 = tpu.vector_load %arg19[%get3A_863, %get3A_864] {strides = array<i32>} : memref<16x128xf32, #tpu.memory_space<vmem>>, vector<16xf32>,
    %mul3A_866 = arith.mulf %get3A_861, %get3A_865 : vector<16xf32>
    %mul3A_867 = arith.mulf %mul3A_866, %gather3A_857 : vector<16xf32>
    %get3A_868 = arith.constant 7 : i32
    %get3A_869 = arith.index_cast %get3A_868 : i32 to index
    %get3A_870 = arith.constant 32 : index
    %get3A_871 = tpu.vector_load %arg20[%get3A_869, %get3A_870] {strides = array<i32>} : memref<16x128xf32, #tpu.memory_space<vmem>>, vector<16xf32>,
    %mul3A_872 = arith.mulf %mul3A_867, %get3A_871 : vector<16xf32>
    %add3A_873 = arith.addf %add3A_854, %mul3A_872 : vector<16xf32>
    %broadcast_in_dim3A_874 = arith.constant 8 : i32
    %broadcast_in_dim3A_875 = vector.broadcast %broadcast_in_dim3A_874 : i32 to vector<16xi32>
    %gather3A_876 = tpu.vector_load_idx %arg17[%broadcast_in_dim3A_875, %get3A_719] : memref<16x1000xf32, #tpu.memory_space<vmem>>[vector<16xi32>, vector<16xi32>], vector<16xf32>,
    %get3A_877 = arith.constant 8 : i32
    %get3A_878 = arith.index_cast %get3A_877 : i32 to index
    %get3A_879 = arith.constant 32 : index
    %get3A_880 = tpu.vector_load %arg18[%get3A_878, %get3A_879] {strides = array<i32>} : memref<16x128xf32, #tpu.memory_space<vmem>>, vector<16xf32>,
    %get3A_881 = arith.constant 8 : i32
    %get3A_882 = arith.index_cast %get3A_881 : i32 to index
    %get3A_883 = arith.constant 32 : index
    %get3A_884 = tpu.vector_load %arg19[%get3A_882, %get3A_883] {strides = array<i32>} : memref<16x128xf32, #tpu.memory_space<vmem>>, vector<16xf32>,
    %mul3A_885 = arith.mulf %get3A_880, %get3A_884 : vector<16xf32>
    %mul3A_886 = arith.mulf %mul3A_885, %gather3A_876 : vector<16xf32>
    %get3A_887 = arith.constant 8 : i32
    %get3A_888 = arith.index_cast %get3A_887 : i32 to index
    %get3A_889 = arith.constant 32 : index
    %get3A_890 = tpu.vector_load %arg20[%get3A_888, %get3A_889] {strides = array<i32>} : memref<16x128xf32, #tpu.memory_space<vmem>>, vector<16xf32>,
    %mul3A_891 = arith.mulf %mul3A_886, %get3A_890 : vector<16xf32>
    %add3A_892 = arith.addf %add3A_873, %mul3A_891 : vector<16xf32>
    %broadcast_in_dim3A_893 = arith.constant 9 : i32
    %broadcast_in_dim3A_894 = vector.broadcast %broadcast_in_dim3A_893 : i32 to vector<16xi32>
    %gather3A_895 = tpu.vector_load_idx %arg17[%broadcast_in_dim3A_894, %get3A_719] : memref<16x1000xf32, #tpu.memory_space<vmem>>[vector<16xi32>, vector<16xi32>], vector<16xf32>,
    %get3A_896 = arith.constant 9 : i32
    %get3A_897 = arith.index_cast %get3A_896 : i32 to index
    %get3A_898 = arith.constant 32 : index
    %get3A_899 = tpu.vector_load %arg18[%get3A_897, %get3A_898] {strides = array<i32>} : memref<16x128xf32, #tpu.memory_space<vmem>>, vector<16xf32>,
    %get3A_900 = arith.constant 9 : i32
    %get3A_901 = arith.index_cast %get3A_900 : i32 to index
    %get3A_902 = arith.constant 32 : index
    %get3A_903 = tpu.vector_load %arg19[%get3A_901, %get3A_902] {strides = array<i32>} : memref<16x128xf32, #tpu.memory_space<vmem>>, vector<16xf32>,
    %mul3A_904 = arith.mulf %get3A_899, %get3A_903 : vector<16xf32>
    %mul3A_905 = arith.mulf %mul3A_904, %gather3A_895 : vector<16xf32>
    %get3A_906 = arith.constant 9 : i32
    %get3A_907 = arith.index_cast %get3A_906 : i32 to index
    %get3A_908 = arith.constant 32 : index
    %get3A_909 = tpu.vector_load %arg20[%get3A_907, %get3A_908] {strides = array<i32>} : memref<16x128xf32, #tpu.memory_space<vmem>>, vector<16xf32>,
    %mul3A_910 = arith.mulf %mul3A_905, %get3A_909 : vector<16xf32>
    %add3A_911 = arith.addf %add3A_892, %mul3A_910 : vector<16xf32>
    %broadcast_in_dim3A_912 = arith.constant 10 : i32
    %broadcast_in_dim3A_913 = vector.broadcast %broadcast_in_dim3A_912 : i32 to vector<16xi32>
    %gather3A_914 = tpu.vector_load_idx %arg17[%broadcast_in_dim3A_913, %get3A_719] : memref<16x1000xf32, #tpu.memory_space<vmem>>[vector<16xi32>, vector<16xi32>], vector<16xf32>,
    %get3A_915 = arith.constant 10 : i32
    %get3A_916 = arith.index_cast %get3A_915 : i32 to index
    %get3A_917 = arith.constant 32 : index
    %get3A_918 = tpu.vector_load %arg18[%get3A_916, %get3A_917] {strides = array<i32>} : memref<16x128xf32, #tpu.memory_space<vmem>>, vector<16xf32>,
    %get3A_919 = arith.constant 10 : i32
    %get3A_920 = arith.index_cast %get3A_919 : i32 to index
    %get3A_921 = arith.constant 32 : index
    %get3A_922 = tpu.vector_load %arg19[%get3A_920, %get3A_921] {strides = array<i32>} : memref<16x128xf32, #tpu.memory_space<vmem>>, vector<16xf32>,
    %mul3A_923 = arith.mulf %get3A_918, %get3A_922 : vector<16xf32>
    %mul3A_924 = arith.mulf %mul3A_923, %gather3A_914 : vector<16xf32>
    %get3A_925 = arith.constant 10 : i32
    %get3A_926 = arith.index_cast %get3A_925 : i32 to index
    %get3A_927 = arith.constant 32 : index
    %get3A_928 = tpu.vector_load %arg20[%get3A_926, %get3A_927] {strides = array<i32>} : memref<16x128xf32, #tpu.memory_space<vmem>>, vector<16xf32>,
    %mul3A_929 = arith.mulf %mul3A_924, %get3A_928 : vector<16xf32>
    %add3A_930 = arith.addf %add3A_911, %mul3A_929 : vector<16xf32>
    %broadcast_in_dim3A_931 = arith.constant 11 : i32
    %broadcast_in_dim3A_932 = vector.broadcast %broadcast_in_dim3A_931 : i32 to vector<16xi32>
    %gather3A_933 = tpu.vector_load_idx %arg17[%broadcast_in_dim3A_932, %get3A_719] : memref<16x1000xf32, #tpu.memory_space<vmem>>[vector<16xi32>, vector<16xi32>], vector<16xf32>,
    %get3A_934 = arith.constant 11 : i32
    %get3A_935 = arith.index_cast %get3A_934 : i32 to index
    %get3A_936 = arith.constant 32 : index
    %get3A_937 = tpu.vector_load %arg18[%get3A_935, %get3A_936] {strides = array<i32>} : memref<16x128xf32, #tpu.memory_space<vmem>>, vector<16xf32>,
    %get3A_938 = arith.constant 11 : i32
    %get3A_939 = arith.index_cast %get3A_938 : i32 to index
    %get3A_940 = arith.constant 32 : index
    %get3A_941 = tpu.vector_load %arg19[%get3A_939, %get3A_940] {strides = array<i32>} : memref<16x128xf32, #tpu.memory_space<vmem>>, vector<16xf32>,
    %mul3A_942 = arith.mulf %get3A_937, %get3A_941 : vector<16xf32>
    %mul3A_943 = arith.mulf %mul3A_942, %gather3A_933 : vector<16xf32>
    %get3A_944 = arith.constant 11 : i32
    %get3A_945 = arith.index_cast %get3A_944 : i32 to index
    %get3A_946 = arith.constant 32 : index
    %get3A_947 = tpu.vector_load %arg20[%get3A_945, %get3A_946] {strides = array<i32>} : memref<16x128xf32, #tpu.memory_space<vmem>>, vector<16xf32>,
    %mul3A_948 = arith.mulf %mul3A_943, %get3A_947 : vector<16xf32>
    %add3A_949 = arith.addf %add3A_930, %mul3A_948 : vector<16xf32>
    %broadcast_in_dim3A_950 = arith.constant 12 : i32
    %broadcast_in_dim3A_951 = vector.broadcast %broadcast_in_dim3A_950 : i32 to vector<16xi32>
    %gather3A_952 = tpu.vector_load_idx %arg17[%broadcast_in_dim3A_951, %get3A_719] : memref<16x1000xf32, #tpu.memory_space<vmem>>[vector<16xi32>, vector<16xi32>], vector<16xf32>,
    %get3A_953 = arith.constant 12 : i32
    %get3A_954 = arith.index_cast %get3A_953 : i32 to index
    %get3A_955 = arith.constant 32 : index
    %get3A_956 = tpu.vector_load %arg18[%get3A_954, %get3A_955] {strides = array<i32>} : memref<16x128xf32, #tpu.memory_space<vmem>>, vector<16xf32>,
    %get3A_957 = arith.constant 12 : i32
    %get3A_958 = arith.index_cast %get3A_957 : i32 to index
    %get3A_959 = arith.constant 32 : index
    %get3A_960 = tpu.vector_load %arg19[%get3A_958, %get3A_959] {strides = array<i32>} : memref<16x128xf32, #tpu.memory_space<vmem>>, vector<16xf32>,
    %mul3A_961 = arith.mulf %get3A_956, %get3A_960 : vector<16xf32>
    %mul3A_962 = arith.mulf %mul3A_961, %gather3A_952 : vector<16xf32>
    %get3A_963 = arith.constant 12 : i32
    %get3A_964 = arith.index_cast %get3A_963 : i32 to index
    %get3A_965 = arith.constant 32 : index
    %get3A_966 = tpu.vector_load %arg20[%get3A_964, %get3A_965] {strides = array<i32>} : memref<16x128xf32, #tpu.memory_space<vmem>>, vector<16xf32>,
    %mul3A_967 = arith.mulf %mul3A_962, %get3A_966 : vector<16xf32>
    %add3A_968 = arith.addf %add3A_949, %mul3A_967 : vector<16xf32>
    %broadcast_in_dim3A_969 = arith.constant 13 : i32
    %broadcast_in_dim3A_970 = vector.broadcast %broadcast_in_dim3A_969 : i32 to vector<16xi32>
    %gather3A_971 = tpu.vector_load_idx %arg17[%broadcast_in_dim3A_970, %get3A_719] : memref<16x1000xf32, #tpu.memory_space<vmem>>[vector<16xi32>, vector<16xi32>], vector<16xf32>,
    %get3A_972 = arith.constant 13 : i32
    %get3A_973 = arith.index_cast %get3A_972 : i32 to index
    %get3A_974 = arith.constant 32 : index
    %get3A_975 = tpu.vector_load %arg18[%get3A_973, %get3A_974] {strides = array<i32>} : memref<16x128xf32, #tpu.memory_space<vmem>>, vector<16xf32>,
    %get3A_976 = arith.constant 13 : i32
    %get3A_977 = arith.index_cast %get3A_976 : i32 to index
    %get3A_978 = arith.constant 32 : index
    %get3A_979 = tpu.vector_load %arg19[%get3A_977, %get3A_978] {strides = array<i32>} : memref<16x128xf32, #tpu.memory_space<vmem>>, vector<16xf32>,
    %mul3A_980 = arith.mulf %get3A_975, %get3A_979 : vector<16xf32>
    %mul3A_981 = arith.mulf %mul3A_980, %gather3A_971 : vector<16xf32>
    %get3A_982 = arith.constant 13 : i32
    %get3A_983 = arith.index_cast %get3A_982 : i32 to index
    %get3A_984 = arith.constant 32 : index
    %get3A_985 = tpu.vector_load %arg20[%get3A_983, %get3A_984] {strides = array<i32>} : memref<16x128xf32, #tpu.memory_space<vmem>>, vector<16xf32>,
    %mul3A_986 = arith.mulf %mul3A_981, %get3A_985 : vector<16xf32>
    %add3A_987 = arith.addf %add3A_968, %mul3A_986 : vector<16xf32>
    %broadcast_in_dim3A_988 = arith.constant 14 : i32
    %broadcast_in_dim3A_989 = vector.broadcast %broadcast_in_dim3A_988 : i32 to vector<16xi32>
    %gather3A_990 = tpu.vector_load_idx %arg17[%broadcast_in_dim3A_989, %get3A_719] : memref<16x1000xf32, #tpu.memory_space<vmem>>[vector<16xi32>, vector<16xi32>], vector<16xf32>,
    %get3A_991 = arith.constant 14 : i32
    %get3A_992 = arith.index_cast %get3A_991 : i32 to index
    %get3A_993 = arith.constant 32 : index
    %get3A_994 = tpu.vector_load %arg18[%get3A_992, %get3A_993] {strides = array<i32>} : memref<16x128xf32, #tpu.memory_space<vmem>>, vector<16xf32>,
    %get3A_995 = arith.constant 14 : i32
    %get3A_996 = arith.index_cast %get3A_995 : i32 to index
    %get3A_997 = arith.constant 32 : index
    %get3A_998 = tpu.vector_load %arg19[%get3A_996, %get3A_997] {strides = array<i32>} : memref<16x128xf32, #tpu.memory_space<vmem>>, vector<16xf32>,
    %mul3A_999 = arith.mulf %get3A_994, %get3A_998 : vector<16xf32>
    %mul3A_1000 = arith.mulf %mul3A_999, %gather3A_990 : vector<16xf32>
    %get3A_1001 = arith.constant 14 : i32
    %get3A_1002 = arith.index_cast %get3A_1001 : i32 to index
    %get3A_1003 = arith.constant 32 : index
    %get3A_1004 = tpu.vector_load %arg20[%get3A_1002, %get3A_1003] {strides = array<i32>} : memref<16x128xf32, #tpu.memory_space<vmem>>, vector<16xf32>,
    %mul3A_1005 = arith.mulf %mul3A_1000, %get3A_1004 : vector<16xf32>
    %add3A_1006 = arith.addf %add3A_987, %mul3A_1005 : vector<16xf32>
    %broadcast_in_dim3A_1007 = arith.constant 15 : i32
    %broadcast_in_dim3A_1008 = vector.broadcast %broadcast_in_dim3A_1007 : i32 to vector<16xi32>
    %gather3A_1009 = tpu.vector_load_idx %arg17[%broadcast_in_dim3A_1008, %get3A_719] : memref<16x1000xf32, #tpu.memory_space<vmem>>[vector<16xi32>, vector<16xi32>], vector<16xf32>,
    %get3A_1010 = arith.constant 15 : i32
    %get3A_1011 = arith.index_cast %get3A_1010 : i32 to index
    %get3A_1012 = arith.constant 32 : index
    %get3A_1013 = tpu.vector_load %arg18[%get3A_1011, %get3A_1012] {strides = array<i32>} : memref<16x128xf32, #tpu.memory_space<vmem>>, vector<16xf32>,
    %get3A_1014 = arith.constant 15 : i32
    %get3A_1015 = arith.index_cast %get3A_1014 : i32 to index
    %get3A_1016 = arith.constant 32 : index
    %get3A_1017 = tpu.vector_load %arg19[%get3A_1015, %get3A_1016] {strides = array<i32>} : memref<16x128xf32, #tpu.memory_space<vmem>>, vector<16xf32>,
    %mul3A_1018 = arith.mulf %get3A_1013, %get3A_1017 : vector<16xf32>
    %mul3A_1019 = arith.mulf %mul3A_1018, %gather3A_1009 : vector<16xf32>
    %get3A_1020 = arith.constant 15 : i32
    %get3A_1021 = arith.index_cast %get3A_1020 : i32 to index
    %get3A_1022 = arith.constant 32 : index
    %get3A_1023 = tpu.vector_load %arg20[%get3A_1021, %get3A_1022] {strides = array<i32>} : memref<16x128xf32, #tpu.memory_space<vmem>>, vector<16xf32>,
    %mul3A_1024 = arith.mulf %mul3A_1019, %get3A_1023 : vector<16xf32>
    %add3A_1025 = arith.addf %add3A_1006, %mul3A_1024 : vector<16xf32>
    %swap3A_1026 = arith.constant 0 : i32
    %swap3A_1027 = arith.index_cast %swap3A_1026 : i32 to index
    %swap3A_1028 = arith.constant 32 : index
    %swap3A_1029 = tpu.vector_load %arg22[%swap3A_1027, %swap3A_1028] {strides = array<i32>} : memref<1x128xf32, #tpu.memory_space<vmem>>, vector<16xf32>,
    tpu.vector_store %arg22[%swap3A_1027, %swap3A_1028], %add3A_1025 {strides = array<i32>} : memref<1x128xf32, #tpu.memory_space<vmem>>, vector<16xf32>,
    %get3A_1030 = arith.constant 0 : i32
    %get3A_1031 = arith.index_cast %get3A_1030 : i32 to index
    %get3A_1032 = arith.constant 32 : index
    %get3A_1033 = tpu.vector_load %arg21[%get3A_1031, %get3A_1032] {strides = array<i32>} : memref<1x128xf32, #tpu.memory_space<vmem>>, vector<16xf32>,
    %get3A_1034 = arith.constant 32 : index
    %get3A_1035 = tpu.vector_load %arg13[%get3A_1034] {strides = array<i32>} : memref<128xi32, #tpu.memory_space<vmem>>, vector<16xi32>,
    %convert_element_type3A_1036 = arith.sitofp %get3A_1035 : vector<16xi32> to vector<16xf32>
    %mul3A_1037 = vector.broadcast %squeeze3A : f32 to vector<16xf32>
    %mul3A_1038 = arith.mulf %mul3A_1037, %convert_element_type3A_1036 : vector<16xf32>
    %add3A_1039 = arith.addf %get3A_1033, %mul3A_1038 : vector<16xf32>
    %get3A_1040 = arith.constant 32 : index
    %get3A_1041 = tpu.vector_load %arg14[%get3A_1040] {strides = array<i32>} : memref<128xi32, #tpu.memory_space<vmem>>, vector<16xi32>,
    %convert_element_type3A_1042 = arith.sitofp %get3A_1041 : vector<16xi32> to vector<16xf32>
    %mul3A_1043 = vector.broadcast %squeeze3A_47 : f32 to vector<16xf32>
    %mul3A_1044 = arith.mulf %mul3A_1043, %convert_element_type3A_1042 : vector<16xf32>
    %add3A_1045 = arith.addf %add3A_1039, %mul3A_1044 : vector<16xf32>
    %convert_element_type3A_1046 = arith.sitofp %get3A_719 : vector<16xi32> to vector<16xf32>
    %mul3A_1047 = vector.broadcast %squeeze3A_49 : f32 to vector<16xf32>
    %mul3A_1048 = arith.mulf %mul3A_1047, %convert_element_type3A_1046 : vector<16xf32>
    %add3A_1049 = arith.addf %add3A_1045, %mul3A_1048 : vector<16xf32>
    %swap3A_1050 = arith.constant 0 : i32
    %swap3A_1051 = arith.index_cast %swap3A_1050 : i32 to index
    %swap3A_1052 = arith.constant 32 : index
    %swap3A_1053 = tpu.vector_load %arg23[%swap3A_1051, %swap3A_1052] {strides = array<i32>} : memref<1x128xf32, #tpu.memory_space<vmem>>, vector<16xf32>,
    tpu.vector_store %arg23[%swap3A_1051, %swap3A_1052], %add3A_1049 {strides = array<i32>} : memref<1x128xf32, #tpu.memory_space<vmem>>, vector<16xf32>,
    %get3A_1054 = arith.constant 48 : index
    %get3A_1055 = tpu.vector_load %arg15[%get3A_1054] {strides = array<i32>} : memref<128xi32, #tpu.memory_space<vmem>>, vector<16xi32>,
    %broadcast_in_dim3A_1056 = arith.constant 0.000000e+00 : f32
    %broadcast_in_dim3A_1057 = vector.broadcast %broadcast_in_dim3A_1056 : f32 to vector<16xf32>
    %broadcast_in_dim3A_1058 = arith.constant 0 : i32
    %broadcast_in_dim3A_1059 = vector.broadcast %broadcast_in_dim3A_1058 : i32 to vector<16xi32>
    %gather3A_1060 = tpu.vector_load_idx %arg17[%broadcast_in_dim3A_1059, %get3A_1055] : memref<16x1000xf32, #tpu.memory_space<vmem>>[vector<16xi32>, vector<16xi32>], vector<16xf32>,
    %get3A_1061 = arith.constant 0 : i32
    %get3A_1062 = arith.index_cast %get3A_1061 : i32 to index
    %get3A_1063 = arith.constant 48 : index
    %get3A_1064 = tpu.vector_load %arg18[%get3A_1062, %get3A_1063] {strides = array<i32>} : memref<16x128xf32, #tpu.memory_space<vmem>>, vector<16xf32>,
    %get3A_1065 = arith.constant 0 : i32
    %get3A_1066 = arith.index_cast %get3A_1065 : i32 to index
    %get3A_1067 = arith.constant 48 : index
    %get3A_1068 = tpu.vector_load %arg19[%get3A_1066, %get3A_1067] {strides = array<i32>} : memref<16x128xf32, #tpu.memory_space<vmem>>, vector<16xf32>,
    %mul3A_1069 = arith.mulf %get3A_1064, %get3A_1068 : vector<16xf32>
    %mul3A_1070 = arith.mulf %mul3A_1069, %gather3A_1060 : vector<16xf32>
    %get3A_1071 = arith.constant 0 : i32
    %get3A_1072 = arith.index_cast %get3A_1071 : i32 to index
    %get3A_1073 = arith.constant 48 : index
    %get3A_1074 = tpu.vector_load %arg20[%get3A_1072, %get3A_1073] {strides = array<i32>} : memref<16x128xf32, #tpu.memory_space<vmem>>, vector<16xf32>,
    %mul3A_1075 = arith.mulf %mul3A_1070, %get3A_1074 : vector<16xf32>
    %add3A_1076 = arith.addf %broadcast_in_dim3A_1057, %mul3A_1075 : vector<16xf32>
    %broadcast_in_dim3A_1077 = arith.constant 1 : i32
    %broadcast_in_dim3A_1078 = vector.broadcast %broadcast_in_dim3A_1077 : i32 to vector<16xi32>
    %gather3A_1079 = tpu.vector_load_idx %arg17[%broadcast_in_dim3A_1078, %get3A_1055] : memref<16x1000xf32, #tpu.memory_space<vmem>>[vector<16xi32>, vector<16xi32>], vector<16xf32>,
    %get3A_1080 = arith.constant 1 : i32
    %get3A_1081 = arith.index_cast %get3A_1080 : i32 to index
    %get3A_1082 = arith.constant 48 : index
    %get3A_1083 = tpu.vector_load %arg18[%get3A_1081, %get3A_1082] {strides = array<i32>} : memref<16x128xf32, #tpu.memory_space<vmem>>, vector<16xf32>,
    %get3A_1084 = arith.constant 1 : i32
    %get3A_1085 = arith.index_cast %get3A_1084 : i32 to index
    %get3A_1086 = arith.constant 48 : index
    %get3A_1087 = tpu.vector_load %arg19[%get3A_1085, %get3A_1086] {strides = array<i32>} : memref<16x128xf32, #tpu.memory_space<vmem>>, vector<16xf32>,
    %mul3A_1088 = arith.mulf %get3A_1083, %get3A_1087 : vector<16xf32>
    %mul3A_1089 = arith.mulf %mul3A_1088, %gather3A_1079 : vector<16xf32>
    %get3A_1090 = arith.constant 1 : i32
    %get3A_1091 = arith.index_cast %get3A_1090 : i32 to index
    %get3A_1092 = arith.constant 48 : index
    %get3A_1093 = tpu.vector_load %arg20[%get3A_1091, %get3A_1092] {strides = array<i32>} : memref<16x128xf32, #tpu.memory_space<vmem>>, vector<16xf32>,
    %mul3A_1094 = arith.mulf %mul3A_1089, %get3A_1093 : vector<16xf32>
    %add3A_1095 = arith.addf %add3A_1076, %mul3A_1094 : vector<16xf32>
    %broadcast_in_dim3A_1096 = arith.constant 2 : i32
    %broadcast_in_dim3A_1097 = vector.broadcast %broadcast_in_dim3A_1096 : i32 to vector<16xi32>
    %gather3A_1098 = tpu.vector_load_idx %arg17[%broadcast_in_dim3A_1097, %get3A_1055] : memref<16x1000xf32, #tpu.memory_space<vmem>>[vector<16xi32>, vector<16xi32>], vector<16xf32>,
    %get3A_1099 = arith.constant 2 : i32
    %get3A_1100 = arith.index_cast %get3A_1099 : i32 to index
    %get3A_1101 = arith.constant 48 : index
    %get3A_1102 = tpu.vector_load %arg18[%get3A_1100, %get3A_1101] {strides = array<i32>} : memref<16x128xf32, #tpu.memory_space<vmem>>, vector<16xf32>,
    %get3A_1103 = arith.constant 2 : i32
    %get3A_1104 = arith.index_cast %get3A_1103 : i32 to index
    %get3A_1105 = arith.constant 48 : index
    %get3A_1106 = tpu.vector_load %arg19[%get3A_1104, %get3A_1105] {strides = array<i32>} : memref<16x128xf32, #tpu.memory_space<vmem>>, vector<16xf32>,
    %mul3A_1107 = arith.mulf %get3A_1102, %get3A_1106 : vector<16xf32>
    %mul3A_1108 = arith.mulf %mul3A_1107, %gather3A_1098 : vector<16xf32>
    %get3A_1109 = arith.constant 2 : i32
    %get3A_1110 = arith.index_cast %get3A_1109 : i32 to index
    %get3A_1111 = arith.constant 48 : index
    %get3A_1112 = tpu.vector_load %arg20[%get3A_1110, %get3A_1111] {strides = array<i32>} : memref<16x128xf32, #tpu.memory_space<vmem>>, vector<16xf32>,
    %mul3A_1113 = arith.mulf %mul3A_1108, %get3A_1112 : vector<16xf32>
    %add3A_1114 = arith.addf %add3A_1095, %mul3A_1113 : vector<16xf32>
    %broadcast_in_dim3A_1115 = arith.constant 3 : i32
    %broadcast_in_dim3A_1116 = vector.broadcast %broadcast_in_dim3A_1115 : i32 to vector<16xi32>
    %gather3A_1117 = tpu.vector_load_idx %arg17[%broadcast_in_dim3A_1116, %get3A_1055] : memref<16x1000xf32, #tpu.memory_space<vmem>>[vector<16xi32>, vector<16xi32>], vector<16xf32>,
    %get3A_1118 = arith.constant 3 : i32
    %get3A_1119 = arith.index_cast %get3A_1118 : i32 to index
    %get3A_1120 = arith.constant 48 : index
    %get3A_1121 = tpu.vector_load %arg18[%get3A_1119, %get3A_1120] {strides = array<i32>} : memref<16x128xf32, #tpu.memory_space<vmem>>, vector<16xf32>,
    %get3A_1122 = arith.constant 3 : i32
    %get3A_1123 = arith.index_cast %get3A_1122 : i32 to index
    %get3A_1124 = arith.constant 48 : index
    %get3A_1125 = tpu.vector_load %arg19[%get3A_1123, %get3A_1124] {strides = array<i32>} : memref<16x128xf32, #tpu.memory_space<vmem>>, vector<16xf32>,
    %mul3A_1126 = arith.mulf %get3A_1121, %get3A_1125 : vector<16xf32>
    %mul3A_1127 = arith.mulf %mul3A_1126, %gather3A_1117 : vector<16xf32>
    %get3A_1128 = arith.constant 3 : i32
    %get3A_1129 = arith.index_cast %get3A_1128 : i32 to index
    %get3A_1130 = arith.constant 48 : index
    %get3A_1131 = tpu.vector_load %arg20[%get3A_1129, %get3A_1130] {strides = array<i32>} : memref<16x128xf32, #tpu.memory_space<vmem>>, vector<16xf32>,
    %mul3A_1132 = arith.mulf %mul3A_1127, %get3A_1131 : vector<16xf32>
    %add3A_1133 = arith.addf %add3A_1114, %mul3A_1132 : vector<16xf32>
    %broadcast_in_dim3A_1134 = arith.constant 4 : i32
    %broadcast_in_dim3A_1135 = vector.broadcast %broadcast_in_dim3A_1134 : i32 to vector<16xi32>
    %gather3A_1136 = tpu.vector_load_idx %arg17[%broadcast_in_dim3A_1135, %get3A_1055] : memref<16x1000xf32, #tpu.memory_space<vmem>>[vector<16xi32>, vector<16xi32>], vector<16xf32>,
    %get3A_1137 = arith.constant 4 : i32
    %get3A_1138 = arith.index_cast %get3A_1137 : i32 to index
    %get3A_1139 = arith.constant 48 : index
    %get3A_1140 = tpu.vector_load %arg18[%get3A_1138, %get3A_1139] {strides = array<i32>} : memref<16x128xf32, #tpu.memory_space<vmem>>, vector<16xf32>,
    %get3A_1141 = arith.constant 4 : i32
    %get3A_1142 = arith.index_cast %get3A_1141 : i32 to index
    %get3A_1143 = arith.constant 48 : index
    %get3A_1144 = tpu.vector_load %arg19[%get3A_1142, %get3A_1143] {strides = array<i32>} : memref<16x128xf32, #tpu.memory_space<vmem>>, vector<16xf32>,
    %mul3A_1145 = arith.mulf %get3A_1140, %get3A_1144 : vector<16xf32>
    %mul3A_1146 = arith.mulf %mul3A_1145, %gather3A_1136 : vector<16xf32>
    %get3A_1147 = arith.constant 4 : i32
    %get3A_1148 = arith.index_cast %get3A_1147 : i32 to index
    %get3A_1149 = arith.constant 48 : index
    %get3A_1150 = tpu.vector_load %arg20[%get3A_1148, %get3A_1149] {strides = array<i32>} : memref<16x128xf32, #tpu.memory_space<vmem>>, vector<16xf32>,
    %mul3A_1151 = arith.mulf %mul3A_1146, %get3A_1150 : vector<16xf32>
    %add3A_1152 = arith.addf %add3A_1133, %mul3A_1151 : vector<16xf32>
    %broadcast_in_dim3A_1153 = arith.constant 5 : i32
    %broadcast_in_dim3A_1154 = vector.broadcast %broadcast_in_dim3A_1153 : i32 to vector<16xi32>
    %gather3A_1155 = tpu.vector_load_idx %arg17[%broadcast_in_dim3A_1154, %get3A_1055] : memref<16x1000xf32, #tpu.memory_space<vmem>>[vector<16xi32>, vector<16xi32>], vector<16xf32>,
    %get3A_1156 = arith.constant 5 : i32
    %get3A_1157 = arith.index_cast %get3A_1156 : i32 to index
    %get3A_1158 = arith.constant 48 : index
    %get3A_1159 = tpu.vector_load %arg18[%get3A_1157, %get3A_1158] {strides = array<i32>} : memref<16x128xf32, #tpu.memory_space<vmem>>, vector<16xf32>,
    %get3A_1160 = arith.constant 5 : i32
    %get3A_1161 = arith.index_cast %get3A_1160 : i32 to index
    %get3A_1162 = arith.constant 48 : index
    %get3A_1163 = tpu.vector_load %arg19[%get3A_1161, %get3A_1162] {strides = array<i32>} : memref<16x128xf32, #tpu.memory_space<vmem>>, vector<16xf32>,
    %mul3A_1164 = arith.mulf %get3A_1159, %get3A_1163 : vector<16xf32>
    %mul3A_1165 = arith.mulf %mul3A_1164, %gather3A_1155 : vector<16xf32>
    %get3A_1166 = arith.constant 5 : i32
    %get3A_1167 = arith.index_cast %get3A_1166 : i32 to index
    %get3A_1168 = arith.constant 48 : index
    %get3A_1169 = tpu.vector_load %arg20[%get3A_1167, %get3A_1168] {strides = array<i32>} : memref<16x128xf32, #tpu.memory_space<vmem>>, vector<16xf32>,
    %mul3A_1170 = arith.mulf %mul3A_1165, %get3A_1169 : vector<16xf32>
    %add3A_1171 = arith.addf %add3A_1152, %mul3A_1170 : vector<16xf32>
    %broadcast_in_dim3A_1172 = arith.constant 6 : i32
    %broadcast_in_dim3A_1173 = vector.broadcast %broadcast_in_dim3A_1172 : i32 to vector<16xi32>
    %gather3A_1174 = tpu.vector_load_idx %arg17[%broadcast_in_dim3A_1173, %get3A_1055] : memref<16x1000xf32, #tpu.memory_space<vmem>>[vector<16xi32>, vector<16xi32>], vector<16xf32>,
    %get3A_1175 = arith.constant 6 : i32
    %get3A_1176 = arith.index_cast %get3A_1175 : i32 to index
    %get3A_1177 = arith.constant 48 : index
    %get3A_1178 = tpu.vector_load %arg18[%get3A_1176, %get3A_1177] {strides = array<i32>} : memref<16x128xf32, #tpu.memory_space<vmem>>, vector<16xf32>,
    %get3A_1179 = arith.constant 6 : i32
    %get3A_1180 = arith.index_cast %get3A_1179 : i32 to index
    %get3A_1181 = arith.constant 48 : index
    %get3A_1182 = tpu.vector_load %arg19[%get3A_1180, %get3A_1181] {strides = array<i32>} : memref<16x128xf32, #tpu.memory_space<vmem>>, vector<16xf32>,
    %mul3A_1183 = arith.mulf %get3A_1178, %get3A_1182 : vector<16xf32>
    %mul3A_1184 = arith.mulf %mul3A_1183, %gather3A_1174 : vector<16xf32>
    %get3A_1185 = arith.constant 6 : i32
    %get3A_1186 = arith.index_cast %get3A_1185 : i32 to index
    %get3A_1187 = arith.constant 48 : index
    %get3A_1188 = tpu.vector_load %arg20[%get3A_1186, %get3A_1187] {strides = array<i32>} : memref<16x128xf32, #tpu.memory_space<vmem>>, vector<16xf32>,
    %mul3A_1189 = arith.mulf %mul3A_1184, %get3A_1188 : vector<16xf32>
    %add3A_1190 = arith.addf %add3A_1171, %mul3A_1189 : vector<16xf32>
    %broadcast_in_dim3A_1191 = arith.constant 7 : i32
    %broadcast_in_dim3A_1192 = vector.broadcast %broadcast_in_dim3A_1191 : i32 to vector<16xi32>
    %gather3A_1193 = tpu.vector_load_idx %arg17[%broadcast_in_dim3A_1192, %get3A_1055] : memref<16x1000xf32, #tpu.memory_space<vmem>>[vector<16xi32>, vector<16xi32>], vector<16xf32>,
    %get3A_1194 = arith.constant 7 : i32
    %get3A_1195 = arith.index_cast %get3A_1194 : i32 to index
    %get3A_1196 = arith.constant 48 : index
    %get3A_1197 = tpu.vector_load %arg18[%get3A_1195, %get3A_1196] {strides = array<i32>} : memref<16x128xf32, #tpu.memory_space<vmem>>, vector<16xf32>,
    %get3A_1198 = arith.constant 7 : i32
    %get3A_1199 = arith.index_cast %get3A_1198 : i32 to index
    %get3A_1200 = arith.constant 48 : index
    %get3A_1201 = tpu.vector_load %arg19[%get3A_1199, %get3A_1200] {strides = array<i32>} : memref<16x128xf32, #tpu.memory_space<vmem>>, vector<16xf32>,
    %mul3A_1202 = arith.mulf %get3A_1197, %get3A_1201 : vector<16xf32>
    %mul3A_1203 = arith.mulf %mul3A_1202, %gather3A_1193 : vector<16xf32>
    %get3A_1204 = arith.constant 7 : i32
    %get3A_1205 = arith.index_cast %get3A_1204 : i32 to index
    %get3A_1206 = arith.constant 48 : index
    %get3A_1207 = tpu.vector_load %arg20[%get3A_1205, %get3A_1206] {strides = array<i32>} : memref<16x128xf32, #tpu.memory_space<vmem>>, vector<16xf32>,
    %mul3A_1208 = arith.mulf %mul3A_1203, %get3A_1207 : vector<16xf32>
    %add3A_1209 = arith.addf %add3A_1190, %mul3A_1208 : vector<16xf32>
    %broadcast_in_dim3A_1210 = arith.constant 8 : i32
    %broadcast_in_dim3A_1211 = vector.broadcast %broadcast_in_dim3A_1210 : i32 to vector<16xi32>
    %gather3A_1212 = tpu.vector_load_idx %arg17[%broadcast_in_dim3A_1211, %get3A_1055] : memref<16x1000xf32, #tpu.memory_space<vmem>>[vector<16xi32>, vector<16xi32>], vector<16xf32>,
    %get3A_1213 = arith.constant 8 : i32
    %get3A_1214 = arith.index_cast %get3A_1213 : i32 to index
    %get3A_1215 = arith.constant 48 : index
    %get3A_1216 = tpu.vector_load %arg18[%get3A_1214, %get3A_1215] {strides = array<i32>} : memref<16x128xf32, #tpu.memory_space<vmem>>, vector<16xf32>,
    %get3A_1217 = arith.constant 8 : i32
    %get3A_1218 = arith.index_cast %get3A_1217 : i32 to index
    %get3A_1219 = arith.constant 48 : index
    %get3A_1220 = tpu.vector_load %arg19[%get3A_1218, %get3A_1219] {strides = array<i32>} : memref<16x128xf32, #tpu.memory_space<vmem>>, vector<16xf32>,
    %mul3A_1221 = arith.mulf %get3A_1216, %get3A_1220 : vector<16xf32>
    %mul3A_1222 = arith.mulf %mul3A_1221, %gather3A_1212 : vector<16xf32>
    %get3A_1223 = arith.constant 8 : i32
    %get3A_1224 = arith.index_cast %get3A_1223 : i32 to index
    %get3A_1225 = arith.constant 48 : index
    %get3A_1226 = tpu.vector_load %arg20[%get3A_1224, %get3A_1225] {strides = array<i32>} : memref<16x128xf32, #tpu.memory_space<vmem>>, vector<16xf32>,
    %mul3A_1227 = arith.mulf %mul3A_1222, %get3A_1226 : vector<16xf32>
    %add3A_1228 = arith.addf %add3A_1209, %mul3A_1227 : vector<16xf32>
    %broadcast_in_dim3A_1229 = arith.constant 9 : i32
    %broadcast_in_dim3A_1230 = vector.broadcast %broadcast_in_dim3A_1229 : i32 to vector<16xi32>
    %gather3A_1231 = tpu.vector_load_idx %arg17[%broadcast_in_dim3A_1230, %get3A_1055] : memref<16x1000xf32, #tpu.memory_space<vmem>>[vector<16xi32>, vector<16xi32>], vector<16xf32>,
    %get3A_1232 = arith.constant 9 : i32
    %get3A_1233 = arith.index_cast %get3A_1232 : i32 to index
    %get3A_1234 = arith.constant 48 : index
    %get3A_1235 = tpu.vector_load %arg18[%get3A_1233, %get3A_1234] {strides = array<i32>} : memref<16x128xf32, #tpu.memory_space<vmem>>, vector<16xf32>,
    %get3A_1236 = arith.constant 9 : i32
    %get3A_1237 = arith.index_cast %get3A_1236 : i32 to index
    %get3A_1238 = arith.constant 48 : index
    %get3A_1239 = tpu.vector_load %arg19[%get3A_1237, %get3A_1238] {strides = array<i32>} : memref<16x128xf32, #tpu.memory_space<vmem>>, vector<16xf32>,
    %mul3A_1240 = arith.mulf %get3A_1235, %get3A_1239 : vector<16xf32>
    %mul3A_1241 = arith.mulf %mul3A_1240, %gather3A_1231 : vector<16xf32>
    %get3A_1242 = arith.constant 9 : i32
    %get3A_1243 = arith.index_cast %get3A_1242 : i32 to index
    %get3A_1244 = arith.constant 48 : index
    %get3A_1245 = tpu.vector_load %arg20[%get3A_1243, %get3A_1244] {strides = array<i32>} : memref<16x128xf32, #tpu.memory_space<vmem>>, vector<16xf32>,
    %mul3A_1246 = arith.mulf %mul3A_1241, %get3A_1245 : vector<16xf32>
    %add3A_1247 = arith.addf %add3A_1228, %mul3A_1246 : vector<16xf32>
    %broadcast_in_dim3A_1248 = arith.constant 10 : i32
    %broadcast_in_dim3A_1249 = vector.broadcast %broadcast_in_dim3A_1248 : i32 to vector<16xi32>
    %gather3A_1250 = tpu.vector_load_idx %arg17[%broadcast_in_dim3A_1249, %get3A_1055] : memref<16x1000xf32, #tpu.memory_space<vmem>>[vector<16xi32>, vector<16xi32>], vector<16xf32>,
    %get3A_1251 = arith.constant 10 : i32
    %get3A_1252 = arith.index_cast %get3A_1251 : i32 to index
    %get3A_1253 = arith.constant 48 : index
    %get3A_1254 = tpu.vector_load %arg18[%get3A_1252, %get3A_1253] {strides = array<i32>} : memref<16x128xf32, #tpu.memory_space<vmem>>, vector<16xf32>,
    %get3A_1255 = arith.constant 10 : i32
    %get3A_1256 = arith.index_cast %get3A_1255 : i32 to index
    %get3A_1257 = arith.constant 48 : index
    %get3A_1258 = tpu.vector_load %arg19[%get3A_1256, %get3A_1257] {strides = array<i32>} : memref<16x128xf32, #tpu.memory_space<vmem>>, vector<16xf32>,
    %mul3A_1259 = arith.mulf %get3A_1254, %get3A_1258 : vector<16xf32>
    %mul3A_1260 = arith.mulf %mul3A_1259, %gather3A_1250 : vector<16xf32>
    %get3A_1261 = arith.constant 10 : i32
    %get3A_1262 = arith.index_cast %get3A_1261 : i32 to index
    %get3A_1263 = arith.constant 48 : index
    %get3A_1264 = tpu.vector_load %arg20[%get3A_1262, %get3A_1263] {strides = array<i32>} : memref<16x128xf32, #tpu.memory_space<vmem>>, vector<16xf32>,
    %mul3A_1265 = arith.mulf %mul3A_1260, %get3A_1264 : vector<16xf32>
    %add3A_1266 = arith.addf %add3A_1247, %mul3A_1265 : vector<16xf32>
    %broadcast_in_dim3A_1267 = arith.constant 11 : i32
    %broadcast_in_dim3A_1268 = vector.broadcast %broadcast_in_dim3A_1267 : i32 to vector<16xi32>
    %gather3A_1269 = tpu.vector_load_idx %arg17[%broadcast_in_dim3A_1268, %get3A_1055] : memref<16x1000xf32, #tpu.memory_space<vmem>>[vector<16xi32>, vector<16xi32>], vector<16xf32>,
    %get3A_1270 = arith.constant 11 : i32
    %get3A_1271 = arith.index_cast %get3A_1270 : i32 to index
    %get3A_1272 = arith.constant 48 : index
    %get3A_1273 = tpu.vector_load %arg18[%get3A_1271, %get3A_1272] {strides = array<i32>} : memref<16x128xf32, #tpu.memory_space<vmem>>, vector<16xf32>,
    %get3A_1274 = arith.constant 11 : i32
    %get3A_1275 = arith.index_cast %get3A_1274 : i32 to index
    %get3A_1276 = arith.constant 48 : index
    %get3A_1277 = tpu.vector_load %arg19[%get3A_1275, %get3A_1276] {strides = array<i32>} : memref<16x128xf32, #tpu.memory_space<vmem>>, vector<16xf32>,
    %mul3A_1278 = arith.mulf %get3A_1273, %get3A_1277 : vector<16xf32>
    %mul3A_1279 = arith.mulf %mul3A_1278, %gather3A_1269 : vector<16xf32>
    %get3A_1280 = arith.constant 11 : i32
    %get3A_1281 = arith.index_cast %get3A_1280 : i32 to index
    %get3A_1282 = arith.constant 48 : index
    %get3A_1283 = tpu.vector_load %arg20[%get3A_1281, %get3A_1282] {strides = array<i32>} : memref<16x128xf32, #tpu.memory_space<vmem>>, vector<16xf32>,
    %mul3A_1284 = arith.mulf %mul3A_1279, %get3A_1283 : vector<16xf32>
    %add3A_1285 = arith.addf %add3A_1266, %mul3A_1284 : vector<16xf32>
    %broadcast_in_dim3A_1286 = arith.constant 12 : i32
    %broadcast_in_dim3A_1287 = vector.broadcast %broadcast_in_dim3A_1286 : i32 to vector<16xi32>
    %gather3A_1288 = tpu.vector_load_idx %arg17[%broadcast_in_dim3A_1287, %get3A_1055] : memref<16x1000xf32, #tpu.memory_space<vmem>>[vector<16xi32>, vector<16xi32>], vector<16xf32>,
    %get3A_1289 = arith.constant 12 : i32
    %get3A_1290 = arith.index_cast %get3A_1289 : i32 to index
    %get3A_1291 = arith.constant 48 : index
    %get3A_1292 = tpu.vector_load %arg18[%get3A_1290, %get3A_1291] {strides = array<i32>} : memref<16x128xf32, #tpu.memory_space<vmem>>, vector<16xf32>,
    %get3A_1293 = arith.constant 12 : i32
    %get3A_1294 = arith.index_cast %get3A_1293 : i32 to index
    %get3A_1295 = arith.constant 48 : index
    %get3A_1296 = tpu.vector_load %arg19[%get3A_1294, %get3A_1295] {strides = array<i32>} : memref<16x128xf32, #tpu.memory_space<vmem>>, vector<16xf32>,
    %mul3A_1297 = arith.mulf %get3A_1292, %get3A_1296 : vector<16xf32>
    %mul3A_1298 = arith.mulf %mul3A_1297, %gather3A_1288 : vector<16xf32>
    %get3A_1299 = arith.constant 12 : i32
    %get3A_1300 = arith.index_cast %get3A_1299 : i32 to index
    %get3A_1301 = arith.constant 48 : index
    %get3A_1302 = tpu.vector_load %arg20[%get3A_1300, %get3A_1301] {strides = array<i32>} : memref<16x128xf32, #tpu.memory_space<vmem>>, vector<16xf32>,
    %mul3A_1303 = arith.mulf %mul3A_1298, %get3A_1302 : vector<16xf32>
    %add3A_1304 = arith.addf %add3A_1285, %mul3A_1303 : vector<16xf32>
    %broadcast_in_dim3A_1305 = arith.constant 13 : i32
    %broadcast_in_dim3A_1306 = vector.broadcast %broadcast_in_dim3A_1305 : i32 to vector<16xi32>
    %gather3A_1307 = tpu.vector_load_idx %arg17[%broadcast_in_dim3A_1306, %get3A_1055] : memref<16x1000xf32, #tpu.memory_space<vmem>>[vector<16xi32>, vector<16xi32>], vector<16xf32>,
    %get3A_1308 = arith.constant 13 : i32
    %get3A_1309 = arith.index_cast %get3A_1308 : i32 to index
    %get3A_1310 = arith.constant 48 : index
    %get3A_1311 = tpu.vector_load %arg18[%get3A_1309, %get3A_1310] {strides = array<i32>} : memref<16x128xf32, #tpu.memory_space<vmem>>, vector<16xf32>,
    %get3A_1312 = arith.constant 13 : i32
    %get3A_1313 = arith.index_cast %get3A_1312 : i32 to index
    %get3A_1314 = arith.constant 48 : index
    %get3A_1315 = tpu.vector_load %arg19[%get3A_1313, %get3A_1314] {strides = array<i32>} : memref<16x128xf32, #tpu.memory_space<vmem>>, vector<16xf32>,
    %mul3A_1316 = arith.mulf %get3A_1311, %get3A_1315 : vector<16xf32>
    %mul3A_1317 = arith.mulf %mul3A_1316, %gather3A_1307 : vector<16xf32>
    %get3A_1318 = arith.constant 13 : i32
    %get3A_1319 = arith.index_cast %get3A_1318 : i32 to index
    %get3A_1320 = arith.constant 48 : index
    %get3A_1321 = tpu.vector_load %arg20[%get3A_1319, %get3A_1320] {strides = array<i32>} : memref<16x128xf32, #tpu.memory_space<vmem>>, vector<16xf32>,
    %mul3A_1322 = arith.mulf %mul3A_1317, %get3A_1321 : vector<16xf32>
    %add3A_1323 = arith.addf %add3A_1304, %mul3A_1322 : vector<16xf32>
    %broadcast_in_dim3A_1324 = arith.constant 14 : i32
    %broadcast_in_dim3A_1325 = vector.broadcast %broadcast_in_dim3A_1324 : i32 to vector<16xi32>
    %gather3A_1326 = tpu.vector_load_idx %arg17[%broadcast_in_dim3A_1325, %get3A_1055] : memref<16x1000xf32, #tpu.memory_space<vmem>>[vector<16xi32>, vector<16xi32>], vector<16xf32>,
    %get3A_1327 = arith.constant 14 : i32
    %get3A_1328 = arith.index_cast %get3A_1327 : i32 to index
    %get3A_1329 = arith.constant 48 : index
    %get3A_1330 = tpu.vector_load %arg18[%get3A_1328, %get3A_1329] {strides = array<i32>} : memref<16x128xf32, #tpu.memory_space<vmem>>, vector<16xf32>,
    %get3A_1331 = arith.constant 14 : i32
    %get3A_1332 = arith.index_cast %get3A_1331 : i32 to index
    %get3A_1333 = arith.constant 48 : index
    %get3A_1334 = tpu.vector_load %arg19[%get3A_1332, %get3A_1333] {strides = array<i32>} : memref<16x128xf32, #tpu.memory_space<vmem>>, vector<16xf32>,
    %mul3A_1335 = arith.mulf %get3A_1330, %get3A_1334 : vector<16xf32>
    %mul3A_1336 = arith.mulf %mul3A_1335, %gather3A_1326 : vector<16xf32>
    %get3A_1337 = arith.constant 14 : i32
    %get3A_1338 = arith.index_cast %get3A_1337 : i32 to index
    %get3A_1339 = arith.constant 48 : index
    %get3A_1340 = tpu.vector_load %arg20[%get3A_1338, %get3A_1339] {strides = array<i32>} : memref<16x128xf32, #tpu.memory_space<vmem>>, vector<16xf32>,
    %mul3A_1341 = arith.mulf %mul3A_1336, %get3A_1340 : vector<16xf32>
    %add3A_1342 = arith.addf %add3A_1323, %mul3A_1341 : vector<16xf32>
    %broadcast_in_dim3A_1343 = arith.constant 15 : i32
    %broadcast_in_dim3A_1344 = vector.broadcast %broadcast_in_dim3A_1343 : i32 to vector<16xi32>
    %gather3A_1345 = tpu.vector_load_idx %arg17[%broadcast_in_dim3A_1344, %get3A_1055] : memref<16x1000xf32, #tpu.memory_space<vmem>>[vector<16xi32>, vector<16xi32>], vector<16xf32>,
    %get3A_1346 = arith.constant 15 : i32
    %get3A_1347 = arith.index_cast %get3A_1346 : i32 to index
    %get3A_1348 = arith.constant 48 : index
    %get3A_1349 = tpu.vector_load %arg18[%get3A_1347, %get3A_1348] {strides = array<i32>} : memref<16x128xf32, #tpu.memory_space<vmem>>, vector<16xf32>,
    %get3A_1350 = arith.constant 15 : i32
    %get3A_1351 = arith.index_cast %get3A_1350 : i32 to index
    %get3A_1352 = arith.constant 48 : index
    %get3A_1353 = tpu.vector_load %arg19[%get3A_1351, %get3A_1352] {strides = array<i32>} : memref<16x128xf32, #tpu.memory_space<vmem>>, vector<16xf32>,
    %mul3A_1354 = arith.mulf %get3A_1349, %get3A_1353 : vector<16xf32>
    %mul3A_1355 = arith.mulf %mul3A_1354, %gather3A_1345 : vector<16xf32>
    %get3A_1356 = arith.constant 15 : i32
    %get3A_1357 = arith.index_cast %get3A_1356 : i32 to index
    %get3A_1358 = arith.constant 48 : index
    %get3A_1359 = tpu.vector_load %arg20[%get3A_1357, %get3A_1358] {strides = array<i32>} : memref<16x128xf32, #tpu.memory_space<vmem>>, vector<16xf32>,
    %mul3A_1360 = arith.mulf %mul3A_1355, %get3A_1359 : vector<16xf32>
    %add3A_1361 = arith.addf %add3A_1342, %mul3A_1360 : vector<16xf32>
    %swap3A_1362 = arith.constant 0 : i32
    %swap3A_1363 = arith.index_cast %swap3A_1362 : i32 to index
    %swap3A_1364 = arith.constant 48 : index
    %swap3A_1365 = tpu.vector_load %arg22[%swap3A_1363, %swap3A_1364] {strides = array<i32>} : memref<1x128xf32, #tpu.memory_space<vmem>>, vector<16xf32>,
    tpu.vector_store %arg22[%swap3A_1363, %swap3A_1364], %add3A_1361 {strides = array<i32>} : memref<1x128xf32, #tpu.memory_space<vmem>>, vector<16xf32>,
    %get3A_1366 = arith.constant 0 : i32
    %get3A_1367 = arith.index_cast %get3A_1366 : i32 to index
    %get3A_1368 = arith.constant 48 : index
    %get3A_1369 = tpu.vector_load %arg21[%get3A_1367, %get3A_1368] {strides = array<i32>} : memref<1x128xf32, #tpu.memory_space<vmem>>, vector<16xf32>,
    %get3A_1370 = arith.constant 48 : index
    %get3A_1371 = tpu.vector_load %arg13[%get3A_1370] {strides = array<i32>} : memref<128xi32, #tpu.memory_space<vmem>>, vector<16xi32>,
    %convert_element_type3A_1372 = arith.sitofp %get3A_1371 : vector<16xi32> to vector<16xf32>
    %mul3A_1373 = vector.broadcast %squeeze3A : f32 to vector<16xf32>
    %mul3A_1374 = arith.mulf %mul3A_1373, %convert_element_type3A_1372 : vector<16xf32>
    %add3A_1375 = arith.addf %get3A_1369, %mul3A_1374 : vector<16xf32>
    %get3A_1376 = arith.constant 48 : index
    %get3A_1377 = tpu.vector_load %arg14[%get3A_1376] {strides = array<i32>} : memref<128xi32, #tpu.memory_space<vmem>>, vector<16xi32>,
    %convert_element_type3A_1378 = arith.sitofp %get3A_1377 : vector<16xi32> to vector<16xf32>
    %mul3A_1379 = vector.broadcast %squeeze3A_47 : f32 to vector<16xf32>
    %mul3A_1380 = arith.mulf %mul3A_1379, %convert_element_type3A_1378 : vector<16xf32>
    %add3A_1381 = arith.addf %add3A_1375, %mul3A_1380 : vector<16xf32>
    %convert_element_type3A_1382 = arith.sitofp %get3A_1055 : vector<16xi32> to vector<16xf32>
    %mul3A_1383 = vector.broadcast %squeeze3A_49 : f32 to vector<16xf32>
    %mul3A_1384 = arith.mulf %mul3A_1383, %convert_element_type3A_1382 : vector<16xf32>
    %add3A_1385 = arith.addf %add3A_1381, %mul3A_1384 : vector<16xf32>
    %swap3A_1386 = arith.constant 0 : i32
    %swap3A_1387 = arith.index_cast %swap3A_1386 : i32 to index
    %swap3A_1388 = arith.constant 48 : index
    %swap3A_1389 = tpu.vector_load %arg23[%swap3A_1387, %swap3A_1388] {strides = array<i32>} : memref<1x128xf32, #tpu.memory_space<vmem>>, vector<16xf32>,
    tpu.vector_store %arg23[%swap3A_1387, %swap3A_1388], %add3A_1385 {strides = array<i32>} : memref<1x128xf32, #tpu.memory_space<vmem>>, vector<16xf32>,
    %get3A_1390 = arith.constant 64 : index
    %get3A_1391 = tpu.vector_load %arg15[%get3A_1390] {strides = array<i32>} : memref<128xi32, #tpu.memory_space<vmem>>, vector<16xi32>,
    %broadcast_in_dim3A_1392 = arith.constant 0.000000e+00 : f32
    %broadcast_in_dim3A_1393 = vector.broadcast %broadcast_in_dim3A_1392 : f32 to vector<16xf32>
    %broadcast_in_dim3A_1394 = arith.constant 0 : i32
    %broadcast_in_dim3A_1395 = vector.broadcast %broadcast_in_dim3A_1394 : i32 to vector<16xi32>
    %gather3A_1396 = tpu.vector_load_idx %arg17[%broadcast_in_dim3A_1395, %get3A_1391] : memref<16x1000xf32, #tpu.memory_space<vmem>>[vector<16xi32>, vector<16xi32>], vector<16xf32>,
    %get3A_1397 = arith.constant 0 : i32
    %get3A_1398 = arith.index_cast %get3A_1397 : i32 to index
    %get3A_1399 = arith.constant 64 : index
    %get3A_1400 = tpu.vector_load %arg18[%get3A_1398, %get3A_1399] {strides = array<i32>} : memref<16x128xf32, #tpu.memory_space<vmem>>, vector<16xf32>,
    %get3A_1401 = arith.constant 0 : i32
    %get3A_1402 = arith.index_cast %get3A_1401 : i32 to index
    %get3A_1403 = arith.constant 64 : index
    %get3A_1404 = tpu.vector_load %arg19[%get3A_1402, %get3A_1403] {strides = array<i32>} : memref<16x128xf32, #tpu.memory_space<vmem>>, vector<16xf32>,
    %mul3A_1405 = arith.mulf %get3A_1400, %get3A_1404 : vector<16xf32>
    %mul3A_1406 = arith.mulf %mul3A_1405, %gather3A_1396 : vector<16xf32>
    %get3A_1407 = arith.constant 0 : i32
    %get3A_1408 = arith.index_cast %get3A_1407 : i32 to index
    %get3A_1409 = arith.constant 64 : index
    %get3A_1410 = tpu.vector_load %arg20[%get3A_1408, %get3A_1409] {strides = array<i32>} : memref<16x128xf32, #tpu.memory_space<vmem>>, vector<16xf32>,
    %mul3A_1411 = arith.mulf %mul3A_1406, %get3A_1410 : vector<16xf32>
    %add3A_1412 = arith.addf %broadcast_in_dim3A_1393, %mul3A_1411 : vector<16xf32>
    %broadcast_in_dim3A_1413 = arith.constant 1 : i32
    %broadcast_in_dim3A_1414 = vector.broadcast %broadcast_in_dim3A_1413 : i32 to vector<16xi32>
    %gather3A_1415 = tpu.vector_load_idx %arg17[%broadcast_in_dim3A_1414, %get3A_1391] : memref<16x1000xf32, #tpu.memory_space<vmem>>[vector<16xi32>, vector<16xi32>], vector<16xf32>,
    %get3A_1416 = arith.constant 1 : i32
    %get3A_1417 = arith.index_cast %get3A_1416 : i32 to index
    %get3A_1418 = arith.constant 64 : index
    %get3A_1419 = tpu.vector_load %arg18[%get3A_1417, %get3A_1418] {strides = array<i32>} : memref<16x128xf32, #tpu.memory_space<vmem>>, vector<16xf32>,
    %get3A_1420 = arith.constant 1 : i32
    %get3A_1421 = arith.index_cast %get3A_1420 : i32 to index
    %get3A_1422 = arith.constant 64 : index
    %get3A_1423 = tpu.vector_load %arg19[%get3A_1421, %get3A_1422] {strides = array<i32>} : memref<16x128xf32, #tpu.memory_space<vmem>>, vector<16xf32>,
    %mul3A_1424 = arith.mulf %get3A_1419, %get3A_1423 : vector<16xf32>
    %mul3A_1425 = arith.mulf %mul3A_1424, %gather3A_1415 : vector<16xf32>
    %get3A_1426 = arith.constant 1 : i32
    %get3A_1427 = arith.index_cast %get3A_1426 : i32 to index
    %get3A_1428 = arith.constant 64 : index
    %get3A_1429 = tpu.vector_load %arg20[%get3A_1427, %get3A_1428] {strides = array<i32>} : memref<16x128xf32, #tpu.memory_space<vmem>>, vector<16xf32>,
    %mul3A_1430 = arith.mulf %mul3A_1425, %get3A_1429 : vector<16xf32>
    %add3A_1431 = arith.addf %add3A_1412, %mul3A_1430 : vector<16xf32>
    %broadcast_in_dim3A_1432 = arith.constant 2 : i32
    %broadcast_in_dim3A_1433 = vector.broadcast %broadcast_in_dim3A_1432 : i32 to vector<16xi32>
    %gather3A_1434 = tpu.vector_load_idx %arg17[%broadcast_in_dim3A_1433, %get3A_1391] : memref<16x1000xf32, #tpu.memory_space<vmem>>[vector<16xi32>, vector<16xi32>], vector<16xf32>,
    %get3A_1435 = arith.constant 2 : i32
    %get3A_1436 = arith.index_cast %get3A_1435 : i32 to index
    %get3A_1437 = arith.constant 64 : index
    %get3A_1438 = tpu.vector_load %arg18[%get3A_1436, %get3A_1437] {strides = array<i32>} : memref<16x128xf32, #tpu.memory_space<vmem>>, vector<16xf32>,
    %get3A_1439 = arith.constant 2 : i32
    %get3A_1440 = arith.index_cast %get3A_1439 : i32 to index
    %get3A_1441 = arith.constant 64 : index
    %get3A_1442 = tpu.vector_load %arg19[%get3A_1440, %get3A_1441] {strides = array<i32>} : memref<16x128xf32, #tpu.memory_space<vmem>>, vector<16xf32>,
    %mul3A_1443 = arith.mulf %get3A_1438, %get3A_1442 : vector<16xf32>
    %mul3A_1444 = arith.mulf %mul3A_1443, %gather3A_1434 : vector<16xf32>
    %get3A_1445 = arith.constant 2 : i32
    %get3A_1446 = arith.index_cast %get3A_1445 : i32 to index
    %get3A_1447 = arith.constant 64 : index
    %get3A_1448 = tpu.vector_load %arg20[%get3A_1446, %get3A_1447] {strides = array<i32>} : memref<16x128xf32, #tpu.memory_space<vmem>>, vector<16xf32>,
    %mul3A_1449 = arith.mulf %mul3A_1444, %get3A_1448 : vector<16xf32>
    %add3A_1450 = arith.addf %add3A_1431, %mul3A_1449 : vector<16xf32>
    %broadcast_in_dim3A_1451 = arith.constant 3 : i32
    %broadcast_in_dim3A_1452 = vector.broadcast %broadcast_in_dim3A_1451 : i32 to vector<16xi32>
    %gather3A_1453 = tpu.vector_load_idx %arg17[%broadcast_in_dim3A_1452, %get3A_1391] : memref<16x1000xf32, #tpu.memory_space<vmem>>[vector<16xi32>, vector<16xi32>], vector<16xf32>,
    %get3A_1454 = arith.constant 3 : i32
    %get3A_1455 = arith.index_cast %get3A_1454 : i32 to index
    %get3A_1456 = arith.constant 64 : index
    %get3A_1457 = tpu.vector_load %arg18[%get3A_1455, %get3A_1456] {strides = array<i32>} : memref<16x128xf32, #tpu.memory_space<vmem>>, vector<16xf32>,
    %get3A_1458 = arith.constant 3 : i32
    %get3A_1459 = arith.index_cast %get3A_1458 : i32 to index
    %get3A_1460 = arith.constant 64 : index
    %get3A_1461 = tpu.vector_load %arg19[%get3A_1459, %get3A_1460] {strides = array<i32>} : memref<16x128xf32, #tpu.memory_space<vmem>>, vector<16xf32>,
    %mul3A_1462 = arith.mulf %get3A_1457, %get3A_1461 : vector<16xf32>
    %mul3A_1463 = arith.mulf %mul3A_1462, %gather3A_1453 : vector<16xf32>
    %get3A_1464 = arith.constant 3 : i32
    %get3A_1465 = arith.index_cast %get3A_1464 : i32 to index
    %get3A_1466 = arith.constant 64 : index
    %get3A_1467 = tpu.vector_load %arg20[%get3A_1465, %get3A_1466] {strides = array<i32>} : memref<16x128xf32, #tpu.memory_space<vmem>>, vector<16xf32>,
    %mul3A_1468 = arith.mulf %mul3A_1463, %get3A_1467 : vector<16xf32>
    %add3A_1469 = arith.addf %add3A_1450, %mul3A_1468 : vector<16xf32>
    %broadcast_in_dim3A_1470 = arith.constant 4 : i32
    %broadcast_in_dim3A_1471 = vector.broadcast %broadcast_in_dim3A_1470 : i32 to vector<16xi32>
    %gather3A_1472 = tpu.vector_load_idx %arg17[%broadcast_in_dim3A_1471, %get3A_1391] : memref<16x1000xf32, #tpu.memory_space<vmem>>[vector<16xi32>, vector<16xi32>], vector<16xf32>,
    %get3A_1473 = arith.constant 4 : i32
    %get3A_1474 = arith.index_cast %get3A_1473 : i32 to index
    %get3A_1475 = arith.constant 64 : index
    %get3A_1476 = tpu.vector_load %arg18[%get3A_1474, %get3A_1475] {strides = array<i32>} : memref<16x128xf32, #tpu.memory_space<vmem>>, vector<16xf32>,
    %get3A_1477 = arith.constant 4 : i32
    %get3A_1478 = arith.index_cast %get3A_1477 : i32 to index
    %get3A_1479 = arith.constant 64 : index
    %get3A_1480 = tpu.vector_load %arg19[%get3A_1478, %get3A_1479] {strides = array<i32>} : memref<16x128xf32, #tpu.memory_space<vmem>>, vector<16xf32>,
    %mul3A_1481 = arith.mulf %get3A_1476, %get3A_1480 : vector<16xf32>
    %mul3A_1482 = arith.mulf %mul3A_1481, %gather3A_1472 : vector<16xf32>
    %get3A_1483 = arith.constant 4 : i32
    %get3A_1484 = arith.index_cast %get3A_1483 : i32 to index
    %get3A_1485 = arith.constant 64 : index
    %get3A_1486 = tpu.vector_load %arg20[%get3A_1484, %get3A_1485] {strides = array<i32>} : memref<16x128xf32, #tpu.memory_space<vmem>>, vector<16xf32>,
    %mul3A_1487 = arith.mulf %mul3A_1482, %get3A_1486 : vector<16xf32>
    %add3A_1488 = arith.addf %add3A_1469, %mul3A_1487 : vector<16xf32>
    %broadcast_in_dim3A_1489 = arith.constant 5 : i32
    %broadcast_in_dim3A_1490 = vector.broadcast %broadcast_in_dim3A_1489 : i32 to vector<16xi32>
    %gather3A_1491 = tpu.vector_load_idx %arg17[%broadcast_in_dim3A_1490, %get3A_1391] : memref<16x1000xf32, #tpu.memory_space<vmem>>[vector<16xi32>, vector<16xi32>], vector<16xf32>,
    %get3A_1492 = arith.constant 5 : i32
    %get3A_1493 = arith.index_cast %get3A_1492 : i32 to index
    %get3A_1494 = arith.constant 64 : index
    %get3A_1495 = tpu.vector_load %arg18[%get3A_1493, %get3A_1494] {strides = array<i32>} : memref<16x128xf32, #tpu.memory_space<vmem>>, vector<16xf32>,
    %get3A_1496 = arith.constant 5 : i32
    %get3A_1497 = arith.index_cast %get3A_1496 : i32 to index
    %get3A_1498 = arith.constant 64 : index
    %get3A_1499 = tpu.vector_load %arg19[%get3A_1497, %get3A_1498] {strides = array<i32>} : memref<16x128xf32, #tpu.memory_space<vmem>>, vector<16xf32>,
    %mul3A_1500 = arith.mulf %get3A_1495, %get3A_1499 : vector<16xf32>
    %mul3A_1501 = arith.mulf %mul3A_1500, %gather3A_1491 : vector<16xf32>
    %get3A_1502 = arith.constant 5 : i32
    %get3A_1503 = arith.index_cast %get3A_1502 : i32 to index
    %get3A_1504 = arith.constant 64 : index
    %get3A_1505 = tpu.vector_load %arg20[%get3A_1503, %get3A_1504] {strides = array<i32>} : memref<16x128xf32, #tpu.memory_space<vmem>>, vector<16xf32>,
    %mul3A_1506 = arith.mulf %mul3A_1501, %get3A_1505 : vector<16xf32>
    %add3A_1507 = arith.addf %add3A_1488, %mul3A_1506 : vector<16xf32>
    %broadcast_in_dim3A_1508 = arith.constant 6 : i32
    %broadcast_in_dim3A_1509 = vector.broadcast %broadcast_in_dim3A_1508 : i32 to vector<16xi32>
    %gather3A_1510 = tpu.vector_load_idx %arg17[%broadcast_in_dim3A_1509, %get3A_1391] : memref<16x1000xf32, #tpu.memory_space<vmem>>[vector<16xi32>, vector<16xi32>], vector<16xf32>,
    %get3A_1511 = arith.constant 6 : i32
    %get3A_1512 = arith.index_cast %get3A_1511 : i32 to index
    %get3A_1513 = arith.constant 64 : index
    %get3A_1514 = tpu.vector_load %arg18[%get3A_1512, %get3A_1513] {strides = array<i32>} : memref<16x128xf32, #tpu.memory_space<vmem>>, vector<16xf32>,
    %get3A_1515 = arith.constant 6 : i32
    %get3A_1516 = arith.index_cast %get3A_1515 : i32 to index
    %get3A_1517 = arith.constant 64 : index
    %get3A_1518 = tpu.vector_load %arg19[%get3A_1516, %get3A_1517] {strides = array<i32>} : memref<16x128xf32, #tpu.memory_space<vmem>>, vector<16xf32>,
    %mul3A_1519 = arith.mulf %get3A_1514, %get3A_1518 : vector<16xf32>
    %mul3A_1520 = arith.mulf %mul3A_1519, %gather3A_1510 : vector<16xf32>
    %get3A_1521 = arith.constant 6 : i32
    %get3A_1522 = arith.index_cast %get3A_1521 : i32 to index
    %get3A_1523 = arith.constant 64 : index
    %get3A_1524 = tpu.vector_load %arg20[%get3A_1522, %get3A_1523] {strides = array<i32>} : memref<16x128xf32, #tpu.memory_space<vmem>>, vector<16xf32>,
    %mul3A_1525 = arith.mulf %mul3A_1520, %get3A_1524 : vector<16xf32>
    %add3A_1526 = arith.addf %add3A_1507, %mul3A_1525 : vector<16xf32>
    %broadcast_in_dim3A_1527 = arith.constant 7 : i32
    %broadcast_in_dim3A_1528 = vector.broadcast %broadcast_in_dim3A_1527 : i32 to vector<16xi32>
    %gather3A_1529 = tpu.vector_load_idx %arg17[%broadcast_in_dim3A_1528, %get3A_1391] : memref<16x1000xf32, #tpu.memory_space<vmem>>[vector<16xi32>, vector<16xi32>], vector<16xf32>,
    %get3A_1530 = arith.constant 7 : i32
    %get3A_1531 = arith.index_cast %get3A_1530 : i32 to index
    %get3A_1532 = arith.constant 64 : index
    %get3A_1533 = tpu.vector_load %arg18[%get3A_1531, %get3A_1532] {strides = array<i32>} : memref<16x128xf32, #tpu.memory_space<vmem>>, vector<16xf32>,
    %get3A_1534 = arith.constant 7 : i32
    %get3A_1535 = arith.index_cast %get3A_1534 : i32 to index
    %get3A_1536 = arith.constant 64 : index
    %get3A_1537 = tpu.vector_load %arg19[%get3A_1535, %get3A_1536] {strides = array<i32>} : memref<16x128xf32, #tpu.memory_space<vmem>>, vector<16xf32>,
    %mul3A_1538 = arith.mulf %get3A_1533, %get3A_1537 : vector<16xf32>
    %mul3A_1539 = arith.mulf %mul3A_1538, %gather3A_1529 : vector<16xf32>
    %get3A_1540 = arith.constant 7 : i32
    %get3A_1541 = arith.index_cast %get3A_1540 : i32 to index
    %get3A_1542 = arith.constant 64 : index
    %get3A_1543 = tpu.vector_load %arg20[%get3A_1541, %get3A_1542] {strides = array<i32>} : memref<16x128xf32, #tpu.memory_space<vmem>>, vector<16xf32>,
    %mul3A_1544 = arith.mulf %mul3A_1539, %get3A_1543 : vector<16xf32>
    %add3A_1545 = arith.addf %add3A_1526, %mul3A_1544 : vector<16xf32>
    %broadcast_in_dim3A_1546 = arith.constant 8 : i32
    %broadcast_in_dim3A_1547 = vector.broadcast %broadcast_in_dim3A_1546 : i32 to vector<16xi32>
    %gather3A_1548 = tpu.vector_load_idx %arg17[%broadcast_in_dim3A_1547, %get3A_1391] : memref<16x1000xf32, #tpu.memory_space<vmem>>[vector<16xi32>, vector<16xi32>], vector<16xf32>,
    %get3A_1549 = arith.constant 8 : i32
    %get3A_1550 = arith.index_cast %get3A_1549 : i32 to index
    %get3A_1551 = arith.constant 64 : index
    %get3A_1552 = tpu.vector_load %arg18[%get3A_1550, %get3A_1551] {strides = array<i32>} : memref<16x128xf32, #tpu.memory_space<vmem>>, vector<16xf32>,
    %get3A_1553 = arith.constant 8 : i32
    %get3A_1554 = arith.index_cast %get3A_1553 : i32 to index
    %get3A_1555 = arith.constant 64 : index
    %get3A_1556 = tpu.vector_load %arg19[%get3A_1554, %get3A_1555] {strides = array<i32>} : memref<16x128xf32, #tpu.memory_space<vmem>>, vector<16xf32>,
    %mul3A_1557 = arith.mulf %get3A_1552, %get3A_1556 : vector<16xf32>
    %mul3A_1558 = arith.mulf %mul3A_1557, %gather3A_1548 : vector<16xf32>
    %get3A_1559 = arith.constant 8 : i32
    %get3A_1560 = arith.index_cast %get3A_1559 : i32 to index
    %get3A_1561 = arith.constant 64 : index
    %get3A_1562 = tpu.vector_load %arg20[%get3A_1560, %get3A_1561] {strides = array<i32>} : memref<16x128xf32, #tpu.memory_space<vmem>>, vector<16xf32>,
    %mul3A_1563 = arith.mulf %mul3A_1558, %get3A_1562 : vector<16xf32>
    %add3A_1564 = arith.addf %add3A_1545, %mul3A_1563 : vector<16xf32>
    %broadcast_in_dim3A_1565 = arith.constant 9 : i32
    %broadcast_in_dim3A_1566 = vector.broadcast %broadcast_in_dim3A_1565 : i32 to vector<16xi32>
    %gather3A_1567 = tpu.vector_load_idx %arg17[%broadcast_in_dim3A_1566, %get3A_1391] : memref<16x1000xf32, #tpu.memory_space<vmem>>[vector<16xi32>, vector<16xi32>], vector<16xf32>,
    %get3A_1568 = arith.constant 9 : i32
    %get3A_1569 = arith.index_cast %get3A_1568 : i32 to index
    %get3A_1570 = arith.constant 64 : index
    %get3A_1571 = tpu.vector_load %arg18[%get3A_1569, %get3A_1570] {strides = array<i32>} : memref<16x128xf32, #tpu.memory_space<vmem>>, vector<16xf32>,
    %get3A_1572 = arith.constant 9 : i32
    %get3A_1573 = arith.index_cast %get3A_1572 : i32 to index
    %get3A_1574 = arith.constant 64 : index
    %get3A_1575 = tpu.vector_load %arg19[%get3A_1573, %get3A_1574] {strides = array<i32>} : memref<16x128xf32, #tpu.memory_space<vmem>>, vector<16xf32>,
    %mul3A_1576 = arith.mulf %get3A_1571, %get3A_1575 : vector<16xf32>
    %mul3A_1577 = arith.mulf %mul3A_1576, %gather3A_1567 : vector<16xf32>
    %get3A_1578 = arith.constant 9 : i32
    %get3A_1579 = arith.index_cast %get3A_1578 : i32 to index
    %get3A_1580 = arith.constant 64 : index
    %get3A_1581 = tpu.vector_load %arg20[%get3A_1579, %get3A_1580] {strides = array<i32>} : memref<16x128xf32, #tpu.memory_space<vmem>>, vector<16xf32>,
    %mul3A_1582 = arith.mulf %mul3A_1577, %get3A_1581 : vector<16xf32>
    %add3A_1583 = arith.addf %add3A_1564, %mul3A_1582 : vector<16xf32>
    %broadcast_in_dim3A_1584 = arith.constant 10 : i32
    %broadcast_in_dim3A_1585 = vector.broadcast %broadcast_in_dim3A_1584 : i32 to vector<16xi32>
    %gather3A_1586 = tpu.vector_load_idx %arg17[%broadcast_in_dim3A_1585, %get3A_1391] : memref<16x1000xf32, #tpu.memory_space<vmem>>[vector<16xi32>, vector<16xi32>], vector<16xf32>,
    %get3A_1587 = arith.constant 10 : i32
    %get3A_1588 = arith.index_cast %get3A_1587 : i32 to index
    %get3A_1589 = arith.constant 64 : index
    %get3A_1590 = tpu.vector_load %arg18[%get3A_1588, %get3A_1589] {strides = array<i32>} : memref<16x128xf32, #tpu.memory_space<vmem>>, vector<16xf32>,
    %get3A_1591 = arith.constant 10 : i32
    %get3A_1592 = arith.index_cast %get3A_1591 : i32 to index
    %get3A_1593 = arith.constant 64 : index
    %get3A_1594 = tpu.vector_load %arg19[%get3A_1592, %get3A_1593] {strides = array<i32>} : memref<16x128xf32, #tpu.memory_space<vmem>>, vector<16xf32>,
    %mul3A_1595 = arith.mulf %get3A_1590, %get3A_1594 : vector<16xf32>
    %mul3A_1596 = arith.mulf %mul3A_1595, %gather3A_1586 : vector<16xf32>
    %get3A_1597 = arith.constant 10 : i32
    %get3A_1598 = arith.index_cast %get3A_1597 : i32 to index
    %get3A_1599 = arith.constant 64 : index
    %get3A_1600 = tpu.vector_load %arg20[%get3A_1598, %get3A_1599] {strides = array<i32>} : memref<16x128xf32, #tpu.memory_space<vmem>>, vector<16xf32>,
    %mul3A_1601 = arith.mulf %mul3A_1596, %get3A_1600 : vector<16xf32>
    %add3A_1602 = arith.addf %add3A_1583, %mul3A_1601 : vector<16xf32>
    %broadcast_in_dim3A_1603 = arith.constant 11 : i32
    %broadcast_in_dim3A_1604 = vector.broadcast %broadcast_in_dim3A_1603 : i32 to vector<16xi32>
    %gather3A_1605 = tpu.vector_load_idx %arg17[%broadcast_in_dim3A_1604, %get3A_1391] : memref<16x1000xf32, #tpu.memory_space<vmem>>[vector<16xi32>, vector<16xi32>], vector<16xf32>,
    %get3A_1606 = arith.constant 11 : i32
    %get3A_1607 = arith.index_cast %get3A_1606 : i32 to index
    %get3A_1608 = arith.constant 64 : index
    %get3A_1609 = tpu.vector_load %arg18[%get3A_1607, %get3A_1608] {strides = array<i32>} : memref<16x128xf32, #tpu.memory_space<vmem>>, vector<16xf32>,
    %get3A_1610 = arith.constant 11 : i32
    %get3A_1611 = arith.index_cast %get3A_1610 : i32 to index
    %get3A_1612 = arith.constant 64 : index
    %get3A_1613 = tpu.vector_load %arg19[%get3A_1611, %get3A_1612] {strides = array<i32>} : memref<16x128xf32, #tpu.memory_space<vmem>>, vector<16xf32>,
    %mul3A_1614 = arith.mulf %get3A_1609, %get3A_1613 : vector<16xf32>
    %mul3A_1615 = arith.mulf %mul3A_1614, %gather3A_1605 : vector<16xf32>
    %get3A_1616 = arith.constant 11 : i32
    %get3A_1617 = arith.index_cast %get3A_1616 : i32 to index
    %get3A_1618 = arith.constant 64 : index
    %get3A_1619 = tpu.vector_load %arg20[%get3A_1617, %get3A_1618] {strides = array<i32>} : memref<16x128xf32, #tpu.memory_space<vmem>>, vector<16xf32>,
    %mul3A_1620 = arith.mulf %mul3A_1615, %get3A_1619 : vector<16xf32>
    %add3A_1621 = arith.addf %add3A_1602, %mul3A_1620 : vector<16xf32>
    %broadcast_in_dim3A_1622 = arith.constant 12 : i32
    %broadcast_in_dim3A_1623 = vector.broadcast %broadcast_in_dim3A_1622 : i32 to vector<16xi32>
    %gather3A_1624 = tpu.vector_load_idx %arg17[%broadcast_in_dim3A_1623, %get3A_1391] : memref<16x1000xf32, #tpu.memory_space<vmem>>[vector<16xi32>, vector<16xi32>], vector<16xf32>,
    %get3A_1625 = arith.constant 12 : i32
    %get3A_1626 = arith.index_cast %get3A_1625 : i32 to index
    %get3A_1627 = arith.constant 64 : index
    %get3A_1628 = tpu.vector_load %arg18[%get3A_1626, %get3A_1627] {strides = array<i32>} : memref<16x128xf32, #tpu.memory_space<vmem>>, vector<16xf32>,
    %get3A_1629 = arith.constant 12 : i32
    %get3A_1630 = arith.index_cast %get3A_1629 : i32 to index
    %get3A_1631 = arith.constant 64 : index
    %get3A_1632 = tpu.vector_load %arg19[%get3A_1630, %get3A_1631] {strides = array<i32>} : memref<16x128xf32, #tpu.memory_space<vmem>>, vector<16xf32>,
    %mul3A_1633 = arith.mulf %get3A_1628, %get3A_1632 : vector<16xf32>
    %mul3A_1634 = arith.mulf %mul3A_1633, %gather3A_1624 : vector<16xf32>
    %get3A_1635 = arith.constant 12 : i32
    %get3A_1636 = arith.index_cast %get3A_1635 : i32 to index
    %get3A_1637 = arith.constant 64 : index
    %get3A_1638 = tpu.vector_load %arg20[%get3A_1636, %get3A_1637] {strides = array<i32>} : memref<16x128xf32, #tpu.memory_space<vmem>>, vector<16xf32>,
    %mul3A_1639 = arith.mulf %mul3A_1634, %get3A_1638 : vector<16xf32>
    %add3A_1640 = arith.addf %add3A_1621, %mul3A_1639 : vector<16xf32>
    %broadcast_in_dim3A_1641 = arith.constant 13 : i32
    %broadcast_in_dim3A_1642 = vector.broadcast %broadcast_in_dim3A_1641 : i32 to vector<16xi32>
    %gather3A_1643 = tpu.vector_load_idx %arg17[%broadcast_in_dim3A_1642, %get3A_1391] : memref<16x1000xf32, #tpu.memory_space<vmem>>[vector<16xi32>, vector<16xi32>], vector<16xf32>,
    %get3A_1644 = arith.constant 13 : i32
    %get3A_1645 = arith.index_cast %get3A_1644 : i32 to index
    %get3A_1646 = arith.constant 64 : index
    %get3A_1647 = tpu.vector_load %arg18[%get3A_1645, %get3A_1646] {strides = array<i32>} : memref<16x128xf32, #tpu.memory_space<vmem>>, vector<16xf32>,
    %get3A_1648 = arith.constant 13 : i32
    %get3A_1649 = arith.index_cast %get3A_1648 : i32 to index
    %get3A_1650 = arith.constant 64 : index
    %get3A_1651 = tpu.vector_load %arg19[%get3A_1649, %get3A_1650] {strides = array<i32>} : memref<16x128xf32, #tpu.memory_space<vmem>>, vector<16xf32>,
    %mul3A_1652 = arith.mulf %get3A_1647, %get3A_1651 : vector<16xf32>
    %mul3A_1653 = arith.mulf %mul3A_1652, %gather3A_1643 : vector<16xf32>
    %get3A_1654 = arith.constant 13 : i32
    %get3A_1655 = arith.index_cast %get3A_1654 : i32 to index
    %get3A_1656 = arith.constant 64 : index
    %get3A_1657 = tpu.vector_load %arg20[%get3A_1655, %get3A_1656] {strides = array<i32>} : memref<16x128xf32, #tpu.memory_space<vmem>>, vector<16xf32>,
    %mul3A_1658 = arith.mulf %mul3A_1653, %get3A_1657 : vector<16xf32>
    %add3A_1659 = arith.addf %add3A_1640, %mul3A_1658 : vector<16xf32>
    %broadcast_in_dim3A_1660 = arith.constant 14 : i32
    %broadcast_in_dim3A_1661 = vector.broadcast %broadcast_in_dim3A_1660 : i32 to vector<16xi32>
    %gather3A_1662 = tpu.vector_load_idx %arg17[%broadcast_in_dim3A_1661, %get3A_1391] : memref<16x1000xf32, #tpu.memory_space<vmem>>[vector<16xi32>, vector<16xi32>], vector<16xf32>,
    %get3A_1663 = arith.constant 14 : i32
    %get3A_1664 = arith.index_cast %get3A_1663 : i32 to index
    %get3A_1665 = arith.constant 64 : index
    %get3A_1666 = tpu.vector_load %arg18[%get3A_1664, %get3A_1665] {strides = array<i32>} : memref<16x128xf32, #tpu.memory_space<vmem>>, vector<16xf32>,
    %get3A_1667 = arith.constant 14 : i32
    %get3A_1668 = arith.index_cast %get3A_1667 : i32 to index
    %get3A_1669 = arith.constant 64 : index
    %get3A_1670 = tpu.vector_load %arg19[%get3A_1668, %get3A_1669] {strides = array<i32>} : memref<16x128xf32, #tpu.memory_space<vmem>>, vector<16xf32>,
    %mul3A_1671 = arith.mulf %get3A_1666, %get3A_1670 : vector<16xf32>
    %mul3A_1672 = arith.mulf %mul3A_1671, %gather3A_1662 : vector<16xf32>
    %get3A_1673 = arith.constant 14 : i32
    %get3A_1674 = arith.index_cast %get3A_1673 : i32 to index
    %get3A_1675 = arith.constant 64 : index
    %get3A_1676 = tpu.vector_load %arg20[%get3A_1674, %get3A_1675] {strides = array<i32>} : memref<16x128xf32, #tpu.memory_space<vmem>>, vector<16xf32>,
    %mul3A_1677 = arith.mulf %mul3A_1672, %get3A_1676 : vector<16xf32>
    %add3A_1678 = arith.addf %add3A_1659, %mul3A_1677 : vector<16xf32>
    %broadcast_in_dim3A_1679 = arith.constant 15 : i32
    %broadcast_in_dim3A_1680 = vector.broadcast %broadcast_in_dim3A_1679 : i32 to vector<16xi32>
    %gather3A_1681 = tpu.vector_load_idx %arg17[%broadcast_in_dim3A_1680, %get3A_1391] : memref<16x1000xf32, #tpu.memory_space<vmem>>[vector<16xi32>, vector<16xi32>], vector<16xf32>,
    %get3A_1682 = arith.constant 15 : i32
    %get3A_1683 = arith.index_cast %get3A_1682 : i32 to index
    %get3A_1684 = arith.constant 64 : index
    %get3A_1685 = tpu.vector_load %arg18[%get3A_1683, %get3A_1684] {strides = array<i32>} : memref<16x128xf32, #tpu.memory_space<vmem>>, vector<16xf32>,
    %get3A_1686 = arith.constant 15 : i32
    %get3A_1687 = arith.index_cast %get3A_1686 : i32 to index
    %get3A_1688 = arith.constant 64 : index
    %get3A_1689 = tpu.vector_load %arg19[%get3A_1687, %get3A_1688] {strides = array<i32>} : memref<16x128xf32, #tpu.memory_space<vmem>>, vector<16xf32>,
    %mul3A_1690 = arith.mulf %get3A_1685, %get3A_1689 : vector<16xf32>
    %mul3A_1691 = arith.mulf %mul3A_1690, %gather3A_1681 : vector<16xf32>
    %get3A_1692 = arith.constant 15 : i32
    %get3A_1693 = arith.index_cast %get3A_1692 : i32 to index
    %get3A_1694 = arith.constant 64 : index
    %get3A_1695 = tpu.vector_load %arg20[%get3A_1693, %get3A_1694] {strides = array<i32>} : memref<16x128xf32, #tpu.memory_space<vmem>>, vector<16xf32>,
    %mul3A_1696 = arith.mulf %mul3A_1691, %get3A_1695 : vector<16xf32>
    %add3A_1697 = arith.addf %add3A_1678, %mul3A_1696 : vector<16xf32>
    %swap3A_1698 = arith.constant 0 : i32
    %swap3A_1699 = arith.index_cast %swap3A_1698 : i32 to index
    %swap3A_1700 = arith.constant 64 : index
    %swap3A_1701 = tpu.vector_load %arg22[%swap3A_1699, %swap3A_1700] {strides = array<i32>} : memref<1x128xf32, #tpu.memory_space<vmem>>, vector<16xf32>,
    tpu.vector_store %arg22[%swap3A_1699, %swap3A_1700], %add3A_1697 {strides = array<i32>} : memref<1x128xf32, #tpu.memory_space<vmem>>, vector<16xf32>,
    %get3A_1702 = arith.constant 0 : i32
    %get3A_1703 = arith.index_cast %get3A_1702 : i32 to index
    %get3A_1704 = arith.constant 64 : index
    %get3A_1705 = tpu.vector_load %arg21[%get3A_1703, %get3A_1704] {strides = array<i32>} : memref<1x128xf32, #tpu.memory_space<vmem>>, vector<16xf32>,
    %get3A_1706 = arith.constant 64 : index
    %get3A_1707 = tpu.vector_load %arg13[%get3A_1706] {strides = array<i32>} : memref<128xi32, #tpu.memory_space<vmem>>, vector<16xi32>,
    %convert_element_type3A_1708 = arith.sitofp %get3A_1707 : vector<16xi32> to vector<16xf32>
    %mul3A_1709 = vector.broadcast %squeeze3A : f32 to vector<16xf32>
    %mul3A_1710 = arith.mulf %mul3A_1709, %convert_element_type3A_1708 : vector<16xf32>
    %add3A_1711 = arith.addf %get3A_1705, %mul3A_1710 : vector<16xf32>
    %get3A_1712 = arith.constant 64 : index
    %get3A_1713 = tpu.vector_load %arg14[%get3A_1712] {strides = array<i32>} : memref<128xi32, #tpu.memory_space<vmem>>, vector<16xi32>,
    %convert_element_type3A_1714 = arith.sitofp %get3A_1713 : vector<16xi32> to vector<16xf32>
    %mul3A_1715 = vector.broadcast %squeeze3A_47 : f32 to vector<16xf32>
    %mul3A_1716 = arith.mulf %mul3A_1715, %convert_element_type3A_1714 : vector<16xf32>
    %add3A_1717 = arith.addf %add3A_1711, %mul3A_1716 : vector<16xf32>
    %convert_element_type3A_1718 = arith.sitofp %get3A_1391 : vector<16xi32> to vector<16xf32>
    %mul3A_1719 = vector.broadcast %squeeze3A_49 : f32 to vector<16xf32>
    %mul3A_1720 = arith.mulf %mul3A_1719, %convert_element_type3A_1718 : vector<16xf32>
    %add3A_1721 = arith.addf %add3A_1717, %mul3A_1720 : vector<16xf32>
    %swap3A_1722 = arith.constant 0 : i32
    %swap3A_1723 = arith.index_cast %swap3A_1722 : i32 to index
    %swap3A_1724 = arith.constant 64 : index
    %swap3A_1725 = tpu.vector_load %arg23[%swap3A_1723, %swap3A_1724] {strides = array<i32>} : memref<1x128xf32, #tpu.memory_space<vmem>>, vector<16xf32>,
    tpu.vector_store %arg23[%swap3A_1723, %swap3A_1724], %add3A_1721 {strides = array<i32>} : memref<1x128xf32, #tpu.memory_space<vmem>>, vector<16xf32>,
    %get3A_1726 = arith.constant 80 : index
    %get3A_1727 = tpu.vector_load %arg15[%get3A_1726] {strides = array<i32>} : memref<128xi32, #tpu.memory_space<vmem>>, vector<16xi32>,
    %broadcast_in_dim3A_1728 = arith.constant 0.000000e+00 : f32
    %broadcast_in_dim3A_1729 = vector.broadcast %broadcast_in_dim3A_1728 : f32 to vector<16xf32>
    %broadcast_in_dim3A_1730 = arith.constant 0 : i32
    %broadcast_in_dim3A_1731 = vector.broadcast %broadcast_in_dim3A_1730 : i32 to vector<16xi32>
    %gather3A_1732 = tpu.vector_load_idx %arg17[%broadcast_in_dim3A_1731, %get3A_1727] : memref<16x1000xf32, #tpu.memory_space<vmem>>[vector<16xi32>, vector<16xi32>], vector<16xf32>,
    %get3A_1733 = arith.constant 0 : i32
    %get3A_1734 = arith.index_cast %get3A_1733 : i32 to index
    %get3A_1735 = arith.constant 80 : index
    %get3A_1736 = tpu.vector_load %arg18[%get3A_1734, %get3A_1735] {strides = array<i32>} : memref<16x128xf32, #tpu.memory_space<vmem>>, vector<16xf32>,
    %get3A_1737 = arith.constant 0 : i32
    %get3A_1738 = arith.index_cast %get3A_1737 : i32 to index
    %get3A_1739 = arith.constant 80 : index
    %get3A_1740 = tpu.vector_load %arg19[%get3A_1738, %get3A_1739] {strides = array<i32>} : memref<16x128xf32, #tpu.memory_space<vmem>>, vector<16xf32>,
    %mul3A_1741 = arith.mulf %get3A_1736, %get3A_1740 : vector<16xf32>
    %mul3A_1742 = arith.mulf %mul3A_1741, %gather3A_1732 : vector<16xf32>
    %get3A_1743 = arith.constant 0 : i32
    %get3A_1744 = arith.index_cast %get3A_1743 : i32 to index
    %get3A_1745 = arith.constant 80 : index
    %get3A_1746 = tpu.vector_load %arg20[%get3A_1744, %get3A_1745] {strides = array<i32>} : memref<16x128xf32, #tpu.memory_space<vmem>>, vector<16xf32>,
    %mul3A_1747 = arith.mulf %mul3A_1742, %get3A_1746 : vector<16xf32>
    %add3A_1748 = arith.addf %broadcast_in_dim3A_1729, %mul3A_1747 : vector<16xf32>
    %broadcast_in_dim3A_1749 = arith.constant 1 : i32
    %broadcast_in_dim3A_1750 = vector.broadcast %broadcast_in_dim3A_1749 : i32 to vector<16xi32>
    %gather3A_1751 = tpu.vector_load_idx %arg17[%broadcast_in_dim3A_1750, %get3A_1727] : memref<16x1000xf32, #tpu.memory_space<vmem>>[vector<16xi32>, vector<16xi32>], vector<16xf32>,
    %get3A_1752 = arith.constant 1 : i32
    %get3A_1753 = arith.index_cast %get3A_1752 : i32 to index
    %get3A_1754 = arith.constant 80 : index
    %get3A_1755 = tpu.vector_load %arg18[%get3A_1753, %get3A_1754] {strides = array<i32>} : memref<16x128xf32, #tpu.memory_space<vmem>>, vector<16xf32>,
    %get3A_1756 = arith.constant 1 : i32
    %get3A_1757 = arith.index_cast %get3A_1756 : i32 to index
    %get3A_1758 = arith.constant 80 : index
    %get3A_1759 = tpu.vector_load %arg19[%get3A_1757, %get3A_1758] {strides = array<i32>} : memref<16x128xf32, #tpu.memory_space<vmem>>, vector<16xf32>,
    %mul3A_1760 = arith.mulf %get3A_1755, %get3A_1759 : vector<16xf32>
    %mul3A_1761 = arith.mulf %mul3A_1760, %gather3A_1751 : vector<16xf32>
    %get3A_1762 = arith.constant 1 : i32
    %get3A_1763 = arith.index_cast %get3A_1762 : i32 to index
    %get3A_1764 = arith.constant 80 : index
    %get3A_1765 = tpu.vector_load %arg20[%get3A_1763, %get3A_1764] {strides = array<i32>} : memref<16x128xf32, #tpu.memory_space<vmem>>, vector<16xf32>,
    %mul3A_1766 = arith.mulf %mul3A_1761, %get3A_1765 : vector<16xf32>
    %add3A_1767 = arith.addf %add3A_1748, %mul3A_1766 : vector<16xf32>
    %broadcast_in_dim3A_1768 = arith.constant 2 : i32
    %broadcast_in_dim3A_1769 = vector.broadcast %broadcast_in_dim3A_1768 : i32 to vector<16xi32>
    %gather3A_1770 = tpu.vector_load_idx %arg17[%broadcast_in_dim3A_1769, %get3A_1727] : memref<16x1000xf32, #tpu.memory_space<vmem>>[vector<16xi32>, vector<16xi32>], vector<16xf32>,
    %get3A_1771 = arith.constant 2 : i32
    %get3A_1772 = arith.index_cast %get3A_1771 : i32 to index
    %get3A_1773 = arith.constant 80 : index
    %get3A_1774 = tpu.vector_load %arg18[%get3A_1772, %get3A_1773] {strides = array<i32>} : memref<16x128xf32, #tpu.memory_space<vmem>>, vector<16xf32>,
    %get3A_1775 = arith.constant 2 : i32
    %get3A_1776 = arith.index_cast %get3A_1775 : i32 to index
    %get3A_1777 = arith.constant 80 : index
    %get3A_1778 = tpu.vector_load %arg19[%get3A_1776, %get3A_1777] {strides = array<i32>} : memref<16x128xf32, #tpu.memory_space<vmem>>, vector<16xf32>,
    %mul3A_1779 = arith.mulf %get3A_1774, %get3A_1778 : vector<16xf32>
    %mul3A_1780 = arith.mulf %mul3A_1779, %gather3A_1770 : vector<16xf32>
    %get3A_1781 = arith.constant 2 : i32
    %get3A_1782 = arith.index_cast %get3A_1781 : i32 to index
    %get3A_1783 = arith.constant 80 : index
    %get3A_1784 = tpu.vector_load %arg20[%get3A_1782, %get3A_1783] {strides = array<i32>} : memref<16x128xf32, #tpu.memory_space<vmem>>, vector<16xf32>,
    %mul3A_1785 = arith.mulf %mul3A_1780, %get3A_1784 : vector<16xf32>
    %add3A_1786 = arith.addf %add3A_1767, %mul3A_1785 : vector<16xf32>
    %broadcast_in_dim3A_1787 = arith.constant 3 : i32
    %broadcast_in_dim3A_1788 = vector.broadcast %broadcast_in_dim3A_1787 : i32 to vector<16xi32>
    %gather3A_1789 = tpu.vector_load_idx %arg17[%broadcast_in_dim3A_1788, %get3A_1727] : memref<16x1000xf32, #tpu.memory_space<vmem>>[vector<16xi32>, vector<16xi32>], vector<16xf32>,
    %get3A_1790 = arith.constant 3 : i32
    %get3A_1791 = arith.index_cast %get3A_1790 : i32 to index
    %get3A_1792 = arith.constant 80 : index
    %get3A_1793 = tpu.vector_load %arg18[%get3A_1791, %get3A_1792] {strides = array<i32>} : memref<16x128xf32, #tpu.memory_space<vmem>>, vector<16xf32>,
    %get3A_1794 = arith.constant 3 : i32
    %get3A_1795 = arith.index_cast %get3A_1794 : i32 to index
    %get3A_1796 = arith.constant 80 : index
    %get3A_1797 = tpu.vector_load %arg19[%get3A_1795, %get3A_1796] {strides = array<i32>} : memref<16x128xf32, #tpu.memory_space<vmem>>, vector<16xf32>,
    %mul3A_1798 = arith.mulf %get3A_1793, %get3A_1797 : vector<16xf32>
    %mul3A_1799 = arith.mulf %mul3A_1798, %gather3A_1789 : vector<16xf32>
    %get3A_1800 = arith.constant 3 : i32
    %get3A_1801 = arith.index_cast %get3A_1800 : i32 to index
    %get3A_1802 = arith.constant 80 : index
    %get3A_1803 = tpu.vector_load %arg20[%get3A_1801, %get3A_1802] {strides = array<i32>} : memref<16x128xf32, #tpu.memory_space<vmem>>, vector<16xf32>,
    %mul3A_1804 = arith.mulf %mul3A_1799, %get3A_1803 : vector<16xf32>
    %add3A_1805 = arith.addf %add3A_1786, %mul3A_1804 : vector<16xf32>
    %broadcast_in_dim3A_1806 = arith.constant 4 : i32
    %broadcast_in_dim3A_1807 = vector.broadcast %broadcast_in_dim3A_1806 : i32 to vector<16xi32>
    %gather3A_1808 = tpu.vector_load_idx %arg17[%broadcast_in_dim3A_1807, %get3A_1727] : memref<16x1000xf32, #tpu.memory_space<vmem>>[vector<16xi32>, vector<16xi32>], vector<16xf32>,
    %get3A_1809 = arith.constant 4 : i32
    %get3A_1810 = arith.index_cast %get3A_1809 : i32 to index
    %get3A_1811 = arith.constant 80 : index
    %get3A_1812 = tpu.vector_load %arg18[%get3A_1810, %get3A_1811] {strides = array<i32>} : memref<16x128xf32, #tpu.memory_space<vmem>>, vector<16xf32>,
    %get3A_1813 = arith.constant 4 : i32
    %get3A_1814 = arith.index_cast %get3A_1813 : i32 to index
    %get3A_1815 = arith.constant 80 : index
    %get3A_1816 = tpu.vector_load %arg19[%get3A_1814, %get3A_1815] {strides = array<i32>} : memref<16x128xf32, #tpu.memory_space<vmem>>, vector<16xf32>,
    %mul3A_1817 = arith.mulf %get3A_1812, %get3A_1816 : vector<16xf32>
    %mul3A_1818 = arith.mulf %mul3A_1817, %gather3A_1808 : vector<16xf32>
    %get3A_1819 = arith.constant 4 : i32
    %get3A_1820 = arith.index_cast %get3A_1819 : i32 to index
    %get3A_1821 = arith.constant 80 : index
    %get3A_1822 = tpu.vector_load %arg20[%get3A_1820, %get3A_1821] {strides = array<i32>} : memref<16x128xf32, #tpu.memory_space<vmem>>, vector<16xf32>,
    %mul3A_1823 = arith.mulf %mul3A_1818, %get3A_1822 : vector<16xf32>
    %add3A_1824 = arith.addf %add3A_1805, %mul3A_1823 : vector<16xf32>
    %broadcast_in_dim3A_1825 = arith.constant 5 : i32
    %broadcast_in_dim3A_1826 = vector.broadcast %broadcast_in_dim3A_1825 : i32 to vector<16xi32>
    %gather3A_1827 = tpu.vector_load_idx %arg17[%broadcast_in_dim3A_1826, %get3A_1727] : memref<16x1000xf32, #tpu.memory_space<vmem>>[vector<16xi32>, vector<16xi32>], vector<16xf32>,
    %get3A_1828 = arith.constant 5 : i32
    %get3A_1829 = arith.index_cast %get3A_1828 : i32 to index
    %get3A_1830 = arith.constant 80 : index
    %get3A_1831 = tpu.vector_load %arg18[%get3A_1829, %get3A_1830] {strides = array<i32>} : memref<16x128xf32, #tpu.memory_space<vmem>>, vector<16xf32>,
    %get3A_1832 = arith.constant 5 : i32
    %get3A_1833 = arith.index_cast %get3A_1832 : i32 to index
    %get3A_1834 = arith.constant 80 : index
    %get3A_1835 = tpu.vector_load %arg19[%get3A_1833, %get3A_1834] {strides = array<i32>} : memref<16x128xf32, #tpu.memory_space<vmem>>, vector<16xf32>,
    %mul3A_1836 = arith.mulf %get3A_1831, %get3A_1835 : vector<16xf32>
    %mul3A_1837 = arith.mulf %mul3A_1836, %gather3A_1827 : vector<16xf32>
    %get3A_1838 = arith.constant 5 : i32
    %get3A_1839 = arith.index_cast %get3A_1838 : i32 to index
    %get3A_1840 = arith.constant 80 : index
    %get3A_1841 = tpu.vector_load %arg20[%get3A_1839, %get3A_1840] {strides = array<i32>} : memref<16x128xf32, #tpu.memory_space<vmem>>, vector<16xf32>,
    %mul3A_1842 = arith.mulf %mul3A_1837, %get3A_1841 : vector<16xf32>
    %add3A_1843 = arith.addf %add3A_1824, %mul3A_1842 : vector<16xf32>
    %broadcast_in_dim3A_1844 = arith.constant 6 : i32
    %broadcast_in_dim3A_1845 = vector.broadcast %broadcast_in_dim3A_1844 : i32 to vector<16xi32>
    %gather3A_1846 = tpu.vector_load_idx %arg17[%broadcast_in_dim3A_1845, %get3A_1727] : memref<16x1000xf32, #tpu.memory_space<vmem>>[vector<16xi32>, vector<16xi32>], vector<16xf32>,
    %get3A_1847 = arith.constant 6 : i32
    %get3A_1848 = arith.index_cast %get3A_1847 : i32 to index
    %get3A_1849 = arith.constant 80 : index
    %get3A_1850 = tpu.vector_load %arg18[%get3A_1848, %get3A_1849] {strides = array<i32>} : memref<16x128xf32, #tpu.memory_space<vmem>>, vector<16xf32>,
    %get3A_1851 = arith.constant 6 : i32
    %get3A_1852 = arith.index_cast %get3A_1851 : i32 to index
    %get3A_1853 = arith.constant 80 : index
    %get3A_1854 = tpu.vector_load %arg19[%get3A_1852, %get3A_1853] {strides = array<i32>} : memref<16x128xf32, #tpu.memory_space<vmem>>, vector<16xf32>,
    %mul3A_1855 = arith.mulf %get3A_1850, %get3A_1854 : vector<16xf32>
    %mul3A_1856 = arith.mulf %mul3A_1855, %gather3A_1846 : vector<16xf32>
    %get3A_1857 = arith.constant 6 : i32
    %get3A_1858 = arith.index_cast %get3A_1857 : i32 to index
    %get3A_1859 = arith.constant 80 : index
    %get3A_1860 = tpu.vector_load %arg20[%get3A_1858, %get3A_1859] {strides = array<i32>} : memref<16x128xf32, #tpu.memory_space<vmem>>, vector<16xf32>,
    %mul3A_1861 = arith.mulf %mul3A_1856, %get3A_1860 : vector<16xf32>
    %add3A_1862 = arith.addf %add3A_1843, %mul3A_1861 : vector<16xf32>
    %broadcast_in_dim3A_1863 = arith.constant 7 : i32
    %broadcast_in_dim3A_1864 = vector.broadcast %broadcast_in_dim3A_1863 : i32 to vector<16xi32>
    %gather3A_1865 = tpu.vector_load_idx %arg17[%broadcast_in_dim3A_1864, %get3A_1727] : memref<16x1000xf32, #tpu.memory_space<vmem>>[vector<16xi32>, vector<16xi32>], vector<16xf32>,
    %get3A_1866 = arith.constant 7 : i32
    %get3A_1867 = arith.index_cast %get3A_1866 : i32 to index
    %get3A_1868 = arith.constant 80 : index
    %get3A_1869 = tpu.vector_load %arg18[%get3A_1867, %get3A_1868] {strides = array<i32>} : memref<16x128xf32, #tpu.memory_space<vmem>>, vector<16xf32>,
    %get3A_1870 = arith.constant 7 : i32
    %get3A_1871 = arith.index_cast %get3A_1870 : i32 to index
    %get3A_1872 = arith.constant 80 : index
    %get3A_1873 = tpu.vector_load %arg19[%get3A_1871, %get3A_1872] {strides = array<i32>} : memref<16x128xf32, #tpu.memory_space<vmem>>, vector<16xf32>,
    %mul3A_1874 = arith.mulf %get3A_1869, %get3A_1873 : vector<16xf32>
    %mul3A_1875 = arith.mulf %mul3A_1874, %gather3A_1865 : vector<16xf32>
    %get3A_1876 = arith.constant 7 : i32
    %get3A_1877 = arith.index_cast %get3A_1876 : i32 to index
    %get3A_1878 = arith.constant 80 : index
    %get3A_1879 = tpu.vector_load %arg20[%get3A_1877, %get3A_1878] {strides = array<i32>} : memref<16x128xf32, #tpu.memory_space<vmem>>, vector<16xf32>,
    %mul3A_1880 = arith.mulf %mul3A_1875, %get3A_1879 : vector<16xf32>
    %add3A_1881 = arith.addf %add3A_1862, %mul3A_1880 : vector<16xf32>
    %broadcast_in_dim3A_1882 = arith.constant 8 : i32
    %broadcast_in_dim3A_1883 = vector.broadcast %broadcast_in_dim3A_1882 : i32 to vector<16xi32>
    %gather3A_1884 = tpu.vector_load_idx %arg17[%broadcast_in_dim3A_1883, %get3A_1727] : memref<16x1000xf32, #tpu.memory_space<vmem>>[vector<16xi32>, vector<16xi32>], vector<16xf32>,
    %get3A_1885 = arith.constant 8 : i32
    %get3A_1886 = arith.index_cast %get3A_1885 : i32 to index
    %get3A_1887 = arith.constant 80 : index
    %get3A_1888 = tpu.vector_load %arg18[%get3A_1886, %get3A_1887] {strides = array<i32>} : memref<16x128xf32, #tpu.memory_space<vmem>>, vector<16xf32>,
    %get3A_1889 = arith.constant 8 : i32
    %get3A_1890 = arith.index_cast %get3A_1889 : i32 to index
    %get3A_1891 = arith.constant 80 : index
    %get3A_1892 = tpu.vector_load %arg19[%get3A_1890, %get3A_1891] {strides = array<i32>} : memref<16x128xf32, #tpu.memory_space<vmem>>, vector<16xf32>,
    %mul3A_1893 = arith.mulf %get3A_1888, %get3A_1892 : vector<16xf32>
    %mul3A_1894 = arith.mulf %mul3A_1893, %gather3A_1884 : vector<16xf32>
    %get3A_1895 = arith.constant 8 : i32
    %get3A_1896 = arith.index_cast %get3A_1895 : i32 to index
    %get3A_1897 = arith.constant 80 : index
    %get3A_1898 = tpu.vector_load %arg20[%get3A_1896, %get3A_1897] {strides = array<i32>} : memref<16x128xf32, #tpu.memory_space<vmem>>, vector<16xf32>,
    %mul3A_1899 = arith.mulf %mul3A_1894, %get3A_1898 : vector<16xf32>
    %add3A_1900 = arith.addf %add3A_1881, %mul3A_1899 : vector<16xf32>
    %broadcast_in_dim3A_1901 = arith.constant 9 : i32
    %broadcast_in_dim3A_1902 = vector.broadcast %broadcast_in_dim3A_1901 : i32 to vector<16xi32>
    %gather3A_1903 = tpu.vector_load_idx %arg17[%broadcast_in_dim3A_1902, %get3A_1727] : memref<16x1000xf32, #tpu.memory_space<vmem>>[vector<16xi32>, vector<16xi32>], vector<16xf32>,
    %get3A_1904 = arith.constant 9 : i32
    %get3A_1905 = arith.index_cast %get3A_1904 : i32 to index
    %get3A_1906 = arith.constant 80 : index
    %get3A_1907 = tpu.vector_load %arg18[%get3A_1905, %get3A_1906] {strides = array<i32>} : memref<16x128xf32, #tpu.memory_space<vmem>>, vector<16xf32>,
    %get3A_1908 = arith.constant 9 : i32
    %get3A_1909 = arith.index_cast %get3A_1908 : i32 to index
    %get3A_1910 = arith.constant 80 : index
    %get3A_1911 = tpu.vector_load %arg19[%get3A_1909, %get3A_1910] {strides = array<i32>} : memref<16x128xf32, #tpu.memory_space<vmem>>, vector<16xf32>,
    %mul3A_1912 = arith.mulf %get3A_1907, %get3A_1911 : vector<16xf32>
    %mul3A_1913 = arith.mulf %mul3A_1912, %gather3A_1903 : vector<16xf32>
    %get3A_1914 = arith.constant 9 : i32
    %get3A_1915 = arith.index_cast %get3A_1914 : i32 to index
    %get3A_1916 = arith.constant 80 : index
    %get3A_1917 = tpu.vector_load %arg20[%get3A_1915, %get3A_1916] {strides = array<i32>} : memref<16x128xf32, #tpu.memory_space<vmem>>, vector<16xf32>,
    %mul3A_1918 = arith.mulf %mul3A_1913, %get3A_1917 : vector<16xf32>
    %add3A_1919 = arith.addf %add3A_1900, %mul3A_1918 : vector<16xf32>
    %broadcast_in_dim3A_1920 = arith.constant 10 : i32
    %broadcast_in_dim3A_1921 = vector.broadcast %broadcast_in_dim3A_1920 : i32 to vector<16xi32>
    %gather3A_1922 = tpu.vector_load_idx %arg17[%broadcast_in_dim3A_1921, %get3A_1727] : memref<16x1000xf32, #tpu.memory_space<vmem>>[vector<16xi32>, vector<16xi32>], vector<16xf32>,
    %get3A_1923 = arith.constant 10 : i32
    %get3A_1924 = arith.index_cast %get3A_1923 : i32 to index
    %get3A_1925 = arith.constant 80 : index
    %get3A_1926 = tpu.vector_load %arg18[%get3A_1924, %get3A_1925] {strides = array<i32>} : memref<16x128xf32, #tpu.memory_space<vmem>>, vector<16xf32>,
    %get3A_1927 = arith.constant 10 : i32
    %get3A_1928 = arith.index_cast %get3A_1927 : i32 to index
    %get3A_1929 = arith.constant 80 : index
    %get3A_1930 = tpu.vector_load %arg19[%get3A_1928, %get3A_1929] {strides = array<i32>} : memref<16x128xf32, #tpu.memory_space<vmem>>, vector<16xf32>,
    %mul3A_1931 = arith.mulf %get3A_1926, %get3A_1930 : vector<16xf32>
    %mul3A_1932 = arith.mulf %mul3A_1931, %gather3A_1922 : vector<16xf32>
    %get3A_1933 = arith.constant 10 : i32
    %get3A_1934 = arith.index_cast %get3A_1933 : i32 to index
    %get3A_1935 = arith.constant 80 : index
    %get3A_1936 = tpu.vector_load %arg20[%get3A_1934, %get3A_1935] {strides = array<i32>} : memref<16x128xf32, #tpu.memory_space<vmem>>, vector<16xf32>,
    %mul3A_1937 = arith.mulf %mul3A_1932, %get3A_1936 : vector<16xf32>
    %add3A_1938 = arith.addf %add3A_1919, %mul3A_1937 : vector<16xf32>
    %broadcast_in_dim3A_1939 = arith.constant 11 : i32
    %broadcast_in_dim3A_1940 = vector.broadcast %broadcast_in_dim3A_1939 : i32 to vector<16xi32>
    %gather3A_1941 = tpu.vector_load_idx %arg17[%broadcast_in_dim3A_1940, %get3A_1727] : memref<16x1000xf32, #tpu.memory_space<vmem>>[vector<16xi32>, vector<16xi32>], vector<16xf32>,
    %get3A_1942 = arith.constant 11 : i32
    %get3A_1943 = arith.index_cast %get3A_1942 : i32 to index
    %get3A_1944 = arith.constant 80 : index
    %get3A_1945 = tpu.vector_load %arg18[%get3A_1943, %get3A_1944] {strides = array<i32>} : memref<16x128xf32, #tpu.memory_space<vmem>>, vector<16xf32>,
    %get3A_1946 = arith.constant 11 : i32
    %get3A_1947 = arith.index_cast %get3A_1946 : i32 to index
    %get3A_1948 = arith.constant 80 : index
    %get3A_1949 = tpu.vector_load %arg19[%get3A_1947, %get3A_1948] {strides = array<i32>} : memref<16x128xf32, #tpu.memory_space<vmem>>, vector<16xf32>,
    %mul3A_1950 = arith.mulf %get3A_1945, %get3A_1949 : vector<16xf32>
    %mul3A_1951 = arith.mulf %mul3A_1950, %gather3A_1941 : vector<16xf32>
    %get3A_1952 = arith.constant 11 : i32
    %get3A_1953 = arith.index_cast %get3A_1952 : i32 to index
    %get3A_1954 = arith.constant 80 : index
    %get3A_1955 = tpu.vector_load %arg20[%get3A_1953, %get3A_1954] {strides = array<i32>} : memref<16x128xf32, #tpu.memory_space<vmem>>, vector<16xf32>,
    %mul3A_1956 = arith.mulf %mul3A_1951, %get3A_1955 : vector<16xf32>
    %add3A_1957 = arith.addf %add3A_1938, %mul3A_1956 : vector<16xf32>
    %broadcast_in_dim3A_1958 = arith.constant 12 : i32
    %broadcast_in_dim3A_1959 = vector.broadcast %broadcast_in_dim3A_1958 : i32 to vector<16xi32>
    %gather3A_1960 = tpu.vector_load_idx %arg17[%broadcast_in_dim3A_1959, %get3A_1727] : memref<16x1000xf32, #tpu.memory_space<vmem>>[vector<16xi32>, vector<16xi32>], vector<16xf32>,
    %get3A_1961 = arith.constant 12 : i32
    %get3A_1962 = arith.index_cast %get3A_1961 : i32 to index
    %get3A_1963 = arith.constant 80 : index
    %get3A_1964 = tpu.vector_load %arg18[%get3A_1962, %get3A_1963] {strides = array<i32>} : memref<16x128xf32, #tpu.memory_space<vmem>>, vector<16xf32>,
    %get3A_1965 = arith.constant 12 : i32
    %get3A_1966 = arith.index_cast %get3A_1965 : i32 to index
    %get3A_1967 = arith.constant 80 : index
    %get3A_1968 = tpu.vector_load %arg19[%get3A_1966, %get3A_1967] {strides = array<i32>} : memref<16x128xf32, #tpu.memory_space<vmem>>, vector<16xf32>,
    %mul3A_1969 = arith.mulf %get3A_1964, %get3A_1968 : vector<16xf32>
    %mul3A_1970 = arith.mulf %mul3A_1969, %gather3A_1960 : vector<16xf32>
    %get3A_1971 = arith.constant 12 : i32
    %get3A_1972 = arith.index_cast %get3A_1971 : i32 to index
    %get3A_1973 = arith.constant 80 : index
    %get3A_1974 = tpu.vector_load %arg20[%get3A_1972, %get3A_1973] {strides = array<i32>} : memref<16x128xf32, #tpu.memory_space<vmem>>, vector<16xf32>,
    %mul3A_1975 = arith.mulf %mul3A_1970, %get3A_1974 : vector<16xf32>
    %add3A_1976 = arith.addf %add3A_1957, %mul3A_1975 : vector<16xf32>
    %broadcast_in_dim3A_1977 = arith.constant 13 : i32
    %broadcast_in_dim3A_1978 = vector.broadcast %broadcast_in_dim3A_1977 : i32 to vector<16xi32>
    %gather3A_1979 = tpu.vector_load_idx %arg17[%broadcast_in_dim3A_1978, %get3A_1727] : memref<16x1000xf32, #tpu.memory_space<vmem>>[vector<16xi32>, vector<16xi32>], vector<16xf32>,
    %get3A_1980 = arith.constant 13 : i32
    %get3A_1981 = arith.index_cast %get3A_1980 : i32 to index
    %get3A_1982 = arith.constant 80 : index
    %get3A_1983 = tpu.vector_load %arg18[%get3A_1981, %get3A_1982] {strides = array<i32>} : memref<16x128xf32, #tpu.memory_space<vmem>>, vector<16xf32>,
    %get3A_1984 = arith.constant 13 : i32
    %get3A_1985 = arith.index_cast %get3A_1984 : i32 to index
    %get3A_1986 = arith.constant 80 : index
    %get3A_1987 = tpu.vector_load %arg19[%get3A_1985, %get3A_1986] {strides = array<i32>} : memref<16x128xf32, #tpu.memory_space<vmem>>, vector<16xf32>,
    %mul3A_1988 = arith.mulf %get3A_1983, %get3A_1987 : vector<16xf32>
    %mul3A_1989 = arith.mulf %mul3A_1988, %gather3A_1979 : vector<16xf32>
    %get3A_1990 = arith.constant 13 : i32
    %get3A_1991 = arith.index_cast %get3A_1990 : i32 to index
    %get3A_1992 = arith.constant 80 : index
    %get3A_1993 = tpu.vector_load %arg20[%get3A_1991, %get3A_1992] {strides = array<i32>} : memref<16x128xf32, #tpu.memory_space<vmem>>, vector<16xf32>,
    %mul3A_1994 = arith.mulf %mul3A_1989, %get3A_1993 : vector<16xf32>
    %add3A_1995 = arith.addf %add3A_1976, %mul3A_1994 : vector<16xf32>
    %broadcast_in_dim3A_1996 = arith.constant 14 : i32
    %broadcast_in_dim3A_1997 = vector.broadcast %broadcast_in_dim3A_1996 : i32 to vector<16xi32>
    %gather3A_1998 = tpu.vector_load_idx %arg17[%broadcast_in_dim3A_1997, %get3A_1727] : memref<16x1000xf32, #tpu.memory_space<vmem>>[vector<16xi32>, vector<16xi32>], vector<16xf32>,
    %get3A_1999 = arith.constant 14 : i32
    %get3A_2000 = arith.index_cast %get3A_1999 : i32 to index
    %get3A_2001 = arith.constant 80 : index
    %get3A_2002 = tpu.vector_load %arg18[%get3A_2000, %get3A_2001] {strides = array<i32>} : memref<16x128xf32, #tpu.memory_space<vmem>>, vector<16xf32>,
    %get3A_2003 = arith.constant 14 : i32
    %get3A_2004 = arith.index_cast %get3A_2003 : i32 to index
    %get3A_2005 = arith.constant 80 : index
    %get3A_2006 = tpu.vector_load %arg19[%get3A_2004, %get3A_2005] {strides = array<i32>} : memref<16x128xf32, #tpu.memory_space<vmem>>, vector<16xf32>,
    %mul3A_2007 = arith.mulf %get3A_2002, %get3A_2006 : vector<16xf32>
    %mul3A_2008 = arith.mulf %mul3A_2007, %gather3A_1998 : vector<16xf32>
    %get3A_2009 = arith.constant 14 : i32
    %get3A_2010 = arith.index_cast %get3A_2009 : i32 to index
    %get3A_2011 = arith.constant 80 : index
    %get3A_2012 = tpu.vector_load %arg20[%get3A_2010, %get3A_2011] {strides = array<i32>} : memref<16x128xf32, #tpu.memory_space<vmem>>, vector<16xf32>,
    %mul3A_2013 = arith.mulf %mul3A_2008, %get3A_2012 : vector<16xf32>
    %add3A_2014 = arith.addf %add3A_1995, %mul3A_2013 : vector<16xf32>
    %broadcast_in_dim3A_2015 = arith.constant 15 : i32
    %broadcast_in_dim3A_2016 = vector.broadcast %broadcast_in_dim3A_2015 : i32 to vector<16xi32>
    %gather3A_2017 = tpu.vector_load_idx %arg17[%broadcast_in_dim3A_2016, %get3A_1727] : memref<16x1000xf32, #tpu.memory_space<vmem>>[vector<16xi32>, vector<16xi32>], vector<16xf32>,
    %get3A_2018 = arith.constant 15 : i32
    %get3A_2019 = arith.index_cast %get3A_2018 : i32 to index
    %get3A_2020 = arith.constant 80 : index
    %get3A_2021 = tpu.vector_load %arg18[%get3A_2019, %get3A_2020] {strides = array<i32>} : memref<16x128xf32, #tpu.memory_space<vmem>>, vector<16xf32>,
    %get3A_2022 = arith.constant 15 : i32
    %get3A_2023 = arith.index_cast %get3A_2022 : i32 to index
    %get3A_2024 = arith.constant 80 : index
    %get3A_2025 = tpu.vector_load %arg19[%get3A_2023, %get3A_2024] {strides = array<i32>} : memref<16x128xf32, #tpu.memory_space<vmem>>, vector<16xf32>,
    %mul3A_2026 = arith.mulf %get3A_2021, %get3A_2025 : vector<16xf32>
    %mul3A_2027 = arith.mulf %mul3A_2026, %gather3A_2017 : vector<16xf32>
    %get3A_2028 = arith.constant 15 : i32
    %get3A_2029 = arith.index_cast %get3A_2028 : i32 to index
    %get3A_2030 = arith.constant 80 : index
    %get3A_2031 = tpu.vector_load %arg20[%get3A_2029, %get3A_2030] {strides = array<i32>} : memref<16x128xf32, #tpu.memory_space<vmem>>, vector<16xf32>,
    %mul3A_2032 = arith.mulf %mul3A_2027, %get3A_2031 : vector<16xf32>
    %add3A_2033 = arith.addf %add3A_2014, %mul3A_2032 : vector<16xf32>
    %swap3A_2034 = arith.constant 0 : i32
    %swap3A_2035 = arith.index_cast %swap3A_2034 : i32 to index
    %swap3A_2036 = arith.constant 80 : index
    %swap3A_2037 = tpu.vector_load %arg22[%swap3A_2035, %swap3A_2036] {strides = array<i32>} : memref<1x128xf32, #tpu.memory_space<vmem>>, vector<16xf32>,
    tpu.vector_store %arg22[%swap3A_2035, %swap3A_2036], %add3A_2033 {strides = array<i32>} : memref<1x128xf32, #tpu.memory_space<vmem>>, vector<16xf32>,
    %get3A_2038 = arith.constant 0 : i32
    %get3A_2039 = arith.index_cast %get3A_2038 : i32 to index
    %get3A_2040 = arith.constant 80 : index
    %get3A_2041 = tpu.vector_load %arg21[%get3A_2039, %get3A_2040] {strides = array<i32>} : memref<1x128xf32, #tpu.memory_space<vmem>>, vector<16xf32>,
    %get3A_2042 = arith.constant 80 : index
    %get3A_2043 = tpu.vector_load %arg13[%get3A_2042] {strides = array<i32>} : memref<128xi32, #tpu.memory_space<vmem>>, vector<16xi32>,
    %convert_element_type3A_2044 = arith.sitofp %get3A_2043 : vector<16xi32> to vector<16xf32>
    %mul3A_2045 = vector.broadcast %squeeze3A : f32 to vector<16xf32>
    %mul3A_2046 = arith.mulf %mul3A_2045, %convert_element_type3A_2044 : vector<16xf32>
    %add3A_2047 = arith.addf %get3A_2041, %mul3A_2046 : vector<16xf32>
    %get3A_2048 = arith.constant 80 : index
    %get3A_2049 = tpu.vector_load %arg14[%get3A_2048] {strides = array<i32>} : memref<128xi32, #tpu.memory_space<vmem>>, vector<16xi32>,
    %convert_element_type3A_2050 = arith.sitofp %get3A_2049 : vector<16xi32> to vector<16xf32>
    %mul3A_2051 = vector.broadcast %squeeze3A_47 : f32 to vector<16xf32>
    %mul3A_2052 = arith.mulf %mul3A_2051, %convert_element_type3A_2050 : vector<16xf32>
    %add3A_2053 = arith.addf %add3A_2047, %mul3A_2052 : vector<16xf32>
    %convert_element_type3A_2054 = arith.sitofp %get3A_1727 : vector<16xi32> to vector<16xf32>
    %mul3A_2055 = vector.broadcast %squeeze3A_49 : f32 to vector<16xf32>
    %mul3A_2056 = arith.mulf %mul3A_2055, %convert_element_type3A_2054 : vector<16xf32>
    %add3A_2057 = arith.addf %add3A_2053, %mul3A_2056 : vector<16xf32>
    %swap3A_2058 = arith.constant 0 : i32
    %swap3A_2059 = arith.index_cast %swap3A_2058 : i32 to index
    %swap3A_2060 = arith.constant 80 : index
    %swap3A_2061 = tpu.vector_load %arg23[%swap3A_2059, %swap3A_2060] {strides = array<i32>} : memref<1x128xf32, #tpu.memory_space<vmem>>, vector<16xf32>,
    tpu.vector_store %arg23[%swap3A_2059, %swap3A_2060], %add3A_2057 {strides = array<i32>} : memref<1x128xf32, #tpu.memory_space<vmem>>, vector<16xf32>,
    %get3A_2062 = arith.constant 96 : index
    %get3A_2063 = tpu.vector_load %arg15[%get3A_2062] {strides = array<i32>} : memref<128xi32, #tpu.memory_space<vmem>>, vector<16xi32>,
    %broadcast_in_dim3A_2064 = arith.constant 0.000000e+00 : f32
    %broadcast_in_dim3A_2065 = vector.broadcast %broadcast_in_dim3A_2064 : f32 to vector<16xf32>
    %broadcast_in_dim3A_2066 = arith.constant 0 : i32
    %broadcast_in_dim3A_2067 = vector.broadcast %broadcast_in_dim3A_2066 : i32 to vector<16xi32>
    %gather3A_2068 = tpu.vector_load_idx %arg17[%broadcast_in_dim3A_2067, %get3A_2063] : memref<16x1000xf32, #tpu.memory_space<vmem>>[vector<16xi32>, vector<16xi32>], vector<16xf32>,
    %get3A_2069 = arith.constant 0 : i32
    %get3A_2070 = arith.index_cast %get3A_2069 : i32 to index
    %get3A_2071 = arith.constant 96 : index
    %get3A_2072 = tpu.vector_load %arg18[%get3A_2070, %get3A_2071] {strides = array<i32>} : memref<16x128xf32, #tpu.memory_space<vmem>>, vector<16xf32>,
    %get3A_2073 = arith.constant 0 : i32
    %get3A_2074 = arith.index_cast %get3A_2073 : i32 to index
    %get3A_2075 = arith.constant 96 : index
    %get3A_2076 = tpu.vector_load %arg19[%get3A_2074, %get3A_2075] {strides = array<i32>} : memref<16x128xf32, #tpu.memory_space<vmem>>, vector<16xf32>,
    %mul3A_2077 = arith.mulf %get3A_2072, %get3A_2076 : vector<16xf32>
    %mul3A_2078 = arith.mulf %mul3A_2077, %gather3A_2068 : vector<16xf32>
    %get3A_2079 = arith.constant 0 : i32
    %get3A_2080 = arith.index_cast %get3A_2079 : i32 to index
    %get3A_2081 = arith.constant 96 : index
    %get3A_2082 = tpu.vector_load %arg20[%get3A_2080, %get3A_2081] {strides = array<i32>} : memref<16x128xf32, #tpu.memory_space<vmem>>, vector<16xf32>,
    %mul3A_2083 = arith.mulf %mul3A_2078, %get3A_2082 : vector<16xf32>
    %add3A_2084 = arith.addf %broadcast_in_dim3A_2065, %mul3A_2083 : vector<16xf32>
    %broadcast_in_dim3A_2085 = arith.constant 1 : i32
    %broadcast_in_dim3A_2086 = vector.broadcast %broadcast_in_dim3A_2085 : i32 to vector<16xi32>
    %gather3A_2087 = tpu.vector_load_idx %arg17[%broadcast_in_dim3A_2086, %get3A_2063] : memref<16x1000xf32, #tpu.memory_space<vmem>>[vector<16xi32>, vector<16xi32>], vector<16xf32>,
    %get3A_2088 = arith.constant 1 : i32
    %get3A_2089 = arith.index_cast %get3A_2088 : i32 to index
    %get3A_2090 = arith.constant 96 : index
    %get3A_2091 = tpu.vector_load %arg18[%get3A_2089, %get3A_2090] {strides = array<i32>} : memref<16x128xf32, #tpu.memory_space<vmem>>, vector<16xf32>,
    %get3A_2092 = arith.constant 1 : i32
    %get3A_2093 = arith.index_cast %get3A_2092 : i32 to index
    %get3A_2094 = arith.constant 96 : index
    %get3A_2095 = tpu.vector_load %arg19[%get3A_2093, %get3A_2094] {strides = array<i32>} : memref<16x128xf32, #tpu.memory_space<vmem>>, vector<16xf32>,
    %mul3A_2096 = arith.mulf %get3A_2091, %get3A_2095 : vector<16xf32>
    %mul3A_2097 = arith.mulf %mul3A_2096, %gather3A_2087 : vector<16xf32>
    %get3A_2098 = arith.constant 1 : i32
    %get3A_2099 = arith.index_cast %get3A_2098 : i32 to index
    %get3A_2100 = arith.constant 96 : index
    %get3A_2101 = tpu.vector_load %arg20[%get3A_2099, %get3A_2100] {strides = array<i32>} : memref<16x128xf32, #tpu.memory_space<vmem>>, vector<16xf32>,
    %mul3A_2102 = arith.mulf %mul3A_2097, %get3A_2101 : vector<16xf32>
    %add3A_2103 = arith.addf %add3A_2084, %mul3A_2102 : vector<16xf32>
    %broadcast_in_dim3A_2104 = arith.constant 2 : i32
    %broadcast_in_dim3A_2105 = vector.broadcast %broadcast_in_dim3A_2104 : i32 to vector<16xi32>
    %gather3A_2106 = tpu.vector_load_idx %arg17[%broadcast_in_dim3A_2105, %get3A_2063] : memref<16x1000xf32, #tpu.memory_space<vmem>>[vector<16xi32>, vector<16xi32>], vector<16xf32>,
    %get3A_2107 = arith.constant 2 : i32
    %get3A_2108 = arith.index_cast %get3A_2107 : i32 to index
    %get3A_2109 = arith.constant 96 : index
    %get3A_2110 = tpu.vector_load %arg18[%get3A_2108, %get3A_2109] {strides = array<i32>} : memref<16x128xf32, #tpu.memory_space<vmem>>, vector<16xf32>,
    %get3A_2111 = arith.constant 2 : i32
    %get3A_2112 = arith.index_cast %get3A_2111 : i32 to index
    %get3A_2113 = arith.constant 96 : index
    %get3A_2114 = tpu.vector_load %arg19[%get3A_2112, %get3A_2113] {strides = array<i32>} : memref<16x128xf32, #tpu.memory_space<vmem>>, vector<16xf32>,
    %mul3A_2115 = arith.mulf %get3A_2110, %get3A_2114 : vector<16xf32>
    %mul3A_2116 = arith.mulf %mul3A_2115, %gather3A_2106 : vector<16xf32>
    %get3A_2117 = arith.constant 2 : i32
    %get3A_2118 = arith.index_cast %get3A_2117 : i32 to index
    %get3A_2119 = arith.constant 96 : index
    %get3A_2120 = tpu.vector_load %arg20[%get3A_2118, %get3A_2119] {strides = array<i32>} : memref<16x128xf32, #tpu.memory_space<vmem>>, vector<16xf32>,
    %mul3A_2121 = arith.mulf %mul3A_2116, %get3A_2120 : vector<16xf32>
    %add3A_2122 = arith.addf %add3A_2103, %mul3A_2121 : vector<16xf32>
    %broadcast_in_dim3A_2123 = arith.constant 3 : i32
    %broadcast_in_dim3A_2124 = vector.broadcast %broadcast_in_dim3A_2123 : i32 to vector<16xi32>
    %gather3A_2125 = tpu.vector_load_idx %arg17[%broadcast_in_dim3A_2124, %get3A_2063] : memref<16x1000xf32, #tpu.memory_space<vmem>>[vector<16xi32>, vector<16xi32>], vector<16xf32>,
    %get3A_2126 = arith.constant 3 : i32
    %get3A_2127 = arith.index_cast %get3A_2126 : i32 to index
    %get3A_2128 = arith.constant 96 : index
    %get3A_2129 = tpu.vector_load %arg18[%get3A_2127, %get3A_2128] {strides = array<i32>} : memref<16x128xf32, #tpu.memory_space<vmem>>, vector<16xf32>,
    %get3A_2130 = arith.constant 3 : i32
    %get3A_2131 = arith.index_cast %get3A_2130 : i32 to index
    %get3A_2132 = arith.constant 96 : index
    %get3A_2133 = tpu.vector_load %arg19[%get3A_2131, %get3A_2132] {strides = array<i32>} : memref<16x128xf32, #tpu.memory_space<vmem>>, vector<16xf32>,
    %mul3A_2134 = arith.mulf %get3A_2129, %get3A_2133 : vector<16xf32>
    %mul3A_2135 = arith.mulf %mul3A_2134, %gather3A_2125 : vector<16xf32>
    %get3A_2136 = arith.constant 3 : i32
    %get3A_2137 = arith.index_cast %get3A_2136 : i32 to index
    %get3A_2138 = arith.constant 96 : index
    %get3A_2139 = tpu.vector_load %arg20[%get3A_2137, %get3A_2138] {strides = array<i32>} : memref<16x128xf32, #tpu.memory_space<vmem>>, vector<16xf32>,
    %mul3A_2140 = arith.mulf %mul3A_2135, %get3A_2139 : vector<16xf32>
    %add3A_2141 = arith.addf %add3A_2122, %mul3A_2140 : vector<16xf32>
    %broadcast_in_dim3A_2142 = arith.constant 4 : i32
    %broadcast_in_dim3A_2143 = vector.broadcast %broadcast_in_dim3A_2142 : i32 to vector<16xi32>
    %gather3A_2144 = tpu.vector_load_idx %arg17[%broadcast_in_dim3A_2143, %get3A_2063] : memref<16x1000xf32, #tpu.memory_space<vmem>>[vector<16xi32>, vector<16xi32>], vector<16xf32>,
    %get3A_2145 = arith.constant 4 : i32
    %get3A_2146 = arith.index_cast %get3A_2145 : i32 to index
    %get3A_2147 = arith.constant 96 : index
    %get3A_2148 = tpu.vector_load %arg18[%get3A_2146, %get3A_2147] {strides = array<i32>} : memref<16x128xf32, #tpu.memory_space<vmem>>, vector<16xf32>,
    %get3A_2149 = arith.constant 4 : i32
    %get3A_2150 = arith.index_cast %get3A_2149 : i32 to index
    %get3A_2151 = arith.constant 96 : index
    %get3A_2152 = tpu.vector_load %arg19[%get3A_2150, %get3A_2151] {strides = array<i32>} : memref<16x128xf32, #tpu.memory_space<vmem>>, vector<16xf32>,
    %mul3A_2153 = arith.mulf %get3A_2148, %get3A_2152 : vector<16xf32>
    %mul3A_2154 = arith.mulf %mul3A_2153, %gather3A_2144 : vector<16xf32>
    %get3A_2155 = arith.constant 4 : i32
    %get3A_2156 = arith.index_cast %get3A_2155 : i32 to index
    %get3A_2157 = arith.constant 96 : index
    %get3A_2158 = tpu.vector_load %arg20[%get3A_2156, %get3A_2157] {strides = array<i32>} : memref<16x128xf32, #tpu.memory_space<vmem>>, vector<16xf32>,
    %mul3A_2159 = arith.mulf %mul3A_2154, %get3A_2158 : vector<16xf32>
    %add3A_2160 = arith.addf %add3A_2141, %mul3A_2159 : vector<16xf32>
    %broadcast_in_dim3A_2161 = arith.constant 5 : i32
    %broadcast_in_dim3A_2162 = vector.broadcast %broadcast_in_dim3A_2161 : i32 to vector<16xi32>
    %gather3A_2163 = tpu.vector_load_idx %arg17[%broadcast_in_dim3A_2162, %get3A_2063] : memref<16x1000xf32, #tpu.memory_space<vmem>>[vector<16xi32>, vector<16xi32>], vector<16xf32>,
    %get3A_2164 = arith.constant 5 : i32
    %get3A_2165 = arith.index_cast %get3A_2164 : i32 to index
    %get3A_2166 = arith.constant 96 : index
    %get3A_2167 = tpu.vector_load %arg18[%get3A_2165, %get3A_2166] {strides = array<i32>} : memref<16x128xf32, #tpu.memory_space<vmem>>, vector<16xf32>,
    %get3A_2168 = arith.constant 5 : i32
    %get3A_2169 = arith.index_cast %get3A_2168 : i32 to index
    %get3A_2170 = arith.constant 96 : index
    %get3A_2171 = tpu.vector_load %arg19[%get3A_2169, %get3A_2170] {strides = array<i32>} : memref<16x128xf32, #tpu.memory_space<vmem>>, vector<16xf32>,
    %mul3A_2172 = arith.mulf %get3A_2167, %get3A_2171 : vector<16xf32>
    %mul3A_2173 = arith.mulf %mul3A_2172, %gather3A_2163 : vector<16xf32>
    %get3A_2174 = arith.constant 5 : i32
    %get3A_2175 = arith.index_cast %get3A_2174 : i32 to index
    %get3A_2176 = arith.constant 96 : index
    %get3A_2177 = tpu.vector_load %arg20[%get3A_2175, %get3A_2176] {strides = array<i32>} : memref<16x128xf32, #tpu.memory_space<vmem>>, vector<16xf32>,
    %mul3A_2178 = arith.mulf %mul3A_2173, %get3A_2177 : vector<16xf32>
    %add3A_2179 = arith.addf %add3A_2160, %mul3A_2178 : vector<16xf32>
    %broadcast_in_dim3A_2180 = arith.constant 6 : i32
    %broadcast_in_dim3A_2181 = vector.broadcast %broadcast_in_dim3A_2180 : i32 to vector<16xi32>
    %gather3A_2182 = tpu.vector_load_idx %arg17[%broadcast_in_dim3A_2181, %get3A_2063] : memref<16x1000xf32, #tpu.memory_space<vmem>>[vector<16xi32>, vector<16xi32>], vector<16xf32>,
    %get3A_2183 = arith.constant 6 : i32
    %get3A_2184 = arith.index_cast %get3A_2183 : i32 to index
    %get3A_2185 = arith.constant 96 : index
    %get3A_2186 = tpu.vector_load %arg18[%get3A_2184, %get3A_2185] {strides = array<i32>} : memref<16x128xf32, #tpu.memory_space<vmem>>, vector<16xf32>,
    %get3A_2187 = arith.constant 6 : i32
    %get3A_2188 = arith.index_cast %get3A_2187 : i32 to index
    %get3A_2189 = arith.constant 96 : index
    %get3A_2190 = tpu.vector_load %arg19[%get3A_2188, %get3A_2189] {strides = array<i32>} : memref<16x128xf32, #tpu.memory_space<vmem>>, vector<16xf32>,
    %mul3A_2191 = arith.mulf %get3A_2186, %get3A_2190 : vector<16xf32>
    %mul3A_2192 = arith.mulf %mul3A_2191, %gather3A_2182 : vector<16xf32>
    %get3A_2193 = arith.constant 6 : i32
    %get3A_2194 = arith.index_cast %get3A_2193 : i32 to index
    %get3A_2195 = arith.constant 96 : index
    %get3A_2196 = tpu.vector_load %arg20[%get3A_2194, %get3A_2195] {strides = array<i32>} : memref<16x128xf32, #tpu.memory_space<vmem>>, vector<16xf32>,
    %mul3A_2197 = arith.mulf %mul3A_2192, %get3A_2196 : vector<16xf32>
    %add3A_2198 = arith.addf %add3A_2179, %mul3A_2197 : vector<16xf32>
    %broadcast_in_dim3A_2199 = arith.constant 7 : i32
    %broadcast_in_dim3A_2200 = vector.broadcast %broadcast_in_dim3A_2199 : i32 to vector<16xi32>
    %gather3A_2201 = tpu.vector_load_idx %arg17[%broadcast_in_dim3A_2200, %get3A_2063] : memref<16x1000xf32, #tpu.memory_space<vmem>>[vector<16xi32>, vector<16xi32>], vector<16xf32>,
    %get3A_2202 = arith.constant 7 : i32
    %get3A_2203 = arith.index_cast %get3A_2202 : i32 to index
    %get3A_2204 = arith.constant 96 : index
    %get3A_2205 = tpu.vector_load %arg18[%get3A_2203, %get3A_2204] {strides = array<i32>} : memref<16x128xf32, #tpu.memory_space<vmem>>, vector<16xf32>,
    %get3A_2206 = arith.constant 7 : i32
    %get3A_2207 = arith.index_cast %get3A_2206 : i32 to index
    %get3A_2208 = arith.constant 96 : index
    %get3A_2209 = tpu.vector_load %arg19[%get3A_2207, %get3A_2208] {strides = array<i32>} : memref<16x128xf32, #tpu.memory_space<vmem>>, vector<16xf32>,
    %mul3A_2210 = arith.mulf %get3A_2205, %get3A_2209 : vector<16xf32>
    %mul3A_2211 = arith.mulf %mul3A_2210, %gather3A_2201 : vector<16xf32>
    %get3A_2212 = arith.constant 7 : i32
    %get3A_2213 = arith.index_cast %get3A_2212 : i32 to index
    %get3A_2214 = arith.constant 96 : index
    %get3A_2215 = tpu.vector_load %arg20[%get3A_2213, %get3A_2214] {strides = array<i32>} : memref<16x128xf32, #tpu.memory_space<vmem>>, vector<16xf32>,
    %mul3A_2216 = arith.mulf %mul3A_2211, %get3A_2215 : vector<16xf32>
    %add3A_2217 = arith.addf %add3A_2198, %mul3A_2216 : vector<16xf32>
    %broadcast_in_dim3A_2218 = arith.constant 8 : i32
    %broadcast_in_dim3A_2219 = vector.broadcast %broadcast_in_dim3A_2218 : i32 to vector<16xi32>
    %gather3A_2220 = tpu.vector_load_idx %arg17[%broadcast_in_dim3A_2219, %get3A_2063] : memref<16x1000xf32, #tpu.memory_space<vmem>>[vector<16xi32>, vector<16xi32>], vector<16xf32>,
    %get3A_2221 = arith.constant 8 : i32
    %get3A_2222 = arith.index_cast %get3A_2221 : i32 to index
    %get3A_2223 = arith.constant 96 : index
    %get3A_2224 = tpu.vector_load %arg18[%get3A_2222, %get3A_2223] {strides = array<i32>} : memref<16x128xf32, #tpu.memory_space<vmem>>, vector<16xf32>,
    %get3A_2225 = arith.constant 8 : i32
    %get3A_2226 = arith.index_cast %get3A_2225 : i32 to index
    %get3A_2227 = arith.constant 96 : index
    %get3A_2228 = tpu.vector_load %arg19[%get3A_2226, %get3A_2227] {strides = array<i32>} : memref<16x128xf32, #tpu.memory_space<vmem>>, vector<16xf32>,
    %mul3A_2229 = arith.mulf %get3A_2224, %get3A_2228 : vector<16xf32>
    %mul3A_2230 = arith.mulf %mul3A_2229, %gather3A_2220 : vector<16xf32>
    %get3A_2231 = arith.constant 8 : i32
    %get3A_2232 = arith.index_cast %get3A_2231 : i32 to index
    %get3A_2233 = arith.constant 96 : index
    %get3A_2234 = tpu.vector_load %arg20[%get3A_2232, %get3A_2233] {strides = array<i32>} : memref<16x128xf32, #tpu.memory_space<vmem>>, vector<16xf32>,
    %mul3A_2235 = arith.mulf %mul3A_2230, %get3A_2234 : vector<16xf32>
    %add3A_2236 = arith.addf %add3A_2217, %mul3A_2235 : vector<16xf32>
    %broadcast_in_dim3A_2237 = arith.constant 9 : i32
    %broadcast_in_dim3A_2238 = vector.broadcast %broadcast_in_dim3A_2237 : i32 to vector<16xi32>
    %gather3A_2239 = tpu.vector_load_idx %arg17[%broadcast_in_dim3A_2238, %get3A_2063] : memref<16x1000xf32, #tpu.memory_space<vmem>>[vector<16xi32>, vector<16xi32>], vector<16xf32>,
    %get3A_2240 = arith.constant 9 : i32
    %get3A_2241 = arith.index_cast %get3A_2240 : i32 to index
    %get3A_2242 = arith.constant 96 : index
    %get3A_2243 = tpu.vector_load %arg18[%get3A_2241, %get3A_2242] {strides = array<i32>} : memref<16x128xf32, #tpu.memory_space<vmem>>, vector<16xf32>,
    %get3A_2244 = arith.constant 9 : i32
    %get3A_2245 = arith.index_cast %get3A_2244 : i32 to index
    %get3A_2246 = arith.constant 96 : index
    %get3A_2247 = tpu.vector_load %arg19[%get3A_2245, %get3A_2246] {strides = array<i32>} : memref<16x128xf32, #tpu.memory_space<vmem>>, vector<16xf32>,
    %mul3A_2248 = arith.mulf %get3A_2243, %get3A_2247 : vector<16xf32>
    %mul3A_2249 = arith.mulf %mul3A_2248, %gather3A_2239 : vector<16xf32>
    %get3A_2250 = arith.constant 9 : i32
    %get3A_2251 = arith.index_cast %get3A_2250 : i32 to index
    %get3A_2252 = arith.constant 96 : index
    %get3A_2253 = tpu.vector_load %arg20[%get3A_2251, %get3A_2252] {strides = array<i32>} : memref<16x128xf32, #tpu.memory_space<vmem>>, vector<16xf32>,
    %mul3A_2254 = arith.mulf %mul3A_2249, %get3A_2253 : vector<16xf32>
    %add3A_2255 = arith.addf %add3A_2236, %mul3A_2254 : vector<16xf32>
    %broadcast_in_dim3A_2256 = arith.constant 10 : i32
    %broadcast_in_dim3A_2257 = vector.broadcast %broadcast_in_dim3A_2256 : i32 to vector<16xi32>
    %gather3A_2258 = tpu.vector_load_idx %arg17[%broadcast_in_dim3A_2257, %get3A_2063] : memref<16x1000xf32, #tpu.memory_space<vmem>>[vector<16xi32>, vector<16xi32>], vector<16xf32>,
    %get3A_2259 = arith.constant 10 : i32
    %get3A_2260 = arith.index_cast %get3A_2259 : i32 to index
    %get3A_2261 = arith.constant 96 : index
    %get3A_2262 = tpu.vector_load %arg18[%get3A_2260, %get3A_2261] {strides = array<i32>} : memref<16x128xf32, #tpu.memory_space<vmem>>, vector<16xf32>,
    %get3A_2263 = arith.constant 10 : i32
    %get3A_2264 = arith.index_cast %get3A_2263 : i32 to index
    %get3A_2265 = arith.constant 96 : index
    %get3A_2266 = tpu.vector_load %arg19[%get3A_2264, %get3A_2265] {strides = array<i32>} : memref<16x128xf32, #tpu.memory_space<vmem>>, vector<16xf32>,
    %mul3A_2267 = arith.mulf %get3A_2262, %get3A_2266 : vector<16xf32>
    %mul3A_2268 = arith.mulf %mul3A_2267, %gather3A_2258 : vector<16xf32>
    %get3A_2269 = arith.constant 10 : i32
    %get3A_2270 = arith.index_cast %get3A_2269 : i32 to index
    %get3A_2271 = arith.constant 96 : index
    %get3A_2272 = tpu.vector_load %arg20[%get3A_2270, %get3A_2271] {strides = array<i32>} : memref<16x128xf32, #tpu.memory_space<vmem>>, vector<16xf32>,
    %mul3A_2273 = arith.mulf %mul3A_2268, %get3A_2272 : vector<16xf32>
    %add3A_2274 = arith.addf %add3A_2255, %mul3A_2273 : vector<16xf32>
    %broadcast_in_dim3A_2275 = arith.constant 11 : i32
    %broadcast_in_dim3A_2276 = vector.broadcast %broadcast_in_dim3A_2275 : i32 to vector<16xi32>
    %gather3A_2277 = tpu.vector_load_idx %arg17[%broadcast_in_dim3A_2276, %get3A_2063] : memref<16x1000xf32, #tpu.memory_space<vmem>>[vector<16xi32>, vector<16xi32>], vector<16xf32>,
    %get3A_2278 = arith.constant 11 : i32
    %get3A_2279 = arith.index_cast %get3A_2278 : i32 to index
    %get3A_2280 = arith.constant 96 : index
    %get3A_2281 = tpu.vector_load %arg18[%get3A_2279, %get3A_2280] {strides = array<i32>} : memref<16x128xf32, #tpu.memory_space<vmem>>, vector<16xf32>,
    %get3A_2282 = arith.constant 11 : i32
    %get3A_2283 = arith.index_cast %get3A_2282 : i32 to index
    %get3A_2284 = arith.constant 96 : index
    %get3A_2285 = tpu.vector_load %arg19[%get3A_2283, %get3A_2284] {strides = array<i32>} : memref<16x128xf32, #tpu.memory_space<vmem>>, vector<16xf32>,
    %mul3A_2286 = arith.mulf %get3A_2281, %get3A_2285 : vector<16xf32>
    %mul3A_2287 = arith.mulf %mul3A_2286, %gather3A_2277 : vector<16xf32>
    %get3A_2288 = arith.constant 11 : i32
    %get3A_2289 = arith.index_cast %get3A_2288 : i32 to index
    %get3A_2290 = arith.constant 96 : index
    %get3A_2291 = tpu.vector_load %arg20[%get3A_2289, %get3A_2290] {strides = array<i32>} : memref<16x128xf32, #tpu.memory_space<vmem>>, vector<16xf32>,
    %mul3A_2292 = arith.mulf %mul3A_2287, %get3A_2291 : vector<16xf32>
    %add3A_2293 = arith.addf %add3A_2274, %mul3A_2292 : vector<16xf32>
    %broadcast_in_dim3A_2294 = arith.constant 12 : i32
    %broadcast_in_dim3A_2295 = vector.broadcast %broadcast_in_dim3A_2294 : i32 to vector<16xi32>
    %gather3A_2296 = tpu.vector_load_idx %arg17[%broadcast_in_dim3A_2295, %get3A_2063] : memref<16x1000xf32, #tpu.memory_space<vmem>>[vector<16xi32>, vector<16xi32>], vector<16xf32>,
    %get3A_2297 = arith.constant 12 : i32
    %get3A_2298 = arith.index_cast %get3A_2297 : i32 to index
    %get3A_2299 = arith.constant 96 : index
    %get3A_2300 = tpu.vector_load %arg18[%get3A_2298, %get3A_2299] {strides = array<i32>} : memref<16x128xf32, #tpu.memory_space<vmem>>, vector<16xf32>,
    %get3A_2301 = arith.constant 12 : i32
    %get3A_2302 = arith.index_cast %get3A_2301 : i32 to index
    %get3A_2303 = arith.constant 96 : index
    %get3A_2304 = tpu.vector_load %arg19[%get3A_2302, %get3A_2303] {strides = array<i32>} : memref<16x128xf32, #tpu.memory_space<vmem>>, vector<16xf32>,
    %mul3A_2305 = arith.mulf %get3A_2300, %get3A_2304 : vector<16xf32>
    %mul3A_2306 = arith.mulf %mul3A_2305, %gather3A_2296 : vector<16xf32>
    %get3A_2307 = arith.constant 12 : i32
    %get3A_2308 = arith.index_cast %get3A_2307 : i32 to index
    %get3A_2309 = arith.constant 96 : index
    %get3A_2310 = tpu.vector_load %arg20[%get3A_2308, %get3A_2309] {strides = array<i32>} : memref<16x128xf32, #tpu.memory_space<vmem>>, vector<16xf32>,
    %mul3A_2311 = arith.mulf %mul3A_2306, %get3A_2310 : vector<16xf32>
    %add3A_2312 = arith.addf %add3A_2293, %mul3A_2311 : vector<16xf32>
    %broadcast_in_dim3A_2313 = arith.constant 13 : i32
    %broadcast_in_dim3A_2314 = vector.broadcast %broadcast_in_dim3A_2313 : i32 to vector<16xi32>
    %gather3A_2315 = tpu.vector_load_idx %arg17[%broadcast_in_dim3A_2314, %get3A_2063] : memref<16x1000xf32, #tpu.memory_space<vmem>>[vector<16xi32>, vector<16xi32>], vector<16xf32>,
    %get3A_2316 = arith.constant 13 : i32
    %get3A_2317 = arith.index_cast %get3A_2316 : i32 to index
    %get3A_2318 = arith.constant 96 : index
    %get3A_2319 = tpu.vector_load %arg18[%get3A_2317, %get3A_2318] {strides = array<i32>} : memref<16x128xf32, #tpu.memory_space<vmem>>, vector<16xf32>,
    %get3A_2320 = arith.constant 13 : i32
    %get3A_2321 = arith.index_cast %get3A_2320 : i32 to index
    %get3A_2322 = arith.constant 96 : index
    %get3A_2323 = tpu.vector_load %arg19[%get3A_2321, %get3A_2322] {strides = array<i32>} : memref<16x128xf32, #tpu.memory_space<vmem>>, vector<16xf32>,
    %mul3A_2324 = arith.mulf %get3A_2319, %get3A_2323 : vector<16xf32>
    %mul3A_2325 = arith.mulf %mul3A_2324, %gather3A_2315 : vector<16xf32>
    %get3A_2326 = arith.constant 13 : i32
    %get3A_2327 = arith.index_cast %get3A_2326 : i32 to index
    %get3A_2328 = arith.constant 96 : index
    %get3A_2329 = tpu.vector_load %arg20[%get3A_2327, %get3A_2328] {strides = array<i32>} : memref<16x128xf32, #tpu.memory_space<vmem>>, vector<16xf32>,
    %mul3A_2330 = arith.mulf %mul3A_2325, %get3A_2329 : vector<16xf32>
    %add3A_2331 = arith.addf %add3A_2312, %mul3A_2330 : vector<16xf32>
    %broadcast_in_dim3A_2332 = arith.constant 14 : i32
    %broadcast_in_dim3A_2333 = vector.broadcast %broadcast_in_dim3A_2332 : i32 to vector<16xi32>
    %gather3A_2334 = tpu.vector_load_idx %arg17[%broadcast_in_dim3A_2333, %get3A_2063] : memref<16x1000xf32, #tpu.memory_space<vmem>>[vector<16xi32>, vector<16xi32>], vector<16xf32>,
    %get3A_2335 = arith.constant 14 : i32
    %get3A_2336 = arith.index_cast %get3A_2335 : i32 to index
    %get3A_2337 = arith.constant 96 : index
    %get3A_2338 = tpu.vector_load %arg18[%get3A_2336, %get3A_2337] {strides = array<i32>} : memref<16x128xf32, #tpu.memory_space<vmem>>, vector<16xf32>,
    %get3A_2339 = arith.constant 14 : i32
    %get3A_2340 = arith.index_cast %get3A_2339 : i32 to index
    %get3A_2341 = arith.constant 96 : index
    %get3A_2342 = tpu.vector_load %arg19[%get3A_2340, %get3A_2341] {strides = array<i32>} : memref<16x128xf32, #tpu.memory_space<vmem>>, vector<16xf32>,
    %mul3A_2343 = arith.mulf %get3A_2338, %get3A_2342 : vector<16xf32>
    %mul3A_2344 = arith.mulf %mul3A_2343, %gather3A_2334 : vector<16xf32>
    %get3A_2345 = arith.constant 14 : i32
    %get3A_2346 = arith.index_cast %get3A_2345 : i32 to index
    %get3A_2347 = arith.constant 96 : index
    %get3A_2348 = tpu.vector_load %arg20[%get3A_2346, %get3A_2347] {strides = array<i32>} : memref<16x128xf32, #tpu.memory_space<vmem>>, vector<16xf32>,
    %mul3A_2349 = arith.mulf %mul3A_2344, %get3A_2348 : vector<16xf32>
    %add3A_2350 = arith.addf %add3A_2331, %mul3A_2349 : vector<16xf32>
    %broadcast_in_dim3A_2351 = arith.constant 15 : i32
    %broadcast_in_dim3A_2352 = vector.broadcast %broadcast_in_dim3A_2351 : i32 to vector<16xi32>
    %gather3A_2353 = tpu.vector_load_idx %arg17[%broadcast_in_dim3A_2352, %get3A_2063] : memref<16x1000xf32, #tpu.memory_space<vmem>>[vector<16xi32>, vector<16xi32>], vector<16xf32>,
    %get3A_2354 = arith.constant 15 : i32
    %get3A_2355 = arith.index_cast %get3A_2354 : i32 to index
    %get3A_2356 = arith.constant 96 : index
    %get3A_2357 = tpu.vector_load %arg18[%get3A_2355, %get3A_2356] {strides = array<i32>} : memref<16x128xf32, #tpu.memory_space<vmem>>, vector<16xf32>,
    %get3A_2358 = arith.constant 15 : i32
    %get3A_2359 = arith.index_cast %get3A_2358 : i32 to index
    %get3A_2360 = arith.constant 96 : index
    %get3A_2361 = tpu.vector_load %arg19[%get3A_2359, %get3A_2360] {strides = array<i32>} : memref<16x128xf32, #tpu.memory_space<vmem>>, vector<16xf32>,
    %mul3A_2362 = arith.mulf %get3A_2357, %get3A_2361 : vector<16xf32>
    %mul3A_2363 = arith.mulf %mul3A_2362, %gather3A_2353 : vector<16xf32>
    %get3A_2364 = arith.constant 15 : i32
    %get3A_2365 = arith.index_cast %get3A_2364 : i32 to index
    %get3A_2366 = arith.constant 96 : index
    %get3A_2367 = tpu.vector_load %arg20[%get3A_2365, %get3A_2366] {strides = array<i32>} : memref<16x128xf32, #tpu.memory_space<vmem>>, vector<16xf32>,
    %mul3A_2368 = arith.mulf %mul3A_2363, %get3A_2367 : vector<16xf32>
    %add3A_2369 = arith.addf %add3A_2350, %mul3A_2368 : vector<16xf32>
    %swap3A_2370 = arith.constant 0 : i32
    %swap3A_2371 = arith.index_cast %swap3A_2370 : i32 to index
    %swap3A_2372 = arith.constant 96 : index
    %swap3A_2373 = tpu.vector_load %arg22[%swap3A_2371, %swap3A_2372] {strides = array<i32>} : memref<1x128xf32, #tpu.memory_space<vmem>>, vector<16xf32>,
    tpu.vector_store %arg22[%swap3A_2371, %swap3A_2372], %add3A_2369 {strides = array<i32>} : memref<1x128xf32, #tpu.memory_space<vmem>>, vector<16xf32>,
    %get3A_2374 = arith.constant 0 : i32
    %get3A_2375 = arith.index_cast %get3A_2374 : i32 to index
    %get3A_2376 = arith.constant 96 : index
    %get3A_2377 = tpu.vector_load %arg21[%get3A_2375, %get3A_2376] {strides = array<i32>} : memref<1x128xf32, #tpu.memory_space<vmem>>, vector<16xf32>,
    %get3A_2378 = arith.constant 96 : index
    %get3A_2379 = tpu.vector_load %arg13[%get3A_2378] {strides = array<i32>} : memref<128xi32, #tpu.memory_space<vmem>>, vector<16xi32>,
    %convert_element_type3A_2380 = arith.sitofp %get3A_2379 : vector<16xi32> to vector<16xf32>
    %mul3A_2381 = vector.broadcast %squeeze3A : f32 to vector<16xf32>
    %mul3A_2382 = arith.mulf %mul3A_2381, %convert_element_type3A_2380 : vector<16xf32>
    %add3A_2383 = arith.addf %get3A_2377, %mul3A_2382 : vector<16xf32>
    %get3A_2384 = arith.constant 96 : index
    %get3A_2385 = tpu.vector_load %arg14[%get3A_2384] {strides = array<i32>} : memref<128xi32, #tpu.memory_space<vmem>>, vector<16xi32>,
    %convert_element_type3A_2386 = arith.sitofp %get3A_2385 : vector<16xi32> to vector<16xf32>
    %mul3A_2387 = vector.broadcast %squeeze3A_47 : f32 to vector<16xf32>
    %mul3A_2388 = arith.mulf %mul3A_2387, %convert_element_type3A_2386 : vector<16xf32>
    %add3A_2389 = arith.addf %add3A_2383, %mul3A_2388 : vector<16xf32>
    %convert_element_type3A_2390 = arith.sitofp %get3A_2063 : vector<16xi32> to vector<16xf32>
    %mul3A_2391 = vector.broadcast %squeeze3A_49 : f32 to vector<16xf32>
    %mul3A_2392 = arith.mulf %mul3A_2391, %convert_element_type3A_2390 : vector<16xf32>
    %add3A_2393 = arith.addf %add3A_2389, %mul3A_2392 : vector<16xf32>
    %swap3A_2394 = arith.constant 0 : i32
    %swap3A_2395 = arith.index_cast %swap3A_2394 : i32 to index
    %swap3A_2396 = arith.constant 96 : index
    %swap3A_2397 = tpu.vector_load %arg23[%swap3A_2395, %swap3A_2396] {strides = array<i32>} : memref<1x128xf32, #tpu.memory_space<vmem>>, vector<16xf32>,
    tpu.vector_store %arg23[%swap3A_2395, %swap3A_2396], %add3A_2393 {strides = array<i32>} : memref<1x128xf32, #tpu.memory_space<vmem>>, vector<16xf32>,
    %get3A_2398 = arith.constant 112 : index
    %get3A_2399 = tpu.vector_load %arg15[%get3A_2398] {strides = array<i32>} : memref<128xi32, #tpu.memory_space<vmem>>, vector<16xi32>,
    %broadcast_in_dim3A_2400 = arith.constant 0.000000e+00 : f32
    %broadcast_in_dim3A_2401 = vector.broadcast %broadcast_in_dim3A_2400 : f32 to vector<16xf32>
    %broadcast_in_dim3A_2402 = arith.constant 0 : i32
    %broadcast_in_dim3A_2403 = vector.broadcast %broadcast_in_dim3A_2402 : i32 to vector<16xi32>
    %gather3A_2404 = tpu.vector_load_idx %arg17[%broadcast_in_dim3A_2403, %get3A_2399] : memref<16x1000xf32, #tpu.memory_space<vmem>>[vector<16xi32>, vector<16xi32>], vector<16xf32>,
    %get3A_2405 = arith.constant 0 : i32
    %get3A_2406 = arith.index_cast %get3A_2405 : i32 to index
    %get3A_2407 = arith.constant 112 : index
    %get3A_2408 = tpu.vector_load %arg18[%get3A_2406, %get3A_2407] {strides = array<i32>} : memref<16x128xf32, #tpu.memory_space<vmem>>, vector<16xf32>,
    %get3A_2409 = arith.constant 0 : i32
    %get3A_2410 = arith.index_cast %get3A_2409 : i32 to index
    %get3A_2411 = arith.constant 112 : index
    %get3A_2412 = tpu.vector_load %arg19[%get3A_2410, %get3A_2411] {strides = array<i32>} : memref<16x128xf32, #tpu.memory_space<vmem>>, vector<16xf32>,
    %mul3A_2413 = arith.mulf %get3A_2408, %get3A_2412 : vector<16xf32>
    %mul3A_2414 = arith.mulf %mul3A_2413, %gather3A_2404 : vector<16xf32>
    %get3A_2415 = arith.constant 0 : i32
    %get3A_2416 = arith.index_cast %get3A_2415 : i32 to index
    %get3A_2417 = arith.constant 112 : index
    %get3A_2418 = tpu.vector_load %arg20[%get3A_2416, %get3A_2417] {strides = array<i32>} : memref<16x128xf32, #tpu.memory_space<vmem>>, vector<16xf32>,
    %mul3A_2419 = arith.mulf %mul3A_2414, %get3A_2418 : vector<16xf32>
    %add3A_2420 = arith.addf %broadcast_in_dim3A_2401, %mul3A_2419 : vector<16xf32>
    %broadcast_in_dim3A_2421 = arith.constant 1 : i32
    %broadcast_in_dim3A_2422 = vector.broadcast %broadcast_in_dim3A_2421 : i32 to vector<16xi32>
    %gather3A_2423 = tpu.vector_load_idx %arg17[%broadcast_in_dim3A_2422, %get3A_2399] : memref<16x1000xf32, #tpu.memory_space<vmem>>[vector<16xi32>, vector<16xi32>], vector<16xf32>,
    %get3A_2424 = arith.constant 1 : i32
    %get3A_2425 = arith.index_cast %get3A_2424 : i32 to index
    %get3A_2426 = arith.constant 112 : index
    %get3A_2427 = tpu.vector_load %arg18[%get3A_2425, %get3A_2426] {strides = array<i32>} : memref<16x128xf32, #tpu.memory_space<vmem>>, vector<16xf32>,
    %get3A_2428 = arith.constant 1 : i32
    %get3A_2429 = arith.index_cast %get3A_2428 : i32 to index
    %get3A_2430 = arith.constant 112 : index
    %get3A_2431 = tpu.vector_load %arg19[%get3A_2429, %get3A_2430] {strides = array<i32>} : memref<16x128xf32, #tpu.memory_space<vmem>>, vector<16xf32>,
    %mul3A_2432 = arith.mulf %get3A_2427, %get3A_2431 : vector<16xf32>
    %mul3A_2433 = arith.mulf %mul3A_2432, %gather3A_2423 : vector<16xf32>
    %get3A_2434 = arith.constant 1 : i32
    %get3A_2435 = arith.index_cast %get3A_2434 : i32 to index
    %get3A_2436 = arith.constant 112 : index
    %get3A_2437 = tpu.vector_load %arg20[%get3A_2435, %get3A_2436] {strides = array<i32>} : memref<16x128xf32, #tpu.memory_space<vmem>>, vector<16xf32>,
    %mul3A_2438 = arith.mulf %mul3A_2433, %get3A_2437 : vector<16xf32>
    %add3A_2439 = arith.addf %add3A_2420, %mul3A_2438 : vector<16xf32>
    %broadcast_in_dim3A_2440 = arith.constant 2 : i32
    %broadcast_in_dim3A_2441 = vector.broadcast %broadcast_in_dim3A_2440 : i32 to vector<16xi32>
    %gather3A_2442 = tpu.vector_load_idx %arg17[%broadcast_in_dim3A_2441, %get3A_2399] : memref<16x1000xf32, #tpu.memory_space<vmem>>[vector<16xi32>, vector<16xi32>], vector<16xf32>,
    %get3A_2443 = arith.constant 2 : i32
    %get3A_2444 = arith.index_cast %get3A_2443 : i32 to index
    %get3A_2445 = arith.constant 112 : index
    %get3A_2446 = tpu.vector_load %arg18[%get3A_2444, %get3A_2445] {strides = array<i32>} : memref<16x128xf32, #tpu.memory_space<vmem>>, vector<16xf32>,
    %get3A_2447 = arith.constant 2 : i32
    %get3A_2448 = arith.index_cast %get3A_2447 : i32 to index
    %get3A_2449 = arith.constant 112 : index
    %get3A_2450 = tpu.vector_load %arg19[%get3A_2448, %get3A_2449] {strides = array<i32>} : memref<16x128xf32, #tpu.memory_space<vmem>>, vector<16xf32>,
    %mul3A_2451 = arith.mulf %get3A_2446, %get3A_2450 : vector<16xf32>
    %mul3A_2452 = arith.mulf %mul3A_2451, %gather3A_2442 : vector<16xf32>
    %get3A_2453 = arith.constant 2 : i32
    %get3A_2454 = arith.index_cast %get3A_2453 : i32 to index
    %get3A_2455 = arith.constant 112 : index
    %get3A_2456 = tpu.vector_load %arg20[%get3A_2454, %get3A_2455] {strides = array<i32>} : memref<16x128xf32, #tpu.memory_space<vmem>>, vector<16xf32>,
    %mul3A_2457 = arith.mulf %mul3A_2452, %get3A_2456 : vector<16xf32>
    %add3A_2458 = arith.addf %add3A_2439, %mul3A_2457 : vector<16xf32>
    %broadcast_in_dim3A_2459 = arith.constant 3 : i32
    %broadcast_in_dim3A_2460 = vector.broadcast %broadcast_in_dim3A_2459 : i32 to vector<16xi32>
    %gather3A_2461 = tpu.vector_load_idx %arg17[%broadcast_in_dim3A_2460, %get3A_2399] : memref<16x1000xf32, #tpu.memory_space<vmem>>[vector<16xi32>, vector<16xi32>], vector<16xf32>,
    %get3A_2462 = arith.constant 3 : i32
    %get3A_2463 = arith.index_cast %get3A_2462 : i32 to index
    %get3A_2464 = arith.constant 112 : index
    %get3A_2465 = tpu.vector_load %arg18[%get3A_2463, %get3A_2464] {strides = array<i32>} : memref<16x128xf32, #tpu.memory_space<vmem>>, vector<16xf32>,
    %get3A_2466 = arith.constant 3 : i32
    %get3A_2467 = arith.index_cast %get3A_2466 : i32 to index
    %get3A_2468 = arith.constant 112 : index
    %get3A_2469 = tpu.vector_load %arg19[%get3A_2467, %get3A_2468] {strides = array<i32>} : memref<16x128xf32, #tpu.memory_space<vmem>>, vector<16xf32>,
    %mul3A_2470 = arith.mulf %get3A_2465, %get3A_2469 : vector<16xf32>
    %mul3A_2471 = arith.mulf %mul3A_2470, %gather3A_2461 : vector<16xf32>
    %get3A_2472 = arith.constant 3 : i32
    %get3A_2473 = arith.index_cast %get3A_2472 : i32 to index
    %get3A_2474 = arith.constant 112 : index
    %get3A_2475 = tpu.vector_load %arg20[%get3A_2473, %get3A_2474] {strides = array<i32>} : memref<16x128xf32, #tpu.memory_space<vmem>>, vector<16xf32>,
    %mul3A_2476 = arith.mulf %mul3A_2471, %get3A_2475 : vector<16xf32>
    %add3A_2477 = arith.addf %add3A_2458, %mul3A_2476 : vector<16xf32>
    %broadcast_in_dim3A_2478 = arith.constant 4 : i32
    %broadcast_in_dim3A_2479 = vector.broadcast %broadcast_in_dim3A_2478 : i32 to vector<16xi32>
    %gather3A_2480 = tpu.vector_load_idx %arg17[%broadcast_in_dim3A_2479, %get3A_2399] : memref<16x1000xf32, #tpu.memory_space<vmem>>[vector<16xi32>, vector<16xi32>], vector<16xf32>,
    %get3A_2481 = arith.constant 4 : i32
    %get3A_2482 = arith.index_cast %get3A_2481 : i32 to index
    %get3A_2483 = arith.constant 112 : index
    %get3A_2484 = tpu.vector_load %arg18[%get3A_2482, %get3A_2483] {strides = array<i32>} : memref<16x128xf32, #tpu.memory_space<vmem>>, vector<16xf32>,
    %get3A_2485 = arith.constant 4 : i32
    %get3A_2486 = arith.index_cast %get3A_2485 : i32 to index
    %get3A_2487 = arith.constant 112 : index
    %get3A_2488 = tpu.vector_load %arg19[%get3A_2486, %get3A_2487] {strides = array<i32>} : memref<16x128xf32, #tpu.memory_space<vmem>>, vector<16xf32>,
    %mul3A_2489 = arith.mulf %get3A_2484, %get3A_2488 : vector<16xf32>
    %mul3A_2490 = arith.mulf %mul3A_2489, %gather3A_2480 : vector<16xf32>
    %get3A_2491 = arith.constant 4 : i32
    %get3A_2492 = arith.index_cast %get3A_2491 : i32 to index
    %get3A_2493 = arith.constant 112 : index
    %get3A_2494 = tpu.vector_load %arg20[%get3A_2492, %get3A_2493] {strides = array<i32>} : memref<16x128xf32, #tpu.memory_space<vmem>>, vector<16xf32>,
    %mul3A_2495 = arith.mulf %mul3A_2490, %get3A_2494 : vector<16xf32>
    %add3A_2496 = arith.addf %add3A_2477, %mul3A_2495 : vector<16xf32>
    %broadcast_in_dim3A_2497 = arith.constant 5 : i32
    %broadcast_in_dim3A_2498 = vector.broadcast %broadcast_in_dim3A_2497 : i32 to vector<16xi32>
    %gather3A_2499 = tpu.vector_load_idx %arg17[%broadcast_in_dim3A_2498, %get3A_2399] : memref<16x1000xf32, #tpu.memory_space<vmem>>[vector<16xi32>, vector<16xi32>], vector<16xf32>,
    %get3A_2500 = arith.constant 5 : i32
    %get3A_2501 = arith.index_cast %get3A_2500 : i32 to index
    %get3A_2502 = arith.constant 112 : index
    %get3A_2503 = tpu.vector_load %arg18[%get3A_2501, %get3A_2502] {strides = array<i32>} : memref<16x128xf32, #tpu.memory_space<vmem>>, vector<16xf32>,
    %get3A_2504 = arith.constant 5 : i32
    %get3A_2505 = arith.index_cast %get3A_2504 : i32 to index
    %get3A_2506 = arith.constant 112 : index
    %get3A_2507 = tpu.vector_load %arg19[%get3A_2505, %get3A_2506] {strides = array<i32>} : memref<16x128xf32, #tpu.memory_space<vmem>>, vector<16xf32>,
    %mul3A_2508 = arith.mulf %get3A_2503, %get3A_2507 : vector<16xf32>
    %mul3A_2509 = arith.mulf %mul3A_2508, %gather3A_2499 : vector<16xf32>
    %get3A_2510 = arith.constant 5 : i32
    %get3A_2511 = arith.index_cast %get3A_2510 : i32 to index
    %get3A_2512 = arith.constant 112 : index
    %get3A_2513 = tpu.vector_load %arg20[%get3A_2511, %get3A_2512] {strides = array<i32>} : memref<16x128xf32, #tpu.memory_space<vmem>>, vector<16xf32>,
    %mul3A_2514 = arith.mulf %mul3A_2509, %get3A_2513 : vector<16xf32>
    %add3A_2515 = arith.addf %add3A_2496, %mul3A_2514 : vector<16xf32>
    %broadcast_in_dim3A_2516 = arith.constant 6 : i32
    %broadcast_in_dim3A_2517 = vector.broadcast %broadcast_in_dim3A_2516 : i32 to vector<16xi32>
    %gather3A_2518 = tpu.vector_load_idx %arg17[%broadcast_in_dim3A_2517, %get3A_2399] : memref<16x1000xf32, #tpu.memory_space<vmem>>[vector<16xi32>, vector<16xi32>], vector<16xf32>,
    %get3A_2519 = arith.constant 6 : i32
    %get3A_2520 = arith.index_cast %get3A_2519 : i32 to index
    %get3A_2521 = arith.constant 112 : index
    %get3A_2522 = tpu.vector_load %arg18[%get3A_2520, %get3A_2521] {strides = array<i32>} : memref<16x128xf32, #tpu.memory_space<vmem>>, vector<16xf32>,
    %get3A_2523 = arith.constant 6 : i32
    %get3A_2524 = arith.index_cast %get3A_2523 : i32 to index
    %get3A_2525 = arith.constant 112 : index
    %get3A_2526 = tpu.vector_load %arg19[%get3A_2524, %get3A_2525] {strides = array<i32>} : memref<16x128xf32, #tpu.memory_space<vmem>>, vector<16xf32>,
    %mul3A_2527 = arith.mulf %get3A_2522, %get3A_2526 : vector<16xf32>
    %mul3A_2528 = arith.mulf %mul3A_2527, %gather3A_2518 : vector<16xf32>
    %get3A_2529 = arith.constant 6 : i32
    %get3A_2530 = arith.index_cast %get3A_2529 : i32 to index
    %get3A_2531 = arith.constant 112 : index
    %get3A_2532 = tpu.vector_load %arg20[%get3A_2530, %get3A_2531] {strides = array<i32>} : memref<16x128xf32, #tpu.memory_space<vmem>>, vector<16xf32>,
    %mul3A_2533 = arith.mulf %mul3A_2528, %get3A_2532 : vector<16xf32>
    %add3A_2534 = arith.addf %add3A_2515, %mul3A_2533 : vector<16xf32>
    %broadcast_in_dim3A_2535 = arith.constant 7 : i32
    %broadcast_in_dim3A_2536 = vector.broadcast %broadcast_in_dim3A_2535 : i32 to vector<16xi32>
    %gather3A_2537 = tpu.vector_load_idx %arg17[%broadcast_in_dim3A_2536, %get3A_2399] : memref<16x1000xf32, #tpu.memory_space<vmem>>[vector<16xi32>, vector<16xi32>], vector<16xf32>,
    %get3A_2538 = arith.constant 7 : i32
    %get3A_2539 = arith.index_cast %get3A_2538 : i32 to index
    %get3A_2540 = arith.constant 112 : index
    %get3A_2541 = tpu.vector_load %arg18[%get3A_2539, %get3A_2540] {strides = array<i32>} : memref<16x128xf32, #tpu.memory_space<vmem>>, vector<16xf32>,
    %get3A_2542 = arith.constant 7 : i32
    %get3A_2543 = arith.index_cast %get3A_2542 : i32 to index
    %get3A_2544 = arith.constant 112 : index
    %get3A_2545 = tpu.vector_load %arg19[%get3A_2543, %get3A_2544] {strides = array<i32>} : memref<16x128xf32, #tpu.memory_space<vmem>>, vector<16xf32>,
    %mul3A_2546 = arith.mulf %get3A_2541, %get3A_2545 : vector<16xf32>
    %mul3A_2547 = arith.mulf %mul3A_2546, %gather3A_2537 : vector<16xf32>
    %get3A_2548 = arith.constant 7 : i32
    %get3A_2549 = arith.index_cast %get3A_2548 : i32 to index
    %get3A_2550 = arith.constant 112 : index
    %get3A_2551 = tpu.vector_load %arg20[%get3A_2549, %get3A_2550] {strides = array<i32>} : memref<16x128xf32, #tpu.memory_space<vmem>>, vector<16xf32>,
    %mul3A_2552 = arith.mulf %mul3A_2547, %get3A_2551 : vector<16xf32>
    %add3A_2553 = arith.addf %add3A_2534, %mul3A_2552 : vector<16xf32>
    %broadcast_in_dim3A_2554 = arith.constant 8 : i32
    %broadcast_in_dim3A_2555 = vector.broadcast %broadcast_in_dim3A_2554 : i32 to vector<16xi32>
    %gather3A_2556 = tpu.vector_load_idx %arg17[%broadcast_in_dim3A_2555, %get3A_2399] : memref<16x1000xf32, #tpu.memory_space<vmem>>[vector<16xi32>, vector<16xi32>], vector<16xf32>,
    %get3A_2557 = arith.constant 8 : i32
    %get3A_2558 = arith.index_cast %get3A_2557 : i32 to index
    %get3A_2559 = arith.constant 112 : index
    %get3A_2560 = tpu.vector_load %arg18[%get3A_2558, %get3A_2559] {strides = array<i32>} : memref<16x128xf32, #tpu.memory_space<vmem>>, vector<16xf32>,
    %get3A_2561 = arith.constant 8 : i32
    %get3A_2562 = arith.index_cast %get3A_2561 : i32 to index
    %get3A_2563 = arith.constant 112 : index
    %get3A_2564 = tpu.vector_load %arg19[%get3A_2562, %get3A_2563] {strides = array<i32>} : memref<16x128xf32, #tpu.memory_space<vmem>>, vector<16xf32>,
    %mul3A_2565 = arith.mulf %get3A_2560, %get3A_2564 : vector<16xf32>
    %mul3A_2566 = arith.mulf %mul3A_2565, %gather3A_2556 : vector<16xf32>
    %get3A_2567 = arith.constant 8 : i32
    %get3A_2568 = arith.index_cast %get3A_2567 : i32 to index
    %get3A_2569 = arith.constant 112 : index
    %get3A_2570 = tpu.vector_load %arg20[%get3A_2568, %get3A_2569] {strides = array<i32>} : memref<16x128xf32, #tpu.memory_space<vmem>>, vector<16xf32>,
    %mul3A_2571 = arith.mulf %mul3A_2566, %get3A_2570 : vector<16xf32>
    %add3A_2572 = arith.addf %add3A_2553, %mul3A_2571 : vector<16xf32>
    %broadcast_in_dim3A_2573 = arith.constant 9 : i32
    %broadcast_in_dim3A_2574 = vector.broadcast %broadcast_in_dim3A_2573 : i32 to vector<16xi32>
    %gather3A_2575 = tpu.vector_load_idx %arg17[%broadcast_in_dim3A_2574, %get3A_2399] : memref<16x1000xf32, #tpu.memory_space<vmem>>[vector<16xi32>, vector<16xi32>], vector<16xf32>,
    %get3A_2576 = arith.constant 9 : i32
    %get3A_2577 = arith.index_cast %get3A_2576 : i32 to index
    %get3A_2578 = arith.constant 112 : index
    %get3A_2579 = tpu.vector_load %arg18[%get3A_2577, %get3A_2578] {strides = array<i32>} : memref<16x128xf32, #tpu.memory_space<vmem>>, vector<16xf32>,
    %get3A_2580 = arith.constant 9 : i32
    %get3A_2581 = arith.index_cast %get3A_2580 : i32 to index
    %get3A_2582 = arith.constant 112 : index
    %get3A_2583 = tpu.vector_load %arg19[%get3A_2581, %get3A_2582] {strides = array<i32>} : memref<16x128xf32, #tpu.memory_space<vmem>>, vector<16xf32>,
    %mul3A_2584 = arith.mulf %get3A_2579, %get3A_2583 : vector<16xf32>
    %mul3A_2585 = arith.mulf %mul3A_2584, %gather3A_2575 : vector<16xf32>
    %get3A_2586 = arith.constant 9 : i32
    %get3A_2587 = arith.index_cast %get3A_2586 : i32 to index
    %get3A_2588 = arith.constant 112 : index
    %get3A_2589 = tpu.vector_load %arg20[%get3A_2587, %get3A_2588] {strides = array<i32>} : memref<16x128xf32, #tpu.memory_space<vmem>>, vector<16xf32>,
    %mul3A_2590 = arith.mulf %mul3A_2585, %get3A_2589 : vector<16xf32>
    %add3A_2591 = arith.addf %add3A_2572, %mul3A_2590 : vector<16xf32>
    %broadcast_in_dim3A_2592 = arith.constant 10 : i32
    %broadcast_in_dim3A_2593 = vector.broadcast %broadcast_in_dim3A_2592 : i32 to vector<16xi32>
    %gather3A_2594 = tpu.vector_load_idx %arg17[%broadcast_in_dim3A_2593, %get3A_2399] : memref<16x1000xf32, #tpu.memory_space<vmem>>[vector<16xi32>, vector<16xi32>], vector<16xf32>,
    %get3A_2595 = arith.constant 10 : i32
    %get3A_2596 = arith.index_cast %get3A_2595 : i32 to index
    %get3A_2597 = arith.constant 112 : index
    %get3A_2598 = tpu.vector_load %arg18[%get3A_2596, %get3A_2597] {strides = array<i32>} : memref<16x128xf32, #tpu.memory_space<vmem>>, vector<16xf32>,
    %get3A_2599 = arith.constant 10 : i32
    %get3A_2600 = arith.index_cast %get3A_2599 : i32 to index
    %get3A_2601 = arith.constant 112 : index
    %get3A_2602 = tpu.vector_load %arg19[%get3A_2600, %get3A_2601] {strides = array<i32>} : memref<16x128xf32, #tpu.memory_space<vmem>>, vector<16xf32>,
    %mul3A_2603 = arith.mulf %get3A_2598, %get3A_2602 : vector<16xf32>
    %mul3A_2604 = arith.mulf %mul3A_2603, %gather3A_2594 : vector<16xf32>
    %get3A_2605 = arith.constant 10 : i32
    %get3A_2606 = arith.index_cast %get3A_2605 : i32 to index
    %get3A_2607 = arith.constant 112 : index
    %get3A_2608 = tpu.vector_load %arg20[%get3A_2606, %get3A_2607] {strides = array<i32>} : memref<16x128xf32, #tpu.memory_space<vmem>>, vector<16xf32>,
    %mul3A_2609 = arith.mulf %mul3A_2604, %get3A_2608 : vector<16xf32>
    %add3A_2610 = arith.addf %add3A_2591, %mul3A_2609 : vector<16xf32>
    %broadcast_in_dim3A_2611 = arith.constant 11 : i32
    %broadcast_in_dim3A_2612 = vector.broadcast %broadcast_in_dim3A_2611 : i32 to vector<16xi32>
    %gather3A_2613 = tpu.vector_load_idx %arg17[%broadcast_in_dim3A_2612, %get3A_2399] : memref<16x1000xf32, #tpu.memory_space<vmem>>[vector<16xi32>, vector<16xi32>], vector<16xf32>,
    %get3A_2614 = arith.constant 11 : i32
    %get3A_2615 = arith.index_cast %get3A_2614 : i32 to index
    %get3A_2616 = arith.constant 112 : index
    %get3A_2617 = tpu.vector_load %arg18[%get3A_2615, %get3A_2616] {strides = array<i32>} : memref<16x128xf32, #tpu.memory_space<vmem>>, vector<16xf32>,
    %get3A_2618 = arith.constant 11 : i32
    %get3A_2619 = arith.index_cast %get3A_2618 : i32 to index
    %get3A_2620 = arith.constant 112 : index
    %get3A_2621 = tpu.vector_load %arg19[%get3A_2619, %get3A_2620] {strides = array<i32>} : memref<16x128xf32, #tpu.memory_space<vmem>>, vector<16xf32>,
    %mul3A_2622 = arith.mulf %get3A_2617, %get3A_2621 : vector<16xf32>
    %mul3A_2623 = arith.mulf %mul3A_2622, %gather3A_2613 : vector<16xf32>
    %get3A_2624 = arith.constant 11 : i32
    %get3A_2625 = arith.index_cast %get3A_2624 : i32 to index
    %get3A_2626 = arith.constant 112 : index
    %get3A_2627 = tpu.vector_load %arg20[%get3A_2625, %get3A_2626] {strides = array<i32>} : memref<16x128xf32, #tpu.memory_space<vmem>>, vector<16xf32>,
    %mul3A_2628 = arith.mulf %mul3A_2623, %get3A_2627 : vector<16xf32>
    %add3A_2629 = arith.addf %add3A_2610, %mul3A_2628 : vector<16xf32>
    %broadcast_in_dim3A_2630 = arith.constant 12 : i32
    %broadcast_in_dim3A_2631 = vector.broadcast %broadcast_in_dim3A_2630 : i32 to vector<16xi32>
    %gather3A_2632 = tpu.vector_load_idx %arg17[%broadcast_in_dim3A_2631, %get3A_2399] : memref<16x1000xf32, #tpu.memory_space<vmem>>[vector<16xi32>, vector<16xi32>], vector<16xf32>,
    %get3A_2633 = arith.constant 12 : i32
    %get3A_2634 = arith.index_cast %get3A_2633 : i32 to index
    %get3A_2635 = arith.constant 112 : index
    %get3A_2636 = tpu.vector_load %arg18[%get3A_2634, %get3A_2635] {strides = array<i32>} : memref<16x128xf32, #tpu.memory_space<vmem>>, vector<16xf32>,
    %get3A_2637 = arith.constant 12 : i32
    %get3A_2638 = arith.index_cast %get3A_2637 : i32 to index
    %get3A_2639 = arith.constant 112 : index
    %get3A_2640 = tpu.vector_load %arg19[%get3A_2638, %get3A_2639] {strides = array<i32>} : memref<16x128xf32, #tpu.memory_space<vmem>>, vector<16xf32>,
    %mul3A_2641 = arith.mulf %get3A_2636, %get3A_2640 : vector<16xf32>
    %mul3A_2642 = arith.mulf %mul3A_2641, %gather3A_2632 : vector<16xf32>
    %get3A_2643 = arith.constant 12 : i32
    %get3A_2644 = arith.index_cast %get3A_2643 : i32 to index
    %get3A_2645 = arith.constant 112 : index
    %get3A_2646 = tpu.vector_load %arg20[%get3A_2644, %get3A_2645] {strides = array<i32>} : memref<16x128xf32, #tpu.memory_space<vmem>>, vector<16xf32>,
    %mul3A_2647 = arith.mulf %mul3A_2642, %get3A_2646 : vector<16xf32>
    %add3A_2648 = arith.addf %add3A_2629, %mul3A_2647 : vector<16xf32>
    %broadcast_in_dim3A_2649 = arith.constant 13 : i32
    %broadcast_in_dim3A_2650 = vector.broadcast %broadcast_in_dim3A_2649 : i32 to vector<16xi32>
    %gather3A_2651 = tpu.vector_load_idx %arg17[%broadcast_in_dim3A_2650, %get3A_2399] : memref<16x1000xf32, #tpu.memory_space<vmem>>[vector<16xi32>, vector<16xi32>], vector<16xf32>,
    %get3A_2652 = arith.constant 13 : i32
    %get3A_2653 = arith.index_cast %get3A_2652 : i32 to index
    %get3A_2654 = arith.constant 112 : index
    %get3A_2655 = tpu.vector_load %arg18[%get3A_2653, %get3A_2654] {strides = array<i32>} : memref<16x128xf32, #tpu.memory_space<vmem>>, vector<16xf32>,
    %get3A_2656 = arith.constant 13 : i32
    %get3A_2657 = arith.index_cast %get3A_2656 : i32 to index
    %get3A_2658 = arith.constant 112 : index
    %get3A_2659 = tpu.vector_load %arg19[%get3A_2657, %get3A_2658] {strides = array<i32>} : memref<16x128xf32, #tpu.memory_space<vmem>>, vector<16xf32>,
    %mul3A_2660 = arith.mulf %get3A_2655, %get3A_2659 : vector<16xf32>
    %mul3A_2661 = arith.mulf %mul3A_2660, %gather3A_2651 : vector<16xf32>
    %get3A_2662 = arith.constant 13 : i32
    %get3A_2663 = arith.index_cast %get3A_2662 : i32 to index
    %get3A_2664 = arith.constant 112 : index
    %get3A_2665 = tpu.vector_load %arg20[%get3A_2663, %get3A_2664] {strides = array<i32>} : memref<16x128xf32, #tpu.memory_space<vmem>>, vector<16xf32>,
    %mul3A_2666 = arith.mulf %mul3A_2661, %get3A_2665 : vector<16xf32>
    %add3A_2667 = arith.addf %add3A_2648, %mul3A_2666 : vector<16xf32>
    %broadcast_in_dim3A_2668 = arith.constant 14 : i32
    %broadcast_in_dim3A_2669 = vector.broadcast %broadcast_in_dim3A_2668 : i32 to vector<16xi32>
    %gather3A_2670 = tpu.vector_load_idx %arg17[%broadcast_in_dim3A_2669, %get3A_2399] : memref<16x1000xf32, #tpu.memory_space<vmem>>[vector<16xi32>, vector<16xi32>], vector<16xf32>,
    %get3A_2671 = arith.constant 14 : i32
    %get3A_2672 = arith.index_cast %get3A_2671 : i32 to index
    %get3A_2673 = arith.constant 112 : index
    %get3A_2674 = tpu.vector_load %arg18[%get3A_2672, %get3A_2673] {strides = array<i32>} : memref<16x128xf32, #tpu.memory_space<vmem>>, vector<16xf32>,
    %get3A_2675 = arith.constant 14 : i32
    %get3A_2676 = arith.index_cast %get3A_2675 : i32 to index
    %get3A_2677 = arith.constant 112 : index
    %get3A_2678 = tpu.vector_load %arg19[%get3A_2676, %get3A_2677] {strides = array<i32>} : memref<16x128xf32, #tpu.memory_space<vmem>>, vector<16xf32>,
    %mul3A_2679 = arith.mulf %get3A_2674, %get3A_2678 : vector<16xf32>
    %mul3A_2680 = arith.mulf %mul3A_2679, %gather3A_2670 : vector<16xf32>
    %get3A_2681 = arith.constant 14 : i32
    %get3A_2682 = arith.index_cast %get3A_2681 : i32 to index
    %get3A_2683 = arith.constant 112 : index
    %get3A_2684 = tpu.vector_load %arg20[%get3A_2682, %get3A_2683] {strides = array<i32>} : memref<16x128xf32, #tpu.memory_space<vmem>>, vector<16xf32>,
    %mul3A_2685 = arith.mulf %mul3A_2680, %get3A_2684 : vector<16xf32>
    %add3A_2686 = arith.addf %add3A_2667, %mul3A_2685 : vector<16xf32>
    %broadcast_in_dim3A_2687 = arith.constant 15 : i32
    %broadcast_in_dim3A_2688 = vector.broadcast %broadcast_in_dim3A_2687 : i32 to vector<16xi32>
    %gather3A_2689 = tpu.vector_load_idx %arg17[%broadcast_in_dim3A_2688, %get3A_2399] : memref<16x1000xf32, #tpu.memory_space<vmem>>[vector<16xi32>, vector<16xi32>], vector<16xf32>,
    %get3A_2690 = arith.constant 15 : i32
    %get3A_2691 = arith.index_cast %get3A_2690 : i32 to index
    %get3A_2692 = arith.constant 112 : index
    %get3A_2693 = tpu.vector_load %arg18[%get3A_2691, %get3A_2692] {strides = array<i32>} : memref<16x128xf32, #tpu.memory_space<vmem>>, vector<16xf32>,
    %get3A_2694 = arith.constant 15 : i32
    %get3A_2695 = arith.index_cast %get3A_2694 : i32 to index
    %get3A_2696 = arith.constant 112 : index
    %get3A_2697 = tpu.vector_load %arg19[%get3A_2695, %get3A_2696] {strides = array<i32>} : memref<16x128xf32, #tpu.memory_space<vmem>>, vector<16xf32>,
    %mul3A_2698 = arith.mulf %get3A_2693, %get3A_2697 : vector<16xf32>
    %mul3A_2699 = arith.mulf %mul3A_2698, %gather3A_2689 : vector<16xf32>
    %get3A_2700 = arith.constant 15 : i32
    %get3A_2701 = arith.index_cast %get3A_2700 : i32 to index
    %get3A_2702 = arith.constant 112 : index
    %get3A_2703 = tpu.vector_load %arg20[%get3A_2701, %get3A_2702] {strides = array<i32>} : memref<16x128xf32, #tpu.memory_space<vmem>>, vector<16xf32>,
    %mul3A_2704 = arith.mulf %mul3A_2699, %get3A_2703 : vector<16xf32>
    %add3A_2705 = arith.addf %add3A_2686, %mul3A_2704 : vector<16xf32>
    %swap3A_2706 = arith.constant 0 : i32
    %swap3A_2707 = arith.index_cast %swap3A_2706 : i32 to index
    %swap3A_2708 = arith.constant 112 : index
    %swap3A_2709 = tpu.vector_load %arg22[%swap3A_2707, %swap3A_2708] {strides = array<i32>} : memref<1x128xf32, #tpu.memory_space<vmem>>, vector<16xf32>,
    tpu.vector_store %arg22[%swap3A_2707, %swap3A_2708], %add3A_2705 {strides = array<i32>} : memref<1x128xf32, #tpu.memory_space<vmem>>, vector<16xf32>,
    %get3A_2710 = arith.constant 0 : i32
    %get3A_2711 = arith.index_cast %get3A_2710 : i32 to index
    %get3A_2712 = arith.constant 112 : index
    %get3A_2713 = tpu.vector_load %arg21[%get3A_2711, %get3A_2712] {strides = array<i32>} : memref<1x128xf32, #tpu.memory_space<vmem>>, vector<16xf32>,
    %get3A_2714 = arith.constant 112 : index
    %get3A_2715 = tpu.vector_load %arg13[%get3A_2714] {strides = array<i32>} : memref<128xi32, #tpu.memory_space<vmem>>, vector<16xi32>,
    %convert_element_type3A_2716 = arith.sitofp %get3A_2715 : vector<16xi32> to vector<16xf32>
    %mul3A_2717 = vector.broadcast %squeeze3A : f32 to vector<16xf32>
    %mul3A_2718 = arith.mulf %mul3A_2717, %convert_element_type3A_2716 : vector<16xf32>
    %add3A_2719 = arith.addf %get3A_2713, %mul3A_2718 : vector<16xf32>
    %get3A_2720 = arith.constant 112 : index
    %get3A_2721 = tpu.vector_load %arg14[%get3A_2720] {strides = array<i32>} : memref<128xi32, #tpu.memory_space<vmem>>, vector<16xi32>,
    %convert_element_type3A_2722 = arith.sitofp %get3A_2721 : vector<16xi32> to vector<16xf32>
    %mul3A_2723 = vector.broadcast %squeeze3A_47 : f32 to vector<16xf32>
    %mul3A_2724 = arith.mulf %mul3A_2723, %convert_element_type3A_2722 : vector<16xf32>
    %add3A_2725 = arith.addf %add3A_2719, %mul3A_2724 : vector<16xf32>
    %convert_element_type3A_2726 = arith.sitofp %get3A_2399 : vector<16xi32> to vector<16xf32>
    %mul3A_2727 = vector.broadcast %squeeze3A_49 : f32 to vector<16xf32>
    %mul3A_2728 = arith.mulf %mul3A_2727, %convert_element_type3A_2726 : vector<16xf32>
    %add3A_2729 = arith.addf %add3A_2725, %mul3A_2728 : vector<16xf32>
    %swap3A_2730 = arith.constant 0 : i32
    %swap3A_2731 = arith.index_cast %swap3A_2730 : i32 to index
    %swap3A_2732 = arith.constant 112 : index
    %swap3A_2733 = tpu.vector_load %arg23[%swap3A_2731, %swap3A_2732] {strides = array<i32>} : memref<1x128xf32, #tpu.memory_space<vmem>>, vector<16xf32>,
    tpu.vector_store %arg23[%swap3A_2731, %swap3A_2732], %add3A_2729 {strides = array<i32>} : memref<1x128xf32, #tpu.memory_space<vmem>>, vector<16xf32>,
    "tpu.region"() ({
      %run_scoped3A = tpu.sem_alloc : memref<!tpu.dma_semaphore, #tpu.memory_space<semaphore_mem>>
      %dma_start3A_2734 = arith.constant 0 : i32
      %dma_start3A_2735 = tpu.memref_slice %arg11[%dma_start3A_2734, %mul3A_2] : memref<1x4096xf32, #tpu.memory_space<hbm>> -> memref<1x128xf32, #tpu.memory_space<hbm>>
      %dma_start3A_2736 = arith.constant 0 : i32
      %dma_start3A_2737 = tpu.memref_slice %arg11[%dma_start3A_2736, %mul3A_2] : memref<1x4096xf32, #tpu.memory_space<hbm>> -> memref<1x128xf32, #tpu.memory_space<hbm>>
      tpu.enqueue_dma source(%arg22 : memref<1x128xf32, #tpu.memory_space<vmem>>) target(%dma_start3A_2737 : memref<1x128xf32, #tpu.memory_space<hbm>>) target_semaphore(%run_scoped3A : memref<!tpu.dma_semaphore, #tpu.memory_space<semaphore_mem>>)
      %dma_wait3A_2738 = arith.constant 0 : i32
      %dma_wait3A_2739 = tpu.memref_slice %arg11[%dma_wait3A_2738, %mul3A_2] : memref<1x4096xf32, #tpu.memory_space<hbm>> -> memref<1x128xf32, #tpu.memory_space<hbm>>
      %dma_wait3A_2740 = arith.constant 0 : i32
      %dma_wait3A_2741 = tpu.memref_slice %arg11[%dma_wait3A_2740, %mul3A_2] : memref<1x4096xf32, #tpu.memory_space<hbm>> -> memref<1x128xf32, #tpu.memory_space<hbm>>
      tpu.wait_dma2 semaphore(%run_scoped3A : memref<!tpu.dma_semaphore, #tpu.memory_space<semaphore_mem>>) src(%arg22 : memref<1x128xf32, #tpu.memory_space<vmem>>) dst(%dma_wait3A_2741 : memref<1x128xf32, #tpu.memory_space<hbm>>)
      tpu.yield
    }) : () -> ()
    "tpu.region"() ({
      %run_scoped3A = tpu.sem_alloc : memref<!tpu.dma_semaphore, #tpu.memory_space<semaphore_mem>>
      %dma_start3A_2734 = arith.constant 0 : i32
      %dma_start3A_2735 = tpu.memref_slice %arg12[%dma_start3A_2734, %mul3A_2] : memref<1x4096xf32, #tpu.memory_space<hbm>> -> memref<1x128xf32, #tpu.memory_space<hbm>>
      %dma_start3A_2736 = arith.constant 0 : i32
      %dma_start3A_2737 = tpu.memref_slice %arg12[%dma_start3A_2736, %mul3A_2] : memref<1x4096xf32, #tpu.memory_space<hbm>> -> memref<1x128xf32, #tpu.memory_space<hbm>>
      tpu.enqueue_dma source(%arg23 : memref<1x128xf32, #tpu.memory_space<vmem>>) target(%dma_start3A_2737 : memref<1x128xf32, #tpu.memory_space<hbm>>) target_semaphore(%run_scoped3A : memref<!tpu.dma_semaphore, #tpu.memory_space<semaphore_mem>>)
      %dma_wait3A_2738 = arith.constant 0 : i32
      %dma_wait3A_2739 = tpu.memref_slice %arg12[%dma_wait3A_2738, %mul3A_2] : memref<1x4096xf32, #tpu.memory_space<hbm>> -> memref<1x128xf32, #tpu.memory_space<hbm>>
      %dma_wait3A_2740 = arith.constant 0 : i32
      %dma_wait3A_2741 = tpu.memref_slice %arg12[%dma_wait3A_2740, %mul3A_2] : memref<1x4096xf32, #tpu.memory_space<hbm>> -> memref<1x128xf32, #tpu.memory_space<hbm>>
      tpu.wait_dma2 semaphore(%run_scoped3A : memref<!tpu.dma_semaphore, #tpu.memory_space<semaphore_mem>>) src(%arg23 : memref<1x128xf32, #tpu.memory_space<vmem>>) dst(%dma_wait3A_2741 : memref<1x128xf32, #tpu.memory_space<hbm>>)
      tpu.yield
    }) : () -> ()
    return
  }
}

module attributes {stable_mosaic.version = 14 : i64} {
  func.func @body(%arg0: i32, %arg1: memref<1x4096xf32, #tpu.memory_space<vmem>>, %arg2: memref<1x4096xf32, #tpu.memory_space<vmem>>, %arg3: memref<512x4096xf32, #tpu.memory_space<vmem>>) attributes {dimension_semantics = [#tpu.dimension_semantics<arbitrary>], iteration_bounds = array<i64: 8>, scalar_prefetch = 0 : i64, scratch_operands = 0 : i64, tpu.core_type = #tpu.core_type<tc>, window_params = [{pipeline_mode = #tpu.pipeline_mode<synchronous>, transform_indices = @transform_0, window_bounds = array<i64: 1, 4096>}, {pipeline_mode = #tpu.pipeline_mode<synchronous>, transform_indices = @transform_1, window_bounds = array<i64: 1, 4096>}, {transform_indices = @transform_2, window_bounds = array<i64: 512, 4096>}]} {
    %mul3A = arith.constant 512 : i32
    %mul3A_0 = arith.muli %arg0, %mul3A : i32
    %get3A = arith.constant 0 : index
    %get3A_1 = arith.index_cast %mul3A_0 : i32 to index
    %get3A_2 = vector.load %arg1[%get3A, %get3A_1] : memref<1x4096xf32, #tpu.memory_space<vmem>>, vector<1x512xf32>
    %transpose3A = tpu.transpose %get3A_2, [1, 0] : vector<1x512xf32> -> vector<512x1xf32>
    %get3A_3 = arith.constant 0 : index
    %get3A_4 = arith.constant 0 : index
    %get3A_5 = vector.load %arg2[%get3A_3, %get3A_4] : memref<1x4096xf32, #tpu.memory_space<vmem>>, vector<1x4096xf32>
    %add3A = vector.broadcast %transpose3A : vector<512x1xf32> to vector<512x4096xf32>
    %add3A_6 = vector.broadcast %get3A_5 : vector<1x4096xf32> to vector<512x4096xf32>
    %add3A_7 = arith.addf %add3A, %add3A_6 : vector<512x4096xf32>
    %swap3A = arith.constant 0 : index
    %swap3A_8 = arith.constant 0 : index
    %swap3A_9 = vector.load %arg3[%swap3A, %swap3A_8] : memref<512x4096xf32, #tpu.memory_space<vmem>>, vector<512x4096xf32>
    tpu.vector_store %arg3[%swap3A, %swap3A_8], %add3A_7 {strides = array<i32>} : memref<512x4096xf32, #tpu.memory_space<vmem>>, vector<512x4096xf32>,
    return
  }
  func.func @transform_0(%arg0: i32) -> (i32, i32) {
    %c0_i32 = arith.constant 0 : i32
    %c0_i32_0 = arith.constant 0 : i32
    %c0_i32_1 = arith.constant 0 : i32
    return %c0_i32, %c0_i32_0 : i32, i32
  }
  func.func @transform_1(%arg0: i32) -> (i32, i32) {
    %c0_i32 = arith.constant 0 : i32
    %c0_i32_0 = arith.constant 0 : i32
    %c0_i32_1 = arith.constant 0 : i32
    return %c0_i32, %c0_i32_0 : i32, i32
  }
  func.func @transform_2(%arg0: i32) -> (i32, i32) {
    %c0_i32 = arith.constant 0 : i32
    %c0_i32_0 = arith.constant 0 : i32
    return %arg0, %c0_i32 : i32, i32
  }
}

module attributes {stable_mosaic.version = 14 : i64} {
  func.func @body(%arg0: memref<8xf32, #tpu.memory_space<smem>>, %arg1: memref<4096x512xf32, #tpu.memory_space<vmem>>, %arg2: memref<16x512xf32, #tpu.memory_space<vmem>>, %arg3: memref<16x1xf32, #tpu.memory_space<vmem>>, %arg4: memref<1x512xf32, #tpu.memory_space<vmem>>, %arg5: memref<16x4096xf32, #tpu.memory_space<vmem>>, %arg6: memref<1x4096xf32, #tpu.memory_space<vmem>>) attributes {dimension_semantics = [], scalar_prefetch = 0 : i64, scratch_operands = 0 : i64, tpu.core_type = #tpu.core_type<tc>} {
    %get3A = arith.constant 0 : index
    %get3A_0 = arith.constant 0 : index
    %get3A_1 = vector.load %arg1[%get3A, %get3A_0] : memref<4096x512xf32, #tpu.memory_space<vmem>>, vector<4096x512xf32>
    %get3A_2 = arith.constant 0 : index
    %get3A_3 = arith.constant 0 : index
    %get3A_4 = vector.load %arg2[%get3A_2, %get3A_3] : memref<16x512xf32, #tpu.memory_space<vmem>>, vector<16x512xf32>
    %dot_general3A = arith.constant dense<0.000000e+00> : vector<16x4096xf32>
    %dot_general3A_5 = tpu.matmul %get3A_4, %get3A_1, %dot_general3A {dimension_numbers = #tpu.dot_dimension_numbers<[1], [1], [0], [0], [0, 0, 1, 0], [], []>, precision = #tpu.contract_precision<fp32>, transpose_lhs_hint = false} : vector<16x512xf32>, vector<4096x512xf32>, vector<16x4096xf32> -> vector<16x4096xf32>
    %get3A_6 = arith.constant 0 : index
    %get3A_7 = arith.constant 0 : index
    %get3A_8 = vector.load %arg3[%get3A_6, %get3A_7] : memref<16x1xf32, #tpu.memory_space<vmem>>, vector<16x1xf32>
    %add3A = vector.broadcast %get3A_8 : vector<16x1xf32> to vector<16x4096xf32>
    %add3A_9 = arith.addf %dot_general3A_5, %add3A : vector<16x4096xf32>
    %swap3A = arith.constant 0 : index
    %swap3A_10 = arith.constant 0 : index
    %swap3A_11 = vector.load %arg5[%swap3A, %swap3A_10] : memref<16x4096xf32, #tpu.memory_space<vmem>>, vector<16x4096xf32>
    tpu.vector_store %arg5[%swap3A, %swap3A_10], %add3A_9 {strides = array<i32>} : memref<16x4096xf32, #tpu.memory_space<vmem>>, vector<16x4096xf32>,
    %get3A_12 = arith.constant 1 : index
    %get3A_13 = memref.load %arg0[%get3A_12] : memref<8xf32, #tpu.memory_space<smem>>
    %get3A_14 = arith.constant 3 : index
    %get3A_15 = memref.load %arg0[%get3A_14] : memref<8xf32, #tpu.memory_space<smem>>
    %add3A_16 = arith.addf %get3A_13, %get3A_15 : f32
    %get3A_17 = arith.constant 5 : index
    %get3A_18 = memref.load %arg0[%get3A_17] : memref<8xf32, #tpu.memory_space<smem>>
    %add3A_19 = arith.addf %add3A_16, %get3A_18 : f32
    %get3A_20 = arith.constant 6 : index
    %get3A_21 = memref.load %arg0[%get3A_20] : memref<8xf32, #tpu.memory_space<smem>>
    %add3A_22 = arith.addf %add3A_19, %get3A_21 : f32
    %get3A_23 = arith.constant 7 : index
    %get3A_24 = memref.load %arg0[%get3A_23] : memref<8xf32, #tpu.memory_space<smem>>
    %add3A_25 = arith.addf %add3A_22, %get3A_24 : f32
    %get3A_26 = arith.constant 0 : index
    %get3A_27 = arith.constant 0 : index
    %get3A_28 = vector.load %arg4[%get3A_26, %get3A_27] : memref<1x512xf32, #tpu.memory_space<vmem>>, vector<1x512xf32>
    %dot_general3A_29 = arith.constant dense<0.000000e+00> : vector<1x4096xf32>
    %dot_general3A_30 = tpu.matmul %get3A_28, %get3A_1, %dot_general3A_29 {dimension_numbers = #tpu.dot_dimension_numbers<[1], [1], [0], [0], [0, 0, 1, 0], [], []>, precision = #tpu.contract_precision<fp32>, transpose_lhs_hint = false} : vector<1x512xf32>, vector<4096x512xf32>, vector<1x4096xf32> -> vector<1x4096xf32>
    %add3A_31 = vector.broadcast %add3A_25 : f32 to vector<1x4096xf32>
    %add3A_32 = arith.addf %dot_general3A_30, %add3A_31 : vector<1x4096xf32>
    %swap3A_33 = arith.constant 0 : index
    %swap3A_34 = arith.constant 0 : index
    %swap3A_35 = vector.load %arg6[%swap3A_33, %swap3A_34] : memref<1x4096xf32, #tpu.memory_space<vmem>>, vector<1x4096xf32>
    tpu.vector_store %arg6[%swap3A_33, %swap3A_34], %add3A_32 {strides = array<i32>} : memref<1x4096xf32, #tpu.memory_space<vmem>>, vector<1x4096xf32>,
    return
  }
}

</mosaic_0001>

<sc_bundles>
// kernel: gather_offload_async_start.1
scs
__scs_entry_jumppad:
0x0: {  	(pc) =	sbr.rel $0x88, $3  }
0x1: {  	(tag) =	ssettag $0x0;
	lr =	simm.s32 $0x1  }
0x2: {  	[smem:$0x3F8F] =	sst lr;
	_ =	strace $0xD0000000  }
0x3: {  	_ = 	snop  }
0x4: {  	_ = 	snop  }
0x5: {  	_ = 	snop  }
0x6: {  	_ = 	snop  }
0x7: {  	_ = 	snop  }
__scs_overlays_trampoline_lowered:
0x8: {  	[smem:$0x3F9E] =	sst s0  }
0x9: {  	[smem:$0x3F9F] =	sst s1  }
0xa: {  	[smem:$0x3FA0] =	sst s2  }
0xb: {  	[smem:$0x3FA1] =	sst s3  }
0xc: {  	[smem:$0x3FA2] =	sst s4  }
0xd: {  	[smem:$0x3FA3] =	sst s5  }
0xe: {  	[smem:$0x3FA4] =	sst s6  }
0xf: {  	[smem:$0x3FA5] =	sst s7  }
0x10: {  	[smem:$0x3FA6] =	sst s8  }
0x11: {  	[smem:$0x3FA7] =	sst s9;
	s0 =	simm.s32 @!p0 $0x0  }
0x12: {  	s1 =	sld [smem:$0x3F8D];
	s0 =	simm.s32 @p0 $0x1  }
0x13: {  	[smem:$0x3FA8] =	sst s0;
	s0 =	simm.s32 @!p1 $0x0  }
0x14: {  	s2 =	sld [smem:$0x3F8C];
	s0 =	simm.s32 @p1 $0x1  }
0x15: {  	[smem:$0x3FA9] =	sst s0;
	s0 =	simm.s32 @!p2 $0x0  }
0x16: {  	s3 =	sld [smem:$0x3FDB];
	s0 =	simm.s32 @p2 $0x1  }
0x17: {  	s4 =	simm.s32 $0x1BF5;
	[smem:$0x3FAB] =	sst s0  }
0x18: {  	s0 =	sld [smem:$0x3F8E];
	_ =	swait.ge [sflag:s4], $0x0  }
0x19: {  	s7 =	sld [smem:$0x3F8F]  }
0x1a: {  	s8 =	sadd.s32 $0xFFFFE003, lr  }
0x1b: {  	s9 =	sadd.s32 $0xFFFFFEF7, lr;
	s5 =	simm.s32 $0xFFFFFFFF;
	p2 =	slt.u32 s8, $0xFFFFF086  }
0x1c: {  	p1 =	slt.u32 s9, $0xF7A;
	s5 =	simm.s32 @!p2 $0x0  }
0x1d: {  	s5 =	simm.s32 @p1 $0x1;
	p0 =	seq.s32 s7, s2  }
0x1e: {  	s7 =	smul.u32 @!p0 $0xF7A, s2;
	p2 =	seq.s32 @!p0 s5, $0x0  }
0x1f: {  	s9 =	smul.u32 $0xF7A, s1;
	s8 =	simm.s32 @!p0 $0x1BF5;
	p2 =	por !p2, p0  }
0x20: {  	[sflag:s8] =	ssyncset.s32 @!p0 $0xFFFFF086;
	s6 =	sadd.s32 @!p0 s3, s7;
	s7 =	simm.s32 @!p0 $0x108  }
0x21: {  	s3 =	sadd.s32 s3, s9;
	s6 =	sadd.s32 @!p0 $0x88, s6;
	s7 =	simm.s32 @p2 $0x1082  }
0x22: {  	[simem:s7], [sflag:s8] =	dma.local @!p0 [hbm:s6], $0xF7A  }
0x23: {  	s9 =	sor.u32 $0xD0000000, s2;
	s6 =	simm.s32 $0x108;
	_ =	swait.ge @!p0 [sflag:s8], $0x0  }
0x24: {  	s3 =	sadd.s32 $0x88, s3;
	s6 =	simm.s32 @!p1 $0x1082;
	[sflag:s4] =	ssyncset.s32 $0xFFFFF086  }
0x25: {  	[simem:s6], [sflag:s4] =	dma.local [hbm:s3], $0xF7A  }
0x26: {  	[smem:$0x3F8F] =	sst s1;
	(tag) =	ssettag s2;
	_ =	strace s9  }
0x27: {  	s1 =	sld [smem:$0x3F9F]  }
0x28: {  	s2 =	sld [smem:$0x3FA0]  }
0x29: {  	s4 =	sld [smem:$0x3FA2]  }
0x2a: {  	p0 =	seq.s32 s5, $0x0;
	s5 =	sld [smem:$0x3FA3]  }
0x2b: {  	s6 =	sld [smem:$0x3FA4]  }
0x2c: {  	s7 =	sld [smem:$0x3FA5]  }
0x2d: {  	s3 =	simm.s32 $0x108;
	s8 =	sld [smem:$0x3FA6]  }
0x2e: {  	s3 =	simm.s32 @!p0 $0x1082;
	s9 =	sld [smem:$0x3FA7]  }
0x2f: {  	lr =	sadd.s32 s0, s3;
	s0 =	sld [smem:$0x3F9E]  }
0x30: {  	s3 =	sld [smem:$0x3FA1]  }
0x31: {  	[smem:$0x3FAA] =	sst s10  }
0x32: {  	s10 =	sld [smem:$0x3FA8];
	_ =	sdelay $0x3  }
0x33: {  	p0 =	seq.s32 s10, $0x1;
	s10 =	sld [smem:$0x3FAA];
	_ =	sdelay $0x3  }
0x34: {  	[smem:$0x3FAA] =	sst s10  }
0x35: {  	s10 =	sld [smem:$0x3FA9];
	_ =	sdelay $0x3  }
0x36: {  	p1 =	seq.s32 s10, $0x1;
	s10 =	sld [smem:$0x3FAA];
	_ =	sdelay $0x3  }
0x37: {  	[smem:$0x3FAA] =	sst s10  }
0x38: {  	s10 =	sld [smem:$0x3FAB]  }
0x39: {  	_ = 	snop;
	(pc) =	sbr.ind lr, $3  }
0x3a: {  	_ = 	snop  }
0x3b: {  	_ = 	snop  }
0x3c: {  	p2 =	seq.s32 s10, $0x1;
	s10 =	sld [smem:$0x3FAA]  }
0x3d: {  	_ =	shalt  }
0x3e: {  	_ =	shalt  }
0x3f: {  	_ =	shalt  }
0x40: {  	_ =	shalt  }
0x41: {  	_ =	shalt  }
0x42: {  	_ =	shalt  }
0x43: {  	_ =	shalt  }
0x44: {  	_ =	shalt  }
0x45: {  	_ =	shalt  }
0x46: {  	_ =	shalt  }
0x47: {  	_ =	shalt  }
0x48: {  	_ =	shalt  }
0x49: {  	_ =	shalt  }
0x4a: {  	_ =	shalt  }
0x4b: {  	_ =	shalt  }
0x4c: {  	_ =	shalt  }
0x4d: {  	_ =	shalt  }
0x4e: {  	_ =	shalt  }
0x4f: {  	_ =	shalt  }
0x50: {  	_ =	shalt  }
0x51: {  	_ =	shalt  }
0x52: {  	_ =	shalt  }
0x53: {  	_ =	shalt  }
0x54: {  	_ =	shalt  }
0x55: {  	_ =	shalt  }
0x56: {  	_ =	shalt  }
0x57: {  	_ =	shalt  }
0x58: {  	_ =	shalt  }
0x59: {  	_ =	shalt  }
0x5a: {  	_ =	shalt  }
0x5b: {  	_ =	shalt  }
0x5c: {  	_ =	shalt  }
0x5d: {  	_ =	shalt  }
0x5e: {  	_ =	shalt  }
0x5f: {  	_ =	shalt  }
0x60: {  	_ =	shalt  }
0x61: {  	_ =	shalt  }
0x62: {  	_ =	shalt  }
0x63: {  	_ =	shalt  }
0x64: {  	_ =	shalt  }
0x65: {  	_ =	shalt  }
0x66: {  	_ =	shalt  }
0x67: {  	_ =	shalt  }
0x68: {  	_ =	shalt  }
0x69: {  	_ =	shalt  }
0x6a: {  	_ =	shalt  }
0x6b: {  	_ =	shalt  }
0x6c: {  	_ =	shalt  }
0x6d: {  	_ =	shalt  }
0x6e: {  	_ =	shalt  }
0x6f: {  	_ =	shalt  }
0x70: {  	_ =	shalt  }
0x71: {  	_ =	shalt  }
0x72: {  	_ =	shalt  }
0x73: {  	_ =	shalt  }
0x74: {  	_ =	shalt  }
0x75: {  	_ =	shalt  }
0x76: {  	_ =	shalt  }
0x77: {  	_ =	shalt  }
0x78: {  	_ =	shalt  }
0x79: {  	_ =	shalt  }
0x7a: {  	_ =	shalt  }
0x7b: {  	_ =	shalt  }
0x7c: {  	_ =	shalt  }
0x7d: {  	_ =	shalt  }
0x7e: {  	_ =	shalt  }
0x7f: {  	_ =	shalt  }
0x80: {  	_ =	shalt  }
0x81: {  	_ =	shalt  }
0x82: {  	_ =	shalt  }
0x83: {  	_ =	shalt  }
0x84: {  	_ =	shalt  }
0x85: {  	_ =	shalt  }
0x86: {  	_ =	shalt  }
0x87: {  	_ =	shalt  }
.Lfunc_end0:
.L_simem_size_0:
called_computation.1_lowered:
.L_overlay_start_0:
0x88: {  	s2 =	sld [smem:$0x3FD9]  }
0x89: {  	s3 =	sld [smem:$0x3FFE];
	_ =	sdelay $0x1  }
0x8a: {  	s1 =	srdreg.scid  }
0x8b: {  	s0 =	sand.u32 $0x1, s1  }
0x8c: {  	s17 =	sshll.u32 s0, $0xA;
	s2 =	sadd.s32 s3, s2  }
0x8d: {  	s2 =	sadd.s32 s2, s17  }
0x8e: {  	[smem:$0x3FB6] =	sst s2  }
0x8f: {  	_ = 	snop  }
0x90: {  	s2 =	sld [smem:$0x3FC4];
	(tm) =	ssettm $0x1  }
0x91: {  	s18 =	sld [smem:$0x3FFB];
	_ =	sdelay $0x3  }
0x92: {  	_ =	strace s18  }
0x93: {  	s3 =	sld [smem:$0x3FFC];
	_ =	sdelay $0x3  }
0x94: {  	_ =	strace s3  }
0x95: {  	s3 =	sld [smem:$0x3FFD];
	_ =	sdelay $0x3  }
0x96: {  	_ =	strace s3  }
0x97: {  	_ =	strace $0x8FFFFFFF  }
0x98: {  	s19 =	sld [smem:$0x3FDB];
	_ =	sdelay $0x1  }
0x99: {  	s4 =	simm.s32 $_scs_section_size  }
0x9a: {  	s5 =	simm.s32 $_size__tile_overlayer_lowered;
	s6 =	simm.s32 $_tile_overlayer_lowered  }
0x9b: {  	s22 =	simm.s32 $0x1BFF;
	s21 =	sshll.u32 s6, $0x1;
	s3 =	sadd.s32 s4, s19  }
0x9c: {  	s7 =	simm.s32 $0x0;
	s20 =	sshll.u32 s5, $0x1;
	s5 =	sadd.s32 s21, s3  }
0x9d: {  	[timem:s7], [sflag:s22] =	dma.local [hbm:s5], s20  }
0x9e: {  	_ =	swait.ge [sflag:s22], s20  }
0x9f: {  	s4 =	ssub.s32 $0x0, s20;
	[sflag:s22] =	ssyncset.done $0x0  }
0xa0: {  	[sflag:s22] =	ssyncadd.s32 s4;
	_ =	sdelay $0x1  }
0xa1: {  	s23 =	simm.s32 $0x1B8B  }
0xa2: {  	_ =	swait.ge [sflag:s23], $0x1  }
0xa3: {  	[sflag:s23] =	ssyncset.done $0x0  }
0xa4: {  	s25 =	simm.s32 $0x1B8E;
	s24 =	sld [smem:$0x3FFE];
	[sflag:s23] =	ssyncadd.s32 $0xFFFFFFFF  }
0xa5: {  	s26 =	simm.s32 $execute0_lowered;
	[smem:$0x3FD2] =	sst s25  }
0xa6: {  	s5 =	sshll.u32 s26, $0x1;
	_ =	strace $0x80000046;
	[dreg:$0x1] =	wrdreg $0xFFFFFFFF  }
0xa7: {  	s28 =	simm.s32 $_size_execute0_lowered;
	s3 =	sadd.s32 s3, s5;
	[dreg:$0x0] =	wrdreg $0x0  }
0xa8: {  	s5 =	sshll.u32 s28, $0x1;
	[dreg:$0x2] =	wrdreg s3  }
0xa9: {  	[dreg:$0x3] =	wrdreg s5  }
0xaa: {  	[dreg:$0x4] =	wrdreg $0xC0  }
0xab: {  	_ =	task [dreg:s7], $0x5FFFF  }
0xac: {  	[dreg:$0x1] =	wrdreg $0xFFFFFFFF  }
0xad: {  	[dreg:$0x0] =	wrdreg $0x60  }
0xae: {  	[dreg:$0x2] =	wrdreg s2  }
0xaf: {  	[dreg:$0x3] =	wrdreg s24  }
0xb0: {  	[dreg:$0x4] =	wrdreg $0xA  }
0xb1: {  	_ =	task.clear_ibuf [dreg:s7], $0x5FFFF;
	_ =	strace $0x90000046  }
0xb2: {  	s29 =	simm.s32 $0xA;
	_ =	strace $0x80000048  }
0xb3: {  	_ =	swait.ge [sflag:s29], $0x1  }
0xb4: {  	[sflag:s29] =	ssyncadd.s32 $0xFFFFFFFF  }
0xb5: {  	_ =	strace $0x90000048  }
0xb6: {  	_ =	sfence  }
0xb7: {  	s30 =	sld [smem:$0x0];
	_ =	sdelay $0x2  }
0xb8: {  	s31 =	sshll.u32 s1, $0xD;
	s1 =	sshrl.u32 s1, $0x2  }
0xb9: {  	s3 =	sand.u32 $0x4000, s31;
	s1 =	sadd.s32 s1, s30  }
0xba: {  	s0 =	sor.u32 s3, s0;
	s1 =	sshll.u32 s1, $0x11  }
0xbb: {  	s0 =	sor.u32 s1, s0  }
0xbc: {  	s0 =	sadd.s32 $0x8F2B, s0  }
0xbd: {  	[sflag:s0] =	ssyncadd.remote.s32 $0x1  }
0xbe: {  	_ =	sfence.sel $0xFFFF  }
0xbf: {  	[dreg:$0x0] =	wrdreg $0xFFFFFFFF;
	(pc) =	sbr.abs _section_cstart, $3  }
0xc0: {  	[dreg:$0x1] =	wrdreg $0xFFFFFFFF  }
0xc1: {  	_ =	task.clear_ibuf [dreg:s7], $0x2FFFF;
	_ =	strace $0x9FFFFFFF  }
0xc2: {  	(tm) =	ssettm $0x7FFFFFFF  }
0xc3: {  	_ =	shalt  }
tec
execute0_lowered:
.L_overlay_start_1:
0x0: {  	(tag) =	ssettag $0x1  }
0x1: {  	s1 =	srdreg.scid;
	s2 =	rddreg [dreg:$0x0]  }
0x2: {  	s0 =	stileid.u32;
	s9 =	rddreg [dreg:$0x1]  }
0x3: {  	s5 =	simm.s32 $0x1;
	s6 =	simm.s32 $0x2;
	s1 =	sshll.u32 s1, $0x7  }
0x4: {  	s11 =	simm.s32 $0x3;
	s3 =	sshll.u32 s0, $0x8;
	s1 =	sand.u32 $0x80, s1  }
0x5: {  	s13 =	simm.s32 $0x0;
	s12 =	simm.s32 $0x0;
	s3 =	sor.u32 s3, s1  }
0x6: {  	s1 =	rddreg [dreg:$0x2];
	_ =	strace $0x80000047;
	s4 =	sshrl.u32 s3, $0x3  }
0x7: {  	s7 =	ssub.s32 $0x1000, s3;
	[sflag:s5] =	ssyncpa.u1 $0x0;
	s8 =	sadd.s32 s4, s9  }
.Ltmp0:
0x8: {  	s4 =	sadd.s32 $0x2E00, s9;
	s10 =	sand.u32 $0xF80, s7;
	(pc) =	sbr.rel .LBB2_1-.Ltmp0, $4  }
0x9: {  	[sflag:s6] =	ssyncpa.u1 $0x0;
	p0 =	sne.s32 s10, $0x0;
	s10 =	simm.s32 $0x1  }
0xa: {  	s7 =	sshrl.u32 s7, $0xC;
	s9 =	sadd.s32 $0x3E00, s9;
	s10 =	simm.s32 @!p0 $0x0  }
0xb: {  	[sflag:s11] =	ssyncpa.u1 $0x0;
	s8 =	sadd.s32 $0x2C00, s8;
	s7 =	sadd.s32 s10, s7  }
0xc: {  	vm0 =	vmmov $0xffff;
	s11 =	simm.s32 $0x0;
	p0 =	por $0x0, $0x0;
	s10 =	sadd.s32 $0x1, s7  }
.LBB2_4:
0xd: {  	_ =	sdelay $0x3  }
0xe: {  	[tilespmem:s21], [sflag:$0x1] =	stream.indirect_vreg.gather [hbm4b:s2+s11], $0x1, v0, vm0, $0x4038;
	[tilespmem:$0x1100] =	vst v63  }
0xf: {  	s16 =	sadd.s32 s18, s16  }
0x10: {  	v0 =	vld.msk [tilespmem:s16+$0x0 ss:$0x1], $0xffff;
	_ =	sdelay $0x4  }
0x11: {  	vm1 =	vgt.s32 v0, $0x0  }
0x12: {  	v0 =	vnsel vm1, $0x0, v0  }
0x13: {  	v0 =	vmin.u32 v0, $0xF423F  }
0x14: {  	v1 =	vshll.u32 v0, $0x3  }
0x15: {  	v0 =	vand.u32 $0x7F, v0;
	v1 =	vand.u32 $0x7FFC00, v1  }
0x16: {  	v0 =	vor.u32 v0, v1;
	_ =	sdelay $0x2  }
0x17: {  	(ifvalue) =	ssetifvalue $0x7FFFFFFF;
	v1 =	vor.u32 $0x80, v0  }
0x18: {  	s16 =	sadd.s32 s18, s17;
	(ifvalue) =	ssetifvalue $0x7FFFFFFF  }
0x19: {  	[tilespmem:s16], [sflag:$0x1] =	stream.indirect_vreg.gather [hbm4b:s2+s11], $0x1, v0, vm0, $0x4038;
	[tilespmem:$0x1100] =	vst v63  }
0x1a: {  	v2 =	vor.u32 $0x100, v0;
	(ifvalue) =	ssetifvalue $0x7FFFFFFF  }
0x1b: {  	s17 =	sadd.s32 $0x80, s16;
	(ifvalue) =	ssetifvalue $0x7FFFFFFF  }
0x1c: {  	[tilespmem:s17], [sflag:$0x1] =	stream.indirect_vreg.gather [hbm4b:s2+s11], $0x1, v1, vm0, $0x4038;
	[tilespmem:$0x1100] =	vst v63  }
0x1d: {  	v52 =	vor.u32 $0x180, v0;
	(ifvalue) =	ssetifvalue $0x7FFFFFFF  }
0x1e: {  	s29 =	sadd.s32 $0x100, s16;
	(ifvalue) =	ssetifvalue $0x7FFFFFFF  }
0x1f: {  	[tilespmem:s29], [sflag:$0x1] =	stream.indirect_vreg.gather [hbm4b:s2+s11], $0x1, v2, vm0, $0x4038;
	[tilespmem:$0x1100] =	vst v63  }
0x20: {  	v53 =	vor.u32 $0x200, v0;
	(ifvalue) =	ssetifvalue $0x7FFFFFFF  }
0x21: {  	s30 =	sadd.s32 $0x180, s16;
	(ifvalue) =	ssetifvalue $0x7FFFFFFF  }
0x22: {  	[tilespmem:s30], [sflag:$0x1] =	stream.indirect_vreg.gather [hbm4b:s2+s11], $0x1, v52, vm0, $0x4038;
	[tilespmem:$0x1100] =	vst v63  }
0x23: {  	v54 =	vor.u32 $0x280, v0;
	(ifvalue) =	ssetifvalue $0x7FFFFFFF  }
0x24: {  	s31 =	sadd.s32 $0x200, s16;
	(ifvalue) =	ssetifvalue $0x7FFFFFFF  }
0x25: {  	[tilespmem:s31], [sflag:$0x1] =	stream.indirect_vreg.gather [hbm4b:s2+s11], $0x1, v53, vm0, $0x4038;
	[tilespmem:$0x1100] =	vst v63  }
0x26: {  	v55 =	vor.u32 $0x300, v0;
	(ifvalue) =	ssetifvalue $0x7FFFFFFF  }
0x27: {  	s18 =	sadd.s32 $0x280, s16;
	(ifvalue) =	ssetifvalue $0x7FFFFFFF  }
0x28: {  	[tilespmem:s18], [sflag:$0x1] =	stream.indirect_vreg.gather [hbm4b:s2+s11], $0x1, v54, vm0, $0x4038;
	[tilespmem:$0x1100] =	vst v63  }
0x29: {  	v56 =	vor.u32 $0x380, v0;
	(ifvalue) =	ssetifvalue $0x7FFFFFFF  }
0x2a: {  	s19 =	sadd.s32 $0x300, s16;
	(ifvalue) =	ssetifvalue $0x7FFFFFFF  }
0x2b: {  	[tilespmem:s19], [sflag:$0x1] =	stream.indirect_vreg.gather [hbm4b:s2+s11], $0x1, v55, vm0, $0x4038;
	[tilespmem:$0x1100] =	vst v63  }
0x2c: {  	v57 =	vadd.s32 $0x7A1400, v0;
	(ifvalue) =	ssetifvalue $0x7FFFFFFF  }
0x2d: {  	s20 =	sadd.s32 $0x380, s16;
	(ifvalue) =	ssetifvalue $0x7FFFFFFF  }
0x2e: {  	[tilespmem:s20], [sflag:$0x1] =	stream.indirect_vreg.gather [hbm4b:s2+s11], $0x1, v56, vm0, $0x4038;
	[tilespmem:$0x1100] =	vst v63  }
0x2f: {  	v58 =	vadd.s32 $0x7A1480, v0;
	(ifvalue) =	ssetifvalue $0x7FFFFFFF  }
0x30: {  	s21 =	sadd.s32 $0x400, s16;
	(ifvalue) =	ssetifvalue $0x7FFFFFFF  }
0x31: {  	[tilespmem:s21], [sflag:$0x1] =	stream.indirect_vreg.gather [hbm4b:s2+s11], $0x1, v57, vm0, $0x4038;
	[tilespmem:$0x1100] =	vst v63  }
0x32: {  	v59 =	vadd.s32 $0x7A1500, v0;
	(ifvalue) =	ssetifvalue $0x7FFFFFFF  }
0x33: {  	s22 =	sadd.s32 $0x480, s16;
	(ifvalue) =	ssetifvalue $0x7FFFFFFF  }
0x34: {  	[tilespmem:s22], [sflag:$0x1] =	stream.indirect_vreg.gather [hbm4b:s2+s11], $0x1, v58, vm0, $0x4038;
	[tilespmem:$0x1100] =	vst v63  }
0x35: {  	v60 =	vadd.s32 $0x7A1580, v0;
	(ifvalue) =	ssetifvalue $0x7FFFFFFF  }
0x36: {  	s23 =	sadd.s32 $0x500, s16;
	(ifvalue) =	ssetifvalue $0x7FFFFFFF  }
0x37: {  	[tilespmem:s23], [sflag:$0x1] =	stream.indirect_vreg.gather [hbm4b:s2+s11], $0x1, v59, vm0, $0x4038;
	[tilespmem:$0x1100] =	vst v63  }
0x38: {  	v61 =	vadd.s32 $0x7A1600, v0;
	(ifvalue) =	ssetifvalue $0x7FFFFFFF  }
0x39: {  	s24 =	sadd.s32 $0x580, s16;
	(ifvalue) =	ssetifvalue $0x7FFFFFFF  }
0x3a: {  	[tilespmem:s24], [sflag:$0x1] =	stream.indirect_vreg.gather [hbm4b:s2+s11], $0x1, v60, vm0, $0x4038;
	[tilespmem:$0x1100] =	vst v63  }
0x3b: {  	v62 =	vadd.s32 $0x7A1680, v0;
	(ifvalue) =	ssetifvalue $0x7FFFFFFF  }
0x3c: {  	s25 =	sadd.s32 $0x600, s16;
	(ifvalue) =	ssetifvalue $0x7FFFFFFF  }
0x3d: {  	[tilespmem:s25], [sflag:$0x1] =	stream.indirect_vreg.gather [hbm4b:s2+s11], $0x1, v61, vm0, $0x4038;
	[tilespmem:$0x1100] =	vst v63  }
0x3e: {  	v63 =	vadd.s32 $0x7A1700, v0;
	(ifvalue) =	ssetifvalue $0x7FFFFFFF  }
0x3f: {  	s26 =	sadd.s32 $0x680, s16;
	(ifvalue) =	ssetifvalue $0x7FFFFFFF  }
0x40: {  	[tilespmem:s26], [sflag:$0x1] =	stream.indirect_vreg.gather [hbm4b:s2+s11], $0x1, v62, vm0, $0x4038;
	[tilespmem:$0x1100] =	vst v63  }
0x41: {  	v0 =	vadd.s32 $0x7A1780, v0;
	(ifvalue) =	ssetifvalue $0x7FFFFFFF  }
0x42: {  	s28 =	sadd.s32 $0x700, s16;
	(ifvalue) =	ssetifvalue $0x7FFFFFFF  }
0x43: {  	[tilespmem:s28], [sflag:$0x1] =	stream.indirect_vreg.gather [hbm4b:s2+s11], $0x1, v63, vm0, $0x4038;
	[tilespmem:$0x1100] =	vst v63  }
0x44: {  	(ifvalue) =	ssetifvalue $0x7FFFFFFF  }
0x45: {  	s16 =	sadd.s32 $0x780, s16;
	s29 =	sshll.u32 s13, $0x3;
	(ifvalue) =	ssetifvalue $0x7FFFFFFF  }
0x46: {  	[tilespmem:s16], [sflag:$0x1] =	stream.indirect_vreg.gather [hbm4b:s2+s11], $0x1, v0, vm0, $0x4038;
	[tilespmem:$0x1100] =	vst v63  }
0x47: {  	s30 =	sand.u32 $0x78, s13;
	s16 =	sand.u32 $0x7FFFFC00, s29  }
0x48: {  	_ =	swait.ge [sflag:s5], $0x800;
	s13 =	sor.u32 s30, s16  }
0x49: {  	[sflag:s5] =	ssyncset.done $0x0;
	s13 =	sshrl.u32 s13, $0x3  }
0x4a: {  	[sflag:s5] =	ssyncadd.s32 $0xFFFFF800;
	s31 =	sadd.s32 s4, s13  }
0x4b: {  	[hbm:s31] =	stream.linear.scatter [tilespmem:s15], [sflag:$0x3], $0x400, $0x38;
	[tilespmem:$0x1100] =	vst v63  }
0x4c: {  	s14 =	sadd.s32 $0x500, s14;
	s13 =	sadd.s32 s13, s9  }
0x4d: {  	[hbm:s13] =	stream.linear.scatter [tilespmem:s14], [sflag:$0x3], $0x400, $0x38;
	[tilespmem:$0x1100] =	vst v63  }
.LBB2_5:
0x4e: {  	p2 =	sne.s32 s12, s10  }
.Ltmp1:
0x4f: {  	p1 =	slt.u32 s12, $0x2;
	(pc) =	sbr.rel @!p2 .LBB2_6-.Ltmp1, $4  }
0x50: {  	s13 =	simm.s32 @!p1 $0x3  }
0x51: {  	_ =	swait.ge @!p1 [sflag:s13], $0x800  }
0x52: {  	s14 =	sadd.s32 $0x1, s12;
	p0 =	por !p0, !p0;
	[sflag:s13] =	ssyncset.done @!p1 $0x0  }
0x53: {  	s12 =	smov.u32 s14;
	[sflag:s13] =	ssyncadd.s32 @!p1 $0xFFFFF800;
	s13 =	smov.u32 s3  }
.LBB2_1:
0x54: {  	p1 =	sge.u32 s12, s7  }
0x55: {  	s14 =	sxor.u32 @!p1 $0xFFFFFFFF, s12  }
0x56: {  	s14 =	sshll.u32 @!p1 s14, $0x7  }
0x57: {  	s31 =	sadd.s32 $0xFFFFFFFF, s12;
	s15 =	simm.s32 @!p1 $0x0;
	s14 =	sand.u32 @!p1 $0x80, s14  }
0x58: {  	[tilespmem:s14], [sflag:$0x2] =	stream.linear.gather @!p1 [hbm4b:s8+s15], $0x80, $0x38;
	[tilespmem:$0x1100] =	vst v63  }
0x59: {  	p1 =	sge.u32 s31, s7  }
.Ltmp2:
0x5a: {  	_ = 	snop;
	(pc) =	sbr.rel @p1 .LBB2_5-.Ltmp2, $1  }
0x5b: {  	_ =	sdelay $0x3  }
0x5c: {  	s14 =	simm.s32 $0x1  }
0x5d: {  	_ =	swait.ge [sflag:s6], $0x80;
	s14 =	simm.s32 @!p0 $0x0  }
0x5e: {  	[sflag:s6] =	ssyncset.done $0x0;
	s16 =	sshll.u32 s14, $0x7  }
0x5f: {  	[sflag:s6] =	ssyncadd.s32 $0xFFFFFF80;
	s15 =	sadd.s32 $0x0, s16  }
0x60: {  	v0 =	vld.msk [tilespmem:s15+$0x0 ss:$0x1], $0xffff;
	_ =	sdelay $0x4  }
0x61: {  	vm1 =	vgt.s32 v0, $0x0  }
0x62: {  	v0 =	vnsel vm1, $0x0, v0  }
0x63: {  	v0 =	vmin.u32 v0, $0xF423F  }
0x64: {  	v1 =	vshll.u32 v0, $0x3  }
0x65: {  	v0 =	vand.u32 $0x7F, v0;
	v1 =	vand.u32 $0x7FFC00, v1  }
0x66: {  	v0 =	vor.u32 v0, v1;
	_ =	sdelay $0x1  }
0x67: {  	s14 =	sshll.u32 s14, $0xB  }
0x68: {  	s17 =	sor.u32 $0x100, s14;
	(ifvalue) =	ssetifvalue $0x7FFFFFFF;
	v1 =	vor.u32 $0x80, v0  }
0x69: {  	s19 =	sadd.s32 $0x0, s17;
	(ifvalue) =	ssetifvalue $0x7FFFFFFF  }
0x6a: {  	[tilespmem:s19], [sflag:$0x1] =	stream.indirect_vreg.gather [hbm4b:s2+s11], $0x1, v0, vm0, $0x4038;
	[tilespmem:$0x1100] =	vst v63  }
0x6b: {  	v2 =	vor.u32 $0x100, v0;
	(ifvalue) =	ssetifvalue $0x7FFFFFFF  }
0x6c: {  	s30 =	sadd.s32 $0x80, s19;
	(ifvalue) =	ssetifvalue $0x7FFFFFFF  }
0x6d: {  	[tilespmem:s30], [sflag:$0x1] =	stream.indirect_vreg.gather [hbm4b:s2+s11], $0x1, v1, vm0, $0x4038;
	[tilespmem:$0x1100] =	vst v63  }
0x6e: {  	v1 =	vor.u32 $0x180, v0;
	(ifvalue) =	ssetifvalue $0x7FFFFFFF  }
0x6f: {  	s31 =	sadd.s32 $0x100, s19;
	(ifvalue) =	ssetifvalue $0x7FFFFFFF  }
0x70: {  	[tilespmem:s31], [sflag:$0x1] =	stream.indirect_vreg.gather [hbm4b:s2+s11], $0x1, v2, vm0, $0x4038;
	[tilespmem:$0x1100] =	vst v63  }
0x71: {  	v2 =	vor.u32 $0x200, v0;
	(ifvalue) =	ssetifvalue $0x7FFFFFFF  }
0x72: {  	s15 =	sadd.s32 $0x180, s19;
	(ifvalue) =	ssetifvalue $0x7FFFFFFF  }
0x73: {  	[tilespmem:s15], [sflag:$0x1] =	stream.indirect_vreg.gather [hbm4b:s2+s11], $0x1, v1, vm0, $0x4038;
	[tilespmem:$0x1100] =	vst v63  }
0x74: {  	(ifvalue) =	ssetifvalue $0x7FFFFFFF;
	v1 =	vor.u32 $0x280, v0  }
0x75: {  	s18 =	sadd.s32 $0x200, s19;
	(ifvalue) =	ssetifvalue $0x7FFFFFFF  }
0x76: {  	[tilespmem:s18], [sflag:$0x1] =	stream.indirect_vreg.gather [hbm4b:s2+s11], $0x1, v2, vm0, $0x4038;
	[tilespmem:$0x1100] =	vst v63  }
0x77: {  	(ifvalue) =	ssetifvalue $0x7FFFFFFF;
	v2 =	vor.u32 $0x300, v0  }
0x78: {  	s20 =	sadd.s32 $0x280, s19;
	(ifvalue) =	ssetifvalue $0x7FFFFFFF  }
0x79: {  	[tilespmem:s20], [sflag:$0x1] =	stream.indirect_vreg.gather [hbm4b:s2+s11], $0x1, v1, vm0, $0x4038;
	[tilespmem:$0x1100] =	vst v63  }
0x7a: {  	(ifvalue) =	ssetifvalue $0x7FFFFFFF;
	v1 =	vor.u32 $0x380, v0  }
0x7b: {  	s21 =	sadd.s32 $0x300, s19;
	(ifvalue) =	ssetifvalue $0x7FFFFFFF  }
0x7c: {  	[tilespmem:s21], [sflag:$0x1] =	stream.indirect_vreg.gather [hbm4b:s2+s11], $0x1, v2, vm0, $0x4038;
	[tilespmem:$0x1100] =	vst v63  }
0x7d: {  	(ifvalue) =	ssetifvalue $0x7FFFFFFF;
	v2 =	vadd.s32 $0x7A1400, v0  }
0x7e: {  	s22 =	sadd.s32 $0x380, s19;
	(ifvalue) =	ssetifvalue $0x7FFFFFFF  }
0x7f: {  	[tilespmem:s22], [sflag:$0x1] =	stream.indirect_vreg.gather [hbm4b:s2+s11], $0x1, v1, vm0, $0x4038;
	[tilespmem:$0x1100] =	vst v63  }
0x80: {  	(ifvalue) =	ssetifvalue $0x7FFFFFFF;
	v1 =	vadd.s32 $0x7A1480, v0  }
0x81: {  	s23 =	sadd.s32 $0x400, s19;
	(ifvalue) =	ssetifvalue $0x7FFFFFFF  }
0x82: {  	[tilespmem:s23], [sflag:$0x1] =	stream.indirect_vreg.gather [hbm4b:s2+s11], $0x1, v2, vm0, $0x4038;
	[tilespmem:$0x1100] =	vst v63  }
0x83: {  	(ifvalue) =	ssetifvalue $0x7FFFFFFF;
	v2 =	vadd.s32 $0x7A1500, v0  }
0x84: {  	s24 =	sadd.s32 $0x480, s19;
	(ifvalue) =	ssetifvalue $0x7FFFFFFF  }
0x85: {  	[tilespmem:s24], [sflag:$0x1] =	stream.indirect_vreg.gather [hbm4b:s2+s11], $0x1, v1, vm0, $0x4038;
	[tilespmem:$0x1100] =	vst v63  }
0x86: {  	(ifvalue) =	ssetifvalue $0x7FFFFFFF;
	v1 =	vadd.s32 $0x7A1580, v0  }
0x87: {  	s25 =	sadd.s32 $0x500, s19;
	(ifvalue) =	ssetifvalue $0x7FFFFFFF  }
0x88: {  	[tilespmem:s25], [sflag:$0x1] =	stream.indirect_vreg.gather [hbm4b:s2+s11], $0x1, v2, vm0, $0x4038;
	[tilespmem:$0x1100] =	vst v63  }
0x89: {  	(ifvalue) =	ssetifvalue $0x7FFFFFFF;
	v2 =	vadd.s32 $0x7A1600, v0  }
0x8a: {  	s26 =	sadd.s32 $0x580, s19;
	(ifvalue) =	ssetifvalue $0x7FFFFFFF  }
0x8b: {  	[tilespmem:s26], [sflag:$0x1] =	stream.indirect_vreg.gather [hbm4b:s2+s11], $0x1, v1, vm0, $0x4038;
	[tilespmem:$0x1100] =	vst v63  }
0x8c: {  	(ifvalue) =	ssetifvalue $0x7FFFFFFF;
	v1 =	vadd.s32 $0x7A1680, v0  }
0x8d: {  	s28 =	sadd.s32 $0x600, s19;
	(ifvalue) =	ssetifvalue $0x7FFFFFFF  }
0x8e: {  	[tilespmem:s28], [sflag:$0x1] =	stream.indirect_vreg.gather [hbm4b:s2+s11], $0x1, v2, vm0, $0x4038;
	[tilespmem:$0x1100] =	vst v63  }
0x8f: {  	(ifvalue) =	ssetifvalue $0x7FFFFFFF;
	v2 =	vadd.s32 $0x7A1700, v0  }
0x90: {  	s29 =	sadd.s32 $0x680, s19;
	(ifvalue) =	ssetifvalue $0x7FFFFFFF  }
0x91: {  	[tilespmem:s29], [sflag:$0x1] =	stream.indirect_vreg.gather [hbm4b:s2+s11], $0x1, v1, vm0, $0x4038;
	[tilespmem:$0x1100] =	vst v63  }
0x92: {  	s30 =	sshll.u32 s12, $0xB;
	v0 =	vadd.s32 $0x7A1780, v0;
	(ifvalue) =	ssetifvalue $0x7FFFFFFF  }
0x93: {  	s14 =	sand.u32 $0x800, s30;
	s31 =	sadd.s32 $0x700, s19;
	(ifvalue) =	ssetifvalue $0x7FFFFFFF  }
0x94: {  	[tilespmem:s31], [sflag:$0x1] =	stream.indirect_vreg.gather [hbm4b:s2+s11], $0x1, v2, vm0, $0x4038;
	[tilespmem:$0x1100] =	vst v63  }
0x95: {  	s15 =	sor.u32 $0x100, s14;
	s18 =	simm.s32 $0x10;
	(ifvalue) =	ssetifvalue $0x7FFFFFFF  }
0x96: {  	s20 =	simm.s32 $0x80;
	s21 =	sadd.s32 $0x780, s19;
	(ifvalue) =	ssetifvalue $0x7FFFFFFF  }
.LBB2_3:
0x97: {  	[tilespmem:s21], [sflag:$0x1] =	stream.indirect_vreg.gather [hbm4b:s2+s11], $0x1, v0, vm0, $0x4038;
	[tilespmem:$0x1100] =	vst v63  }
0x98: {  	s19 =	smov.u32 s20  }
0x99: {  	s22 =	sadd.s32 s18, s16;
	s21 =	sshra.s32 s19, $0x2;
	s19 =	sadd.s32 $0x40, s20  }
0x9a: {  	p1 =	sne.s32 s20, $0x1C0;
	v0 =	vld.msk [tilespmem:s22+$0x0 ss:$0x1], $0xffff  }
0x9b: {  	(ifvalue) =	ssetifvalue $0x7FFFFFFF;
	_ =	sdelay $0x4  }
0x9c: {  	vm1 =	vgt.s32 v0, $0x0  }
0x9d: {  	v0 =	vnsel vm1, $0x0, v0  }
0x9e: {  	v0 =	vmin.u32 v0, $0xF423F  }
0x9f: {  	v1 =	vshll.u32 v0, $0x3  }
0xa0: {  	v0 =	vand.u32 $0x7F, v0;
	v1 =	vand.u32 $0x7FFC00, v1  }
0xa1: {  	v0 =	vor.u32 v0, v1;
	_ =	sdelay $0x2  }
0xa2: {  	v1 =	vor.u32 $0x80, v0  }
0xa3: {  	s20 =	sadd.s32 s18, s17;
	s18 =	smov.u32 s21;
	(ifvalue) =	ssetifvalue $0x7FFFFFFF  }
0xa4: {  	[tilespmem:s20], [sflag:$0x1] =	stream.indirect_vreg.gather [hbm4b:s2+s11], $0x1, v0, vm0, $0x4038;
	[tilespmem:$0x1100] =	vst v63  }
0xa5: {  	v2 =	vor.u32 $0x100, v0;
	(ifvalue) =	ssetifvalue $0x7FFFFFFF  }
0xa6: {  	s21 =	sadd.s32 $0x80, s20;
	(ifvalue) =	ssetifvalue $0x7FFFFFFF  }
0xa7: {  	[tilespmem:s21], [sflag:$0x1] =	stream.indirect_vreg.gather [hbm4b:s2+s11], $0x1, v1, vm0, $0x4038;
	[tilespmem:$0x1100] =	vst v63  }
0xa8: {  	v1 =	vor.u32 $0x180, v0;
	(ifvalue) =	ssetifvalue $0x7FFFFFFF  }
0xa9: {  	s21 =	sadd.s32 $0x100, s20;
	(ifvalue) =	ssetifvalue $0x7FFFFFFF  }
0xaa: {  	[tilespmem:s21], [sflag:$0x1] =	stream.indirect_vreg.gather [hbm4b:s2+s11], $0x1, v2, vm0, $0x4038;
	[tilespmem:$0x1100] =	vst v63  }
0xab: {  	v2 =	vor.u32 $0x200, v0;
	(ifvalue) =	ssetifvalue $0x7FFFFFFF  }
0xac: {  	s21 =	sadd.s32 $0x180, s20;
	(ifvalue) =	ssetifvalue $0x7FFFFFFF  }
0xad: {  	[tilespmem:s21], [sflag:$0x1] =	stream.indirect_vreg.gather [hbm4b:s2+s11], $0x1, v1, vm0, $0x4038;
	[tilespmem:$0x1100] =	vst v63  }
0xae: {  	v1 =	vor.u32 $0x280, v0;
	(ifvalue) =	ssetifvalue $0x7FFFFFFF  }
0xaf: {  	s21 =	sadd.s32 $0x200, s20;
	(ifvalue) =	ssetifvalue $0x7FFFFFFF  }
0xb0: {  	[tilespmem:s21], [sflag:$0x1] =	stream.indirect_vreg.gather [hbm4b:s2+s11], $0x1, v2, vm0, $0x4038;
	[tilespmem:$0x1100] =	vst v63  }
0xb1: {  	v2 =	vor.u32 $0x300, v0;
	(ifvalue) =	ssetifvalue $0x7FFFFFFF  }
0xb2: {  	s21 =	sadd.s32 $0x280, s20;
	(ifvalue) =	ssetifvalue $0x7FFFFFFF  }
0xb3: {  	[tilespmem:s21], [sflag:$0x1] =	stream.indirect_vreg.gather [hbm4b:s2+s11], $0x1, v1, vm0, $0x4038;
	[tilespmem:$0x1100] =	vst v63  }
0xb4: {  	v1 =	vor.u32 $0x380, v0;
	(ifvalue) =	ssetifvalue $0x7FFFFFFF  }
0xb5: {  	s21 =	sadd.s32 $0x300, s20;
	(ifvalue) =	ssetifvalue $0x7FFFFFFF  }
0xb6: {  	[tilespmem:s21], [sflag:$0x1] =	stream.indirect_vreg.gather [hbm4b:s2+s11], $0x1, v2, vm0, $0x4038;
	[tilespmem:$0x1100] =	vst v63  }
0xb7: {  	v2 =	vadd.s32 $0x7A1400, v0;
	(ifvalue) =	ssetifvalue $0x7FFFFFFF  }
0xb8: {  	s21 =	sadd.s32 $0x380, s20;
	(ifvalue) =	ssetifvalue $0x7FFFFFFF  }
0xb9: {  	[tilespmem:s21], [sflag:$0x1] =	stream.indirect_vreg.gather [hbm4b:s2+s11], $0x1, v1, vm0, $0x4038;
	[tilespmem:$0x1100] =	vst v63  }
0xba: {  	v1 =	vadd.s32 $0x7A1480, v0;
	(ifvalue) =	ssetifvalue $0x7FFFFFFF  }
0xbb: {  	s21 =	sadd.s32 $0x400, s20;
	(ifvalue) =	ssetifvalue $0x7FFFFFFF  }
0xbc: {  	[tilespmem:s21], [sflag:$0x1] =	stream.indirect_vreg.gather [hbm4b:s2+s11], $0x1, v2, vm0, $0x4038;
	[tilespmem:$0x1100] =	vst v63  }
0xbd: {  	v2 =	vadd.s32 $0x7A1500, v0;
	(ifvalue) =	ssetifvalue $0x7FFFFFFF  }
0xbe: {  	s21 =	sadd.s32 $0x480, s20;
	(ifvalue) =	ssetifvalue $0x7FFFFFFF  }
0xbf: {  	[tilespmem:s21], [sflag:$0x1] =	stream.indirect_vreg.gather [hbm4b:s2+s11], $0x1, v1, vm0, $0x4038;
	[tilespmem:$0x1100] =	vst v63  }
0xc0: {  	v1 =	vadd.s32 $0x7A1580, v0;
	(ifvalue) =	ssetifvalue $0x7FFFFFFF  }
0xc1: {  	s21 =	sadd.s32 $0x500, s20;
	(ifvalue) =	ssetifvalue $0x7FFFFFFF  }
0xc2: {  	[tilespmem:s21], [sflag:$0x1] =	stream.indirect_vreg.gather [hbm4b:s2+s11], $0x1, v2, vm0, $0x4038;
	[tilespmem:$0x1100] =	vst v63  }
0xc3: {  	v2 =	vadd.s32 $0x7A1600, v0;
	(ifvalue) =	ssetifvalue $0x7FFFFFFF  }
0xc4: {  	s21 =	sadd.s32 $0x580, s20;
	(ifvalue) =	ssetifvalue $0x7FFFFFFF  }
0xc5: {  	[tilespmem:s21], [sflag:$0x1] =	stream.indirect_vreg.gather [hbm4b:s2+s11], $0x1, v1, vm0, $0x4038;
	[tilespmem:$0x1100] =	vst v63  }
0xc6: {  	v1 =	vadd.s32 $0x7A1680, v0;
	(ifvalue) =	ssetifvalue $0x7FFFFFFF  }
0xc7: {  	s21 =	sadd.s32 $0x600, s20;
	(ifvalue) =	ssetifvalue $0x7FFFFFFF  }
0xc8: {  	[tilespmem:s21], [sflag:$0x1] =	stream.indirect_vreg.gather [hbm4b:s2+s11], $0x1, v2, vm0, $0x4038;
	[tilespmem:$0x1100] =	vst v63  }
0xc9: {  	v2 =	vadd.s32 $0x7A1700, v0;
	(ifvalue) =	ssetifvalue $0x7FFFFFFF  }
0xca: {  	s21 =	sadd.s32 $0x680, s20;
	(ifvalue) =	ssetifvalue $0x7FFFFFFF  }
0xcb: {  	[tilespmem:s21], [sflag:$0x1] =	stream.indirect_vreg.gather [hbm4b:s2+s11], $0x1, v1, vm0, $0x4038;
	[tilespmem:$0x1100] =	vst v63  }
.Ltmp3:
0xcc: {  	v0 =	vadd.s32 $0x7A1780, v0;
	(ifvalue) =	ssetifvalue $0x7FFFFFFF;
	(pc) =	sbr.rel @p1 .LBB2_3-.Ltmp3, $4  }
0xcd: {  	s21 =	sadd.s32 $0x700, s20;
	(ifvalue) =	ssetifvalue $0x7FFFFFFF  }
0xce: {  	[tilespmem:s21], [sflag:$0x1] =	stream.indirect_vreg.gather [hbm4b:s2+s11], $0x1, v2, vm0, $0x4038;
	[tilespmem:$0x1100] =	vst v63  }
0xcf: {  	(ifvalue) =	ssetifvalue $0x7FFFFFFF  }
0xd0: {  	s21 =	sadd.s32 $0x780, s20;
	s20 =	smov.u32 s19;
	(ifvalue) =	ssetifvalue $0x7FFFFFFF  }
.Ltmp4:
0xd1: {  	_ = 	snop;
	(pc) =	sbr.rel .LBB2_4-.Ltmp4, $1  }
0xd2: {  	_ =	sdelay $0x3  }
.LBB2_6:
0xd3: {  	_ =	sfence.sel $0x180000  }
0xd4: {  	s2 =	simm.s32 $0x2;
	[bflag:$0x0] =	sbarrier.arrive $0xFFFF  }
0xd5: {  	s30 =	simm.s32 $0x3;
	[sflag:s2] =	ssyncpa.u1 $0x1  }
0xd6: {  	s31 =	simm.s32 $0x1;
	[sflag:s30] =	ssyncpa.u1 $0x1  }
0xd7: {  	[sflag:s31] =	ssyncpa.u1 $0x1  }
0xd8: {  	p0 =	sne.s32 s0, $0x0;
	_ =	strace $0x90000047  }
0xd9: {  	s0 =	sadd.s32 @!p0 $0x100000, s1;
	[bflag:$0x2] =	sbarrier.arrive $0xFFFF  }
0xda: {  	[sflag:s0] =	ssyncadd.tile.s32 @!p0 $0x1;
	_ =	shalt  }
.Lfunc_end2:
_tile_overlayer_lowered:
.L_overlay_start_2:
0xdb: {  	(tag) =	ssettag $0x2  }
0xdc: {  	s0 =	rddreg [dreg:$0x0];
	s2 =	stileid.u32  }
0xdd: {  	s1 =	rddreg [dreg:$0x1];
	p0 =	sne.s32 s2, $0x0  }
0xde: {  	s3 =	rddreg [dreg:$0x2];
	[bflag:$0x3] =	sbarrier.arrive $0xFFFF;
	s2 =	simm.s32 @!p0 $0x1C01  }
0xdf: {  	[timem:s3], [sflag:s2] =	dma.local @!p0 [hbm:s0], s1  }
0xe0: {  	s0 =	simm.s32 @!p0 $0x1  }
0xe1: {  	_ =	swait.ge @!p0 [sflag:s0], s1  }
0xe2: {  	s1 =	ssub.s32 @!p0 $0x0, s1;
	[sflag:s0] =	ssyncset.done @!p0 $0x0  }
0xe3: {  	[sflag:s0] =	ssyncadd.s32 @!p0 s1  }
0xe4: {  	[bflag:$0x3] =	sbarrier.arrive $0xFFFF  }
0xe5: {  	_ =	shalt  }

// kernel: gather_offload_async_start
scs
__scs_entry_jumppad:
0x0: {  	(pc) =	sbr.rel $0x88, $3  }
0x1: {  	(tag) =	ssettag $0x0;
	lr =	simm.s32 $0x1  }
0x2: {  	[smem:$0x3F8F] =	sst lr;
	_ =	strace $0xD0000000  }
0x3: {  	_ = 	snop  }
0x4: {  	_ = 	snop  }
0x5: {  	_ = 	snop  }
0x6: {  	_ = 	snop  }
0x7: {  	_ = 	snop  }
__scs_overlays_trampoline_lowered:
0x8: {  	[smem:$0x3F9E] =	sst s0  }
0x9: {  	[smem:$0x3F9F] =	sst s1  }
0xa: {  	[smem:$0x3FA0] =	sst s2  }
0xb: {  	[smem:$0x3FA1] =	sst s3  }
0xc: {  	[smem:$0x3FA2] =	sst s4  }
0xd: {  	[smem:$0x3FA3] =	sst s5  }
0xe: {  	[smem:$0x3FA4] =	sst s6  }
0xf: {  	[smem:$0x3FA5] =	sst s7  }
0x10: {  	[smem:$0x3FA6] =	sst s8  }
0x11: {  	[smem:$0x3FA7] =	sst s9;
	s0 =	simm.s32 @!p0 $0x0  }
0x12: {  	s1 =	sld [smem:$0x3F8D];
	s0 =	simm.s32 @p0 $0x1  }
0x13: {  	[smem:$0x3FA8] =	sst s0;
	s0 =	simm.s32 @!p1 $0x0  }
0x14: {  	s2 =	sld [smem:$0x3F8C];
	s0 =	simm.s32 @p1 $0x1  }
0x15: {  	[smem:$0x3FA9] =	sst s0;
	s0 =	simm.s32 @!p2 $0x0  }
0x16: {  	s3 =	sld [smem:$0x3FDB];
	s0 =	simm.s32 @p2 $0x1  }
0x17: {  	s4 =	simm.s32 $0x1BF5;
	[smem:$0x3FAB] =	sst s0  }
0x18: {  	s0 =	sld [smem:$0x3F8E];
	_ =	swait.ge [sflag:s4], $0x0  }
0x19: {  	s7 =	sld [smem:$0x3F8F]  }
0x1a: {  	s8 =	sadd.s32 $0xFFFFE003, lr  }
0x1b: {  	s9 =	sadd.s32 $0xFFFFFEF7, lr;
	s5 =	simm.s32 $0xFFFFFFFF;
	p2 =	slt.u32 s8, $0xFFFFF086  }
0x1c: {  	p1 =	slt.u32 s9, $0xF7A;
	s5 =	simm.s32 @!p2 $0x0  }
0x1d: {  	s5 =	simm.s32 @p1 $0x1;
	p0 =	seq.s32 s7, s2  }
0x1e: {  	s7 =	smul.u32 @!p0 $0xF7A, s2;
	p2 =	seq.s32 @!p0 s5, $0x0  }
0x1f: {  	s9 =	smul.u32 $0xF7A, s1;
	s8 =	simm.s32 @!p0 $0x1BF5;
	p2 =	por !p2, p0  }
0x20: {  	[sflag:s8] =	ssyncset.s32 @!p0 $0xFFFFF086;
	s6 =	sadd.s32 @!p0 s3, s7;
	s7 =	simm.s32 @!p0 $0x108  }
0x21: {  	s3 =	sadd.s32 s3, s9;
	s6 =	sadd.s32 @!p0 $0x88, s6;
	s7 =	simm.s32 @p2 $0x1082  }
0x22: {  	[simem:s7], [sflag:s8] =	dma.local @!p0 [hbm:s6], $0xF7A  }
0x23: {  	s9 =	sor.u32 $0xD0000000, s2;
	s6 =	simm.s32 $0x108;
	_ =	swait.ge @!p0 [sflag:s8], $0x0  }
0x24: {  	s3 =	sadd.s32 $0x88, s3;
	s6 =	simm.s32 @!p1 $0x1082;
	[sflag:s4] =	ssyncset.s32 $0xFFFFF086  }
0x25: {  	[simem:s6], [sflag:s4] =	dma.local [hbm:s3], $0xF7A  }
0x26: {  	[smem:$0x3F8F] =	sst s1;
	(tag) =	ssettag s2;
	_ =	strace s9  }
0x27: {  	s1 =	sld [smem:$0x3F9F]  }
0x28: {  	s2 =	sld [smem:$0x3FA0]  }
0x29: {  	s4 =	sld [smem:$0x3FA2]  }
0x2a: {  	p0 =	seq.s32 s5, $0x0;
	s5 =	sld [smem:$0x3FA3]  }
0x2b: {  	s6 =	sld [smem:$0x3FA4]  }
0x2c: {  	s7 =	sld [smem:$0x3FA5]  }
0x2d: {  	s3 =	simm.s32 $0x108;
	s8 =	sld [smem:$0x3FA6]  }
0x2e: {  	s3 =	simm.s32 @!p0 $0x1082;
	s9 =	sld [smem:$0x3FA7]  }
0x2f: {  	lr =	sadd.s32 s0, s3;
	s0 =	sld [smem:$0x3F9E]  }
0x30: {  	s3 =	sld [smem:$0x3FA1]  }
0x31: {  	[smem:$0x3FAA] =	sst s10  }
0x32: {  	s10 =	sld [smem:$0x3FA8];
	_ =	sdelay $0x3  }
0x33: {  	p0 =	seq.s32 s10, $0x1;
	s10 =	sld [smem:$0x3FAA];
	_ =	sdelay $0x3  }
0x34: {  	[smem:$0x3FAA] =	sst s10  }
0x35: {  	s10 =	sld [smem:$0x3FA9];
	_ =	sdelay $0x3  }
0x36: {  	p1 =	seq.s32 s10, $0x1;
	s10 =	sld [smem:$0x3FAA];
	_ =	sdelay $0x3  }
0x37: {  	[smem:$0x3FAA] =	sst s10  }
0x38: {  	s10 =	sld [smem:$0x3FAB]  }
0x39: {  	_ = 	snop;
	(pc) =	sbr.ind lr, $3  }
0x3a: {  	_ = 	snop  }
0x3b: {  	_ = 	snop  }
0x3c: {  	p2 =	seq.s32 s10, $0x1;
	s10 =	sld [smem:$0x3FAA]  }
0x3d: {  	_ =	shalt  }
0x3e: {  	_ =	shalt  }
0x3f: {  	_ =	shalt  }
0x40: {  	_ =	shalt  }
0x41: {  	_ =	shalt  }
0x42: {  	_ =	shalt  }
0x43: {  	_ =	shalt  }
0x44: {  	_ =	shalt  }
0x45: {  	_ =	shalt  }
0x46: {  	_ =	shalt  }
0x47: {  	_ =	shalt  }
0x48: {  	_ =	shalt  }
0x49: {  	_ =	shalt  }
0x4a: {  	_ =	shalt  }
0x4b: {  	_ =	shalt  }
0x4c: {  	_ =	shalt  }
0x4d: {  	_ =	shalt  }
0x4e: {  	_ =	shalt  }
0x4f: {  	_ =	shalt  }
0x50: {  	_ =	shalt  }
0x51: {  	_ =	shalt  }
0x52: {  	_ =	shalt  }
0x53: {  	_ =	shalt  }
0x54: {  	_ =	shalt  }
0x55: {  	_ =	shalt  }
0x56: {  	_ =	shalt  }
0x57: {  	_ =	shalt  }
0x58: {  	_ =	shalt  }
0x59: {  	_ =	shalt  }
0x5a: {  	_ =	shalt  }
0x5b: {  	_ =	shalt  }
0x5c: {  	_ =	shalt  }
0x5d: {  	_ =	shalt  }
0x5e: {  	_ =	shalt  }
0x5f: {  	_ =	shalt  }
0x60: {  	_ =	shalt  }
0x61: {  	_ =	shalt  }
0x62: {  	_ =	shalt  }
0x63: {  	_ =	shalt  }
0x64: {  	_ =	shalt  }
0x65: {  	_ =	shalt  }
0x66: {  	_ =	shalt  }
0x67: {  	_ =	shalt  }
0x68: {  	_ =	shalt  }
0x69: {  	_ =	shalt  }
0x6a: {  	_ =	shalt  }
0x6b: {  	_ =	shalt  }
0x6c: {  	_ =	shalt  }
0x6d: {  	_ =	shalt  }
0x6e: {  	_ =	shalt  }
0x6f: {  	_ =	shalt  }
0x70: {  	_ =	shalt  }
0x71: {  	_ =	shalt  }
0x72: {  	_ =	shalt  }
0x73: {  	_ =	shalt  }
0x74: {  	_ =	shalt  }
0x75: {  	_ =	shalt  }
0x76: {  	_ =	shalt  }
0x77: {  	_ =	shalt  }
0x78: {  	_ =	shalt  }
0x79: {  	_ =	shalt  }
0x7a: {  	_ =	shalt  }
0x7b: {  	_ =	shalt  }
0x7c: {  	_ =	shalt  }
0x7d: {  	_ =	shalt  }
0x7e: {  	_ =	shalt  }
0x7f: {  	_ =	shalt  }
0x80: {  	_ =	shalt  }
0x81: {  	_ =	shalt  }
0x82: {  	_ =	shalt  }
0x83: {  	_ =	shalt  }
0x84: {  	_ =	shalt  }
0x85: {  	_ =	shalt  }
0x86: {  	_ =	shalt  }
0x87: {  	_ =	shalt  }
.Lfunc_end0:
.L_simem_size_0:
called_computation_lowered:
.L_overlay_start_0:
0x88: {  	s2 =	sld [smem:$0x3FD9]  }
0x89: {  	s3 =	sld [smem:$0x3FFE];
	_ =	sdelay $0x1  }
0x8a: {  	s1 =	srdreg.scid  }
0x8b: {  	s0 =	sand.u32 $0x1, s1  }
0x8c: {  	s17 =	sshll.u32 s0, $0xA;
	s2 =	sadd.s32 s3, s2  }
0x8d: {  	s2 =	sadd.s32 s2, s17  }
0x8e: {  	[smem:$0x3FB6] =	sst s2  }
0x8f: {  	_ = 	snop  }
0x90: {  	s4 =	sld [smem:$0x3FC5]  }
0x91: {  	s18 =	sld [smem:$0x3FD0];
	(tm) =	ssettm $0x1  }
0x92: {  	s19 =	sld [smem:$0x3FFB];
	_ =	sdelay $0x3  }
0x93: {  	_ =	strace s19  }
0x94: {  	s2 =	sld [smem:$0x3FFC];
	_ =	sdelay $0x3  }
0x95: {  	_ =	strace s2  }
0x96: {  	s2 =	sld [smem:$0x3FFD];
	_ =	sdelay $0x3  }
0x97: {  	_ =	strace s2  }
0x98: {  	_ =	strace $0x8FFFFFFF  }
0x99: {  	s20 =	sld [smem:$0x3FDB];
	_ =	sdelay $0x1  }
0x9a: {  	s5 =	simm.s32 $_scs_section_size  }
0x9b: {  	s6 =	simm.s32 $_size__tile_overlayer_lowered;
	s7 =	simm.s32 $_tile_overlayer_lowered  }
0x9c: {  	s8 =	simm.s32 $0x1BFF;
	s21 =	sshll.u32 s7, $0x1;
	s5 =	sadd.s32 s5, s20  }
0x9d: {  	s22 =	simm.s32 $0x0;
	s6 =	sshll.u32 s6, $0x1;
	s7 =	sadd.s32 s21, s5  }
0x9e: {  	[timem:s22], [sflag:s8] =	dma.local [hbm:s7], s6  }
0x9f: {  	_ =	swait.ge [sflag:s8], s6  }
0xa0: {  	s6 =	ssub.s32 $0x0, s6;
	[sflag:s8] =	ssyncset.done $0x0  }
0xa1: {  	[sflag:s8] =	ssyncadd.s32 s6;
	_ =	sdelay $0x1  }
0xa2: {  	s23 =	simm.s32 $0x1B8B  }
0xa3: {  	_ =	swait.ge [sflag:s23], $0x1  }
0xa4: {  	[sflag:s23] =	ssyncset.done $0x0  }
0xa5: {  	[sflag:s23] =	ssyncadd.s32 $0xFFFFFFFF  }
0xa6: {  	s6 =	sld [smem:$0x0]  }
0xa7: {  	s7 =	sand.u32 $0xFFFFFFFE, s1  }
0xa8: {  	p0 =	sne.s32 s1, s7  }
0xa9: {  	s7 =	sshll.u32 @p0 s7, $0xE  }
0xaa: {  	s7 =	sadd.s32 @p0 $0x11B8D, s7;
	s8 =	sshll.u32 @p0 s6, $0x11  }
0xab: {  	s7 =	sor.u32 @p0 s8, s7  }
0xac: {  	[sflag:s7] =	ssyncadd.remote.s32 @p0 $0x1;
	_ =	sdelay $0x1  }
0xad: {  	s7 =	simm.s32 @p0 $0x1B8D  }
0xae: {  	_ =	swait.eq @p0 [sflag:s7], $0x1  }
0xaf: {  	[sflag:s7] =	ssyncadd.s32 @p0 $0xFFFFFFFF  }
0xb0: {  	s8 =	sshll.u32 @!p0 s1, $0xE  }
0xb1: {  	s8 =	sor.u32 @!p0 $0x4000, s8;
	s7 =	simm.s32 @!p0 $0x1B8D  }
0xb2: {  	s6 =	sshll.u32 @!p0 s6, $0x11;
	s8 =	sadd.s32 @!p0 $0x11B8D, s8;
	_ =	swait.eq @!p0 [sflag:s7], $0x1  }
0xb3: {  	s6 =	sor.u32 @!p0 s6, s8;
	[sflag:s7] =	ssyncadd.s32 @!p0 $0xFFFFFFFF  }
0xb4: {  	s25 =	simm.s32 $0x1B8E;
	s24 =	sld [smem:$0x3FFE];
	[sflag:s6] =	ssyncadd.remote.s32 @!p0 $0x1  }
0xb5: {  	s26 =	simm.s32 $execute0_lowered;
	[smem:$0x3FD2] =	sst s25  }
0xb6: {  	s7 =	sshll.u32 s26, $0x1;
	_ =	strace $0x80000049;
	[dreg:$0x1] =	wrdreg $0xFFFFFFFF  }
0xb7: {  	s28 =	simm.s32 $_size_execute0_lowered;
	s5 =	sadd.s32 s5, s7;
	[dreg:$0x0] =	wrdreg $0x0  }
0xb8: {  	s7 =	sshll.u32 s28, $0x1;
	[dreg:$0x2] =	wrdreg s5  }
0xb9: {  	[dreg:$0x3] =	wrdreg s7  }
0xba: {  	[dreg:$0x4] =	wrdreg $0xC0  }
0xbb: {  	_ =	task [dreg:s22], $0x5FFFF  }
0xbc: {  	[dreg:$0x1] =	wrdreg $0xFFFFFFFF  }
0xbd: {  	[dreg:$0x0] =	wrdreg $0x60  }
0xbe: {  	[dreg:$0x2] =	wrdreg s4  }
0xbf: {  	[dreg:$0x3] =	wrdreg s24  }
0xc0: {  	[dreg:$0x4] =	wrdreg s18  }
0xc1: {  	[dreg:$0x5] =	wrdreg $0x9  }
0xc2: {  	_ =	task.clear_ibuf [dreg:s22], $0x6FFFF;
	_ =	strace $0x90000049  }
0xc3: {  	s29 =	simm.s32 $0x9;
	_ =	strace $0x8000004B  }
0xc4: {  	_ =	swait.ge [sflag:s29], $0x1  }
0xc5: {  	[sflag:s29] =	ssyncadd.s32 $0xFFFFFFFF  }
0xc6: {  	_ =	strace $0x9000004B  }
0xc7: {  	_ =	sfence  }
0xc8: {  	s30 =	sld [smem:$0x0];
	_ =	sdelay $0x2  }
0xc9: {  	s31 =	sshll.u32 s1, $0xD;
	s1 =	sshrl.u32 s1, $0x2  }
0xca: {  	s4 =	sand.u32 $0x4000, s31;
	s1 =	sadd.s32 s1, s30  }
0xcb: {  	s0 =	sor.u32 s4, s0;
	s1 =	sshll.u32 s1, $0x11  }
0xcc: {  	s0 =	sor.u32 s1, s0  }
0xcd: {  	s0 =	sadd.s32 $0x8F2B, s0  }
0xce: {  	[sflag:s0] =	ssyncadd.remote.s32 $0x1  }
0xcf: {  	_ =	sfence.sel $0xFFFF  }
0xd0: {  	[dreg:$0x0] =	wrdreg $0xFFFFFFFF;
	(pc) =	sbr.abs _section_cstart, $3  }
0xd1: {  	[dreg:$0x1] =	wrdreg $0xFFFFFFFF  }
0xd2: {  	_ =	task.clear_ibuf [dreg:s22], $0x2FFFF;
	_ =	strace $0x9FFFFFFF  }
0xd3: {  	(tm) =	ssettm $0x7FFFFFFF  }
tec
execute0_lowered:
.L_overlay_start_1:
0x0: {  	(tag) =	ssettag $0x1  }
0x1: {  	s2 =	rddreg [dreg:$0x0];
	s1 =	srdreg.scid  }
0x2: {  	s5 =	rddreg [dreg:$0x1];
	s0 =	stileid.u32  }
0x3: {  	s3 =	rddreg [dreg:$0x2];
	s10 =	simm.s32 $0x3;
	s1 =	sshll.u32 s1, $0x7  }
0x4: {  	s11 =	simm.s32 $0x0;
	s4 =	sshll.u32 s0, $0x8;
	s6 =	sand.u32 $0x80, s1  }
0x5: {  	s13 =	simm.s32 $0x0;
	s12 =	simm.s32 $0x0;
	s4 =	sor.u32 s4, s6  }
0x6: {  	s1 =	rddreg [dreg:$0x3];
	_ =	strace $0x8000004A;
	s6 =	sshrl.u32 s4, $0x3  }
0x7: {  	s7 =	ssub.s32 $0x1000, s4;
	s8 =	sadd.s32 s6, s5;
	s5 =	simm.s32 $0x1  }
.Ltmp0:
0x8: {  	s6 =	simm.s32 $0x2;
	s9 =	sand.u32 $0xF80, s7;
	(pc) =	sbr.rel .LBB2_1-.Ltmp0, $4  }
0x9: {  	s7 =	sshrl.u32 s7, $0xC;
	p0 =	sne.s32 s9, $0x0;
	s9 =	simm.s32 $0x1  }
0xa: {  	[sflag:s5] =	ssyncpa.u1 $0x0;
	s8 =	sadd.s32 $0x2A00, s8;
	s9 =	simm.s32 @!p0 $0x0  }
0xb: {  	[sflag:s6] =	ssyncpa.u1 $0x0;
	p0 =	por $0x0, $0x0;
	s7 =	sadd.s32 s9, s7  }
0xc: {  	vm0 =	vmmov $0xffff;
	[sflag:s10] =	ssyncpa.u1 $0x0;
	s9 =	sadd.s32 $0x1000, s3;
	s10 =	sadd.s32 $0x1, s7  }
.LBB2_4:
0xd: {  	_ =	sdelay $0x3  }
0xe: {  	[tilespmem:s21], [sflag:$0x1] =	stream.indirect_vreg.gather [hbm4b:s2+s11], $0x1, v0, vm0, $0x4038;
	[tilespmem:$0x1100] =	vst v63  }
0xf: {  	s16 =	sadd.s32 s18, s16  }
0x10: {  	v0 =	vld.msk [tilespmem:s16+$0x0 ss:$0x1], $0xffff;
	_ =	sdelay $0x4  }
0x11: {  	vm1 =	vgt.s32 v0, $0x0  }
0x12: {  	v0 =	vnsel vm1, $0x0, v0  }
0x13: {  	v0 =	vmin.u32 v0, $0xF423F  }
0x14: {  	v1 =	vshll.u32 v0, $0x3  }
0x15: {  	v0 =	vand.u32 $0x7F, v0;
	v1 =	vand.u32 $0x7FFC00, v1  }
0x16: {  	v0 =	vor.u32 v0, v1;
	_ =	sdelay $0x2  }
0x17: {  	(ifvalue) =	ssetifvalue $0x7FFFFFFF;
	v1 =	vor.u32 $0x80, v0  }
0x18: {  	s16 =	sadd.s32 s18, s17;
	(ifvalue) =	ssetifvalue $0x7FFFFFFF  }
0x19: {  	[tilespmem:s16], [sflag:$0x1] =	stream.indirect_vreg.gather [hbm4b:s2+s11], $0x1, v0, vm0, $0x4038;
	[tilespmem:$0x1100] =	vst v63  }
0x1a: {  	v2 =	vor.u32 $0x100, v0;
	(ifvalue) =	ssetifvalue $0x7FFFFFFF  }
0x1b: {  	s17 =	sadd.s32 $0x80, s16;
	(ifvalue) =	ssetifvalue $0x7FFFFFFF  }
0x1c: {  	[tilespmem:s17], [sflag:$0x1] =	stream.indirect_vreg.gather [hbm4b:s2+s11], $0x1, v1, vm0, $0x4038;
	[tilespmem:$0x1100] =	vst v63  }
0x1d: {  	v52 =	vor.u32 $0x180, v0;
	(ifvalue) =	ssetifvalue $0x7FFFFFFF  }
0x1e: {  	s29 =	sadd.s32 $0x100, s16;
	(ifvalue) =	ssetifvalue $0x7FFFFFFF  }
0x1f: {  	[tilespmem:s29], [sflag:$0x1] =	stream.indirect_vreg.gather [hbm4b:s2+s11], $0x1, v2, vm0, $0x4038;
	[tilespmem:$0x1100] =	vst v63  }
0x20: {  	v53 =	vor.u32 $0x200, v0;
	(ifvalue) =	ssetifvalue $0x7FFFFFFF  }
0x21: {  	s30 =	sadd.s32 $0x180, s16;
	(ifvalue) =	ssetifvalue $0x7FFFFFFF  }
0x22: {  	[tilespmem:s30], [sflag:$0x1] =	stream.indirect_vreg.gather [hbm4b:s2+s11], $0x1, v52, vm0, $0x4038;
	[tilespmem:$0x1100] =	vst v63  }
0x23: {  	v54 =	vor.u32 $0x280, v0;
	(ifvalue) =	ssetifvalue $0x7FFFFFFF  }
0x24: {  	s31 =	sadd.s32 $0x200, s16;
	(ifvalue) =	ssetifvalue $0x7FFFFFFF  }
0x25: {  	[tilespmem:s31], [sflag:$0x1] =	stream.indirect_vreg.gather [hbm4b:s2+s11], $0x1, v53, vm0, $0x4038;
	[tilespmem:$0x1100] =	vst v63  }
0x26: {  	v55 =	vor.u32 $0x300, v0;
	(ifvalue) =	ssetifvalue $0x7FFFFFFF  }
0x27: {  	s18 =	sadd.s32 $0x280, s16;
	(ifvalue) =	ssetifvalue $0x7FFFFFFF  }
0x28: {  	[tilespmem:s18], [sflag:$0x1] =	stream.indirect_vreg.gather [hbm4b:s2+s11], $0x1, v54, vm0, $0x4038;
	[tilespmem:$0x1100] =	vst v63  }
0x29: {  	v56 =	vor.u32 $0x380, v0;
	(ifvalue) =	ssetifvalue $0x7FFFFFFF  }
0x2a: {  	s19 =	sadd.s32 $0x300, s16;
	(ifvalue) =	ssetifvalue $0x7FFFFFFF  }
0x2b: {  	[tilespmem:s19], [sflag:$0x1] =	stream.indirect_vreg.gather [hbm4b:s2+s11], $0x1, v55, vm0, $0x4038;
	[tilespmem:$0x1100] =	vst v63  }
0x2c: {  	v57 =	vadd.s32 $0x7A1400, v0;
	(ifvalue) =	ssetifvalue $0x7FFFFFFF  }
0x2d: {  	s20 =	sadd.s32 $0x380, s16;
	(ifvalue) =	ssetifvalue $0x7FFFFFFF  }
0x2e: {  	[tilespmem:s20], [sflag:$0x1] =	stream.indirect_vreg.gather [hbm4b:s2+s11], $0x1, v56, vm0, $0x4038;
	[tilespmem:$0x1100] =	vst v63  }
0x2f: {  	v58 =	vadd.s32 $0x7A1480, v0;
	(ifvalue) =	ssetifvalue $0x7FFFFFFF  }
0x30: {  	s21 =	sadd.s32 $0x400, s16;
	(ifvalue) =	ssetifvalue $0x7FFFFFFF  }
0x31: {  	[tilespmem:s21], [sflag:$0x1] =	stream.indirect_vreg.gather [hbm4b:s2+s11], $0x1, v57, vm0, $0x4038;
	[tilespmem:$0x1100] =	vst v63  }
0x32: {  	v59 =	vadd.s32 $0x7A1500, v0;
	(ifvalue) =	ssetifvalue $0x7FFFFFFF  }
0x33: {  	s22 =	sadd.s32 $0x480, s16;
	(ifvalue) =	ssetifvalue $0x7FFFFFFF  }
0x34: {  	[tilespmem:s22], [sflag:$0x1] =	stream.indirect_vreg.gather [hbm4b:s2+s11], $0x1, v58, vm0, $0x4038;
	[tilespmem:$0x1100] =	vst v63  }
0x35: {  	v60 =	vadd.s32 $0x7A1580, v0;
	(ifvalue) =	ssetifvalue $0x7FFFFFFF  }
0x36: {  	s23 =	sadd.s32 $0x500, s16;
	(ifvalue) =	ssetifvalue $0x7FFFFFFF  }
0x37: {  	[tilespmem:s23], [sflag:$0x1] =	stream.indirect_vreg.gather [hbm4b:s2+s11], $0x1, v59, vm0, $0x4038;
	[tilespmem:$0x1100] =	vst v63  }
0x38: {  	v61 =	vadd.s32 $0x7A1600, v0;
	(ifvalue) =	ssetifvalue $0x7FFFFFFF  }
0x39: {  	s24 =	sadd.s32 $0x580, s16;
	(ifvalue) =	ssetifvalue $0x7FFFFFFF  }
0x3a: {  	[tilespmem:s24], [sflag:$0x1] =	stream.indirect_vreg.gather [hbm4b:s2+s11], $0x1, v60, vm0, $0x4038;
	[tilespmem:$0x1100] =	vst v63  }
0x3b: {  	v62 =	vadd.s32 $0x7A1680, v0;
	(ifvalue) =	ssetifvalue $0x7FFFFFFF  }
0x3c: {  	s25 =	sadd.s32 $0x600, s16;
	(ifvalue) =	ssetifvalue $0x7FFFFFFF  }
0x3d: {  	[tilespmem:s25], [sflag:$0x1] =	stream.indirect_vreg.gather [hbm4b:s2+s11], $0x1, v61, vm0, $0x4038;
	[tilespmem:$0x1100] =	vst v63  }
0x3e: {  	v63 =	vadd.s32 $0x7A1700, v0;
	(ifvalue) =	ssetifvalue $0x7FFFFFFF  }
0x3f: {  	s26 =	sadd.s32 $0x680, s16;
	(ifvalue) =	ssetifvalue $0x7FFFFFFF  }
0x40: {  	[tilespmem:s26], [sflag:$0x1] =	stream.indirect_vreg.gather [hbm4b:s2+s11], $0x1, v62, vm0, $0x4038;
	[tilespmem:$0x1100] =	vst v63  }
0x41: {  	v0 =	vadd.s32 $0x7A1780, v0;
	(ifvalue) =	ssetifvalue $0x7FFFFFFF  }
0x42: {  	s28 =	sadd.s32 $0x700, s16;
	(ifvalue) =	ssetifvalue $0x7FFFFFFF  }
0x43: {  	[tilespmem:s28], [sflag:$0x1] =	stream.indirect_vreg.gather [hbm4b:s2+s11], $0x1, v63, vm0, $0x4038;
	[tilespmem:$0x1100] =	vst v63  }
0x44: {  	(ifvalue) =	ssetifvalue $0x7FFFFFFF  }
0x45: {  	s16 =	sadd.s32 $0x780, s16;
	s29 =	sshll.u32 s13, $0x3;
	(ifvalue) =	ssetifvalue $0x7FFFFFFF  }
0x46: {  	[tilespmem:s16], [sflag:$0x1] =	stream.indirect_vreg.gather [hbm4b:s2+s11], $0x1, v0, vm0, $0x4038;
	[tilespmem:$0x1100] =	vst v63  }
0x47: {  	s30 =	sand.u32 $0x78, s13;
	s16 =	sand.u32 $0x7FFFFC00, s29  }
0x48: {  	_ =	swait.ge [sflag:s5], $0x800;
	s13 =	sor.u32 s30, s16  }
0x49: {  	[sflag:s5] =	ssyncset.done $0x0;
	s13 =	sshrl.u32 s13, $0x3  }
0x4a: {  	[sflag:s5] =	ssyncadd.s32 $0xFFFFF800;
	s31 =	sadd.s32 s3, s13  }
0x4b: {  	[hbm:s31] =	stream.linear.scatter [tilespmem:s15], [sflag:$0x3], $0x400, $0x38;
	[tilespmem:$0x1100] =	vst v63  }
0x4c: {  	s14 =	sadd.s32 $0x500, s14;
	s13 =	sadd.s32 s13, s9  }
0x4d: {  	[hbm:s13] =	stream.linear.scatter [tilespmem:s14], [sflag:$0x3], $0x400, $0x38;
	[tilespmem:$0x1100] =	vst v63  }
.LBB2_5:
0x4e: {  	p2 =	sne.s32 s12, s10  }
.Ltmp1:
0x4f: {  	p1 =	slt.u32 s12, $0x2;
	(pc) =	sbr.rel @!p2 .LBB2_6-.Ltmp1, $4  }
0x50: {  	s13 =	simm.s32 @!p1 $0x3  }
0x51: {  	_ =	swait.ge @!p1 [sflag:s13], $0x800  }
0x52: {  	s14 =	sadd.s32 $0x1, s12;
	p0 =	por !p0, !p0;
	[sflag:s13] =	ssyncset.done @!p1 $0x0  }
0x53: {  	s12 =	smov.u32 s14;
	[sflag:s13] =	ssyncadd.s32 @!p1 $0xFFFFF800;
	s13 =	smov.u32 s4  }
.LBB2_1:
0x54: {  	p1 =	sge.u32 s12, s7  }
0x55: {  	s14 =	sxor.u32 @!p1 $0xFFFFFFFF, s12  }
0x56: {  	s14 =	sshll.u32 @!p1 s14, $0x7  }
0x57: {  	s31 =	sadd.s32 $0xFFFFFFFF, s12;
	s15 =	simm.s32 @!p1 $0x0;
	s14 =	sand.u32 @!p1 $0x80, s14  }
0x58: {  	[tilespmem:s14], [sflag:$0x2] =	stream.linear.gather @!p1 [hbm4b:s8+s15], $0x80, $0x38;
	[tilespmem:$0x1100] =	vst v63  }
0x59: {  	p1 =	sge.u32 s31, s7  }
.Ltmp2:
0x5a: {  	_ = 	snop;
	(pc) =	sbr.rel @p1 .LBB2_5-.Ltmp2, $1  }
0x5b: {  	_ =	sdelay $0x3  }
0x5c: {  	s14 =	simm.s32 $0x1  }
0x5d: {  	_ =	swait.ge [sflag:s6], $0x80;
	s14 =	simm.s32 @!p0 $0x0  }
0x5e: {  	[sflag:s6] =	ssyncset.done $0x0;
	s16 =	sshll.u32 s14, $0x7  }
0x5f: {  	[sflag:s6] =	ssyncadd.s32 $0xFFFFFF80;
	s15 =	sadd.s32 $0x0, s16  }
0x60: {  	v0 =	vld.msk [tilespmem:s15+$0x0 ss:$0x1], $0xffff;
	_ =	sdelay $0x4  }
0x61: {  	vm1 =	vgt.s32 v0, $0x0  }
0x62: {  	v0 =	vnsel vm1, $0x0, v0  }
0x63: {  	v0 =	vmin.u32 v0, $0xF423F  }
0x64: {  	v1 =	vshll.u32 v0, $0x3  }
0x65: {  	v0 =	vand.u32 $0x7F, v0;
	v1 =	vand.u32 $0x7FFC00, v1  }
0x66: {  	v0 =	vor.u32 v0, v1;
	_ =	sdelay $0x1  }
0x67: {  	s14 =	sshll.u32 s14, $0xB  }
0x68: {  	s17 =	sor.u32 $0x100, s14;
	(ifvalue) =	ssetifvalue $0x7FFFFFFF;
	v1 =	vor.u32 $0x80, v0  }
0x69: {  	s19 =	sadd.s32 $0x0, s17;
	(ifvalue) =	ssetifvalue $0x7FFFFFFF  }
0x6a: {  	[tilespmem:s19], [sflag:$0x1] =	stream.indirect_vreg.gather [hbm4b:s2+s11], $0x1, v0, vm0, $0x4038;
	[tilespmem:$0x1100] =	vst v63  }
0x6b: {  	v2 =	vor.u32 $0x100, v0;
	(ifvalue) =	ssetifvalue $0x7FFFFFFF  }
0x6c: {  	s30 =	sadd.s32 $0x80, s19;
	(ifvalue) =	ssetifvalue $0x7FFFFFFF  }
0x6d: {  	[tilespmem:s30], [sflag:$0x1] =	stream.indirect_vreg.gather [hbm4b:s2+s11], $0x1, v1, vm0, $0x4038;
	[tilespmem:$0x1100] =	vst v63  }
0x6e: {  	v1 =	vor.u32 $0x180, v0;
	(ifvalue) =	ssetifvalue $0x7FFFFFFF  }
0x6f: {  	s31 =	sadd.s32 $0x100, s19;
	(ifvalue) =	ssetifvalue $0x7FFFFFFF  }
0x70: {  	[tilespmem:s31], [sflag:$0x1] =	stream.indirect_vreg.gather [hbm4b:s2+s11], $0x1, v2, vm0, $0x4038;
	[tilespmem:$0x1100] =	vst v63  }
0x71: {  	v2 =	vor.u32 $0x200, v0;
	(ifvalue) =	ssetifvalue $0x7FFFFFFF  }
0x72: {  	s15 =	sadd.s32 $0x180, s19;
	(ifvalue) =	ssetifvalue $0x7FFFFFFF  }
0x73: {  	[tilespmem:s15], [sflag:$0x1] =	stream.indirect_vreg.gather [hbm4b:s2+s11], $0x1, v1, vm0, $0x4038;
	[tilespmem:$0x1100] =	vst v63  }
0x74: {  	(ifvalue) =	ssetifvalue $0x7FFFFFFF;
	v1 =	vor.u32 $0x280, v0  }
0x75: {  	s18 =	sadd.s32 $0x200, s19;
	(ifvalue) =	ssetifvalue $0x7FFFFFFF  }
0x76: {  	[tilespmem:s18], [sflag:$0x1] =	stream.indirect_vreg.gather [hbm4b:s2+s11], $0x1, v2, vm0, $0x4038;
	[tilespmem:$0x1100] =	vst v63  }
0x77: {  	(ifvalue) =	ssetifvalue $0x7FFFFFFF;
	v2 =	vor.u32 $0x300, v0  }
0x78: {  	s20 =	sadd.s32 $0x280, s19;
	(ifvalue) =	ssetifvalue $0x7FFFFFFF  }
0x79: {  	[tilespmem:s20], [sflag:$0x1] =	stream.indirect_vreg.gather [hbm4b:s2+s11], $0x1, v1, vm0, $0x4038;
	[tilespmem:$0x1100] =	vst v63  }
0x7a: {  	(ifvalue) =	ssetifvalue $0x7FFFFFFF;
	v1 =	vor.u32 $0x380, v0  }
0x7b: {  	s21 =	sadd.s32 $0x300, s19;
	(ifvalue) =	ssetifvalue $0x7FFFFFFF  }
0x7c: {  	[tilespmem:s21], [sflag:$0x1] =	stream.indirect_vreg.gather [hbm4b:s2+s11], $0x1, v2, vm0, $0x4038;
	[tilespmem:$0x1100] =	vst v63  }
0x7d: {  	(ifvalue) =	ssetifvalue $0x7FFFFFFF;
	v2 =	vadd.s32 $0x7A1400, v0  }
0x7e: {  	s22 =	sadd.s32 $0x380, s19;
	(ifvalue) =	ssetifvalue $0x7FFFFFFF  }
0x7f: {  	[tilespmem:s22], [sflag:$0x1] =	stream.indirect_vreg.gather [hbm4b:s2+s11], $0x1, v1, vm0, $0x4038;
	[tilespmem:$0x1100] =	vst v63  }
0x80: {  	(ifvalue) =	ssetifvalue $0x7FFFFFFF;
	v1 =	vadd.s32 $0x7A1480, v0  }
0x81: {  	s23 =	sadd.s32 $0x400, s19;
	(ifvalue) =	ssetifvalue $0x7FFFFFFF  }
0x82: {  	[tilespmem:s23], [sflag:$0x1] =	stream.indirect_vreg.gather [hbm4b:s2+s11], $0x1, v2, vm0, $0x4038;
	[tilespmem:$0x1100] =	vst v63  }
0x83: {  	(ifvalue) =	ssetifvalue $0x7FFFFFFF;
	v2 =	vadd.s32 $0x7A1500, v0  }
0x84: {  	s24 =	sadd.s32 $0x480, s19;
	(ifvalue) =	ssetifvalue $0x7FFFFFFF  }
0x85: {  	[tilespmem:s24], [sflag:$0x1] =	stream.indirect_vreg.gather [hbm4b:s2+s11], $0x1, v1, vm0, $0x4038;
	[tilespmem:$0x1100] =	vst v63  }
0x86: {  	(ifvalue) =	ssetifvalue $0x7FFFFFFF;
	v1 =	vadd.s32 $0x7A1580, v0  }
0x87: {  	s25 =	sadd.s32 $0x500, s19;
	(ifvalue) =	ssetifvalue $0x7FFFFFFF  }
0x88: {  	[tilespmem:s25], [sflag:$0x1] =	stream.indirect_vreg.gather [hbm4b:s2+s11], $0x1, v2, vm0, $0x4038;
	[tilespmem:$0x1100] =	vst v63  }
0x89: {  	(ifvalue) =	ssetifvalue $0x7FFFFFFF;
	v2 =	vadd.s32 $0x7A1600, v0  }
0x8a: {  	s26 =	sadd.s32 $0x580, s19;
	(ifvalue) =	ssetifvalue $0x7FFFFFFF  }
0x8b: {  	[tilespmem:s26], [sflag:$0x1] =	stream.indirect_vreg.gather [hbm4b:s2+s11], $0x1, v1, vm0, $0x4038;
	[tilespmem:$0x1100] =	vst v63  }
0x8c: {  	(ifvalue) =	ssetifvalue $0x7FFFFFFF;
	v1 =	vadd.s32 $0x7A1680, v0  }
0x8d: {  	s28 =	sadd.s32 $0x600, s19;
	(ifvalue) =	ssetifvalue $0x7FFFFFFF  }
0x8e: {  	[tilespmem:s28], [sflag:$0x1] =	stream.indirect_vreg.gather [hbm4b:s2+s11], $0x1, v2, vm0, $0x4038;
	[tilespmem:$0x1100] =	vst v63  }
0x8f: {  	(ifvalue) =	ssetifvalue $0x7FFFFFFF;
	v2 =	vadd.s32 $0x7A1700, v0  }
0x90: {  	s29 =	sadd.s32 $0x680, s19;
	(ifvalue) =	ssetifvalue $0x7FFFFFFF  }
0x91: {  	[tilespmem:s29], [sflag:$0x1] =	stream.indirect_vreg.gather [hbm4b:s2+s11], $0x1, v1, vm0, $0x4038;
	[tilespmem:$0x1100] =	vst v63  }
0x92: {  	s30 =	sshll.u32 s12, $0xB;
	v0 =	vadd.s32 $0x7A1780, v0;
	(ifvalue) =	ssetifvalue $0x7FFFFFFF  }
0x93: {  	s14 =	sand.u32 $0x800, s30;
	s31 =	sadd.s32 $0x700, s19;
	(ifvalue) =	ssetifvalue $0x7FFFFFFF  }
0x94: {  	[tilespmem:s31], [sflag:$0x1] =	stream.indirect_vreg.gather [hbm4b:s2+s11], $0x1, v2, vm0, $0x4038;
	[tilespmem:$0x1100] =	vst v63  }
0x95: {  	s15 =	sor.u32 $0x100, s14;
	s18 =	simm.s32 $0x10;
	(ifvalue) =	ssetifvalue $0x7FFFFFFF  }
0x96: {  	s20 =	simm.s32 $0x80;
	s21 =	sadd.s32 $0x780, s19;
	(ifvalue) =	ssetifvalue $0x7FFFFFFF  }
.LBB2_3:
0x97: {  	[tilespmem:s21], [sflag:$0x1] =	stream.indirect_vreg.gather [hbm4b:s2+s11], $0x1, v0, vm0, $0x4038;
	[tilespmem:$0x1100] =	vst v63  }
0x98: {  	s19 =	smov.u32 s20  }
0x99: {  	s22 =	sadd.s32 s18, s16;
	s21 =	sshra.s32 s19, $0x2;
	s19 =	sadd.s32 $0x40, s20  }
0x9a: {  	p1 =	sne.s32 s20, $0x1C0;
	v0 =	vld.msk [tilespmem:s22+$0x0 ss:$0x1], $0xffff  }
0x9b: {  	(ifvalue) =	ssetifvalue $0x7FFFFFFF;
	_ =	sdelay $0x4  }
0x9c: {  	vm1 =	vgt.s32 v0, $0x0  }
0x9d: {  	v0 =	vnsel vm1, $0x0, v0  }
0x9e: {  	v0 =	vmin.u32 v0, $0xF423F  }
0x9f: {  	v1 =	vshll.u32 v0, $0x3  }
0xa0: {  	v0 =	vand.u32 $0x7F, v0;
	v1 =	vand.u32 $0x7FFC00, v1  }
0xa1: {  	v0 =	vor.u32 v0, v1;
	_ =	sdelay $0x2  }
0xa2: {  	v1 =	vor.u32 $0x80, v0  }
0xa3: {  	s20 =	sadd.s32 s18, s17;
	s18 =	smov.u32 s21;
	(ifvalue) =	ssetifvalue $0x7FFFFFFF  }
0xa4: {  	[tilespmem:s20], [sflag:$0x1] =	stream.indirect_vreg.gather [hbm4b:s2+s11], $0x1, v0, vm0, $0x4038;
	[tilespmem:$0x1100] =	vst v63  }
0xa5: {  	v2 =	vor.u32 $0x100, v0;
	(ifvalue) =	ssetifvalue $0x7FFFFFFF  }
0xa6: {  	s21 =	sadd.s32 $0x80, s20;
	(ifvalue) =	ssetifvalue $0x7FFFFFFF  }
0xa7: {  	[tilespmem:s21], [sflag:$0x1] =	stream.indirect_vreg.gather [hbm4b:s2+s11], $0x1, v1, vm0, $0x4038;
	[tilespmem:$0x1100] =	vst v63  }
0xa8: {  	v1 =	vor.u32 $0x180, v0;
	(ifvalue) =	ssetifvalue $0x7FFFFFFF  }
0xa9: {  	s21 =	sadd.s32 $0x100, s20;
	(ifvalue) =	ssetifvalue $0x7FFFFFFF  }
0xaa: {  	[tilespmem:s21], [sflag:$0x1] =	stream.indirect_vreg.gather [hbm4b:s2+s11], $0x1, v2, vm0, $0x4038;
	[tilespmem:$0x1100] =	vst v63  }
0xab: {  	v2 =	vor.u32 $0x200, v0;
	(ifvalue) =	ssetifvalue $0x7FFFFFFF  }
0xac: {  	s21 =	sadd.s32 $0x180, s20;
	(ifvalue) =	ssetifvalue $0x7FFFFFFF  }
0xad: {  	[tilespmem:s21], [sflag:$0x1] =	stream.indirect_vreg.gather [hbm4b:s2+s11], $0x1, v1, vm0, $0x4038;
	[tilespmem:$0x1100] =	vst v63  }
0xae: {  	v1 =	vor.u32 $0x280, v0;
	(ifvalue) =	ssetifvalue $0x7FFFFFFF  }
0xaf: {  	s21 =	sadd.s32 $0x200, s20;
	(ifvalue) =	ssetifvalue $0x7FFFFFFF  }
0xb0: {  	[tilespmem:s21], [sflag:$0x1] =	stream.indirect_vreg.gather [hbm4b:s2+s11], $0x1, v2, vm0, $0x4038;
	[tilespmem:$0x1100] =	vst v63  }
0xb1: {  	v2 =	vor.u32 $0x300, v0;
	(ifvalue) =	ssetifvalue $0x7FFFFFFF  }
0xb2: {  	s21 =	sadd.s32 $0x280, s20;
	(ifvalue) =	ssetifvalue $0x7FFFFFFF  }
0xb3: {  	[tilespmem:s21], [sflag:$0x1] =	stream.indirect_vreg.gather [hbm4b:s2+s11], $0x1, v1, vm0, $0x4038;
	[tilespmem:$0x1100] =	vst v63  }
0xb4: {  	v1 =	vor.u32 $0x380, v0;
	(ifvalue) =	ssetifvalue $0x7FFFFFFF  }
0xb5: {  	s21 =	sadd.s32 $0x300, s20;
	(ifvalue) =	ssetifvalue $0x7FFFFFFF  }
0xb6: {  	[tilespmem:s21], [sflag:$0x1] =	stream.indirect_vreg.gather [hbm4b:s2+s11], $0x1, v2, vm0, $0x4038;
	[tilespmem:$0x1100] =	vst v63  }
0xb7: {  	v2 =	vadd.s32 $0x7A1400, v0;
	(ifvalue) =	ssetifvalue $0x7FFFFFFF  }
0xb8: {  	s21 =	sadd.s32 $0x380, s20;
	(ifvalue) =	ssetifvalue $0x7FFFFFFF  }
0xb9: {  	[tilespmem:s21], [sflag:$0x1] =	stream.indirect_vreg.gather [hbm4b:s2+s11], $0x1, v1, vm0, $0x4038;
	[tilespmem:$0x1100] =	vst v63  }
0xba: {  	v1 =	vadd.s32 $0x7A1480, v0;
	(ifvalue) =	ssetifvalue $0x7FFFFFFF  }
0xbb: {  	s21 =	sadd.s32 $0x400, s20;
	(ifvalue) =	ssetifvalue $0x7FFFFFFF  }
0xbc: {  	[tilespmem:s21], [sflag:$0x1] =	stream.indirect_vreg.gather [hbm4b:s2+s11], $0x1, v2, vm0, $0x4038;
	[tilespmem:$0x1100] =	vst v63  }
0xbd: {  	v2 =	vadd.s32 $0x7A1500, v0;
	(ifvalue) =	ssetifvalue $0x7FFFFFFF  }
0xbe: {  	s21 =	sadd.s32 $0x480, s20;
	(ifvalue) =	ssetifvalue $0x7FFFFFFF  }
0xbf: {  	[tilespmem:s21], [sflag:$0x1] =	stream.indirect_vreg.gather [hbm4b:s2+s11], $0x1, v1, vm0, $0x4038;
	[tilespmem:$0x1100] =	vst v63  }
0xc0: {  	v1 =	vadd.s32 $0x7A1580, v0;
	(ifvalue) =	ssetifvalue $0x7FFFFFFF  }
0xc1: {  	s21 =	sadd.s32 $0x500, s20;
	(ifvalue) =	ssetifvalue $0x7FFFFFFF  }
0xc2: {  	[tilespmem:s21], [sflag:$0x1] =	stream.indirect_vreg.gather [hbm4b:s2+s11], $0x1, v2, vm0, $0x4038;
	[tilespmem:$0x1100] =	vst v63  }
0xc3: {  	v2 =	vadd.s32 $0x7A1600, v0;
	(ifvalue) =	ssetifvalue $0x7FFFFFFF  }
0xc4: {  	s21 =	sadd.s32 $0x580, s20;
	(ifvalue) =	ssetifvalue $0x7FFFFFFF  }
0xc5: {  	[tilespmem:s21], [sflag:$0x1] =	stream.indirect_vreg.gather [hbm4b:s2+s11], $0x1, v1, vm0, $0x4038;
	[tilespmem:$0x1100] =	vst v63  }
0xc6: {  	v1 =	vadd.s32 $0x7A1680, v0;
	(ifvalue) =	ssetifvalue $0x7FFFFFFF  }
0xc7: {  	s21 =	sadd.s32 $0x600, s20;
	(ifvalue) =	ssetifvalue $0x7FFFFFFF  }
0xc8: {  	[tilespmem:s21], [sflag:$0x1] =	stream.indirect_vreg.gather [hbm4b:s2+s11], $0x1, v2, vm0, $0x4038;
	[tilespmem:$0x1100] =	vst v63  }
0xc9: {  	v2 =	vadd.s32 $0x7A1700, v0;
	(ifvalue) =	ssetifvalue $0x7FFFFFFF  }
0xca: {  	s21 =	sadd.s32 $0x680, s20;
	(ifvalue) =	ssetifvalue $0x7FFFFFFF  }
0xcb: {  	[tilespmem:s21], [sflag:$0x1] =	stream.indirect_vreg.gather [hbm4b:s2+s11], $0x1, v1, vm0, $0x4038;
	[tilespmem:$0x1100] =	vst v63  }
.Ltmp3:
0xcc: {  	v0 =	vadd.s32 $0x7A1780, v0;
	(ifvalue) =	ssetifvalue $0x7FFFFFFF;
	(pc) =	sbr.rel @p1 .LBB2_3-.Ltmp3, $4  }
0xcd: {  	s21 =	sadd.s32 $0x700, s20;
	(ifvalue) =	ssetifvalue $0x7FFFFFFF  }
0xce: {  	[tilespmem:s21], [sflag:$0x1] =	stream.indirect_vreg.gather [hbm4b:s2+s11], $0x1, v2, vm0, $0x4038;
	[tilespmem:$0x1100] =	vst v63  }
0xcf: {  	(ifvalue) =	ssetifvalue $0x7FFFFFFF  }
0xd0: {  	s21 =	sadd.s32 $0x780, s20;
	s20 =	smov.u32 s19;
	(ifvalue) =	ssetifvalue $0x7FFFFFFF  }
.Ltmp4:
0xd1: {  	_ = 	snop;
	(pc) =	sbr.rel .LBB2_4-.Ltmp4, $1  }
0xd2: {  	_ =	sdelay $0x3  }
.LBB2_6:
0xd3: {  	_ =	sfence.sel $0x180000  }
0xd4: {  	s2 =	simm.s32 $0x2;
	[bflag:$0x0] =	sbarrier.arrive $0xFFFF  }
0xd5: {  	s30 =	simm.s32 $0x3;
	[sflag:s2] =	ssyncpa.u1 $0x1  }
0xd6: {  	s31 =	simm.s32 $0x1;
	[sflag:s30] =	ssyncpa.u1 $0x1  }
0xd7: {  	[sflag:s31] =	ssyncpa.u1 $0x1  }
0xd8: {  	p0 =	sne.s32 s0, $0x0;
	_ =	strace $0x9000004A  }
0xd9: {  	s0 =	sadd.s32 @!p0 $0x100000, s1;
	[bflag:$0x2] =	sbarrier.arrive $0xFFFF  }
0xda: {  	[sflag:s0] =	ssyncadd.tile.s32 @!p0 $0x1;
	_ =	shalt  }
.Lfunc_end2:
_tile_overlayer_lowered:
.L_overlay_start_2:
0xdb: {  	(tag) =	ssettag $0x2  }
0xdc: {  	s0 =	rddreg [dreg:$0x0];
	s2 =	stileid.u32  }
0xdd: {  	s1 =	rddreg [dreg:$0x1];
	p0 =	sne.s32 s2, $0x0  }
0xde: {  	s3 =	rddreg [dreg:$0x2];
	[bflag:$0x3] =	sbarrier.arrive $0xFFFF;
	s2 =	simm.s32 @!p0 $0x1C01  }
0xdf: {  	[timem:s3], [sflag:s2] =	dma.local @!p0 [hbm:s0], s1  }
0xe0: {  	s0 =	simm.s32 @!p0 $0x1  }
0xe1: {  	_ =	swait.ge @!p0 [sflag:s0], s1  }
0xe2: {  	s1 =	ssub.s32 @!p0 $0x0, s1;
	[sflag:s0] =	ssyncset.done @!p0 $0x0  }
0xe3: {  	[sflag:s0] =	ssyncadd.s32 @!p0 s1  }
0xe4: {  	[bflag:$0x3] =	sbarrier.arrive $0xFFFF  }
0xe5: {  	_ =	shalt  }

// kernel: kernel.5.cloned.1.call-start
scs
__scs_entry_jumppad:
0x0: {  	(pc) =	sbr.rel $0x88, $3  }
0x1: {  	(tag) =	ssettag $0x0;
	lr =	simm.s32 $0x1  }
0x2: {  	[smem:$0x3F8F] =	sst lr;
	_ =	strace $0xD0000000  }
0x3: {  	_ = 	snop  }
0x4: {  	_ = 	snop  }
0x5: {  	_ = 	snop  }
0x6: {  	_ = 	snop  }
0x7: {  	_ = 	snop  }
__scs_overlays_trampoline_lowered:
0x8: {  	[smem:$0x3F9E] =	sst s0  }
0x9: {  	[smem:$0x3F9F] =	sst s1  }
0xa: {  	[smem:$0x3FA0] =	sst s2  }
0xb: {  	[smem:$0x3FA1] =	sst s3  }
0xc: {  	[smem:$0x3FA2] =	sst s4  }
0xd: {  	[smem:$0x3FA3] =	sst s5  }
0xe: {  	[smem:$0x3FA4] =	sst s6  }
0xf: {  	[smem:$0x3FA5] =	sst s7  }
0x10: {  	[smem:$0x3FA6] =	sst s8  }
0x11: {  	[smem:$0x3FA7] =	sst s9;
	s0 =	simm.s32 @!p0 $0x0  }
0x12: {  	s1 =	sld [smem:$0x3F8D];
	s0 =	simm.s32 @p0 $0x1  }
0x13: {  	[smem:$0x3FA8] =	sst s0;
	s0 =	simm.s32 @!p1 $0x0  }
0x14: {  	s2 =	sld [smem:$0x3F8C];
	s0 =	simm.s32 @p1 $0x1  }
0x15: {  	[smem:$0x3FA9] =	sst s0;
	s0 =	simm.s32 @!p2 $0x0  }
0x16: {  	s3 =	sld [smem:$0x3FDB];
	s0 =	simm.s32 @p2 $0x1  }
0x17: {  	s4 =	simm.s32 $0x1BF5;
	[smem:$0x3FAB] =	sst s0  }
0x18: {  	s0 =	sld [smem:$0x3F8E];
	_ =	swait.ge [sflag:s4], $0x0  }
0x19: {  	s7 =	sld [smem:$0x3F8F]  }
0x1a: {  	s8 =	sadd.s32 $0xFFFFE003, lr  }
0x1b: {  	s9 =	sadd.s32 $0xFFFFFEF7, lr;
	s5 =	simm.s32 $0xFFFFFFFF;
	p2 =	slt.u32 s8, $0xFFFFF086  }
0x1c: {  	p1 =	slt.u32 s9, $0xF7A;
	s5 =	simm.s32 @!p2 $0x0  }
0x1d: {  	s5 =	simm.s32 @p1 $0x1;
	p0 =	seq.s32 s7, s2  }
0x1e: {  	s7 =	smul.u32 @!p0 $0xF7A, s2;
	p2 =	seq.s32 @!p0 s5, $0x0  }
0x1f: {  	s9 =	smul.u32 $0xF7A, s1;
	s8 =	simm.s32 @!p0 $0x1BF5;
	p2 =	por !p2, p0  }
0x20: {  	[sflag:s8] =	ssyncset.s32 @!p0 $0xFFFFF086;
	s6 =	sadd.s32 @!p0 s3, s7;
	s7 =	simm.s32 @!p0 $0x108  }
0x21: {  	s3 =	sadd.s32 s3, s9;
	s6 =	sadd.s32 @!p0 $0x88, s6;
	s7 =	simm.s32 @p2 $0x1082  }
0x22: {  	[simem:s7], [sflag:s8] =	dma.local @!p0 [hbm:s6], $0xF7A  }
0x23: {  	s9 =	sor.u32 $0xD0000000, s2;
	s6 =	simm.s32 $0x108;
	_ =	swait.ge @!p0 [sflag:s8], $0x0  }
0x24: {  	s3 =	sadd.s32 $0x88, s3;
	s6 =	simm.s32 @!p1 $0x1082;
	[sflag:s4] =	ssyncset.s32 $0xFFFFF086  }
0x25: {  	[simem:s6], [sflag:s4] =	dma.local [hbm:s3], $0xF7A  }
0x26: {  	[smem:$0x3F8F] =	sst s1;
	(tag) =	ssettag s2;
	_ =	strace s9  }
0x27: {  	s1 =	sld [smem:$0x3F9F]  }
0x28: {  	s2 =	sld [smem:$0x3FA0]  }
0x29: {  	s4 =	sld [smem:$0x3FA2]  }
0x2a: {  	p0 =	seq.s32 s5, $0x0;
	s5 =	sld [smem:$0x3FA3]  }
0x2b: {  	s6 =	sld [smem:$0x3FA4]  }
0x2c: {  	s7 =	sld [smem:$0x3FA5]  }
0x2d: {  	s3 =	simm.s32 $0x108;
	s8 =	sld [smem:$0x3FA6]  }
0x2e: {  	s3 =	simm.s32 @!p0 $0x1082;
	s9 =	sld [smem:$0x3FA7]  }
0x2f: {  	lr =	sadd.s32 s0, s3;
	s0 =	sld [smem:$0x3F9E]  }
0x30: {  	s3 =	sld [smem:$0x3FA1]  }
0x31: {  	[smem:$0x3FAA] =	sst s10  }
0x32: {  	s10 =	sld [smem:$0x3FA8];
	_ =	sdelay $0x3  }
0x33: {  	p0 =	seq.s32 s10, $0x1;
	s10 =	sld [smem:$0x3FAA];
	_ =	sdelay $0x3  }
0x34: {  	[smem:$0x3FAA] =	sst s10  }
0x35: {  	s10 =	sld [smem:$0x3FA9];
	_ =	sdelay $0x3  }
0x36: {  	p1 =	seq.s32 s10, $0x1;
	s10 =	sld [smem:$0x3FAA];
	_ =	sdelay $0x3  }
0x37: {  	[smem:$0x3FAA] =	sst s10  }
0x38: {  	s10 =	sld [smem:$0x3FAB]  }
0x39: {  	_ = 	snop;
	(pc) =	sbr.ind lr, $3  }
0x3a: {  	_ = 	snop  }
0x3b: {  	_ = 	snop  }
0x3c: {  	p2 =	seq.s32 s10, $0x1;
	s10 =	sld [smem:$0x3FAA]  }
0x3d: {  	_ =	shalt  }
0x3e: {  	_ =	shalt  }
0x3f: {  	_ =	shalt  }
0x40: {  	_ =	shalt  }
0x41: {  	_ =	shalt  }
0x42: {  	_ =	shalt  }
0x43: {  	_ =	shalt  }
0x44: {  	_ =	shalt  }
0x45: {  	_ =	shalt  }
0x46: {  	_ =	shalt  }
0x47: {  	_ =	shalt  }
0x48: {  	_ =	shalt  }
0x49: {  	_ =	shalt  }
0x4a: {  	_ =	shalt  }
0x4b: {  	_ =	shalt  }
0x4c: {  	_ =	shalt  }
0x4d: {  	_ =	shalt  }
0x4e: {  	_ =	shalt  }
0x4f: {  	_ =	shalt  }
0x50: {  	_ =	shalt  }
0x51: {  	_ =	shalt  }
0x52: {  	_ =	shalt  }
0x53: {  	_ =	shalt  }
0x54: {  	_ =	shalt  }
0x55: {  	_ =	shalt  }
0x56: {  	_ =	shalt  }
0x57: {  	_ =	shalt  }
0x58: {  	_ =	shalt  }
0x59: {  	_ =	shalt  }
0x5a: {  	_ =	shalt  }
0x5b: {  	_ =	shalt  }
0x5c: {  	_ =	shalt  }
0x5d: {  	_ =	shalt  }
0x5e: {  	_ =	shalt  }
0x5f: {  	_ =	shalt  }
0x60: {  	_ =	shalt  }
0x61: {  	_ =	shalt  }
0x62: {  	_ =	shalt  }
0x63: {  	_ =	shalt  }
0x64: {  	_ =	shalt  }
0x65: {  	_ =	shalt  }
0x66: {  	_ =	shalt  }
0x67: {  	_ =	shalt  }
0x68: {  	_ =	shalt  }
0x69: {  	_ =	shalt  }
0x6a: {  	_ =	shalt  }
0x6b: {  	_ =	shalt  }
0x6c: {  	_ =	shalt  }
0x6d: {  	_ =	shalt  }
0x6e: {  	_ =	shalt  }
0x6f: {  	_ =	shalt  }
0x70: {  	_ =	shalt  }
0x71: {  	_ =	shalt  }
0x72: {  	_ =	shalt  }
0x73: {  	_ =	shalt  }
0x74: {  	_ =	shalt  }
0x75: {  	_ =	shalt  }
0x76: {  	_ =	shalt  }
0x77: {  	_ =	shalt  }
0x78: {  	_ =	shalt  }
0x79: {  	_ =	shalt  }
0x7a: {  	_ =	shalt  }
0x7b: {  	_ =	shalt  }
0x7c: {  	_ =	shalt  }
0x7d: {  	_ =	shalt  }
0x7e: {  	_ =	shalt  }
0x7f: {  	_ =	shalt  }
0x80: {  	_ =	shalt  }
0x81: {  	_ =	shalt  }
0x82: {  	_ =	shalt  }
0x83: {  	_ =	shalt  }
0x84: {  	_ =	shalt  }
0x85: {  	_ =	shalt  }
0x86: {  	_ =	shalt  }
0x87: {  	_ =	shalt  }
.Lfunc_end0:
.L_simem_size_0:
called_computation.2_lowered:
.L_overlay_start_0:
0x88: {  	s2 =	sld [smem:$0x3FD9]  }
0x89: {  	s3 =	sld [smem:$0x3FFE];
	_ =	sdelay $0x1  }
0x8a: {  	s1 =	srdreg.scid  }
0x8b: {  	s0 =	sand.u32 $0x1, s1  }
0x8c: {  	s17 =	sshll.u32 s0, $0xA;
	s2 =	sadd.s32 s3, s2  }
0x8d: {  	s2 =	sadd.s32 s2, s17  }
0x8e: {  	[smem:$0x3FB6] =	sst s2  }
0x8f: {  	_ = 	snop  }
0x90: {  	s2 =	sld [smem:$0x3FC9]  }
0x91: {  	s18 =	sld [smem:$0x3FC8]  }
0x92: {  	s4 =	sld [smem:$0x3FC7]  }
0x93: {  	s5 =	sld [smem:$0x3FC3]  }
0x94: {  	s6 =	sld [smem:$0x3FD0];
	(tm) =	ssettm $0x1  }
0x95: {  	s7 =	sld [smem:$0x3FFB];
	_ =	sdelay $0x3  }
0x96: {  	_ =	strace s7  }
0x97: {  	s7 =	sld [smem:$0x3FFC];
	_ =	sdelay $0x3  }
0x98: {  	_ =	strace s7  }
0x99: {  	s7 =	sld [smem:$0x3FFD];
	_ =	sdelay $0x3  }
0x9a: {  	_ =	strace s7  }
0x9b: {  	_ =	strace $0x8FFFFFFF  }
0x9c: {  	s19 =	sld [smem:$0x3FDB];
	_ =	sdelay $0x1  }
0x9d: {  	s8 =	simm.s32 $_scs_section_size  }
0x9e: {  	s9 =	simm.s32 $_size__tile_overlayer_lowered;
	s10 =	simm.s32 $_tile_overlayer_lowered  }
0x9f: {  	s22 =	simm.s32 $0x1BFF;
	s21 =	sshll.u32 s10, $0x1;
	s7 =	sadd.s32 s8, s19  }
0xa0: {  	s11 =	simm.s32 $0x0;
	s20 =	sshll.u32 s9, $0x1;
	s9 =	sadd.s32 s21, s7  }
0xa1: {  	[timem:s11], [sflag:s22] =	dma.local [hbm:s9], s20  }
0xa2: {  	_ =	swait.ge [sflag:s22], s20  }
0xa3: {  	s8 =	ssub.s32 $0x0, s20;
	[sflag:s22] =	ssyncset.done $0x0  }
0xa4: {  	[sflag:s22] =	ssyncadd.s32 s8;
	_ =	sdelay $0x1  }
0xa5: {  	s23 =	simm.s32 $0x1B8B  }
0xa6: {  	_ =	swait.ge [sflag:s23], $0x1  }
0xa7: {  	[sflag:s23] =	ssyncset.done $0x0  }
0xa8: {  	s25 =	simm.s32 $0x1B8E;
	s24 =	sld [smem:$0x3FFE];
	[sflag:s23] =	ssyncadd.s32 $0xFFFFFFFF  }
0xa9: {  	s26 =	simm.s32 $execute0_lowered;
	[smem:$0x3FD2] =	sst s25  }
0xaa: {  	s9 =	sshll.u32 s26, $0x1;
	_ =	strace $0x8000004C;
	[dreg:$0x1] =	wrdreg $0xFFFFFFFF  }
0xab: {  	s28 =	simm.s32 $_size_execute0_lowered;
	s7 =	sadd.s32 s7, s9;
	[dreg:$0x0] =	wrdreg $0x0  }
0xac: {  	s9 =	sshll.u32 s28, $0x1;
	[dreg:$0x2] =	wrdreg s7  }
0xad: {  	[dreg:$0x3] =	wrdreg s9  }
0xae: {  	[dreg:$0x4] =	wrdreg $0xC0  }
0xaf: {  	_ =	task [dreg:s11], $0x5FFFF  }
0xb0: {  	[dreg:$0x1] =	wrdreg $0xFFFFFFFF  }
0xb1: {  	[dreg:$0x0] =	wrdreg $0x60  }
0xb2: {  	[dreg:$0x2] =	wrdreg s2  }
0xb3: {  	[dreg:$0x3] =	wrdreg s18  }
0xb4: {  	[dreg:$0x4] =	wrdreg s4  }
0xb5: {  	[dreg:$0x5] =	wrdreg s24  }
0xb6: {  	[dreg:$0x6] =	wrdreg s5  }
0xb7: {  	[dreg:$0x7] =	wrdreg s6  }
0xb8: {  	[dreg:$0x8] =	wrdreg $0x9  }
0xb9: {  	_ =	task.clear_ibuf [dreg:s11], $0x9FFFF;
	_ =	strace $0x9000004C  }
0xba: {  	s29 =	simm.s32 $0x9;
	_ =	strace $0x8000004E  }
0xbb: {  	_ =	swait.ge [sflag:s29], $0x1  }
0xbc: {  	[sflag:s29] =	ssyncadd.s32 $0xFFFFFFFF  }
0xbd: {  	_ =	strace $0x9000004E  }
0xbe: {  	_ =	sfence  }
0xbf: {  	s30 =	sld [smem:$0x0];
	_ =	sdelay $0x2  }
0xc0: {  	s31 =	sshll.u32 s1, $0xD;
	s1 =	sshrl.u32 s1, $0x2  }
0xc1: {  	s3 =	sand.u32 $0x4000, s31;
	s1 =	sadd.s32 s1, s30  }
0xc2: {  	s0 =	sor.u32 s3, s0;
	s1 =	sshll.u32 s1, $0x11  }
0xc3: {  	s0 =	sor.u32 s1, s0  }
0xc4: {  	s0 =	sadd.s32 $0x8F2B, s0  }
0xc5: {  	[sflag:s0] =	ssyncadd.remote.s32 $0x1  }
0xc6: {  	_ =	sfence.sel $0xFFFF  }
0xc7: {  	[dreg:$0x0] =	wrdreg $0xFFFFFFFF;
	(pc) =	sbr.abs _section_cstart, $3  }
0xc8: {  	[dreg:$0x1] =	wrdreg $0xFFFFFFFF  }
0xc9: {  	_ =	task.clear_ibuf [dreg:s11], $0x2FFFF;
	_ =	strace $0x9FFFFFFF  }
0xca: {  	(tm) =	ssettm $0x7FFFFFFF  }
0xcb: {  	_ =	shalt  }
tec
execute0_lowered:
.L_overlay_start_1:
0x0: {  	(tag) =	ssettag $0x1  }
0x1: {  	s5 =	rddreg [dreg:$0x0]  }
0x2: {  	s6 =	rddreg [dreg:$0x1]  }
0x3: {  	s7 =	rddreg [dreg:$0x2]  }
0x4: {  	s8 =	rddreg [dreg:$0x3]  }
0x5: {  	s1 =	rddreg [dreg:$0x4]  }
0x6: {  	s9 =	rddreg [dreg:$0x5]  }
0x7: {  	s0 =	rddreg [dreg:$0x6];
	s3 =	simm.s32 $0x0  }
0x8: {  	s4 =	srdreg.scid;
	s2 =	stileid.u32;
	s17 =	simm.s32 $0x180  }
0x9: {  	s18 =	simm.s32 $0x200;
	s19 =	simm.s32 $0x400;
	s20 =	simm.s32 $0x8000  }
0xa: {  	s21 =	simm.s32 $0x4200;
	s22 =	simm.s32 $0x4A00;
	s23 =	simm.s32 $0x5200  }
0xb: {  	s24 =	simm.s32 $0x5A00;
	s25 =	simm.s32 $0x1;
	s26 =	simm.s32 $0x5A80  }
0xc: {  	s28 =	simm.s32 $0x2;
	s29 =	simm.s32 $0x5B00;
	[smem:$0x7FF] =	sst s3  }
0xd: {  	s10 =	sand.u32 $0x1, s4;
	s11 =	sshll.u32 s2, $0x1;
	s4 =	sadd.s32 $0x5600, s8  }
0xe: {  	_ =	strace $0x8000004D;
	s11 =	sor.u32 s10, s11;
	s10 =	ssub.s32 $0x2, s10  }
0xf: {  	s12 =	sshll.u32 s11, $0x7;
	s11 =	sshll.u32 s11, $0x4;
	s13 =	sshrl.u32 s10, $0x1  }
0x10: {  	s14 =	sadd.s32 s12, s8;
	s15 =	sadd.s32 s11, s8;
	s16 =	ssub.s32 s10, s13  }
0x11: {  	s5 =	sadd.s32 s5, s11;
	s6 =	sadd.s32 s6, s11;
	s7 =	sadd.s32 s7, s11  }
0x12: {  	s9 =	sadd.s32 s9, s12;
	s8 =	sadd.s32 $0x7800, s14;
	s10 =	sadd.s32 $0x5800, s14  }
0x13: {  	s11 =	sadd.s32 $0x5000, s15;
	s12 =	sadd.s32 $0x5200, s15;
	s13 =	sadd.s32 $0x2A00, s15  }
0x14: {  	s14 =	smax.u32 s16, $0x1;
	s15 =	simm.s32 $0x80;
	s16 =	simm.s32 $0x100  }
.LBB2_1:
0x15: {  	[tilespmem:s3], [sflag:$0x1] =	stream.linear.gather [hbm4b:s5+s3], $0x80, $0x38;
	[tilespmem:$0x5B80] =	vst v63  }
0x16: {  	_ = 	snop  }
0x17: {  	[tilespmem:s15], [sflag:$0x1] =	stream.linear.gather [hbm4b:s6+s3], $0x80, $0x38;
	[tilespmem:$0x5B80] =	vst v63  }
0x18: {  	_ = 	snop  }
0x19: {  	[tilespmem:s16], [sflag:$0x1] =	stream.linear.gather [hbm4b:s7+s3], $0x80, $0x38;
	[tilespmem:$0x5B80] =	vst v63  }
0x1a: {  	_ = 	snop  }
0x1b: {  	[tilespmem:s17], [sflag:$0x1] =	stream.linear.gather [hbm4b:s4+s3], $0x80, $0x38;
	[tilespmem:$0x5B80] =	vst v63  }
0x1c: {  	_ = 	snop  }
0x1d: {  	[tilespmem:s18], [sflag:$0x1] =	stream.linear.gather [hbm4b:s1+s3], $0x4000, $0x38;
	[tilespmem:$0x5B80] =	vst v63  }
0x1e: {  	_ = 	snop  }
0x1f: {  	[tilespmem:s21], [sflag:$0x1] =	stream.strided.gather [hbm4b:s8+s19], $0x800, s20, s19, $0x38;
	[tilespmem:$0x5B80] =	vst v63  }
0x20: {  	_ = 	snop  }
0x21: {  	[tilespmem:s22], [sflag:$0x1] =	stream.strided.gather [hbm4b:s9+s19], $0x800, s20, s19, $0x38;
	[tilespmem:$0x5B80] =	vst v63  }
0x22: {  	_ = 	snop  }
0x23: {  	[tilespmem:s23], [sflag:$0x1] =	stream.strided.gather [hbm4b:s10+s19], $0x800, s20, s19, $0x38;
	[tilespmem:$0x5B80] =	vst v63  }
0x24: {  	_ = 	snop  }
0x25: {  	[tilespmem:s24], [sflag:$0x1] =	stream.linear.gather [hbm4b:s11+s3], $0x80, $0x38;
	[tilespmem:$0x5B80] =	vst v63  }
0x26: {  	_ =	swait.ge [sflag:s25], $0x80  }
0x27: {  	[sflag:s25] =	ssyncset.done $0x0  }
0x28: {  	[sflag:s25] =	ssyncadd.s32 $0xFFFFFF80  }
0x29: {  	_ =	swait.ge [sflag:s25], $0x80  }
0x2a: {  	[sflag:s25] =	ssyncset.done $0x0  }
0x2b: {  	[sflag:s25] =	ssyncadd.s32 $0xFFFFFF80  }
0x2c: {  	_ =	swait.ge [sflag:s25], $0x80  }
0x2d: {  	[sflag:s25] =	ssyncset.done $0x0  }
0x2e: {  	[sflag:s25] =	ssyncadd.s32 $0xFFFFFF80  }
0x2f: {  	_ =	swait.ge [sflag:s25], $0x80  }
0x30: {  	[sflag:s25] =	ssyncset.done $0x0  }
0x31: {  	[sflag:s25] =	ssyncadd.s32 $0xFFFFFF80  }
0x32: {  	_ =	swait.ge [sflag:s25], $0x4000  }
0x33: {  	[sflag:s25] =	ssyncset.done $0x0  }
0x34: {  	[sflag:s25] =	ssyncadd.s32 $0xFFFFC000  }
0x35: {  	_ =	swait.ge [sflag:s25], $0x800  }
0x36: {  	[sflag:s25] =	ssyncset.done $0x0  }
0x37: {  	[sflag:s25] =	ssyncadd.s32 $0xFFFFF800  }
0x38: {  	_ =	swait.ge [sflag:s25], $0x800  }
0x39: {  	[sflag:s25] =	ssyncset.done $0x0  }
0x3a: {  	[sflag:s25] =	ssyncadd.s32 $0xFFFFF800  }
0x3b: {  	_ =	swait.ge [sflag:s25], $0x800  }
0x3c: {  	[sflag:s25] =	ssyncset.done $0x0  }
0x3d: {  	[sflag:s25] =	ssyncadd.s32 $0xFFFFF800  }
0x3e: {  	_ =	swait.ge [sflag:s25], $0x80  }
0x3f: {  	[sflag:s25] =	ssyncset.done $0x0  }
0x40: {  	[sflag:s25] =	ssyncadd.s32 $0xFFFFFF80  }
0x41: {  	v0 =	vld [tilespmem:$0x100]  }
0x42: {  	v4 =	vld [tilespmem:$0x4200]  }
0x43: {  	v5 =	vld [tilespmem:$0x4A00]  }
0x44: {  	v6 =	vld [tilespmem:$0x5200]  }
0x45: {  	v8 =	vld [tilespmem:$0x4280]  }
0x46: {  	v9 =	vld [tilespmem:$0x4A80]  }
0x47: {  	v10 =	vld [tilespmem:$0x5280]  }
0x48: {  	v12 =	vld [tilespmem:$0x4300]  }
0x49: {  	v13 =	vld [tilespmem:$0x4B00]  }
0x4a: {  	v14 =	vld [tilespmem:$0x5300]  }
0x4b: {  	v16 =	vld [tilespmem:$0x4380]  }
0x4c: {  	v17 =	vld [tilespmem:$0x4B80]  }
0x4d: {  	v18 =	vld [tilespmem:$0x5380]  }
0x4e: {  	v20 =	vld [tilespmem:$0x4400]  }
0x4f: {  	v21 =	vld [tilespmem:$0x4C00]  }
0x50: {  	v22 =	vld [tilespmem:$0x5400]  }
0x51: {  	v24 =	vld [tilespmem:$0x4480]  }
0x52: {  	v25 =	vld [tilespmem:$0x4C80]  }
0x53: {  	v26 =	vld [tilespmem:$0x5480]  }
0x54: {  	v28 =	vld [tilespmem:$0x4500]  }
0x55: {  	v29 =	vld [tilespmem:$0x4D00]  }
0x56: {  	v30 =	vld [tilespmem:$0x5500]  }
0x57: {  	v32 =	vld [tilespmem:$0x4580]  }
0x58: {  	v33 =	vld [tilespmem:$0x4D80]  }
0x59: {  	v34 =	vld [tilespmem:$0x5580]  }
0x5a: {  	v62 =	vld [tilespmem:$0x4600]  }
0x5b: {  	v36 =	vld [tilespmem:$0x4E00];
	v1 =	vshll.u32 v0, $0x3  }
0x5c: {  	v39 =	vld [tilespmem:$0x5680];
	v2 =	vand.u32 $0x7F, v0;
	v1 =	vand.u32 $0xFFFFFC00, v1  }
0x5d: {  	v43 =	vld [tilespmem:$0x4700];
	v1 =	vor.u32 v2, v1  }
0x5e: {  	v46 =	vld [tilespmem:$0x4F00]  }
0x5f: {  	v47 =	vld [tilespmem:$0x5700];
	v2 =	vor.u32 $0x80, v1  }
0x60: {  	v53 =	vld [tilespmem:$0x4780]  }
0x61: {  	v54 =	vld [tilespmem:$0x4F80];
	v7 =	vor.u32 $0x100, v1  }
0x62: {  	v3 =	vld.idx.msk [tilespmem:v1+s18+$0x0], $0xffff  }
0x63: {  	v55 =	vld [tilespmem:$0x5780];
	v11 =	vor.u32 $0x180, v1  }
0x64: {  	v2 =	vld.idx.msk [tilespmem:v2+s18+$0x0], $0xffff  }
0x65: {  	v59 =	vld [tilespmem:$0x4800];
	v4 =	vmul.f32 v5, v4;
	v15 =	vor.u32 $0x200, v1  }
0x66: {  	v8 =	vmul.f32 v9, v8;
	v7 =	vld.idx.msk [tilespmem:v7+s18+$0x0], $0xffff  }
0x67: {  	v61 =	vld [tilespmem:$0x5000];
	v63 =	vmul.f32 v13, v12;
	v19 =	vor.u32 $0x280, v1;
	v3 =	vmul.f32 v4, v3  }
0x68: {  	v38 =	vmul.f32 v17, v16;
	v5 =	vmul.f32 v36, v62;
	v23 =	vor.u32 $0x300, v1;
	v11 =	vld.idx.msk [tilespmem:v11+s18+$0x0], $0xffff  }
0x69: {  	v62 =	vld [tilespmem:$0x5800];
	v27 =	vor.u32 $0x380, v1;
	v2 =	vmul.f32 v8, v2;
	v3 =	vmul.f32 v3, v6  }
0x6a: {  	v52 =	vmul.f32 v29, v28;
	v31 =	vadd.s32 $0x2000, v1;
	v35 =	vadd.s32 $0x2080, v1;
	v15 =	vld.idx.msk [tilespmem:v15+s18+$0x0], $0xffff  }
0x6b: {  	v29 =	vld [tilespmem:$0x5080];
	v7 =	vmul.f32 v63, v7;
	v2 =	vmul.f32 v2, v10;
	v3 =	vadd.f32 $0.0e+00, v3  }
0x6c: {  	v45 =	vmul.f32 v21, v20;
	v19 =	vld.idx.msk [tilespmem:v19+s18+$0x0], $0xffff  }
0x6d: {  	v23 =	vld.idx.msk [tilespmem:v23+s18+$0x0], $0xffff;
	v42 =	vmul.f32 v38, v11;
	v44 =	vmul.f32 v7, v14;
	v2 =	vadd.f32 v2, v3  }
0x6e: {  	v50 =	vmul.f32 v25, v24;
	v37 =	vadd.s32 $0x2100, v1;
	v27 =	vld.idx.msk [tilespmem:v27+s18+$0x0], $0xffff  }
0x6f: {  	v31 =	vld.idx.msk [tilespmem:v31+s18+$0x0], $0xffff;
	v49 =	vmul.f32 v45, v15;
	v10 =	vmul.f32 v42, v18;
	v2 =	vadd.f32 v44, v2  }
0x70: {  	v40 =	vadd.s32 $0x2180, v1;
	v56 =	vadd.s32 $0x2280, v1;
	v9 =	vld.idx.msk [tilespmem:v35+s18+$0x0], $0xffff  }
0x71: {  	v35 =	vld [tilespmem:$0x4E80];
	v7 =	vmul.f32 v50, v19;
	v3 =	vmul.f32 v49, v22;
	v2 =	vadd.f32 v10, v2  }
0x72: {  	v58 =	vmul.f32 v33, v32;
	v6 =	vld [tilespmem:$0x4680]  }
0x73: {  	v41 =	vld.idx.msk [tilespmem:v37+s18+$0x0], $0xffff;
	v17 =	vmul.f32 v52, v23;
	v57 =	vmul.f32 v7, v26;
	v2 =	vadd.f32 v3, v2  }
0x74: {  	v48 =	vadd.s32 $0x2200, v1;
	v4 =	vld [tilespmem:$0x5600]  }
0x75: {  	v51 =	vld.idx.msk [tilespmem:v40+s18+$0x0], $0xffff;
	v60 =	vmul.f32 v58, v27;
	v17 =	vmul.f32 v17, v30;
	v2 =	vadd.f32 v57, v2  }
0x76: {  	v25 =	vld.idx.msk [tilespmem:v56+s18+$0x0], $0xffff;
	v5 =	vmul.f32 v5, v31  }
0x77: {  	v37 =	vld [tilespmem:$0x4980];
	v6 =	vmul.f32 v35, v6;
	v3 =	vmul.f32 v60, v34;
	v2 =	vadd.f32 v17, v2  }
0x78: {  	v28 =	vmul.f32 v46, v43;
	v63 =	vadd.s32 $0x2300, v1;
	v38 =	vld [tilespmem:$0x5180]  }
0x79: {  	v18 =	vld.idx.msk [tilespmem:v48+s18+$0x0], $0xffff;
	v27 =	vmul.f32 v5, v4;
	v6 =	vmul.f32 v6, v9;
	v2 =	vadd.f32 v3, v2  }
0x7a: {  	v33 =	vmul.f32 v54, v53;
	v31 =	vmul.f32 v28, v41;
	v26 =	vld [tilespmem:$0x4880]  }
0x7b: {  	v1 =	vadd.s32 $0x2380, v1;
	v35 =	vld [tilespmem:$0x5100];
	v6 =	vmul.f32 v6, v39;
	v2 =	vadd.f32 v27, v2  }
0x7c: {  	v7 =	vmul.f32 v61, v59;
	v34 =	vld [tilespmem:$0x4900]  }
0x7d: {  	v36 =	vmul.f32 v33, v51;
	v30 =	vld [tilespmem:$0x5880];
	v3 =	vmul.f32 v31, v47;
	v2 =	vadd.f32 v6, v2  }
0x7e: {  	v32 =	vld.idx.msk [tilespmem:v63+s18+$0x0], $0xffff;
	v40 =	vmul.f32 v7, v18  }
0x7f: {  	v41 =	vld [tilespmem:$0x5900];
	v5 =	vmul.f32 v29, v26;
	v39 =	vmul.f32 v36, v55;
	v2 =	vadd.f32 v3, v2  }
0x80: {  	v1 =	vld.idx.msk [tilespmem:v1+s18+$0x0], $0xffff;
	v42 =	vmul.f32 v40, v62  }
0x81: {  	v5 =	vmul.f32 v5, v25;
	v43 =	vmul.f32 v35, v34;
	v2 =	vadd.f32 v39, v2  }
0x82: {  	v46 =	vmul.f32 v38, v37;
	v44 =	vld [tilespmem:$0x5980]  }
0x83: {  	v5 =	vmul.f32 v5, v30;
	v45 =	vmul.f32 v43, v32;
	v2 =	vadd.f32 v42, v2;
	_ =	sdelay $0x1  }
0x84: {  	v1 =	vmul.f32 v46, v1;
	v3 =	vmul.f32 v45, v41;
	v2 =	vadd.f32 v5, v2;
	_ =	sdelay $0x1  }
0x85: {  	v1 =	vmul.f32 v1, v44;
	v2 =	vadd.f32 v3, v2;
	_ =	sdelay $0x1  }
0x86: {  	v1 =	vadd.f32 v1, v2;
	_ =	sdelay $0x1  }
0x87: {  	v47 =	vld [tilespmem:$0x180];
	[tilespmem:$0x5A80] =	vst v1  }
0x88: {  	v48 =	vld [tilespmem:$0x5A00]  }
0x89: {  	v49 =	vld [tilespmem:$0x0]  }
0x8a: {  	v50 =	vld [tilespmem:$0x80]  }
0x8b: {  	v4 =	vld [tilespmem:$0x110]  }
0x8c: {  	v7 =	vld [tilespmem:$0x4210]  }
0x8d: {  	v8 =	vld [tilespmem:$0x4A10]  }
0x8e: {  	v9 =	vld [tilespmem:$0x5210]  }
0x8f: {  	v11 =	vld [tilespmem:$0x4290]  }
0x90: {  	v58 =	vld [tilespmem:$0x4A90]  }
0x91: {  	v13 =	vld [tilespmem:$0x5290]  }
0x92: {  	v60 =	vld [tilespmem:$0x4310]  }
0x93: {  	v61 =	vld [tilespmem:$0x4B10]  }
0x94: {  	v17 =	vld [tilespmem:$0x5310]  }
0x95: {  	v63 =	vld [tilespmem:$0x4390]  }
0x96: {  	v45 =	vld [tilespmem:$0x4B90]  }
0x97: {  	v21 =	vld [tilespmem:$0x5390]  }
0x98: {  	v25 =	vld [tilespmem:$0x5410]  }
0x99: {  	v29 =	vld [tilespmem:$0x5490]  }
0x9a: {  	v33 =	vld [tilespmem:$0x5510]  }
0x9b: {  	v37 =	vld [tilespmem:$0x5590]  }
0x9c: {  	v39 =	vld [tilespmem:$0x4610]  }
0x9d: {  	v40 =	vld [tilespmem:$0x4E10]  }
0x9e: {  	v41 =	vld [tilespmem:$0x5610]  }
0x9f: {  	v15 =	vld [tilespmem:$0x5690]  }
0xa0: {  	v2 =	vbroadcast v47, $0x0;
	v31 =	vld [tilespmem:$0x5090];
	v1 =	vcvt.s32.f32 v49  }
0xa1: {  	v32 =	vld [tilespmem:$0x5890];
	v6 =	vcvt.s32.f32 v50  }
0xa2: {  	v12 =	vld [tilespmem:$0x4EF0];
	v51 =	vmul.f32 v1, v2;
	v1 =	vbroadcast v47, $0x2  }
0xa3: {  	v52 =	vcvt.s32.f32 v0;
	v0 =	vbroadcast v47, $0x4;
	v50 =	vld [tilespmem:$0x4490]  }
0xa4: {  	v53 =	vshll.u32 v4, $0x3;
	v47 =	vld [tilespmem:$0x4410];
	v5 =	vadd.f32 v51, v48;
	v6 =	vmul.f32 v6, v1  }
0xa5: {  	v55 =	vmul.f32 v52, v0;
	v54 =	vand.u32 $0x7F, v4;
	v3 =	vand.u32 $0xFFFFFC00, v53;
	v48 =	vld [tilespmem:$0x4C10]  }
0xa6: {  	v58 =	vmul.f32 v58, v11;
	v11 =	vld [tilespmem:$0x4E90];
	v3 =	vor.u32 v54, v3;
	v5 =	vadd.f32 v6, v5  }
0xa7: {  	v53 =	vld [tilespmem:$0x4510];
	v56 =	vor.u32 $0x80, v3  }
0xa8: {  	v54 =	vld [tilespmem:$0x4D10];
	v57 =	vor.u32 $0x100, v3;
	v5 =	vadd.f32 v5, v55  }
0xa9: {  	v59 =	vor.u32 $0x180, v3;
	v51 =	vld [tilespmem:$0x4C90]  }
0xaa: {  	v62 =	vor.u32 $0x200, v3;
	v43 =	vmul.f32 v48, v47;
	v48 =	vld [tilespmem:$0x4F90];
	[tilespmem:$0x5B00] =	vst v5  }
0xab: {  	v46 =	vor.u32 $0x280, v3;
	v6 =	vld.idx.msk [tilespmem:v3+s18+$0x0], $0xffff  }
0xac: {  	v49 =	vor.u32 $0x300, v3;
	v5 =	vld.idx.msk [tilespmem:v56+s18+$0x0], $0xffff  }
0xad: {  	v52 =	vor.u32 $0x380, v3;
	v10 =	vld.idx.msk [tilespmem:v57+s18+$0x0], $0xffff  }
0xae: {  	v14 =	vld.idx.msk [tilespmem:v59+s18+$0x0], $0xffff  }
0xaf: {  	v18 =	vld.idx.msk [tilespmem:v62+s18+$0x0], $0xffff  }
0xb0: {  	v38 =	vadd.s32 $0x2080, v3;
	v22 =	vld.idx.msk [tilespmem:v46+s18+$0x0], $0xffff  }
0xb1: {  	v26 =	vld.idx.msk [tilespmem:v49+s18+$0x0], $0xffff  }
0xb2: {  	v30 =	vld.idx.msk [tilespmem:v52+s18+$0x0], $0xffff  }
0xb3: {  	v56 =	vld [tilespmem:$0x4590]  }
0xb4: {  	v57 =	vld [tilespmem:$0x4D90]  }
0xb5: {  	v7 =	vmul.f32 v8, v7;
	v55 =	vadd.s32 $0x2000, v3;
	v8 =	vld.idx.msk [tilespmem:v38+s18+$0x0], $0xffff  }
0xb6: {  	v42 =	vadd.s32 $0x2100, v3;
	v38 =	vld [tilespmem:$0x4690]  }
0xb7: {  	v46 =	vld [tilespmem:$0x4790]  }
0xb8: {  	v59 =	vmul.f32 v61, v60;
	v60 =	vadd.s32 $0x2180, v3;
	v49 =	vld [tilespmem:$0x5790]  }
0xb9: {  	v62 =	vmul.f32 v45, v63;
	v63 =	vadd.s32 $0x2200, v3;
	v52 =	vmul.f32 v54, v53;
	v53 =	vld [tilespmem:$0x4810]  }
0xba: {  	v34 =	vld.idx.msk [tilespmem:v55+s18+$0x0], $0xffff  }
0xbb: {  	v6 =	vmul.f32 v7, v6;
	v7 =	vld.idx.msk [tilespmem:v42+s18+$0x0], $0xffff  }
0xbc: {  	v45 =	vmul.f32 v51, v50;
	v50 =	vadd.s32 $0x2280, v3;
	v61 =	vmul.f32 v59, v10;
	v10 =	vld [tilespmem:$0x4710]  }
0xbd: {  	v44 =	vld.idx.msk [tilespmem:v60+s18+$0x0], $0xffff  }
0xbe: {  	v19 =	vld.idx.msk [tilespmem:v63+s18+$0x0], $0xffff  }
0xbf: {  	v55 =	vmul.f32 v57, v56;
	v56 =	vld [tilespmem:$0x5010]  }
0xc0: {  	v5 =	vmul.f32 v58, v5;
	v58 =	vld [tilespmem:$0x5810]  }
0xc1: {  	v60 =	vld.idx.msk [tilespmem:v50+s18+$0x0], $0xffff  }
0xc2: {  	v42 =	vmul.f32 v62, v14;
	v62 =	vld [tilespmem:$0x4890]  }
0xc3: {  	v57 =	vmul.f32 v40, v39;
	v39 =	vld [tilespmem:$0x5910]  }
0xc4: {  	v36 =	vmul.f32 v48, v46;
	v48 =	vld [tilespmem:$0x5190]  }
0xc5: {  	v54 =	vmul.f32 v52, v26;
	v52 =	vld [tilespmem:$0x5A10]  }
0xc6: {  	v47 =	vmul.f32 v43, v18;
	v59 =	vadd.s32 $0x2300, v3;
	v5 =	vmul.f32 v5, v13;
	v13 =	vld [tilespmem:$0x4F10]  }
0xc7: {  	v6 =	vmul.f32 v6, v9;
	v9 =	vmul.f32 v61, v17;
	v17 =	vld [tilespmem:$0x5710]  }
0xc8: {  	v16 =	vmul.f32 v45, v22;
	v51 =	vmul.f32 v47, v25;
	v47 =	vld [tilespmem:$0x4990]  }
0xc9: {  	v25 =	vld [tilespmem:$0x5420]  }
0xca: {  	v3 =	vadd.s32 $0x2380, v3;
	v16 =	vmul.f32 v16, v29;
	v29 =	vld [tilespmem:$0x54A0]  }
0xcb: {  	v35 =	vld.idx.msk [tilespmem:v59+s18+$0x0], $0xffff  }
0xcc: {  	v59 =	vld [tilespmem:$0x42A0]  }
0xcd: {  	v6 =	vadd.f32 $0.0e+00, v6;
	v46 =	vmul.f32 v31, v62;
	v62 =	vld [tilespmem:$0x4320]  }
0xce: {  	v61 =	vmul.f32 v57, v34;
	v31 =	vld [tilespmem:$0x4520]  }
0xcf: {  	v5 =	vadd.f32 v5, v6;
	v6 =	vmul.f32 v42, v21;
	v42 =	vld.idx.msk [tilespmem:v3+s18+$0x0], $0xffff  }
0xd0: {  	v21 =	vmul.f32 v61, v41;
	v41 =	vmul.f32 v56, v53;
	v53 =	vld [tilespmem:$0x5990]  }
0xd1: {  	v34 =	vmul.f32 v13, v10;
	v10 =	vmul.f32 v36, v44;
	v44 =	vld [tilespmem:$0x10]  }
0xd2: {  	v50 =	vmul.f32 v46, v60;
	v60 =	vld [tilespmem:$0x4AA0]  }
0xd3: {  	v13 =	vld [tilespmem:$0x52A0];
	v5 =	vadd.f32 v9, v5  }
0xd4: {  	v46 =	vld [tilespmem:$0x43A0]  }
0xd5: {  	v36 =	vld [tilespmem:$0x4DA0];
	v5 =	vadd.f32 v6, v5  }
0xd6: {  	v9 =	vmul.f32 v55, v30;
	v30 =	vmul.f32 v11, v38;
	v38 =	vld [tilespmem:$0x5110]  }
0xd7: {  	v45 =	vmul.f32 v41, v19;
	v41 =	vld [tilespmem:$0x5620];
	v5 =	vadd.f32 v51, v5  }
0xd8: {  	v63 =	vmul.f32 v9, v37;
	v37 =	vld [tilespmem:$0x4910]  }
0xd9: {  	v11 =	vld [tilespmem:$0x4EA0];
	v7 =	vmul.f32 v34, v7;
	v6 =	vmul.f32 v54, v33;
	v5 =	vadd.f32 v16, v5  }
0xda: {  	v43 =	vmul.f32 v10, v49;
	v54 =	vmul.f32 v48, v47;
	v47 =	vld [tilespmem:$0x4BA0]  }
0xdb: {  	v40 =	vmul.f32 v7, v17;
	v17 =	vld [tilespmem:$0x5320];
	v10 =	vcvt.s32.f32 v44;
	v5 =	vadd.f32 v6, v5  }
0xdc: {  	v33 =	vmul.f32 v30, v8;
	v51 =	vld [tilespmem:$0x90]  }
0xdd: {  	v10 =	vmul.f32 v10, v2;
	v8 =	vmul.f32 v38, v37;
	v37 =	vld [tilespmem:$0x55A0];
	v5 =	vadd.f32 v63, v5  }
0xde: {  	v38 =	vld [tilespmem:$0x46A0]  }
0xdf: {  	v6 =	vmul.f32 v33, v15;
	v55 =	vadd.f32 v10, v52;
	v52 =	vld [tilespmem:$0x44A0];
	v5 =	vadd.f32 v21, v5  }
0xe0: {  	v33 =	vld [tilespmem:$0x5520]  }
0xe1: {  	v15 =	vld [tilespmem:$0x56A0];
	v5 =	vadd.f32 v6, v5  }
0xe2: {  	v8 =	vmul.f32 v8, v35;
	v7 =	vcvt.s32.f32 v51;
	v35 =	vld [tilespmem:$0x45A0]  }
0xe3: {  	v63 =	vld [tilespmem:$0x4B20];
	v5 =	vadd.f32 v40, v5  }
0xe4: {  	v8 =	vmul.f32 v8, v39;
	v7 =	vmul.f32 v7, v1;
	v39 =	vld [tilespmem:$0x4620]  }
0xe5: {  	v49 =	vmul.f32 v45, v58;
	v21 =	vld [tilespmem:$0x53A0];
	v3 =	vadd.f32 v43, v5  }
0xe6: {  	v4 =	vcvt.s32.f32 v4;
	v7 =	vadd.f32 v7, v55;
	v55 =	vld [tilespmem:$0x4D20]  }
0xe7: {  	v5 =	vadd.f32 v49, v3;
	v3 =	vld [tilespmem:$0x120]  }
0xe8: {  	v4 =	vmul.f32 v4, v0;
	v6 =	vmul.f32 v50, v32;
	v50 =	vld [tilespmem:$0x4C20]  }
0xe9: {  	v32 =	vmul.f32 v11, v38;
	v11 =	vld [tilespmem:$0x4EB0]  }
0xea: {  	v4 =	vadd.f32 v7, v4;
	v7 =	vld [tilespmem:$0x4A20]  }
0xeb: {  	v49 =	vld [tilespmem:$0x4420]  }
0xec: {  	v40 =	vld [tilespmem:$0x4E20];
	v5 =	vadd.f32 v6, v5;
	v6 =	vmul.f32 v54, v42;
	v56 =	vshll.u32 v3, $0x3  }
0xed: {  	v59 =	vmul.f32 v60, v59;
	v43 =	vld [tilespmem:$0x5720];
	v57 =	vand.u32 $0x7F, v3;
	v9 =	vand.u32 $0xFFFFFC00, v56  }
0xee: {  	v42 =	vld [tilespmem:$0x4F20];
	v5 =	vadd.f32 v8, v5;
	v6 =	vmul.f32 v6, v53;
	v8 =	vor.u32 v57, v9  }
0xef: {  	v60 =	vmul.f32 v63, v62;
	v63 =	vmul.f32 v47, v46;
	v53 =	vld [tilespmem:$0x4CA0];
	v58 =	vor.u32 $0x80, v8  }
0xf0: {  	v46 =	vmul.f32 v50, v49;
	v49 =	vld [tilespmem:$0x47A0];
	v5 =	vadd.f32 v6, v5;
	v10 =	vor.u32 $0x100, v8  }
0xf1: {  	[tilespmem:$0x5B10] =	vst v4;
	v6 =	vld [tilespmem:$0x4220];
	v61 =	vor.u32 $0x180, v8  }
0xf2: {  	v9 =	vld [tilespmem:$0x5220];
	[tilespmem:$0x5A90] =	vst v5;
	v45 =	vor.u32 $0x200, v8  }
0xf3: {  	v48 =	vor.u32 $0x280, v8;
	v5 =	vld.idx.msk [tilespmem:v8+s18+$0x0], $0xffff  }
0xf4: {  	v51 =	vor.u32 $0x300, v8;
	v4 =	vld.idx.msk [tilespmem:v58+s18+$0x0], $0xffff  }
0xf5: {  	v54 =	vor.u32 $0x380, v8;
	v10 =	vld.idx.msk [tilespmem:v10+s18+$0x0], $0xffff  }
0xf6: {  	v56 =	vadd.s32 $0x2000, v8;
	v14 =	vld.idx.msk [tilespmem:v61+s18+$0x0], $0xffff  }
0xf7: {  	v57 =	vadd.s32 $0x2080, v8;
	v18 =	vld.idx.msk [tilespmem:v45+s18+$0x0], $0xffff  }
0xf8: {  	v22 =	vld.idx.msk [tilespmem:v48+s18+$0x0], $0xffff  }
0xf9: {  	v26 =	vld.idx.msk [tilespmem:v51+s18+$0x0], $0xffff  }
0xfa: {  	v44 =	vadd.s32 $0x2200, v8;
	v30 =	vld.idx.msk [tilespmem:v54+s18+$0x0], $0xffff  }
0xfb: {  	v34 =	vld.idx.msk [tilespmem:v56+s18+$0x0], $0xffff  }
0xfc: {  	v6 =	vmul.f32 v7, v6;
	v7 =	vld.idx.msk [tilespmem:v57+s18+$0x0], $0xffff  }
0xfd: {  	v58 =	vadd.s32 $0x2100, v8;
	v51 =	vld [tilespmem:$0x4FA0]  }
0xfe: {  	v48 =	vmul.f32 v53, v52;
	v52 =	vld [tilespmem:$0x57A0]  }
0xff: {  	v61 =	vadd.s32 $0x2180, v8;
	v19 =	vld.idx.msk [tilespmem:v44+s18+$0x0], $0xffff  }
0x100: {  	v56 =	vld [tilespmem:$0x4820]  }
0x101: {  	v44 =	vld [tilespmem:$0x20]  }
0x102: {  	v53 =	vadd.s32 $0x2280, v8;
	v5 =	vmul.f32 v6, v5;
	v6 =	vld.idx.msk [tilespmem:v58+s18+$0x0], $0xffff  }
0x103: {  	v62 =	vmul.f32 v60, v10;
	v10 =	vld [tilespmem:$0x4720]  }
0x104: {  	v47 =	vld.idx.msk [tilespmem:v61+s18+$0x0], $0xffff  }
0x105: {  	v4 =	vmul.f32 v59, v4;
	v59 =	vld [tilespmem:$0x5020]  }
0x106: {  	v61 =	vld [tilespmem:$0x5820]  }
0x107: {  	v45 =	vmul.f32 v63, v14;
	v63 =	vld.idx.msk [tilespmem:v53+s18+$0x0], $0xffff  }
0x108: {  	v60 =	vmul.f32 v40, v39;
	v39 =	vld [tilespmem:$0x4920]  }
0x109: {  	v40 =	vld [tilespmem:$0x5120]  }
0x10a: {  	v16 =	vmul.f32 v48, v22;
	v48 =	vld [tilespmem:$0x51A0]  }
0x10b: {  	v38 =	vmul.f32 v51, v49;
	v49 =	vld [tilespmem:$0xA0]  }
0x10c: {  	v50 =	vmul.f32 v46, v18;
	v51 =	vld [tilespmem:$0x59A0]  }
0x10d: {  	v16 =	vmul.f32 v16, v29;
	v29 =	vmul.f32 v60, v34;
	v34 =	vld [tilespmem:$0x58A0]  }
0x10e: {  	v54 =	vmul.f32 v50, v25;
	v50 =	vld [tilespmem:$0x5A20]  }
0x10f: {  	v5 =	vmul.f32 v5, v9;
	v60 =	vld [tilespmem:$0x4AB0]  }
0x110: {  	v4 =	vmul.f32 v4, v13;
	v13 =	vld [tilespmem:$0x52B0]  }
0x111: {  	v9 =	vmul.f32 v62, v17;
	v17 =	vld [tilespmem:$0x5330];
	v5 =	vadd.f32 $0.0e+00, v5  }
0x112: {  	v58 =	vmul.f32 v36, v35;
	v25 =	vld [tilespmem:$0x5430]  }
0x113: {  	v4 =	vadd.f32 v4, v5;
	v5 =	vmul.f32 v45, v21;
	v21 =	vmul.f32 v29, v41;
	v41 =	vld [tilespmem:$0x5920]  }
0x114: {  	v36 =	vmul.f32 v42, v10;
	v10 =	vmul.f32 v38, v47;
	v47 =	vld [tilespmem:$0x49A0]  }
0x115: {  	v62 =	vadd.s32 $0x2300, v8;
	v8 =	vadd.s32 $0x2380, v8;
	v29 =	vld [tilespmem:$0x54B0]  }
0x116: {  	v35 =	vmul.f32 v32, v7;
	v7 =	vmul.f32 v40, v39;
	v39 =	vld [tilespmem:$0x4630]  }
0x117: {  	v40 =	vld [tilespmem:$0x4E30];
	v4 =	vadd.f32 v9, v4  }
0x118: {  	v55 =	vmul.f32 v55, v31;
	v38 =	vld [tilespmem:$0x46B0]  }
0x119: {  	v9 =	vmul.f32 v58, v30;
	v30 =	vld [tilespmem:$0x48A0];
	v4 =	vadd.f32 v5, v4  }
0x11a: {  	v57 =	vmul.f32 v55, v26;
	v8 =	vld.idx.msk [tilespmem:v8+s18+$0x0], $0xffff  }
0x11b: {  	v6 =	vmul.f32 v36, v6;
	v36 =	vld [tilespmem:$0x4DB0];
	v4 =	vadd.f32 v54, v4  }
0x11c: {  	v5 =	vmul.f32 v57, v33;
	v33 =	vld [tilespmem:$0x50A0]  }
0x11d: {  	v14 =	vcvt.s32.f32 v44;
	v31 =	vmul.f32 v9, v37;
	v37 =	vld.idx.msk [tilespmem:v62+s18+$0x0], $0xffff;
	v4 =	vadd.f32 v16, v4  }
0x11e: {  	v42 =	vmul.f32 v6, v43;
	v43 =	vmul.f32 v59, v56;
	v59 =	vld [tilespmem:$0x42B0]  }
0x11f: {  	v53 =	vmul.f32 v14, v2;
	v62 =	vld [tilespmem:$0x4330];
	v4 =	vadd.f32 v5, v4  }
0x120: {  	v10 =	vmul.f32 v10, v52;
	v52 =	vmul.f32 v48, v47;
	v47 =	vld [tilespmem:$0x4BB0]  }
0x121: {  	v32 =	vmul.f32 v11, v38;
	v11 =	vld [tilespmem:$0x4EC0];
	v4 =	vadd.f32 v31, v4  }
0x122: {  	v54 =	vadd.f32 v53, v50;
	v50 =	vld [tilespmem:$0x4C30]  }
0x123: {  	v53 =	vld [tilespmem:$0x4CB0];
	v5 =	vmul.f32 v35, v15;
	v4 =	vadd.f32 v21, v4  }
0x124: {  	v45 =	vmul.f32 v43, v19;
	v43 =	vld [tilespmem:$0x5730]  }
0x125: {  	v46 =	vmul.f32 v33, v30;
	v33 =	vld [tilespmem:$0x5530];
	v4 =	vadd.f32 v5, v4  }
0x126: {  	v7 =	vmul.f32 v7, v37;
	v37 =	vld [tilespmem:$0x55B0]  }
0x127: {  	v35 =	vld [tilespmem:$0x45B0];
	v4 =	vadd.f32 v42, v4  }
0x128: {  	v15 =	vld [tilespmem:$0x56B0]  }
0x129: {  	v6 =	vmul.f32 v46, v63;
	v63 =	vld [tilespmem:$0x4B30];
	v5 =	vmul.f32 v45, v61;
	v4 =	vadd.f32 v10, v4  }
0x12a: {  	v46 =	vld [tilespmem:$0x43B0]  }
0x12b: {  	v3 =	vcvt.s32.f32 v3;
	v5 =	vadd.f32 v5, v4;
	v4 =	vld [tilespmem:$0x130]  }
0x12c: {  	v7 =	vmul.f32 v7, v41;
	v41 =	vld [tilespmem:$0x5630];
	v6 =	vmul.f32 v6, v34  }
0x12d: {  	v3 =	vmul.f32 v3, v0;
	v10 =	vcvt.s32.f32 v49;
	v49 =	vld [tilespmem:$0x4430]  }
0x12e: {  	v59 =	vmul.f32 v60, v59;
	v31 =	vld [tilespmem:$0x4530];
	v60 =	vmul.f32 v63, v62;
	v5 =	vadd.f32 v6, v5  }
0x12f: {  	v21 =	vld [tilespmem:$0x53B0];
	v63 =	vmul.f32 v47, v46;
	v6 =	vmul.f32 v52, v8  }
0x130: {  	v42 =	vld [tilespmem:$0x4F30];
	v55 =	vmul.f32 v10, v1;
	v5 =	vadd.f32 v7, v5;
	v56 =	vshll.u32 v4, $0x3  }
0x131: {  	v52 =	vld [tilespmem:$0x44B0];
	v6 =	vmul.f32 v6, v51;
	v57 =	vand.u32 $0x7F, v4;
	v9 =	vand.u32 $0xFFFFFC00, v56  }
0x132: {  	v46 =	vmul.f32 v50, v49;
	v49 =	vld [tilespmem:$0x47B0];
	v7 =	vadd.f32 v55, v54;
	v8 =	vor.u32 v57, v9  }
0x133: {  	v55 =	vld [tilespmem:$0x4D30];
	v5 =	vadd.f32 v6, v5;
	v58 =	vor.u32 $0x80, v8  }
0x134: {  	v3 =	vadd.f32 v7, v3;
	v6 =	vld [tilespmem:$0x4230];
	v10 =	vor.u32 $0x100, v8  }
0x135: {  	v7 =	vld [tilespmem:$0x4A30];
	[tilespmem:$0x5AA0] =	vst v5;
	v61 =	vor.u32 $0x180, v8  }
0x136: {  	v9 =	vld [tilespmem:$0x5230];
	[tilespmem:$0x5B20] =	vst v3;
	v45 =	vor.u32 $0x200, v8  }
0x137: {  	v48 =	vor.u32 $0x280, v8;
	v5 =	vld.idx.msk [tilespmem:v8+s18+$0x0], $0xffff  }
0x138: {  	v51 =	vor.u32 $0x300, v8;
	v3 =	vld.idx.msk [tilespmem:v58+s18+$0x0], $0xffff  }
0x139: {  	v54 =	vor.u32 $0x380, v8;
	v10 =	vld.idx.msk [tilespmem:v10+s18+$0x0], $0xffff  }
0x13a: {  	v56 =	vadd.s32 $0x2000, v8;
	v14 =	vld.idx.msk [tilespmem:v61+s18+$0x0], $0xffff  }
0x13b: {  	v57 =	vadd.s32 $0x2080, v8;
	v18 =	vld.idx.msk [tilespmem:v45+s18+$0x0], $0xffff  }
0x13c: {  	v22 =	vld.idx.msk [tilespmem:v48+s18+$0x0], $0xffff  }
0x13d: {  	v26 =	vld.idx.msk [tilespmem:v51+s18+$0x0], $0xffff  }
0x13e: {  	v44 =	vadd.s32 $0x2200, v8;
	v30 =	vld.idx.msk [tilespmem:v54+s18+$0x0], $0xffff  }
0x13f: {  	v34 =	vld.idx.msk [tilespmem:v56+s18+$0x0], $0xffff  }
0x140: {  	v6 =	vmul.f32 v7, v6;
	v7 =	vld.idx.msk [tilespmem:v57+s18+$0x0], $0xffff  }
0x141: {  	v58 =	vadd.s32 $0x2100, v8;
	v51 =	vld [tilespmem:$0x4FB0]  }
0x142: {  	v48 =	vmul.f32 v53, v52;
	v52 =	vld [tilespmem:$0x57B0]  }
0x143: {  	v61 =	vadd.s32 $0x2180, v8;
	v19 =	vld.idx.msk [tilespmem:v44+s18+$0x0], $0xffff  }
0x144: {  	v56 =	vld [tilespmem:$0x4830]  }
0x145: {  	v44 =	vld [tilespmem:$0x30]  }
0x146: {  	v53 =	vadd.s32 $0x2280, v8;
	v5 =	vmul.f32 v6, v5;
	v6 =	vld.idx.msk [tilespmem:v58+s18+$0x0], $0xffff  }
0x147: {  	v62 =	vmul.f32 v60, v10;
	v10 =	vld [tilespmem:$0x4730]  }
0x148: {  	v47 =	vld.idx.msk [tilespmem:v61+s18+$0x0], $0xffff  }
0x149: {  	v3 =	vmul.f32 v59, v3;
	v59 =	vld [tilespmem:$0x5030]  }
0x14a: {  	v61 =	vld [tilespmem:$0x5830]  }
0x14b: {  	v45 =	vmul.f32 v63, v14;
	v63 =	vld.idx.msk [tilespmem:v53+s18+$0x0], $0xffff  }
0x14c: {  	v60 =	vmul.f32 v40, v39;
	v39 =	vld [tilespmem:$0x4930]  }
0x14d: {  	v40 =	vld [tilespmem:$0x5130]  }
0x14e: {  	v16 =	vmul.f32 v48, v22;
	v48 =	vld [tilespmem:$0x51B0]  }
0x14f: {  	v38 =	vmul.f32 v51, v49;
	v49 =	vld [tilespmem:$0xB0]  }
0x150: {  	v50 =	vmul.f32 v46, v18;
	v51 =	vld [tilespmem:$0x59B0]  }
0x151: {  	v16 =	vmul.f32 v16, v29;
	v29 =	vmul.f32 v60, v34;
	v34 =	vld [tilespmem:$0x58B0]  }
0x152: {  	v54 =	vmul.f32 v50, v25;
	v50 =	vld [tilespmem:$0x5A30]  }
0x153: {  	v5 =	vmul.f32 v5, v9;
	v60 =	vld [tilespmem:$0x4AC0]  }
0x154: {  	v3 =	vmul.f32 v3, v13;
	v13 =	vld [tilespmem:$0x52C0]  }
0x155: {  	v9 =	vmul.f32 v62, v17;
	v17 =	vld [tilespmem:$0x5340];
	v5 =	vadd.f32 $0.0e+00, v5  }
0x156: {  	v58 =	vmul.f32 v36, v35;
	v25 =	vld [tilespmem:$0x5440]  }
0x157: {  	v3 =	vadd.f32 v3, v5;
	v5 =	vmul.f32 v45, v21;
	v21 =	vmul.f32 v29, v41;
	v41 =	vld [tilespmem:$0x5930]  }
0x158: {  	v36 =	vmul.f32 v42, v10;
	v10 =	vmul.f32 v38, v47;
	v47 =	vld [tilespmem:$0x49B0]  }
0x159: {  	v62 =	vadd.s32 $0x2300, v8;
	v8 =	vadd.s32 $0x2380, v8;
	v29 =	vld [tilespmem:$0x54C0]  }
0x15a: {  	v35 =	vmul.f32 v32, v7;
	v7 =	vmul.f32 v40, v39;
	v39 =	vld [tilespmem:$0x4640]  }
0x15b: {  	v40 =	vld [tilespmem:$0x4E40];
	v3 =	vadd.f32 v9, v3  }
0x15c: {  	v55 =	vmul.f32 v55, v31;
	v38 =	vld [tilespmem:$0x46C0]  }
0x15d: {  	v9 =	vmul.f32 v58, v30;
	v30 =	vld [tilespmem:$0x48B0];
	v3 =	vadd.f32 v5, v3  }
0x15e: {  	v57 =	vmul.f32 v55, v26;
	v8 =	vld.idx.msk [tilespmem:v8+s18+$0x0], $0xffff  }
0x15f: {  	v6 =	vmul.f32 v36, v6;
	v36 =	vld [tilespmem:$0x4DC0];
	v3 =	vadd.f32 v54, v3  }
0x160: {  	v5 =	vmul.f32 v57, v33;
	v33 =	vld [tilespmem:$0x50B0]  }
0x161: {  	v14 =	vcvt.s32.f32 v44;
	v31 =	vmul.f32 v9, v37;
	v37 =	vld.idx.msk [tilespmem:v62+s18+$0x0], $0xffff;
	v3 =	vadd.f32 v16, v3  }
0x162: {  	v42 =	vmul.f32 v6, v43;
	v43 =	vmul.f32 v59, v56;
	v59 =	vld [tilespmem:$0x42C0]  }
0x163: {  	v53 =	vmul.f32 v14, v2;
	v62 =	vld [tilespmem:$0x4340];
	v3 =	vadd.f32 v5, v3  }
0x164: {  	v10 =	vmul.f32 v10, v52;
	v52 =	vmul.f32 v48, v47;
	v47 =	vld [tilespmem:$0x4BC0]  }
0x165: {  	v32 =	vmul.f32 v11, v38;
	v11 =	vld [tilespmem:$0x4ED0];
	v3 =	vadd.f32 v31, v3  }
0x166: {  	v54 =	vadd.f32 v53, v50;
	v50 =	vld [tilespmem:$0x4C40]  }
0x167: {  	v53 =	vld [tilespmem:$0x4CC0];
	v5 =	vmul.f32 v35, v15;
	v3 =	vadd.f32 v21, v3  }
0x168: {  	v45 =	vmul.f32 v43, v19;
	v43 =	vld [tilespmem:$0x5740]  }
0x169: {  	v46 =	vmul.f32 v33, v30;
	v33 =	vld [tilespmem:$0x5540];
	v3 =	vadd.f32 v5, v3  }
0x16a: {  	v7 =	vmul.f32 v7, v37;
	v37 =	vld [tilespmem:$0x55C0]  }
0x16b: {  	v35 =	vld [tilespmem:$0x45C0];
	v3 =	vadd.f32 v42, v3  }
0x16c: {  	v15 =	vld [tilespmem:$0x56C0]  }
0x16d: {  	v6 =	vmul.f32 v46, v63;
	v63 =	vld [tilespmem:$0x4B40];
	v5 =	vmul.f32 v45, v61;
	v3 =	vadd.f32 v10, v3  }
0x16e: {  	v46 =	vld [tilespmem:$0x43C0]  }
0x16f: {  	v4 =	vcvt.s32.f32 v4;
	v5 =	vadd.f32 v5, v3;
	v3 =	vld [tilespmem:$0x140]  }
0x170: {  	v7 =	vmul.f32 v7, v41;
	v41 =	vld [tilespmem:$0x5640];
	v6 =	vmul.f32 v6, v34  }
0x171: {  	v4 =	vmul.f32 v4, v0;
	v10 =	vcvt.s32.f32 v49;
	v49 =	vld [tilespmem:$0x4440]  }
0x172: {  	v59 =	vmul.f32 v60, v59;
	v31 =	vld [tilespmem:$0x4540];
	v60 =	vmul.f32 v63, v62;
	v5 =	vadd.f32 v6, v5  }
0x173: {  	v21 =	vld [tilespmem:$0x53C0];
	v63 =	vmul.f32 v47, v46;
	v6 =	vmul.f32 v52, v8  }
0x174: {  	v42 =	vld [tilespmem:$0x4F40];
	v55 =	vmul.f32 v10, v1;
	v5 =	vadd.f32 v7, v5;
	v56 =	vshll.u32 v3, $0x3  }
0x175: {  	v52 =	vld [tilespmem:$0x44C0];
	v6 =	vmul.f32 v6, v51;
	v57 =	vand.u32 $0x7F, v3;
	v9 =	vand.u32 $0xFFFFFC00, v56  }
0x176: {  	v46 =	vmul.f32 v50, v49;
	v49 =	vld [tilespmem:$0x47C0];
	v7 =	vadd.f32 v55, v54;
	v8 =	vor.u32 v57, v9  }
0x177: {  	v55 =	vld [tilespmem:$0x4D40];
	v5 =	vadd.f32 v6, v5;
	v58 =	vor.u32 $0x80, v8  }
0x178: {  	v4 =	vadd.f32 v7, v4;
	v6 =	vld [tilespmem:$0x4240];
	v10 =	vor.u32 $0x100, v8  }
0x179: {  	v7 =	vld [tilespmem:$0x4A40];
	[tilespmem:$0x5AB0] =	vst v5;
	v61 =	vor.u32 $0x180, v8  }
0x17a: {  	v9 =	vld [tilespmem:$0x5240];
	[tilespmem:$0x5B30] =	vst v4;
	v45 =	vor.u32 $0x200, v8  }
0x17b: {  	v48 =	vor.u32 $0x280, v8;
	v5 =	vld.idx.msk [tilespmem:v8+s18+$0x0], $0xffff  }
0x17c: {  	v51 =	vor.u32 $0x300, v8;
	v4 =	vld.idx.msk [tilespmem:v58+s18+$0x0], $0xffff  }
0x17d: {  	v54 =	vor.u32 $0x380, v8;
	v10 =	vld.idx.msk [tilespmem:v10+s18+$0x0], $0xffff  }
0x17e: {  	v56 =	vadd.s32 $0x2000, v8;
	v14 =	vld.idx.msk [tilespmem:v61+s18+$0x0], $0xffff  }
0x17f: {  	v57 =	vadd.s32 $0x2080, v8;
	v18 =	vld.idx.msk [tilespmem:v45+s18+$0x0], $0xffff  }
0x180: {  	v22 =	vld.idx.msk [tilespmem:v48+s18+$0x0], $0xffff  }
0x181: {  	v26 =	vld.idx.msk [tilespmem:v51+s18+$0x0], $0xffff  }
0x182: {  	v44 =	vadd.s32 $0x2200, v8;
	v30 =	vld.idx.msk [tilespmem:v54+s18+$0x0], $0xffff  }
0x183: {  	v34 =	vld.idx.msk [tilespmem:v56+s18+$0x0], $0xffff  }
0x184: {  	v6 =	vmul.f32 v7, v6;
	v7 =	vld.idx.msk [tilespmem:v57+s18+$0x0], $0xffff  }
0x185: {  	v58 =	vadd.s32 $0x2100, v8;
	v51 =	vld [tilespmem:$0x4FC0]  }
0x186: {  	v48 =	vmul.f32 v53, v52;
	v52 =	vld [tilespmem:$0x57C0]  }
0x187: {  	v61 =	vadd.s32 $0x2180, v8;
	v19 =	vld.idx.msk [tilespmem:v44+s18+$0x0], $0xffff  }
0x188: {  	v56 =	vld [tilespmem:$0x4840]  }
0x189: {  	v44 =	vld [tilespmem:$0x40]  }
0x18a: {  	v53 =	vadd.s32 $0x2280, v8;
	v5 =	vmul.f32 v6, v5;
	v6 =	vld.idx.msk [tilespmem:v58+s18+$0x0], $0xffff  }
0x18b: {  	v62 =	vmul.f32 v60, v10;
	v10 =	vld [tilespmem:$0x4740]  }
0x18c: {  	v47 =	vld.idx.msk [tilespmem:v61+s18+$0x0], $0xffff  }
0x18d: {  	v4 =	vmul.f32 v59, v4;
	v59 =	vld [tilespmem:$0x5040]  }
0x18e: {  	v61 =	vld [tilespmem:$0x5840]  }
0x18f: {  	v45 =	vmul.f32 v63, v14;
	v63 =	vld.idx.msk [tilespmem:v53+s18+$0x0], $0xffff  }
0x190: {  	v60 =	vmul.f32 v40, v39;
	v39 =	vld [tilespmem:$0x4940]  }
0x191: {  	v40 =	vld [tilespmem:$0x5140]  }
0x192: {  	v16 =	vmul.f32 v48, v22;
	v48 =	vld [tilespmem:$0x51C0]  }
0x193: {  	v38 =	vmul.f32 v51, v49;
	v49 =	vld [tilespmem:$0xC0]  }
0x194: {  	v50 =	vmul.f32 v46, v18;
	v51 =	vld [tilespmem:$0x59C0]  }
0x195: {  	v16 =	vmul.f32 v16, v29;
	v29 =	vmul.f32 v60, v34;
	v34 =	vld [tilespmem:$0x58C0]  }
0x196: {  	v54 =	vmul.f32 v50, v25;
	v50 =	vld [tilespmem:$0x5A40]  }
0x197: {  	v5 =	vmul.f32 v5, v9;
	v60 =	vld [tilespmem:$0x4AD0]  }
0x198: {  	v4 =	vmul.f32 v4, v13;
	v13 =	vld [tilespmem:$0x52D0]  }
0x199: {  	v9 =	vmul.f32 v62, v17;
	v17 =	vld [tilespmem:$0x5350];
	v5 =	vadd.f32 $0.0e+00, v5  }
0x19a: {  	v58 =	vmul.f32 v36, v35;
	v25 =	vld [tilespmem:$0x5450]  }
0x19b: {  	v4 =	vadd.f32 v4, v5;
	v5 =	vmul.f32 v45, v21;
	v21 =	vmul.f32 v29, v41;
	v41 =	vld [tilespmem:$0x5940]  }
0x19c: {  	v36 =	vmul.f32 v42, v10;
	v10 =	vmul.f32 v38, v47;
	v47 =	vld [tilespmem:$0x49C0]  }
0x19d: {  	v62 =	vadd.s32 $0x2300, v8;
	v8 =	vadd.s32 $0x2380, v8;
	v29 =	vld [tilespmem:$0x54D0]  }
0x19e: {  	v35 =	vmul.f32 v32, v7;
	v7 =	vmul.f32 v40, v39;
	v39 =	vld [tilespmem:$0x4650]  }
0x19f: {  	v40 =	vld [tilespmem:$0x4E50];
	v4 =	vadd.f32 v9, v4  }
0x1a0: {  	v55 =	vmul.f32 v55, v31;
	v38 =	vld [tilespmem:$0x46D0]  }
0x1a1: {  	v9 =	vmul.f32 v58, v30;
	v30 =	vld [tilespmem:$0x48C0];
	v4 =	vadd.f32 v5, v4  }
0x1a2: {  	v57 =	vmul.f32 v55, v26;
	v8 =	vld.idx.msk [tilespmem:v8+s18+$0x0], $0xffff  }
0x1a3: {  	v6 =	vmul.f32 v36, v6;
	v36 =	vld [tilespmem:$0x4DD0];
	v4 =	vadd.f32 v54, v4  }
0x1a4: {  	v5 =	vmul.f32 v57, v33;
	v33 =	vld [tilespmem:$0x50C0]  }
0x1a5: {  	v14 =	vcvt.s32.f32 v44;
	v31 =	vmul.f32 v9, v37;
	v37 =	vld.idx.msk [tilespmem:v62+s18+$0x0], $0xffff;
	v4 =	vadd.f32 v16, v4  }
0x1a6: {  	v42 =	vmul.f32 v6, v43;
	v43 =	vmul.f32 v59, v56;
	v59 =	vld [tilespmem:$0x42D0]  }
0x1a7: {  	v53 =	vmul.f32 v14, v2;
	v62 =	vld [tilespmem:$0x4350];
	v4 =	vadd.f32 v5, v4  }
0x1a8: {  	v10 =	vmul.f32 v10, v52;
	v52 =	vmul.f32 v48, v47;
	v47 =	vld [tilespmem:$0x4BD0]  }
0x1a9: {  	v32 =	vmul.f32 v11, v38;
	v11 =	vld [tilespmem:$0x4EE0];
	v4 =	vadd.f32 v31, v4  }
0x1aa: {  	v54 =	vadd.f32 v53, v50;
	v50 =	vld [tilespmem:$0x4C50]  }
0x1ab: {  	v53 =	vld [tilespmem:$0x4CD0];
	v5 =	vmul.f32 v35, v15;
	v4 =	vadd.f32 v21, v4  }
0x1ac: {  	v45 =	vmul.f32 v43, v19;
	v43 =	vld [tilespmem:$0x5750]  }
0x1ad: {  	v46 =	vmul.f32 v33, v30;
	v33 =	vld [tilespmem:$0x5550];
	v4 =	vadd.f32 v5, v4  }
0x1ae: {  	v7 =	vmul.f32 v7, v37;
	v37 =	vld [tilespmem:$0x55D0]  }
0x1af: {  	v35 =	vld [tilespmem:$0x45D0];
	v4 =	vadd.f32 v42, v4  }
0x1b0: {  	v15 =	vld [tilespmem:$0x56D0]  }
0x1b1: {  	v6 =	vmul.f32 v46, v63;
	v63 =	vld [tilespmem:$0x4B50];
	v5 =	vmul.f32 v45, v61;
	v4 =	vadd.f32 v10, v4  }
0x1b2: {  	v46 =	vld [tilespmem:$0x43D0]  }
0x1b3: {  	v3 =	vcvt.s32.f32 v3;
	v5 =	vadd.f32 v5, v4;
	v4 =	vld [tilespmem:$0x150]  }
0x1b4: {  	v7 =	vmul.f32 v7, v41;
	v41 =	vld [tilespmem:$0x5650];
	v6 =	vmul.f32 v6, v34  }
0x1b5: {  	v3 =	vmul.f32 v3, v0;
	v10 =	vcvt.s32.f32 v49;
	v49 =	vld [tilespmem:$0x4450]  }
0x1b6: {  	v59 =	vmul.f32 v60, v59;
	v31 =	vld [tilespmem:$0x4550];
	v60 =	vmul.f32 v63, v62;
	v5 =	vadd.f32 v6, v5  }
0x1b7: {  	v21 =	vld [tilespmem:$0x53D0];
	v63 =	vmul.f32 v47, v46;
	v6 =	vmul.f32 v52, v8  }
0x1b8: {  	v42 =	vld [tilespmem:$0x4F50];
	v55 =	vmul.f32 v10, v1;
	v5 =	vadd.f32 v7, v5;
	v56 =	vshll.u32 v4, $0x3  }
0x1b9: {  	v52 =	vld [tilespmem:$0x44D0];
	v6 =	vmul.f32 v6, v51;
	v57 =	vand.u32 $0x7F, v4;
	v9 =	vand.u32 $0xFFFFFC00, v56  }
0x1ba: {  	v46 =	vmul.f32 v50, v49;
	v49 =	vld [tilespmem:$0x47D0];
	v7 =	vadd.f32 v55, v54;
	v8 =	vor.u32 v57, v9  }
0x1bb: {  	v55 =	vld [tilespmem:$0x4D50];
	v5 =	vadd.f32 v6, v5;
	v58 =	vor.u32 $0x80, v8  }
0x1bc: {  	v3 =	vadd.f32 v7, v3;
	v6 =	vld [tilespmem:$0x4250];
	v10 =	vor.u32 $0x100, v8  }
0x1bd: {  	v7 =	vld [tilespmem:$0x4A50];
	[tilespmem:$0x5AC0] =	vst v5;
	v61 =	vor.u32 $0x180, v8  }
0x1be: {  	v9 =	vld [tilespmem:$0x5250];
	[tilespmem:$0x5B40] =	vst v3;
	v45 =	vor.u32 $0x200, v8  }
0x1bf: {  	v48 =	vor.u32 $0x280, v8;
	v5 =	vld.idx.msk [tilespmem:v8+s18+$0x0], $0xffff  }
0x1c0: {  	v51 =	vor.u32 $0x300, v8;
	v3 =	vld.idx.msk [tilespmem:v58+s18+$0x0], $0xffff  }
0x1c1: {  	v54 =	vor.u32 $0x380, v8;
	v10 =	vld.idx.msk [tilespmem:v10+s18+$0x0], $0xffff  }
0x1c2: {  	v56 =	vadd.s32 $0x2000, v8;
	v14 =	vld.idx.msk [tilespmem:v61+s18+$0x0], $0xffff  }
0x1c3: {  	v57 =	vadd.s32 $0x2080, v8;
	v18 =	vld.idx.msk [tilespmem:v45+s18+$0x0], $0xffff  }
0x1c4: {  	v22 =	vld.idx.msk [tilespmem:v48+s18+$0x0], $0xffff  }
0x1c5: {  	v26 =	vld.idx.msk [tilespmem:v51+s18+$0x0], $0xffff  }
0x1c6: {  	v44 =	vadd.s32 $0x2200, v8;
	v30 =	vld.idx.msk [tilespmem:v54+s18+$0x0], $0xffff  }
0x1c7: {  	v34 =	vld.idx.msk [tilespmem:v56+s18+$0x0], $0xffff  }
0x1c8: {  	v6 =	vmul.f32 v7, v6;
	v7 =	vld.idx.msk [tilespmem:v57+s18+$0x0], $0xffff  }
0x1c9: {  	v58 =	vadd.s32 $0x2100, v8;
	v51 =	vld [tilespmem:$0x4FD0]  }
0x1ca: {  	v48 =	vmul.f32 v53, v52;
	v52 =	vld [tilespmem:$0x57D0]  }
0x1cb: {  	v61 =	vadd.s32 $0x2180, v8;
	v19 =	vld.idx.msk [tilespmem:v44+s18+$0x0], $0xffff  }
0x1cc: {  	v56 =	vld [tilespmem:$0x4850]  }
0x1cd: {  	v44 =	vld [tilespmem:$0x50]  }
0x1ce: {  	v53 =	vadd.s32 $0x2280, v8;
	v5 =	vmul.f32 v6, v5;
	v6 =	vld.idx.msk [tilespmem:v58+s18+$0x0], $0xffff  }
0x1cf: {  	v62 =	vmul.f32 v60, v10;
	v10 =	vld [tilespmem:$0x4750]  }
0x1d0: {  	v47 =	vld.idx.msk [tilespmem:v61+s18+$0x0], $0xffff  }
0x1d1: {  	v3 =	vmul.f32 v59, v3;
	v59 =	vld [tilespmem:$0x5050]  }
0x1d2: {  	v61 =	vld [tilespmem:$0x5850]  }
0x1d3: {  	v45 =	vmul.f32 v63, v14;
	v63 =	vld.idx.msk [tilespmem:v53+s18+$0x0], $0xffff  }
0x1d4: {  	v60 =	vmul.f32 v40, v39;
	v39 =	vld [tilespmem:$0x4950]  }
0x1d5: {  	v40 =	vld [tilespmem:$0x5150]  }
0x1d6: {  	v16 =	vmul.f32 v48, v22;
	v48 =	vld [tilespmem:$0x51D0]  }
0x1d7: {  	v38 =	vmul.f32 v51, v49;
	v49 =	vld [tilespmem:$0xD0]  }
0x1d8: {  	v50 =	vmul.f32 v46, v18;
	v51 =	vld [tilespmem:$0x59D0]  }
0x1d9: {  	v16 =	vmul.f32 v16, v29;
	v29 =	vmul.f32 v60, v34;
	v34 =	vld [tilespmem:$0x58D0]  }
0x1da: {  	v54 =	vmul.f32 v50, v25;
	v50 =	vld [tilespmem:$0x5A50]  }
0x1db: {  	v5 =	vmul.f32 v5, v9;
	v60 =	vld [tilespmem:$0x4AE0]  }
0x1dc: {  	v3 =	vmul.f32 v3, v13;
	v13 =	vld [tilespmem:$0x52E0]  }
0x1dd: {  	v9 =	vmul.f32 v62, v17;
	v17 =	vld [tilespmem:$0x5360];
	v5 =	vadd.f32 $0.0e+00, v5  }
0x1de: {  	v58 =	vmul.f32 v36, v35;
	v25 =	vld [tilespmem:$0x5460]  }
0x1df: {  	v3 =	vadd.f32 v3, v5;
	v5 =	vmul.f32 v45, v21;
	v21 =	vmul.f32 v29, v41;
	v41 =	vld [tilespmem:$0x5950]  }
0x1e0: {  	v36 =	vmul.f32 v42, v10;
	v10 =	vmul.f32 v38, v47;
	v47 =	vld [tilespmem:$0x49D0]  }
0x1e1: {  	v62 =	vadd.s32 $0x2300, v8;
	v8 =	vadd.s32 $0x2380, v8;
	v29 =	vld [tilespmem:$0x54E0]  }
0x1e2: {  	v35 =	vmul.f32 v32, v7;
	v7 =	vmul.f32 v40, v39;
	v39 =	vld [tilespmem:$0x4660]  }
0x1e3: {  	v40 =	vld [tilespmem:$0x4E60];
	v3 =	vadd.f32 v9, v3  }
0x1e4: {  	v55 =	vmul.f32 v55, v31;
	v38 =	vld [tilespmem:$0x46E0]  }
0x1e5: {  	v9 =	vmul.f32 v58, v30;
	v30 =	vld [tilespmem:$0x48D0];
	v3 =	vadd.f32 v5, v3  }
0x1e6: {  	v57 =	vmul.f32 v55, v26;
	v8 =	vld.idx.msk [tilespmem:v8+s18+$0x0], $0xffff  }
0x1e7: {  	v6 =	vmul.f32 v36, v6;
	v36 =	vld [tilespmem:$0x4DE0];
	v3 =	vadd.f32 v54, v3  }
0x1e8: {  	v5 =	vmul.f32 v57, v33;
	v33 =	vld [tilespmem:$0x50D0]  }
0x1e9: {  	v14 =	vcvt.s32.f32 v44;
	v31 =	vmul.f32 v9, v37;
	v37 =	vld.idx.msk [tilespmem:v62+s18+$0x0], $0xffff;
	v3 =	vadd.f32 v16, v3  }
0x1ea: {  	v42 =	vmul.f32 v6, v43;
	v43 =	vmul.f32 v59, v56;
	v59 =	vld [tilespmem:$0x42E0]  }
0x1eb: {  	v53 =	vmul.f32 v14, v2;
	v62 =	vld [tilespmem:$0x4360];
	v3 =	vadd.f32 v5, v3  }
0x1ec: {  	v10 =	vmul.f32 v10, v52;
	v52 =	vmul.f32 v48, v47;
	v47 =	vld [tilespmem:$0x4BE0]  }
0x1ed: {  	v54 =	vadd.f32 v53, v50;
	v50 =	vld [tilespmem:$0x4C60];
	v3 =	vadd.f32 v31, v3  }
0x1ee: {  	v53 =	vld [tilespmem:$0x4CE0]  }
0x1ef: {  	v45 =	vmul.f32 v43, v19;
	v43 =	vld [tilespmem:$0x5760];
	v5 =	vmul.f32 v35, v15;
	v3 =	vadd.f32 v21, v3  }
0x1f0: {  	v46 =	vmul.f32 v33, v30;
	v33 =	vld [tilespmem:$0x5560]  }
0x1f1: {  	v7 =	vmul.f32 v7, v37;
	v37 =	vld [tilespmem:$0x55E0];
	v3 =	vadd.f32 v5, v3  }
0x1f2: {  	v35 =	vld [tilespmem:$0x45E0]  }
0x1f3: {  	v15 =	vld [tilespmem:$0x56E0];
	v3 =	vadd.f32 v42, v3  }
0x1f4: {  	v6 =	vmul.f32 v46, v63;
	v63 =	vld [tilespmem:$0x4B60]  }
0x1f5: {  	v46 =	vld [tilespmem:$0x43E0];
	v5 =	vmul.f32 v45, v61;
	v3 =	vadd.f32 v10, v3  }
0x1f6: {  	v7 =	vmul.f32 v7, v41;
	v41 =	vld [tilespmem:$0x5660]  }
0x1f7: {  	v4 =	vcvt.s32.f32 v4;
	v5 =	vadd.f32 v5, v3;
	v3 =	vld [tilespmem:$0x160]  }
0x1f8: {  	v31 =	vld [tilespmem:$0x4560];
	v6 =	vmul.f32 v6, v34  }
0x1f9: {  	v4 =	vmul.f32 v4, v0;
	v10 =	vcvt.s32.f32 v49;
	v49 =	vld [tilespmem:$0x4460]  }
0x1fa: {  	v59 =	vmul.f32 v60, v59;
	v21 =	vld [tilespmem:$0x53E0];
	v5 =	vadd.f32 v6, v5;
	v6 =	vmul.f32 v52, v8  }
0x1fb: {  	v60 =	vmul.f32 v63, v62;
	v42 =	vld [tilespmem:$0x4F60];
	v55 =	vmul.f32 v10, v1  }
0x1fc: {  	v52 =	vld [tilespmem:$0x44E0];
	v5 =	vadd.f32 v7, v5;
	v6 =	vmul.f32 v6, v51;
	v56 =	vshll.u32 v3, $0x3  }
0x1fd: {  	v7 =	vadd.f32 v55, v54;
	v55 =	vld [tilespmem:$0x4D60];
	v57 =	vand.u32 $0x7F, v3;
	v9 =	vand.u32 $0xFFFFFC00, v56  }
0x1fe: {  	v63 =	vmul.f32 v47, v46;
	v46 =	vmul.f32 v50, v49;
	v49 =	vld [tilespmem:$0x47E0];
	v8 =	vor.u32 v57, v9  }
0x1ff: {  	v5 =	vadd.f32 v6, v5;
	v6 =	vld [tilespmem:$0x4260];
	v58 =	vor.u32 $0x80, v8  }
0x200: {  	v4 =	vadd.f32 v7, v4;
	v7 =	vld [tilespmem:$0x4A60];
	v10 =	vor.u32 $0x100, v8  }
0x201: {  	v9 =	vld [tilespmem:$0x5260];
	[tilespmem:$0x5AD0] =	vst v5;
	v61 =	vor.u32 $0x180, v8  }
0x202: {  	[tilespmem:$0x5B50] =	vst v4;
	v45 =	vor.u32 $0x200, v8;
	v55 =	vmul.f32 v55, v31;
	v31 =	vld [tilespmem:$0x48E0]  }
0x203: {  	v48 =	vor.u32 $0x280, v8;
	v5 =	vld.idx.msk [tilespmem:v8+s18+$0x0], $0xffff  }
0x204: {  	v51 =	vor.u32 $0x300, v8;
	v4 =	vld.idx.msk [tilespmem:v58+s18+$0x0], $0xffff  }
0x205: {  	v54 =	vor.u32 $0x380, v8;
	v10 =	vld.idx.msk [tilespmem:v10+s18+$0x0], $0xffff  }
0x206: {  	v56 =	vadd.s32 $0x2000, v8;
	v14 =	vld.idx.msk [tilespmem:v61+s18+$0x0], $0xffff  }
0x207: {  	v57 =	vadd.s32 $0x2080, v8;
	v18 =	vld.idx.msk [tilespmem:v45+s18+$0x0], $0xffff  }
0x208: {  	v22 =	vld.idx.msk [tilespmem:v48+s18+$0x0], $0xffff  }
0x209: {  	v26 =	vld.idx.msk [tilespmem:v51+s18+$0x0], $0xffff  }
0x20a: {  	v44 =	vadd.s32 $0x2200, v8;
	v30 =	vld.idx.msk [tilespmem:v54+s18+$0x0], $0xffff  }
0x20b: {  	v34 =	vld.idx.msk [tilespmem:v56+s18+$0x0], $0xffff  }
0x20c: {  	v6 =	vmul.f32 v7, v6;
	v58 =	vadd.s32 $0x2100, v8;
	v7 =	vld.idx.msk [tilespmem:v57+s18+$0x0], $0xffff  }
0x20d: {  	v51 =	vld [tilespmem:$0x4FE0]  }
0x20e: {  	v61 =	vadd.s32 $0x2180, v8;
	v48 =	vmul.f32 v53, v52;
	v52 =	vld [tilespmem:$0x57E0]  }
0x20f: {  	v19 =	vld.idx.msk [tilespmem:v44+s18+$0x0], $0xffff  }
0x210: {  	v56 =	vld [tilespmem:$0x4860]  }
0x211: {  	v53 =	vadd.s32 $0x2280, v8;
	v5 =	vmul.f32 v6, v5;
	v6 =	vld.idx.msk [tilespmem:v58+s18+$0x0], $0xffff  }
0x212: {  	v62 =	vmul.f32 v60, v10;
	v10 =	vld [tilespmem:$0x4760]  }
0x213: {  	v47 =	vld.idx.msk [tilespmem:v61+s18+$0x0], $0xffff  }
0x214: {  	v4 =	vmul.f32 v59, v4;
	v59 =	vld [tilespmem:$0x5060]  }
0x215: {  	v61 =	vld [tilespmem:$0x5860]  }
0x216: {  	v45 =	vmul.f32 v63, v14;
	v63 =	vld.idx.msk [tilespmem:v53+s18+$0x0], $0xffff  }
0x217: {  	v58 =	vmul.f32 v36, v35;
	v35 =	vld [tilespmem:$0x58E0]  }
0x218: {  	v60 =	vmul.f32 v40, v39;
	v40 =	vld [tilespmem:$0x4960]  }
0x219: {  	v16 =	vmul.f32 v48, v22;
	v48 =	vld [tilespmem:$0x49E0]  }
0x21a: {  	v50 =	vmul.f32 v46, v18;
	v39 =	vmul.f32 v51, v49;
	v49 =	vld [tilespmem:$0x51E0]  }
0x21b: {  	v51 =	vld [tilespmem:$0x5A60]  }
0x21c: {  	v54 =	vmul.f32 v50, v25;
	v50 =	vld [tilespmem:$0xE0]  }
0x21d: {  	v5 =	vmul.f32 v5, v9;
	v4 =	vmul.f32 v4, v13;
	v13 =	vld [tilespmem:$0x52F0]  }
0x21e: {  	v9 =	vmul.f32 v62, v17;
	v17 =	vld [tilespmem:$0x5370]  }
0x21f: {  	v62 =	vadd.s32 $0x2300, v8;
	v8 =	vadd.s32 $0x2380, v8;
	v25 =	vld [tilespmem:$0x5470];
	v5 =	vadd.f32 $0.0e+00, v5  }
0x220: {  	v16 =	vmul.f32 v16, v29;
	v29 =	vld [tilespmem:$0x54F0]  }
0x221: {  	v4 =	vadd.f32 v4, v5;
	v5 =	vmul.f32 v45, v21;
	v45 =	vld [tilespmem:$0x60]  }
0x222: {  	v53 =	vmul.f32 v49, v48;
	v48 =	vld [tilespmem:$0x4BF0]  }
0x223: {  	v4 =	vadd.f32 v9, v4;
	v9 =	vmul.f32 v58, v30;
	v30 =	vmul.f32 v60, v34;
	v34 =	vld [tilespmem:$0x50E0]  }
0x224: {  	v44 =	vmul.f32 v59, v56;
	v8 =	vld.idx.msk [tilespmem:v8+s18+$0x0], $0xffff  }
0x225: {  	v57 =	vmul.f32 v55, v26;
	v60 =	vld [tilespmem:$0x4A70]  }
0x226: {  	v46 =	vmul.f32 v44, v19;
	v44 =	vld [tilespmem:$0x42F0];
	v4 =	vadd.f32 v5, v4  }
0x227: {  	v5 =	vmul.f32 v57, v33;
	v33 =	vmul.f32 v11, v38;
	v38 =	vld.idx.msk [tilespmem:v62+s18+$0x0], $0xffff  }
0x228: {  	v21 =	vmul.f32 v30, v41;
	v41 =	vld [tilespmem:$0x5160];
	v4 =	vadd.f32 v54, v4  }
0x229: {  	v32 =	vmul.f32 v9, v37;
	v37 =	vmul.f32 v42, v10;
	v42 =	vld [tilespmem:$0x5960]  }
0x22a: {  	v10 =	vmul.f32 v39, v47;
	v39 =	vld [tilespmem:$0x4670];
	v4 =	vadd.f32 v16, v4  }
0x22b: {  	v14 =	vcvt.s32.f32 v45;
	v45 =	vld [tilespmem:$0x4B70]  }
0x22c: {  	v36 =	vmul.f32 v33, v7;
	v10 =	vmul.f32 v10, v52;
	v52 =	vld [tilespmem:$0x59E0];
	v4 =	vadd.f32 v5, v4  }
0x22d: {  	v6 =	vmul.f32 v37, v6;
	v33 =	vld [tilespmem:$0x5570];
	v47 =	vmul.f32 v34, v31  }
0x22e: {  	v37 =	vld [tilespmem:$0x55F0];
	v54 =	vmul.f32 v14, v2;
	v4 =	vadd.f32 v32, v4  }
0x22f: {  	v43 =	vmul.f32 v6, v43;
	v6 =	vmul.f32 v47, v63;
	v63 =	vld [tilespmem:$0x4370]  }
0x230: {  	v47 =	vld [tilespmem:$0x43F0];
	v5 =	vmul.f32 v36, v15;
	v4 =	vadd.f32 v21, v4  }
0x231: {  	v55 =	vadd.f32 v54, v51;
	v51 =	vld [tilespmem:$0x4C70]  }
0x232: {  	v54 =	vld [tilespmem:$0x4CF0];
	v4 =	vadd.f32 v5, v4  }
0x233: {  	v7 =	vmul.f32 v41, v40;
	v40 =	vld [tilespmem:$0x4E70]  }
0x234: {  	v41 =	vld [tilespmem:$0x4770];
	v4 =	vadd.f32 v43, v4  }
0x235: {  	v36 =	vld [tilespmem:$0x4DF0];
	v7 =	vmul.f32 v7, v38  }
0x236: {  	v6 =	vmul.f32 v6, v35;
	v35 =	vld [tilespmem:$0x45F0];
	v5 =	vmul.f32 v46, v61;
	v4 =	vadd.f32 v10, v4  }
0x237: {  	v7 =	vmul.f32 v7, v42;
	v42 =	vld [tilespmem:$0x5170]  }
0x238: {  	v5 =	vadd.f32 v5, v4;
	v4 =	vld [tilespmem:$0x170]  }
0x239: {  	v21 =	vld [tilespmem:$0x53F0]  }
0x23a: {  	v32 =	vmul.f32 v40, v39;
	v40 =	vld [tilespmem:$0x4970]  }
0x23b: {  	v61 =	vld [tilespmem:$0x4AF0];
	v10 =	vcvt.s32.f32 v50;
	v5 =	vadd.f32 v6, v5  }
0x23c: {  	v3 =	vcvt.s32.f32 v3;
	v43 =	vld [tilespmem:$0x4F70];
	v6 =	vmul.f32 v53, v8  }
0x23d: {  	v50 =	vld [tilespmem:$0x4470];
	v56 =	vmul.f32 v10, v1;
	v5 =	vadd.f32 v7, v5;
	v57 =	vshll.u32 v4, $0x3  }
0x23e: {  	v53 =	vld [tilespmem:$0x44F0];
	v6 =	vmul.f32 v6, v52;
	v58 =	vand.u32 $0x7F, v4;
	v9 =	vand.u32 $0xFFFFFC00, v57  }
0x23f: {  	v3 =	vmul.f32 v3, v0;
	v7 =	vadd.f32 v56, v55;
	v56 =	vld [tilespmem:$0x4570];
	v8 =	vor.u32 v58, v9  }
0x240: {  	v5 =	vadd.f32 v6, v5;
	v6 =	vld [tilespmem:$0x4270];
	v59 =	vor.u32 $0x80, v8  }
0x241: {  	v3 =	vadd.f32 v7, v3;
	v57 =	vld [tilespmem:$0x4D70];
	v10 =	vor.u32 $0x100, v8  }
0x242: {  	v7 =	vld [tilespmem:$0x5670];
	[tilespmem:$0x5AE0] =	vst v5;
	v62 =	vor.u32 $0x180, v8  }
0x243: {  	v9 =	vld [tilespmem:$0x5270];
	[tilespmem:$0x5B60] =	vst v3;
	v46 =	vor.u32 $0x200, v8  }
0x244: {  	v49 =	vor.u32 $0x280, v8;
	v5 =	vld.idx.msk [tilespmem:v8+s18+$0x0], $0xffff  }
0x245: {  	v52 =	vor.u32 $0x300, v8;
	v3 =	vld.idx.msk [tilespmem:v59+s18+$0x0], $0xffff  }
0x246: {  	v55 =	vor.u32 $0x380, v8;
	v10 =	vld.idx.msk [tilespmem:v10+s18+$0x0], $0xffff  }
0x247: {  	v58 =	vadd.s32 $0x2000, v8;
	v14 =	vld.idx.msk [tilespmem:v62+s18+$0x0], $0xffff  }
0x248: {  	v11 =	vmul.f32 v61, v44;
	v61 =	vadd.s32 $0x2180, v8;
	v18 =	vld.idx.msk [tilespmem:v46+s18+$0x0], $0xffff  }
0x249: {  	v22 =	vld.idx.msk [tilespmem:v49+s18+$0x0], $0xffff  }
0x24a: {  	v6 =	vmul.f32 v60, v6;
	v26 =	vld.idx.msk [tilespmem:v52+s18+$0x0], $0xffff  }
0x24b: {  	v30 =	vld.idx.msk [tilespmem:v55+s18+$0x0], $0xffff  }
0x24c: {  	v34 =	vld.idx.msk [tilespmem:v58+s18+$0x0], $0xffff;
	v5 =	vmul.f32 v6, v5  }
0x24d: {  	v62 =	vmul.f32 v45, v63;
	v63 =	vmul.f32 v48, v47;
	v48 =	vld.idx.msk [tilespmem:v61+s18+$0x0], $0xffff  }
0x24e: {  	v60 =	vadd.s32 $0x2100, v8;
	v49 =	vld [tilespmem:$0x47F0];
	v3 =	vmul.f32 v11, v3;
	v5 =	vmul.f32 v5, v9  }
0x24f: {  	v47 =	vmul.f32 v51, v50;
	v51 =	vmul.f32 v54, v53;
	v52 =	vld [tilespmem:$0x4FF0]  }
0x250: {  	v54 =	vld [tilespmem:$0x57F0];
	v10 =	vmul.f32 v62, v10;
	v3 =	vmul.f32 v3, v13;
	v5 =	vadd.f32 $0.0e+00, v5  }
0x251: {  	v59 =	vadd.s32 $0x2080, v8;
	v58 =	vld [tilespmem:$0x4870]  }
0x252: {  	v61 =	vld [tilespmem:$0x5070];
	v44 =	vmul.f32 v63, v14;
	v46 =	vmul.f32 v10, v17;
	v3 =	vadd.f32 v3, v5  }
0x253: {  	v45 =	vadd.s32 $0x2200, v8;
	v15 =	vld.idx.msk [tilespmem:v60+s18+$0x0], $0xffff;
	v60 =	vmul.f32 v36, v35  }
0x254: {  	v35 =	vld [tilespmem:$0x58F0];
	v50 =	vmul.f32 v47, v18;
	v13 =	vmul.f32 v44, v21;
	v3 =	vadd.f32 v46, v3  }
0x255: {  	v53 =	vmul.f32 v57, v56;
	v55 =	vadd.s32 $0x2280, v8;
	v6 =	vld [tilespmem:$0x46F0]  }
0x256: {  	v38 =	vld.idx.msk [tilespmem:v59+s18+$0x0], $0xffff;
	v10 =	vmul.f32 v51, v22;
	v5 =	vmul.f32 v50, v25;
	v3 =	vadd.f32 v13, v3  }
0x257: {  	v14 =	vld [tilespmem:$0x5770]  }
0x258: {  	v56 =	vld.idx.msk [tilespmem:v45+s18+$0x0], $0xffff;
	v57 =	vmul.f32 v53, v26;
	v59 =	vmul.f32 v10, v29;
	v3 =	vadd.f32 v5, v3  }
0x259: {  	v62 =	vld [tilespmem:$0x5870];
	v63 =	vadd.s32 $0x2300, v8  }
0x25a: {  	v31 =	vmul.f32 v60, v30;
	v9 =	vld [tilespmem:$0x56F0];
	v16 =	vmul.f32 v57, v33;
	v3 =	vadd.f32 v59, v3  }
0x25b: {  	v24 =	vld.idx.msk [tilespmem:v55+s18+$0x0], $0xffff;
	v10 =	vmul.f32 v32, v34;
	v6 =	vmul.f32 v12, v6  }
0x25c: {  	v45 =	vld [tilespmem:$0x49F0];
	v5 =	vmul.f32 v31, v37;
	v3 =	vadd.f32 v16, v3  }
0x25d: {  	v33 =	vld [tilespmem:$0x48F0];
	v36 =	vmul.f32 v10, v7;
	v6 =	vmul.f32 v6, v38  }
0x25e: {  	v34 =	vld [tilespmem:$0x50F0];
	v37 =	vmul.f32 v43, v41;
	v43 =	vmul.f32 v52, v49;
	v3 =	vadd.f32 v5, v3  }
0x25f: {  	v8 =	vadd.s32 $0x2380, v8;
	v39 =	vld.idx.msk [tilespmem:v63+s18+$0x0], $0xffff;
	v6 =	vmul.f32 v6, v9  }
0x260: {  	v41 =	vmul.f32 v37, v15;
	v46 =	vmul.f32 v43, v48;
	v48 =	vld [tilespmem:$0x70];
	v3 =	vadd.f32 v36, v3  }
0x261: {  	v47 =	vmul.f32 v61, v58;
	v44 =	vld [tilespmem:$0x5970]  }
0x262: {  	v52 =	vld [tilespmem:$0xF0];
	v5 =	vmul.f32 v41, v14;
	v3 =	vadd.f32 v6, v3  }
0x263: {  	v55 =	vmul.f32 v42, v40;
	v51 =	vmul.f32 v47, v56;
	v49 =	vld [tilespmem:$0x51F0]  }
0x264: {  	v56 =	vld [tilespmem:$0x5A70];
	v16 =	vmul.f32 v34, v33;
	v50 =	vmul.f32 v46, v54;
	v3 =	vadd.f32 v5, v3  }
0x265: {  	v8 =	vld.idx.msk [tilespmem:v8+s18+$0x0], $0xffff;
	v60 =	vmul.f32 v55, v39;
	v59 =	vcvt.s32.f32 v48  }
0x266: {  	v54 =	vmul.f32 v51, v62;
	v53 =	vmul.f32 v16, v24;
	v3 =	vadd.f32 v50, v3  }
0x267: {  	v58 =	vld [tilespmem:$0x59F0];
	v9 =	vcvt.s32.f32 v52;
	v2 =	vmul.f32 v59, v2  }
0x268: {  	v61 =	vmul.f32 v49, v45;
	v57 =	vmul.f32 v53, v35;
	v3 =	vadd.f32 v54, v3  }
0x269: {  	v4 =	vcvt.s32.f32 v4;
	v1 =	vmul.f32 v9, v1;
	v2 =	vadd.f32 v2, v56  }
0x26a: {  	v6 =	vmul.f32 v61, v8;
	v5 =	vmul.f32 v60, v44;
	v3 =	vadd.f32 v57, v3  }
0x26b: {  	v0 =	vmul.f32 v4, v0;
	v1 =	vadd.f32 v1, v2  }
0x26c: {  	v62 =	vmul.f32 v6, v58;
	v3 =	vadd.f32 v5, v3  }
0x26d: {  	v0 =	vadd.f32 v1, v0  }
0x26e: {  	v63 =	vadd.f32 v62, v3  }
0x26f: {  	[tilespmem:$0x5B70] =	vst v0  }
0x270: {  	[tilespmem:$0x5AF0] =	vst v63  }
0x271: {  	[hbm4b:s12+s3] =	stream.linear.scatter [tilespmem:s26], [sflag:$0x2], $0x80, $0x38;
	[tilespmem:$0x5B80] =	vst v63  }
0x272: {  	_ =	swait.ge [sflag:s28], $0x80  }
0x273: {  	p0 =	sne.s32 s14, $0x1;
	[sflag:s28] =	ssyncset.done $0x0  }
.Ltmp0:
0x274: {  	[sflag:s28] =	ssyncadd.s32 $0xFFFFFF80;
	(pc) =	sbr.rel @p0 .LBB2_1-.Ltmp0, $4  }
0x275: {  	[hbm4b:s13+s3] =	stream.linear.scatter [tilespmem:s29], [sflag:$0x2], $0x80, $0x38;
	[tilespmem:$0x5B80] =	vst v63  }
0x276: {  	_ =	swait.ge [sflag:s28], $0x80  }
0x277: {  	[sflag:s28] =	ssyncset.done $0x0  }
0x278: {  	s14 =	sadd.s32 $0xFFFFFFFF, s14;
	[sflag:s28] =	ssyncadd.s32 $0xFFFFFF80  }
0x279: {  	_ =	sfence.sel $0x180000  }
0x27a: {  	[bflag:$0x0] =	sbarrier.arrive $0xFFFF  }
0x27b: {  	p0 =	sne.s32 s2, $0x0;
	_ =	strace $0x9000004D  }
0x27c: {  	s0 =	sadd.s32 @!p0 $0x100000, s0;
	[bflag:$0x2] =	sbarrier.arrive $0xFFFF  }
0x27d: {  	[sflag:s0] =	ssyncadd.tile.s32 @!p0 $0x1;
	_ =	shalt  }
.Lfunc_end2:
_tile_overlayer_lowered:
.L_overlay_start_2:
0x27e: {  	(tag) =	ssettag $0x2  }
0x27f: {  	s0 =	rddreg [dreg:$0x0];
	s2 =	stileid.u32  }
0x280: {  	s1 =	rddreg [dreg:$0x1];
	p0 =	sne.s32 s2, $0x0  }
0x281: {  	s3 =	rddreg [dreg:$0x2];
	[bflag:$0x3] =	sbarrier.arrive $0xFFFF;
	s2 =	simm.s32 @!p0 $0x1C02  }
0x282: {  	[timem:s3], [sflag:s2] =	dma.local @!p0 [hbm:s0], s1  }
0x283: {  	s0 =	simm.s32 @!p0 $0x2  }
0x284: {  	_ =	swait.ge @!p0 [sflag:s0], s1  }
0x285: {  	s1 =	ssub.s32 @!p0 $0x0, s1;
	[sflag:s0] =	ssyncset.done @!p0 $0x0  }
0x286: {  	[sflag:s0] =	ssyncadd.s32 @!p0 s1  }
0x287: {  	[bflag:$0x3] =	sbarrier.arrive $0xFFFF  }
0x288: {  	_ =	shalt  }

</sc_bundles>
